<compile_context>
chip_gen: v7x
topology: tpu7x:2x2x1
jax: 0.10.2.dev20260603
libtpu: 0.0.44.dev20260713+nightly
codegen_flags: <defaults>
</compile_context>

<pallas_src>
import functools

import jax
import jax.numpy as jnp
from jax import lax
from jax.experimental import pallas as pl
from jax.experimental.pallas import tpu as pltpu
from jax.experimental.pallas import tpu_sc as plsc

B = 16
N = 8192
G = 512
K = 32
GC = 128

_F32 = jnp.float32
_I32 = jnp.int32


def _fps_body(x_ref, y_ref, z_ref, cx_ref, cy_ref, cz_ref):
    x = x_ref[...]
    y = y_ref[...]
    z = z_ref[...]
    iota_n = lax.broadcasted_iota(_I32, (B, N), 1)
    iota_g = lax.broadcasted_iota(_I32, (B, G), 1)

    def step(i, carry):
        dist, far, cxa, cya, cza = carry
        oh = iota_n == far
        cx = jnp.sum(jnp.where(oh, x, 0.0), axis=1, keepdims=True)
        cy = jnp.sum(jnp.where(oh, y, 0.0), axis=1, keepdims=True)
        cz = jnp.sum(jnp.where(oh, z, 0.0), axis=1, keepdims=True)
        cxa = jnp.where(iota_g == i, cx, cxa)
        cya = jnp.where(iota_g == i, cy, cya)
        cza = jnp.where(iota_g == i, cz, cza)
        dx = x - cx
        dy = y - cy
        dz = z - cz
        d = (dx * dx + dy * dy) + dz * dz
        dist = jnp.minimum(dist, d)
        m = jnp.max(dist, axis=1, keepdims=True)
        far = jnp.min(jnp.where(dist == m, iota_n, N), axis=1, keepdims=True)
        return dist, far, cxa, cya, cza

    init = (
        jnp.full((B, N), 1e10, _F32),
        jnp.zeros((B, 1), _I32),
        jnp.zeros((B, G), _F32),
        jnp.zeros((B, G), _F32),
        jnp.zeros((B, G), _F32),
    )
    _, _, cxa, cya, cza = lax.fori_loop(0, G, step, init)
    cx_ref[...] = cxa
    cy_ref[...] = cya
    cz_ref[...] = cza


def _fps(x2, y2, z2):
    out = jax.ShapeDtypeStruct((B, G), _F32)
    return pl.pallas_call(
        _fps_body,
        out_shape=(out, out, out),
    )(x2, y2, z2)


def _knn_body(x_ref, y_ref, z_ref, qx_ref, qy_ref, qz_ref, d2_ref, tub_ref):
    x = x_ref[0]
    y = y_ref[0]
    z = z_ref[0]
    qx = qx_ref[0]
    qy = qy_ref[0]
    qz = qz_ref[0]
    r2 = (x * x + y * y) + z * z
    q2 = (qx * qx + qy * qy) + qz * qz
    cross = (qx * x + qy * y) + qz * z
    d2 = (q2 + r2) - 2.0 * cross
    d2_ref[0] = d2

    gw = N // K
    tub = jnp.min(d2[:, 0:gw], axis=1, keepdims=True)
    for j in range(1, K):
        gm = jnp.min(d2[:, j * gw:(j + 1) * gw], axis=1, keepdims=True)
        tub = jnp.maximum(tub, gm)
    tub_ref[0] = tub


def _knn(x3, y3, z3, qx3, qy3, qz3):
    pts_spec = pl.BlockSpec((1, 1, N), lambda b, g: (b, 0, 0))
    q_spec = pl.BlockSpec((1, GC, 1), lambda b, g: (b, g, 0))
    return pl.pallas_call(
        _knn_body,
        grid=(B, G // GC),
        in_specs=[pts_spec, pts_spec, pts_spec, q_spec, q_spec, q_spec],
        out_specs=[
            pl.BlockSpec((1, GC, N), lambda b, g: (b, g, 0)),
            pl.BlockSpec((1, GC, 1), lambda b, g: (b, g, 0)),
        ],
        out_shape=[
            jax.ShapeDtypeStruct((B, G, N), _F32),
            jax.ShapeDtypeStruct((B, G, 1), _F32),
        ],
    )(x3, y3, z3, qx3, qy3, qz3)


def _merge32(t0, t1, u0, u1, ck, cv):
    ck, cv = plsc.sort_key_val(ck, cv)
    rck = lax.rev(ck, (0,))
    rcv = lax.rev(cv, (0,))
    keep = t1 <= rck
    n1k = jnp.where(keep, t1, rck)
    n1v = jnp.where(keep, u1, rcv)
    lo = t0 <= n1k
    lok = jnp.where(lo, t0, n1k)
    lov = jnp.where(lo, u0, n1v)
    hik = jnp.where(lo, n1k, t0)
    hiv = jnp.where(lo, n1v, u0)
    t0, u0 = plsc.sort_key_val(lok, lov)
    t1, u1 = plsc.sort_key_val(hik, hiv)
    return t0, t1, u0, u1


def _sc_topk(d2f, tub16):
    info = plsc.get_sparse_core_info()
    nc, ns = info.num_cores, info.num_subcores
    nw = nc * ns
    rows = B * G
    rpt = rows // nw
    rg = 4
    ng = rpt // rg
    mesh = plsc.VectorSubcoreMesh(core_axis_name="c", subcore_axis_name="s")
    inf = jnp.float32(jnp.inf)

    @functools.partial(
        pl.kernel,
        mesh=mesh,
        compiler_params=pltpu.CompilerParams(
            use_tc_tiling_on_sc=False, needs_layout_passes=False
        ),
        out_type=jax.ShapeDtypeStruct((rows, K), _I32),
        scratch_types=[
            pltpu.VMEM((rg, N), _F32),
            pltpu.VMEM((rg, N), _F32),
            pltpu.VMEM((N + 16,), _F32),
            pltpu.VMEM((N + 16,), _I32),
            pltpu.VMEM((rpt, 16), _F32),
            pltpu.VMEM((rpt, K), _I32),
            pltpu.SemaphoreType.DMA,
            pltpu.SemaphoreType.DMA,
        ],
    )
    def k(d2_hbm, tub_hbm, out_hbm, da, db, vals, vidx, tubv, outv, sema, semb):
        wid = lax.axis_index("s") * nc + lax.axis_index("c")
        base = wid * rpt
        lane = lax.iota(_I32, 16)
        pltpu.sync_copy(tub_hbm.at[pl.ds(base, rpt)], tubv)

        def do_row(row_ref, r_local, thr):
            def sweep(sb, cnt):
                stash = []
                for cc in range(8):
                    off = sb * 128 + cc * 16
                    v = row_ref[pl.ds(off, 16)]
                    mask = v <= thr
                    pc = plsc.all_reduce_population_count(mask)
                    keym = jnp.where(mask, v, inf)
                    ks, vs = plsc.sort_key_val(keym, off + lane)
                    stash.append((ks, vs, pc[0]))
                for ks, vs, sc in stash:
                    vals[pl.ds(cnt, 16)] = ks
                    vidx[pl.ds(cnt, 16)] = vs
                    cnt = cnt + sc
                return cnt

            cnt = lax.fori_loop(0, N // 128, sweep, jnp.int32(0))
            vals[pl.ds(cnt, 16)] = jnp.full((16,), inf, _F32)

            def mrg(j, carry):
                t0, t1, u0, u1 = carry
                ck = vals[pl.ds(j * 16, 16)]
                cv = vidx[pl.ds(j * 16, 16)]
                return _merge32(t0, t1, u0, u1, ck, cv)

            init = (
                jnp.full((16,), inf, _F32),
                jnp.full((16,), inf, _F32),
                jnp.zeros((16,), _I32),
                jnp.zeros((16,), _I32),
            )
            nmerge = lax.shift_right_logical(cnt + 15, 4)
            _, _, u0, u1 = lax.fori_loop(0, nmerge, mrg, init)
            outv[r_local, pl.ds(0, 16)] = u0
            outv[r_local, pl.ds(16, 16)] = u1

        def thr_of(i):
            return tubv[i, :]

        def group(g, _):
            pltpu.async_copy(d2_hbm.at[pl.ds(base + g * rg, rg)], da, sema).wait()
            for rl in range(rg):
                i = g * rg + rl
                do_row(da.at[rl], i, thr_of(i))
            return 0

        lax.fori_loop(0, ng, group, 0)
        pltpu.sync_copy(outv, out_hbm.at[pl.ds(base, rpt)])

    return k(d2f, tub16)


def _sc_gather(xyz4, nidx2):
    info = plsc.get_sparse_core_info()
    nc, ns = info.num_cores, info.num_subcores
    nw = nc * ns
    tot = B * G * K
    rpt = tot // nw
    jpt = rpt // 128
    mesh = plsc.VectorSubcoreMesh(core_axis_name="c", subcore_axis_name="s")

    @functools.partial(
        pl.kernel,
        mesh=mesh,
        compiler_params=pltpu.CompilerParams(use_tc_tiling_on_sc=False),
        out_type=jax.ShapeDtypeStruct((tot, 4), _F32),
        scratch_types=[
            pltpu.VMEM((jpt, 128), _I32),
            pltpu.VMEM((rpt, 4), _F32),
            pltpu.SemaphoreType.DMA,
        ],
    )
    def k(xyz4_hbm, nidx_hbm, out_hbm, idx_v, rows_v, sem):
        wid = lax.axis_index("s") * nc + lax.axis_index("c")
        base_r = wid * rpt
        pltpu.sync_copy(nidx_hbm.at[pl.ds(wid * jpt, jpt)], idx_v)

        def gather_chunk(j, _):
            pltpu.async_copy(
                xyz4_hbm.at[idx_v.at[j]],
                rows_v.at[pl.ds(j * 128, 128)],
                sem,
            ).wait()
            return 0

        lax.fori_loop(0, jpt, gather_chunk, 0)
        pltpu.sync_copy(rows_v, out_hbm.at[pl.ds(base_r, rpt)])

    return k(xyz4, nidx2)


_SUBR = 1024


def _sub_body(a_ref, c_ref, o_ref):
    o_ref[...] = a_ref[...] - c_ref[...]


def _subtract(rows128, cen128):
    spec = pl.BlockSpec((_SUBR, K * 4), lambda i: (i, 0))
    return pl.pallas_call(
        _sub_body,
        grid=((B * G) // _SUBR,),
        in_specs=[spec, spec],
        out_specs=spec,
        out_shape=jax.ShapeDtypeStruct((B * G, K * 4), _F32),
    )(rows128, cen128)


def kernel(xyz):
    xyz = xyz.astype(_F32)
    x2 = xyz[:, :, 0]
    y2 = xyz[:, :, 1]
    z2 = xyz[:, :, 2]
    cx, cy, cz = _fps(x2, y2, z2)

    d2, tub = _knn(
        x2[:, None, :], y2[:, None, :], z2[:, None, :],
        cx[:, :, None], cy[:, :, None], cz[:, :, None],
    )
    tub16 = jnp.tile(tub.reshape(B * G, 1), (1, 16))
    idx = _sc_topk(d2.reshape(B * G, N), tub16).reshape(B, G, K)

    flat_idx = (idx + (jnp.arange(B, dtype=_I32) * N)[:, None, None]).reshape(-1)
    nidx2 = flat_idx.reshape(-1, 128)
    xyz4 = jnp.concatenate(
        [xyz.reshape(B * N, 3), jnp.zeros((B * N, 1), _F32)], axis=1
    )

    out4 = _sc_gather(xyz4, nidx2)
    cen4 = jnp.stack([cx, cy, cz, jnp.zeros_like(cx)], axis=-1).reshape(B * G, 4)
    cen128 = jnp.tile(cen4, (1, K))
    nb128 = _subtract(out4.reshape(B * G, K * 4), cen128)
    neighborhood = nb128.reshape(B, G, K, 4)[..., :3]
    center = jnp.stack([cx, cy, cz], axis=-1)
    return (neighborhood, center)

# --- scband reference (transcript-rebuilt; emitter-appended) ---
"""Pipeline reference for scband-group-86921548136938 (READ-ONLY COPY).

The authoritative reference and input builder live on the scoring server;
editing this copy changes nothing except your own understanding.
"""

import jax, jax.numpy as jnp
import numpy as np

NUM_GROUP = 512
GROUP_SIZE = 32


def fps(xyz, npoint):
    # farthest point sampling, deterministic start at index 0 (pointnet2 convention)
    B, N, _ = xyz.shape
    centroids0 = jnp.zeros((B, npoint), dtype=jnp.int32)
    distance0 = jnp.full((B, N), 1e10, dtype=xyz.dtype)
    farthest0 = jnp.zeros((B,), dtype=jnp.int32)

    def body(i, carry):
        centroids, distance, farthest = carry
        centroids = centroids.at[:, i].set(farthest)
        centroid_xyz = jnp.take_along_axis(xyz, farthest[:, None, None], axis=1)  # B,1,3
        d = jnp.sum((xyz - centroid_xyz) ** 2, axis=-1)  # B,N
        distance = jnp.minimum(distance, d)
        farthest = jnp.argmax(distance, axis=-1).astype(jnp.int32)
        return (centroids, distance, farthest)

    centroids, _, _ = jax.lax.fori_loop(0, npoint, body, (centroids0, distance0, farthest0))
    return centroids


def knn_idx(ref, query, k):
    # ref: B,N,3 ; query: B,G,3 -> idx of k nearest ref points per query: B,G,k
    d2 = (jnp.sum(query ** 2, axis=-1)[:, :, None]
          + jnp.sum(ref ** 2, axis=-1)[:, None, :]
          - 2.0 * jnp.einsum('bgc,bnc->bgn', query, ref))
    _, idx = jax.lax.top_k(-d2, k)
    return idx


def setup_inputs(seed: int = 0) -> dict:
    key = jax.random.key(seed)
    xyz = jax.random.normal(key, (16, 8192, 3), dtype=jnp.float32)
    return {"xyz": xyz}


def reference(xyz):
    B, N, _ = xyz.shape
    G, K = NUM_GROUP, GROUP_SIZE
    center_idx = fps(xyz, G)  # B,G int32
    center = jnp.take_along_axis(xyz, center_idx[:, :, None], axis=1)  # B,G,3
    idx = knn_idx(xyz, center, K)  # B,G,K
    idx_base = jnp.arange(B, dtype=idx.dtype)[:, None, None] * N
    flat_idx = (idx + idx_base).reshape(-1)
    neighborhood = xyz.reshape(B * N, 3)[flat_idx, :].reshape(B, G, K, 3)
    neighborhood = neighborhood - center[:, :, None, :]
    return (neighborhood, center)

if __name__ == "__main__":
    import jax
    _d = setup_inputs()
    print(jax.jit(kernel)(*tuple(_d.values())))

</pallas_src>

<mosaic_0001>
#map = affine_map<(d0, d1) -> (0, 0)>
#map1 = affine_map<(d0, d1) -> (0)>
module attributes {stable_mosaic.version = 14 : i64} {
  func.func @_rewritten_body(%arg0: i32, %arg1: i32, %arg2: memref<8192x8192xf32, #tpu.memory_space<hbm>>, %arg3: memref<8192x16xf32, #tpu.memory_space<hbm>>, %arg4: memref<1xf32, #tpu.memory_space<hbm>>, %arg5: memref<8192x32xi32, #tpu.memory_space<hbm>>, %arg6: memref<4x8192xf32, #tpu.memory_space<vmem>>, %arg7: memref<4x8192xf32, #tpu.memory_space<vmem>>, %arg8: memref<8208xf32, #tpu.memory_space<vmem>>, %arg9: memref<8208xi32, #tpu.memory_space<vmem>>, %arg10: memref<256x16xf32, #tpu.memory_space<vmem>>, %arg11: memref<256x32xi32, #tpu.memory_space<vmem>>, %arg12: memref<!tpu.dma_semaphore, #tpu.memory_space<semaphore_mem>>, %arg13: memref<!tpu.dma_semaphore, #tpu.memory_space<semaphore_mem>>) attributes {dimension_semantics = [#tpu.dimension_semantics<core_parallel>, #tpu.dimension_semantics<subcore_parallel>], iteration_bounds = array<i64: 2, 16>, scalar_prefetch = 0 : i64, scratch_operands = 8 : i64, tpu.core_type = #tpu.core_type<sc_vector_subcore>, window_params = [{transform_indices = #map}, {transform_indices = #map}, {transform_indices = #map1}, {transform_indices = #map}]} {
    %empty_ref3A = memref.alloca() : memref<16xf32, #tpu.memory_space<vmem>>
    "tpu.region"() ({
      %run_scoped3A = tpu.sem_alloc : memref<!tpu.dma_semaphore, #tpu.memory_space<semaphore_mem>>
      %dma_start3A = arith.constant 0 : i32
      %dma_start3A_10 = tpu.memref_slice %empty_ref3A[%dma_start3A] : memref<16xf32, #tpu.memory_space<vmem>> -> memref<1xf32, #tpu.memory_space<vmem>>
      %dma_start3A_11 = arith.constant 0 : i32
      %dma_start3A_12 = tpu.memref_slice %empty_ref3A[%dma_start3A_11] : memref<16xf32, #tpu.memory_space<vmem>> -> memref<1xf32, #tpu.memory_space<vmem>>
      tpu.enqueue_dma source(%arg4 : memref<1xf32, #tpu.memory_space<hbm>>) target(%dma_start3A_12 : memref<1xf32, #tpu.memory_space<vmem>>) target_semaphore(%run_scoped3A : memref<!tpu.dma_semaphore, #tpu.memory_space<semaphore_mem>>)
      %dma_wait3A = arith.constant 0 : i32
      %dma_wait3A_13 = tpu.memref_slice %empty_ref3A[%dma_wait3A] : memref<16xf32, #tpu.memory_space<vmem>> -> memref<1xf32, #tpu.memory_space<vmem>>
      %dma_wait3A_14 = arith.constant 0 : i32
      %dma_wait3A_15 = tpu.memref_slice %empty_ref3A[%dma_wait3A_14] : memref<16xf32, #tpu.memory_space<vmem>> -> memref<1xf32, #tpu.memory_space<vmem>>
      tpu.wait_dma2 semaphore(%run_scoped3A : memref<!tpu.dma_semaphore, #tpu.memory_space<semaphore_mem>>) src(%arg4 : memref<1xf32, #tpu.memory_space<hbm>>) dst(%dma_wait3A_15 : memref<1xf32, #tpu.memory_space<vmem>>)
      tpu.yield
    }) : () -> ()
    %get3A = arith.constant 0 : index
    %get3A_0 = tpu.vector_load %empty_ref3A[%get3A] {strides = array<i32>} : memref<16xf32, #tpu.memory_space<vmem>>, vector<16xf32>,
    %slice3A = vector.extract_strided_slice %get3A_0 {offsets = [0], sizes = [1], strides = [1]} : vector<16xf32> to vector<1xf32>
    %squeeze3A = vector.extract %slice3A[0] : f32 from vector<1xf32>
    %mul3A = arith.constant 2 : i32
    %mul3A_1 = arith.muli %arg1, %mul3A : i32
    %add3A = arith.addi %mul3A_1, %arg0 : i32
    %mul3A_2 = arith.constant 256 : i32
    %mul3A_3 = arith.muli %add3A, %mul3A_2 : i32
    %iota3A = tpu.iota {dimensions = array<i32: 0>} : vector<16xi32>
    "tpu.region"() ({
      %run_scoped3A = tpu.sem_alloc : memref<!tpu.dma_semaphore, #tpu.memory_space<semaphore_mem>>
      %dma_start3A = arith.constant 0 : i32
      %dma_start3A_10 = tpu.memref_slice %arg3[%mul3A_3, %dma_start3A] : memref<8192x16xf32, #tpu.memory_space<hbm>> -> memref<256x16xf32, #tpu.memory_space<hbm>>
      %dma_start3A_11 = arith.constant 0 : i32
      %dma_start3A_12 = tpu.memref_slice %arg3[%mul3A_3, %dma_start3A_11] : memref<8192x16xf32, #tpu.memory_space<hbm>> -> memref<256x16xf32, #tpu.memory_space<hbm>>
      tpu.enqueue_dma source(%dma_start3A_12 : memref<256x16xf32, #tpu.memory_space<hbm>>) target(%arg10 : memref<256x16xf32, #tpu.memory_space<vmem>>) target_semaphore(%run_scoped3A : memref<!tpu.dma_semaphore, #tpu.memory_space<semaphore_mem>>)
      %dma_wait3A = arith.constant 0 : i32
      %dma_wait3A_13 = tpu.memref_slice %arg3[%mul3A_3, %dma_wait3A] : memref<8192x16xf32, #tpu.memory_space<hbm>> -> memref<256x16xf32, #tpu.memory_space<hbm>>
      %dma_wait3A_14 = arith.constant 0 : i32
      %dma_wait3A_15 = tpu.memref_slice %arg3[%mul3A_3, %dma_wait3A_14] : memref<8192x16xf32, #tpu.memory_space<hbm>> -> memref<256x16xf32, #tpu.memory_space<hbm>>
      tpu.wait_dma2 semaphore(%run_scoped3A : memref<!tpu.dma_semaphore, #tpu.memory_space<semaphore_mem>>) src(%dma_wait3A_15 : memref<256x16xf32, #tpu.memory_space<hbm>>) dst(%arg10 : memref<256x16xf32, #tpu.memory_space<vmem>>)
      tpu.yield
    }) : () -> ()
    %scan3A = arith.constant 0 : i32
    %scan3A_4 = arith.constant 0 : i32
    %scan3A_5 = arith.constant 64 : i32
    %scan3A_6 = arith.addi %scan3A_4, %scan3A_5 : i32
    %scan3A_7 = arith.constant 1 : i32
    %scan3A_8 = scf.for %scan3A_10 = %scan3A_4 to %scan3A_6 step %scan3A_7 iter_args(%scan3A_11 = %scan3A) -> (i32)  : i32 {
      %mul3A_12 = arith.constant 4 : i32
      %mul3A_13 = arith.muli %scan3A_10, %mul3A_12 : i32
      %add3A_14 = arith.addi %mul3A_3, %mul3A_13 : i32
      %dma_start3A = arith.constant 0 : i32
      %dma_start3A_15 = tpu.memref_slice %arg2[%add3A_14, %dma_start3A] : memref<8192x8192xf32, #tpu.memory_space<hbm>> -> memref<4x8192xf32, #tpu.memory_space<hbm>>
      %dma_start3A_16 = arith.constant 0 : i32
      %dma_start3A_17 = tpu.memref_slice %arg2[%add3A_14, %dma_start3A_16] : memref<8192x8192xf32, #tpu.memory_space<hbm>> -> memref<4x8192xf32, #tpu.memory_space<hbm>>
      tpu.enqueue_dma source(%dma_start3A_17 : memref<4x8192xf32, #tpu.memory_space<hbm>>) target(%arg6 : memref<4x8192xf32, #tpu.memory_space<vmem>>) target_semaphore(%arg12 : memref<!tpu.dma_semaphore, #tpu.memory_space<semaphore_mem>>)
      %dma_wait3A = arith.constant 0 : i32
      %dma_wait3A_18 = tpu.memref_slice %arg2[%add3A_14, %dma_wait3A] : memref<8192x8192xf32, #tpu.memory_space<hbm>> -> memref<4x8192xf32, #tpu.memory_space<hbm>>
      %dma_wait3A_19 = arith.constant 0 : i32
      %dma_wait3A_20 = tpu.memref_slice %arg2[%add3A_14, %dma_wait3A_19] : memref<8192x8192xf32, #tpu.memory_space<hbm>> -> memref<4x8192xf32, #tpu.memory_space<hbm>>
      tpu.wait_dma2 semaphore(%arg12 : memref<!tpu.dma_semaphore, #tpu.memory_space<semaphore_mem>>) src(%dma_wait3A_20 : memref<4x8192xf32, #tpu.memory_space<hbm>>) dst(%arg6 : memref<4x8192xf32, #tpu.memory_space<vmem>>)
      %mul3A_21 = arith.constant 4 : i32
      %mul3A_22 = arith.muli %scan3A_10, %mul3A_21 : i32
      %add3A_23 = arith.constant 0 : i32
      %add3A_24 = arith.addi %mul3A_22, %add3A_23 : i32
      %get3A_25 = arith.index_cast %add3A_24 : i32 to index
      %get3A_26 = arith.constant 0 : index
      %get3A_27 = tpu.vector_load %arg10[%get3A_25, %get3A_26] {strides = array<i32>} : memref<256x16xf32, #tpu.memory_space<vmem>>, vector<16xf32>,
      %scan3A_28 = arith.constant 0 : i32
      %scan3A_29 = arith.constant 0 : i32
      %scan3A_30 = arith.constant 0 : i32
      %scan3A_31 = arith.constant 64 : i32
      %scan3A_32 = arith.addi %scan3A_30, %scan3A_31 : i32
      %scan3A_33 = arith.constant 1 : i32
      %scan3A_34 = scf.for %scan3A_198 = %scan3A_30 to %scan3A_32 step %scan3A_33 iter_args(%scan3A_199 = %scan3A_29) -> (i32)  : i32 {
        %mul3A_200 = arith.constant 128 : i32
        %mul3A_201 = arith.muli %scan3A_198, %mul3A_200 : i32
        %add3A_202 = arith.constant 0 : i32
        %add3A_203 = arith.addi %mul3A_201, %add3A_202 : i32
        %get3A_204 = arith.constant 0 : i32
        %get3A_205 = tpu.memref_slice %arg6[%scan3A_28, %get3A_204] : memref<4x8192xf32, #tpu.memory_space<vmem>> -> memref<1x8192xf32, #tpu.memory_space<vmem>>
        %get3A_206 = tpu.memref_squeeze %get3A_205 : memref<1x8192xf32, #tpu.memory_space<vmem>> -> memref<8192xf32, #tpu.memory_space<vmem>>
        %get3A_207 = arith.index_cast %add3A_203 : i32 to index
        %get3A_208 = tpu.vector_load %get3A_206[%get3A_207] {strides = array<i32>} : memref<8192xf32, #tpu.memory_space<vmem>>, vector<16xf32>,
        %le3A = arith.cmpf ole, %get3A_208, %get3A_27 : vector<16xf32>
        %all_reduce_population_count3A = tpu.all_reduce %le3A {dim = 0 : i64, kind = #tpu.reduction_kind<sum>} : vector<16xi1> -> vector<16xi32>
        %broadcast_in_dim3A_209 = vector.broadcast %squeeze3A : f32 to vector<16xf32>
        %select_n3A = arith.select %le3A, %get3A_208, %broadcast_in_dim3A_209 : vector<16xi1>, vector<16xf32>
        %add3A_210 = vector.broadcast %add3A_203 : i32 to vector<16xi32>
        %add3A_211 = arith.addi %add3A_210, %iota3A : vector<16xi32>
        %masked_sort3A = arith.constant dense<true> : vector<16xi1>
        %masked_sort3A_212, %masked_sort3A_213, %masked_sort3A_214 = tpu.sort %select_n3A, %add3A_211 masked %masked_sort3A : (vector<16xf32>, vector<16xi32>, vector<16xi1>) -> (vector<16xi1>, vector<16xf32>, vector<16xi32>)
        %slice3A_215 = vector.extract_strided_slice %all_reduce_population_count3A {offsets = [0], sizes = [1], strides = [1]} : vector<16xi32> to vector<1xi32>
        %squeeze3A_216 = vector.extract %slice3A_215[0] : i32 from vector<1xi32>
        %mul3A_217 = arith.constant 128 : i32
        %mul3A_218 = arith.muli %scan3A_198, %mul3A_217 : i32
        %add3A_219 = arith.constant 16 : i32
        %add3A_220 = arith.addi %mul3A_218, %add3A_219 : i32
        %get3A_221 = arith.constant 0 : i32
        %get3A_222 = tpu.memref_slice %arg6[%scan3A_28, %get3A_221] : memref<4x8192xf32, #tpu.memory_space<vmem>> -> memref<1x8192xf32, #tpu.memory_space<vmem>>
        %get3A_223 = tpu.memref_squeeze %get3A_222 : memref<1x8192xf32, #tpu.memory_space<vmem>> -> memref<8192xf32, #tpu.memory_space<vmem>>
        %get3A_224 = arith.index_cast %add3A_220 : i32 to index
        %get3A_225 = tpu.vector_load %get3A_223[%get3A_224] {strides = array<i32>} : memref<8192xf32, #tpu.memory_space<vmem>>, vector<16xf32>,
        %le3A_226 = arith.cmpf ole, %get3A_225, %get3A_27 : vector<16xf32>
        %all_reduce_population_count3A_227 = tpu.all_reduce %le3A_226 {dim = 0 : i64, kind = #tpu.reduction_kind<sum>} : vector<16xi1> -> vector<16xi32>
        %broadcast_in_dim3A_228 = vector.broadcast %squeeze3A : f32 to vector<16xf32>
        %select_n3A_229 = arith.select %le3A_226, %get3A_225, %broadcast_in_dim3A_228 : vector<16xi1>, vector<16xf32>
        %add3A_230 = vector.broadcast %add3A_220 : i32 to vector<16xi32>
        %add3A_231 = arith.addi %add3A_230, %iota3A : vector<16xi32>
        %masked_sort3A_232 = arith.constant dense<true> : vector<16xi1>
        %masked_sort3A_233, %masked_sort3A_234, %masked_sort3A_235 = tpu.sort %select_n3A_229, %add3A_231 masked %masked_sort3A_232 : (vector<16xf32>, vector<16xi32>, vector<16xi1>) -> (vector<16xi1>, vector<16xf32>, vector<16xi32>)
        %slice3A_236 = vector.extract_strided_slice %all_reduce_population_count3A_227 {offsets = [0], sizes = [1], strides = [1]} : vector<16xi32> to vector<1xi32>
        %squeeze3A_237 = vector.extract %slice3A_236[0] : i32 from vector<1xi32>
        %mul3A_238 = arith.constant 128 : i32
        %mul3A_239 = arith.muli %scan3A_198, %mul3A_238 : i32
        %add3A_240 = arith.constant 32 : i32
        %add3A_241 = arith.addi %mul3A_239, %add3A_240 : i32
        %get3A_242 = arith.constant 0 : i32
        %get3A_243 = tpu.memref_slice %arg6[%scan3A_28, %get3A_242] : memref<4x8192xf32, #tpu.memory_space<vmem>> -> memref<1x8192xf32, #tpu.memory_space<vmem>>
        %get3A_244 = tpu.memref_squeeze %get3A_243 : memref<1x8192xf32, #tpu.memory_space<vmem>> -> memref<8192xf32, #tpu.memory_space<vmem>>
        %get3A_245 = arith.index_cast %add3A_241 : i32 to index
        %get3A_246 = tpu.vector_load %get3A_244[%get3A_245] {strides = array<i32>} : memref<8192xf32, #tpu.memory_space<vmem>>, vector<16xf32>,
        %le3A_247 = arith.cmpf ole, %get3A_246, %get3A_27 : vector<16xf32>
        %all_reduce_population_count3A_248 = tpu.all_reduce %le3A_247 {dim = 0 : i64, kind = #tpu.reduction_kind<sum>} : vector<16xi1> -> vector<16xi32>
        %broadcast_in_dim3A_249 = vector.broadcast %squeeze3A : f32 to vector<16xf32>
        %select_n3A_250 = arith.select %le3A_247, %get3A_246, %broadcast_in_dim3A_249 : vector<16xi1>, vector<16xf32>
        %add3A_251 = vector.broadcast %add3A_241 : i32 to vector<16xi32>
        %add3A_252 = arith.addi %add3A_251, %iota3A : vector<16xi32>
        %masked_sort3A_253 = arith.constant dense<true> : vector<16xi1>
        %masked_sort3A_254, %masked_sort3A_255, %masked_sort3A_256 = tpu.sort %select_n3A_250, %add3A_252 masked %masked_sort3A_253 : (vector<16xf32>, vector<16xi32>, vector<16xi1>) -> (vector<16xi1>, vector<16xf32>, vector<16xi32>)
        %slice3A_257 = vector.extract_strided_slice %all_reduce_population_count3A_248 {offsets = [0], sizes = [1], strides = [1]} : vector<16xi32> to vector<1xi32>
        %squeeze3A_258 = vector.extract %slice3A_257[0] : i32 from vector<1xi32>
        %mul3A_259 = arith.constant 128 : i32
        %mul3A_260 = arith.muli %scan3A_198, %mul3A_259 : i32
        %add3A_261 = arith.constant 48 : i32
        %add3A_262 = arith.addi %mul3A_260, %add3A_261 : i32
        %get3A_263 = arith.constant 0 : i32
        %get3A_264 = tpu.memref_slice %arg6[%scan3A_28, %get3A_263] : memref<4x8192xf32, #tpu.memory_space<vmem>> -> memref<1x8192xf32, #tpu.memory_space<vmem>>
        %get3A_265 = tpu.memref_squeeze %get3A_264 : memref<1x8192xf32, #tpu.memory_space<vmem>> -> memref<8192xf32, #tpu.memory_space<vmem>>
        %get3A_266 = arith.index_cast %add3A_262 : i32 to index
        %get3A_267 = tpu.vector_load %get3A_265[%get3A_266] {strides = array<i32>} : memref<8192xf32, #tpu.memory_space<vmem>>, vector<16xf32>,
        %le3A_268 = arith.cmpf ole, %get3A_267, %get3A_27 : vector<16xf32>
        %all_reduce_population_count3A_269 = tpu.all_reduce %le3A_268 {dim = 0 : i64, kind = #tpu.reduction_kind<sum>} : vector<16xi1> -> vector<16xi32>
        %broadcast_in_dim3A_270 = vector.broadcast %squeeze3A : f32 to vector<16xf32>
        %select_n3A_271 = arith.select %le3A_268, %get3A_267, %broadcast_in_dim3A_270 : vector<16xi1>, vector<16xf32>
        %add3A_272 = vector.broadcast %add3A_262 : i32 to vector<16xi32>
        %add3A_273 = arith.addi %add3A_272, %iota3A : vector<16xi32>
        %masked_sort3A_274 = arith.constant dense<true> : vector<16xi1>
        %masked_sort3A_275, %masked_sort3A_276, %masked_sort3A_277 = tpu.sort %select_n3A_271, %add3A_273 masked %masked_sort3A_274 : (vector<16xf32>, vector<16xi32>, vector<16xi1>) -> (vector<16xi1>, vector<16xf32>, vector<16xi32>)
        %slice3A_278 = vector.extract_strided_slice %all_reduce_population_count3A_269 {offsets = [0], sizes = [1], strides = [1]} : vector<16xi32> to vector<1xi32>
        %squeeze3A_279 = vector.extract %slice3A_278[0] : i32 from vector<1xi32>
        %mul3A_280 = arith.constant 128 : i32
        %mul3A_281 = arith.muli %scan3A_198, %mul3A_280 : i32
        %add3A_282 = arith.constant 64 : i32
        %add3A_283 = arith.addi %mul3A_281, %add3A_282 : i32
        %get3A_284 = arith.constant 0 : i32
        %get3A_285 = tpu.memref_slice %arg6[%scan3A_28, %get3A_284] : memref<4x8192xf32, #tpu.memory_space<vmem>> -> memref<1x8192xf32, #tpu.memory_space<vmem>>
        %get3A_286 = tpu.memref_squeeze %get3A_285 : memref<1x8192xf32, #tpu.memory_space<vmem>> -> memref<8192xf32, #tpu.memory_space<vmem>>
        %get3A_287 = arith.index_cast %add3A_283 : i32 to index
        %get3A_288 = tpu.vector_load %get3A_286[%get3A_287] {strides = array<i32>} : memref<8192xf32, #tpu.memory_space<vmem>>, vector<16xf32>,
        %le3A_289 = arith.cmpf ole, %get3A_288, %get3A_27 : vector<16xf32>
        %all_reduce_population_count3A_290 = tpu.all_reduce %le3A_289 {dim = 0 : i64, kind = #tpu.reduction_kind<sum>} : vector<16xi1> -> vector<16xi32>
        %broadcast_in_dim3A_291 = vector.broadcast %squeeze3A : f32 to vector<16xf32>
        %select_n3A_292 = arith.select %le3A_289, %get3A_288, %broadcast_in_dim3A_291 : vector<16xi1>, vector<16xf32>
        %add3A_293 = vector.broadcast %add3A_283 : i32 to vector<16xi32>
        %add3A_294 = arith.addi %add3A_293, %iota3A : vector<16xi32>
        %masked_sort3A_295 = arith.constant dense<true> : vector<16xi1>
        %masked_sort3A_296, %masked_sort3A_297, %masked_sort3A_298 = tpu.sort %select_n3A_292, %add3A_294 masked %masked_sort3A_295 : (vector<16xf32>, vector<16xi32>, vector<16xi1>) -> (vector<16xi1>, vector<16xf32>, vector<16xi32>)
        %slice3A_299 = vector.extract_strided_slice %all_reduce_population_count3A_290 {offsets = [0], sizes = [1], strides = [1]} : vector<16xi32> to vector<1xi32>
        %squeeze3A_300 = vector.extract %slice3A_299[0] : i32 from vector<1xi32>
        %mul3A_301 = arith.constant 128 : i32
        %mul3A_302 = arith.muli %scan3A_198, %mul3A_301 : i32
        %add3A_303 = arith.constant 80 : i32
        %add3A_304 = arith.addi %mul3A_302, %add3A_303 : i32
        %get3A_305 = arith.constant 0 : i32
        %get3A_306 = tpu.memref_slice %arg6[%scan3A_28, %get3A_305] : memref<4x8192xf32, #tpu.memory_space<vmem>> -> memref<1x8192xf32, #tpu.memory_space<vmem>>
        %get3A_307 = tpu.memref_squeeze %get3A_306 : memref<1x8192xf32, #tpu.memory_space<vmem>> -> memref<8192xf32, #tpu.memory_space<vmem>>
        %get3A_308 = arith.index_cast %add3A_304 : i32 to index
        %get3A_309 = tpu.vector_load %get3A_307[%get3A_308] {strides = array<i32>} : memref<8192xf32, #tpu.memory_space<vmem>>, vector<16xf32>,
        %le3A_310 = arith.cmpf ole, %get3A_309, %get3A_27 : vector<16xf32>
        %all_reduce_population_count3A_311 = tpu.all_reduce %le3A_310 {dim = 0 : i64, kind = #tpu.reduction_kind<sum>} : vector<16xi1> -> vector<16xi32>
        %broadcast_in_dim3A_312 = vector.broadcast %squeeze3A : f32 to vector<16xf32>
        %select_n3A_313 = arith.select %le3A_310, %get3A_309, %broadcast_in_dim3A_312 : vector<16xi1>, vector<16xf32>
        %add3A_314 = vector.broadcast %add3A_304 : i32 to vector<16xi32>
        %add3A_315 = arith.addi %add3A_314, %iota3A : vector<16xi32>
        %masked_sort3A_316 = arith.constant dense<true> : vector<16xi1>
        %masked_sort3A_317, %masked_sort3A_318, %masked_sort3A_319 = tpu.sort %select_n3A_313, %add3A_315 masked %masked_sort3A_316 : (vector<16xf32>, vector<16xi32>, vector<16xi1>) -> (vector<16xi1>, vector<16xf32>, vector<16xi32>)
        %slice3A_320 = vector.extract_strided_slice %all_reduce_population_count3A_311 {offsets = [0], sizes = [1], strides = [1]} : vector<16xi32> to vector<1xi32>
        %squeeze3A_321 = vector.extract %slice3A_320[0] : i32 from vector<1xi32>
        %mul3A_322 = arith.constant 128 : i32
        %mul3A_323 = arith.muli %scan3A_198, %mul3A_322 : i32
        %add3A_324 = arith.constant 96 : i32
        %add3A_325 = arith.addi %mul3A_323, %add3A_324 : i32
        %get3A_326 = arith.constant 0 : i32
        %get3A_327 = tpu.memref_slice %arg6[%scan3A_28, %get3A_326] : memref<4x8192xf32, #tpu.memory_space<vmem>> -> memref<1x8192xf32, #tpu.memory_space<vmem>>
        %get3A_328 = tpu.memref_squeeze %get3A_327 : memref<1x8192xf32, #tpu.memory_space<vmem>> -> memref<8192xf32, #tpu.memory_space<vmem>>
        %get3A_329 = arith.index_cast %add3A_325 : i32 to index
        %get3A_330 = tpu.vector_load %get3A_328[%get3A_329] {strides = array<i32>} : memref<8192xf32, #tpu.memory_space<vmem>>, vector<16xf32>,
        %le3A_331 = arith.cmpf ole, %get3A_330, %get3A_27 : vector<16xf32>
        %all_reduce_population_count3A_332 = tpu.all_reduce %le3A_331 {dim = 0 : i64, kind = #tpu.reduction_kind<sum>} : vector<16xi1> -> vector<16xi32>
        %broadcast_in_dim3A_333 = vector.broadcast %squeeze3A : f32 to vector<16xf32>
        %select_n3A_334 = arith.select %le3A_331, %get3A_330, %broadcast_in_dim3A_333 : vector<16xi1>, vector<16xf32>
        %add3A_335 = vector.broadcast %add3A_325 : i32 to vector<16xi32>
        %add3A_336 = arith.addi %add3A_335, %iota3A : vector<16xi32>
        %masked_sort3A_337 = arith.constant dense<true> : vector<16xi1>
        %masked_sort3A_338, %masked_sort3A_339, %masked_sort3A_340 = tpu.sort %select_n3A_334, %add3A_336 masked %masked_sort3A_337 : (vector<16xf32>, vector<16xi32>, vector<16xi1>) -> (vector<16xi1>, vector<16xf32>, vector<16xi32>)
        %slice3A_341 = vector.extract_strided_slice %all_reduce_population_count3A_332 {offsets = [0], sizes = [1], strides = [1]} : vector<16xi32> to vector<1xi32>
        %squeeze3A_342 = vector.extract %slice3A_341[0] : i32 from vector<1xi32>
        %mul3A_343 = arith.constant 128 : i32
        %mul3A_344 = arith.muli %scan3A_198, %mul3A_343 : i32
        %add3A_345 = arith.constant 112 : i32
        %add3A_346 = arith.addi %mul3A_344, %add3A_345 : i32
        %get3A_347 = arith.constant 0 : i32
        %get3A_348 = tpu.memref_slice %arg6[%scan3A_28, %get3A_347] : memref<4x8192xf32, #tpu.memory_space<vmem>> -> memref<1x8192xf32, #tpu.memory_space<vmem>>
        %get3A_349 = tpu.memref_squeeze %get3A_348 : memref<1x8192xf32, #tpu.memory_space<vmem>> -> memref<8192xf32, #tpu.memory_space<vmem>>
        %get3A_350 = arith.index_cast %add3A_346 : i32 to index
        %get3A_351 = tpu.vector_load %get3A_349[%get3A_350] {strides = array<i32>} : memref<8192xf32, #tpu.memory_space<vmem>>, vector<16xf32>,
        %le3A_352 = arith.cmpf ole, %get3A_351, %get3A_27 : vector<16xf32>
        %all_reduce_population_count3A_353 = tpu.all_reduce %le3A_352 {dim = 0 : i64, kind = #tpu.reduction_kind<sum>} : vector<16xi1> -> vector<16xi32>
        %broadcast_in_dim3A_354 = vector.broadcast %squeeze3A : f32 to vector<16xf32>
        %select_n3A_355 = arith.select %le3A_352, %get3A_351, %broadcast_in_dim3A_354 : vector<16xi1>, vector<16xf32>
        %add3A_356 = vector.broadcast %add3A_346 : i32 to vector<16xi32>
        %add3A_357 = arith.addi %add3A_356, %iota3A : vector<16xi32>
        %masked_sort3A_358 = arith.constant dense<true> : vector<16xi1>
        %masked_sort3A_359, %masked_sort3A_360, %masked_sort3A_361 = tpu.sort %select_n3A_355, %add3A_357 masked %masked_sort3A_358 : (vector<16xf32>, vector<16xi32>, vector<16xi1>) -> (vector<16xi1>, vector<16xf32>, vector<16xi32>)
        %slice3A_362 = vector.extract_strided_slice %all_reduce_population_count3A_353 {offsets = [0], sizes = [1], strides = [1]} : vector<16xi32> to vector<1xi32>
        %squeeze3A_363 = vector.extract %slice3A_362[0] : i32 from vector<1xi32>
        %swap3A_364 = arith.index_cast %scan3A_199 : i32 to index
        %swap3A_365 = tpu.vector_load %arg8[%swap3A_364] {strides = array<i32>} : memref<8208xf32, #tpu.memory_space<vmem>>, vector<16xf32>,
        tpu.vector_store %arg8[%swap3A_364], %masked_sort3A_213 {strides = array<i32>} : memref<8208xf32, #tpu.memory_space<vmem>>, vector<16xf32>,
        %swap3A_366 = arith.index_cast %scan3A_199 : i32 to index
        %swap3A_367 = tpu.vector_load %arg9[%swap3A_366] {strides = array<i32>} : memref<8208xi32, #tpu.memory_space<vmem>>, vector<16xi32>,
        tpu.vector_store %arg9[%swap3A_366], %masked_sort3A_214 {strides = array<i32>} : memref<8208xi32, #tpu.memory_space<vmem>>, vector<16xi32>,
        %add3A_368 = arith.addi %scan3A_199, %squeeze3A_216 : i32
        %swap3A_369 = arith.index_cast %add3A_368 : i32 to index
        %swap3A_370 = tpu.vector_load %arg8[%swap3A_369] {strides = array<i32>} : memref<8208xf32, #tpu.memory_space<vmem>>, vector<16xf32>,
        tpu.vector_store %arg8[%swap3A_369], %masked_sort3A_234 {strides = array<i32>} : memref<8208xf32, #tpu.memory_space<vmem>>, vector<16xf32>,
        %swap3A_371 = arith.index_cast %add3A_368 : i32 to index
        %swap3A_372 = tpu.vector_load %arg9[%swap3A_371] {strides = array<i32>} : memref<8208xi32, #tpu.memory_space<vmem>>, vector<16xi32>,
        tpu.vector_store %arg9[%swap3A_371], %masked_sort3A_235 {strides = array<i32>} : memref<8208xi32, #tpu.memory_space<vmem>>, vector<16xi32>,
        %add3A_373 = arith.addi %add3A_368, %squeeze3A_237 : i32
        %swap3A_374 = arith.index_cast %add3A_373 : i32 to index
        %swap3A_375 = tpu.vector_load %arg8[%swap3A_374] {strides = array<i32>} : memref<8208xf32, #tpu.memory_space<vmem>>, vector<16xf32>,
        tpu.vector_store %arg8[%swap3A_374], %masked_sort3A_255 {strides = array<i32>} : memref<8208xf32, #tpu.memory_space<vmem>>, vector<16xf32>,
        %swap3A_376 = arith.index_cast %add3A_373 : i32 to index
        %swap3A_377 = tpu.vector_load %arg9[%swap3A_376] {strides = array<i32>} : memref<8208xi32, #tpu.memory_space<vmem>>, vector<16xi32>,
        tpu.vector_store %arg9[%swap3A_376], %masked_sort3A_256 {strides = array<i32>} : memref<8208xi32, #tpu.memory_space<vmem>>, vector<16xi32>,
        %add3A_378 = arith.addi %add3A_373, %squeeze3A_258 : i32
        %swap3A_379 = arith.index_cast %add3A_378 : i32 to index
        %swap3A_380 = tpu.vector_load %arg8[%swap3A_379] {strides = array<i32>} : memref<8208xf32, #tpu.memory_space<vmem>>, vector<16xf32>,
        tpu.vector_store %arg8[%swap3A_379], %masked_sort3A_276 {strides = array<i32>} : memref<8208xf32, #tpu.memory_space<vmem>>, vector<16xf32>,
        %swap3A_381 = arith.index_cast %add3A_378 : i32 to index
        %swap3A_382 = tpu.vector_load %arg9[%swap3A_381] {strides = array<i32>} : memref<8208xi32, #tpu.memory_space<vmem>>, vector<16xi32>,
        tpu.vector_store %arg9[%swap3A_381], %masked_sort3A_277 {strides = array<i32>} : memref<8208xi32, #tpu.memory_space<vmem>>, vector<16xi32>,
        %add3A_383 = arith.addi %add3A_378, %squeeze3A_279 : i32
        %swap3A_384 = arith.index_cast %add3A_383 : i32 to index
        %swap3A_385 = tpu.vector_load %arg8[%swap3A_384] {strides = array<i32>} : memref<8208xf32, #tpu.memory_space<vmem>>, vector<16xf32>,
        tpu.vector_store %arg8[%swap3A_384], %masked_sort3A_297 {strides = array<i32>} : memref<8208xf32, #tpu.memory_space<vmem>>, vector<16xf32>,
        %swap3A_386 = arith.index_cast %add3A_383 : i32 to index
        %swap3A_387 = tpu.vector_load %arg9[%swap3A_386] {strides = array<i32>} : memref<8208xi32, #tpu.memory_space<vmem>>, vector<16xi32>,
        tpu.vector_store %arg9[%swap3A_386], %masked_sort3A_298 {strides = array<i32>} : memref<8208xi32, #tpu.memory_space<vmem>>, vector<16xi32>,
        %add3A_388 = arith.addi %add3A_383, %squeeze3A_300 : i32
        %swap3A_389 = arith.index_cast %add3A_388 : i32 to index
        %swap3A_390 = tpu.vector_load %arg8[%swap3A_389] {strides = array<i32>} : memref<8208xf32, #tpu.memory_space<vmem>>, vector<16xf32>,
        tpu.vector_store %arg8[%swap3A_389], %masked_sort3A_318 {strides = array<i32>} : memref<8208xf32, #tpu.memory_space<vmem>>, vector<16xf32>,
        %swap3A_391 = arith.index_cast %add3A_388 : i32 to index
        %swap3A_392 = tpu.vector_load %arg9[%swap3A_391] {strides = array<i32>} : memref<8208xi32, #tpu.memory_space<vmem>>, vector<16xi32>,
        tpu.vector_store %arg9[%swap3A_391], %masked_sort3A_319 {strides = array<i32>} : memref<8208xi32, #tpu.memory_space<vmem>>, vector<16xi32>,
        %add3A_393 = arith.addi %add3A_388, %squeeze3A_321 : i32
        %swap3A_394 = arith.index_cast %add3A_393 : i32 to index
        %swap3A_395 = tpu.vector_load %arg8[%swap3A_394] {strides = array<i32>} : memref<8208xf32, #tpu.memory_space<vmem>>, vector<16xf32>,
        tpu.vector_store %arg8[%swap3A_394], %masked_sort3A_339 {strides = array<i32>} : memref<8208xf32, #tpu.memory_space<vmem>>, vector<16xf32>,
        %swap3A_396 = arith.index_cast %add3A_393 : i32 to index
        %swap3A_397 = tpu.vector_load %arg9[%swap3A_396] {strides = array<i32>} : memref<8208xi32, #tpu.memory_space<vmem>>, vector<16xi32>,
        tpu.vector_store %arg9[%swap3A_396], %masked_sort3A_340 {strides = array<i32>} : memref<8208xi32, #tpu.memory_space<vmem>>, vector<16xi32>,
        %add3A_398 = arith.addi %add3A_393, %squeeze3A_342 : i32
        %swap3A_399 = arith.index_cast %add3A_398 : i32 to index
        %swap3A_400 = tpu.vector_load %arg8[%swap3A_399] {strides = array<i32>} : memref<8208xf32, #tpu.memory_space<vmem>>, vector<16xf32>,
        tpu.vector_store %arg8[%swap3A_399], %masked_sort3A_360 {strides = array<i32>} : memref<8208xf32, #tpu.memory_space<vmem>>, vector<16xf32>,
        %swap3A_401 = arith.index_cast %add3A_398 : i32 to index
        %swap3A_402 = tpu.vector_load %arg9[%swap3A_401] {strides = array<i32>} : memref<8208xi32, #tpu.memory_space<vmem>>, vector<16xi32>,
        tpu.vector_store %arg9[%swap3A_401], %masked_sort3A_361 {strides = array<i32>} : memref<8208xi32, #tpu.memory_space<vmem>>, vector<16xi32>,
        %add3A_403 = arith.addi %add3A_398, %squeeze3A_363 : i32
        scf.yield %add3A_403 : i32
      }
      %scan3A_35 = arith.constant 64 : i32
      %broadcast_in_dim3A = vector.broadcast %squeeze3A : f32 to vector<16xf32>
      %swap3A = arith.index_cast %scan3A_34 : i32 to index
      %swap3A_36 = tpu.vector_load %arg8[%swap3A] {strides = array<i32>} : memref<8208xf32, #tpu.memory_space<vmem>>, vector<16xf32>,
      tpu.vector_store %arg8[%swap3A], %broadcast_in_dim3A {strides = array<i32>} : memref<8208xf32, #tpu.memory_space<vmem>>, vector<16xf32>,
      %broadcast_in_dim3A_37 = vector.broadcast %squeeze3A : f32 to vector<16xf32>
      %broadcast_in_dim3A_38 = vector.broadcast %squeeze3A : f32 to vector<16xf32>
      %broadcast_in_dim3A_39 = arith.constant 0 : i32
      %broadcast_in_dim3A_40 = vector.broadcast %broadcast_in_dim3A_39 : i32 to vector<16xi32>
      %broadcast_in_dim3A_41 = arith.constant 0 : i32
      %broadcast_in_dim3A_42 = vector.broadcast %broadcast_in_dim3A_41 : i32 to vector<16xi32>
      %add3A_43 = arith.constant 15 : i32
      %add3A_44 = arith.addi %scan3A_34, %add3A_43 : i32
      %shift_right_logical3A = arith.constant 4 : i32
      %shift_right_logical3A_45 = arith.shrui %add3A_44, %shift_right_logical3A : i32
      %while3A = arith.constant 0 : i32
      %while3A_46 = arith.subi %shift_right_logical3A_45, %while3A : i32
      %while3A_47 = arith.addi %while3A, %while3A_46 : i32
      %while3A_48 = arith.constant 1 : i32
      %while3A_49 = arith.divsi %while3A_46, %while3A_48 : i32
      %while3A_50 = arith.muli %while3A_49, %while3A_48 : i32
      %while3A_51 = arith.addi %while3A, %while3A_50 : i32
      %while3A_52 = arith.constant 1 : i32
      %while3A_53:4 = scf.for %while3A_198 = %while3A to %while3A_51 step %while3A_52 iter_args(%while3A_199 = %broadcast_in_dim3A_37, %while3A_200 = %broadcast_in_dim3A_38, %while3A_201 = %broadcast_in_dim3A_40, %while3A_202 = %broadcast_in_dim3A_42) -> (vector<16xf32>, vector<16xf32>, vector<16xi32>, vector<16xi32>)  : i32 {
        %mul3A_203 = arith.constant 16 : i32
        %mul3A_204 = arith.muli %while3A_198, %mul3A_203 : i32
        %get3A_205 = arith.index_cast %mul3A_204 : i32 to index
        %get3A_206 = tpu.vector_load %arg8[%get3A_205] {strides = array<i32>} : memref<8208xf32, #tpu.memory_space<vmem>>, vector<16xf32>,
        %mul3A_207 = arith.constant 16 : i32
        %mul3A_208 = arith.muli %while3A_198, %mul3A_207 : i32
        %get3A_209 = arith.index_cast %mul3A_208 : i32 to index
        %get3A_210 = tpu.vector_load %arg9[%get3A_209] {strides = array<i32>} : memref<8208xi32, #tpu.memory_space<vmem>>, vector<16xi32>,
        %masked_sort3A = arith.constant dense<true> : vector<16xi1>
        %masked_sort3A_211, %masked_sort3A_212, %masked_sort3A_213 = tpu.sort %get3A_206, %get3A_210 masked %masked_sort3A : (vector<16xf32>, vector<16xi32>, vector<16xi1>) -> (vector<16xi1>, vector<16xf32>, vector<16xi32>)
        %rev3A = arith.constant 15 : i32
        %rev3A_214 = vector.broadcast %rev3A : i32 to vector<16xi32>
        %rev3A_215 = tpu.iota {dimensions = array<i32: 0>} : vector<16xi32>
        %rev3A_216 = arith.subi %rev3A_214, %rev3A_215 : vector<16xi32>
        %rev3A_217 = tpu.dynamic_gather %masked_sort3A_212[%rev3A_216] in [0] : vector<16xf32>, vector<16xi32> -> vector<16xf32>
        %rev3A_218 = arith.constant 15 : i32
        %rev3A_219 = vector.broadcast %rev3A_218 : i32 to vector<16xi32>
        %rev3A_220 = tpu.iota {dimensions = array<i32: 0>} : vector<16xi32>
        %rev3A_221 = arith.subi %rev3A_219, %rev3A_220 : vector<16xi32>
        %rev3A_222 = tpu.dynamic_gather %masked_sort3A_213[%rev3A_221] in [0] : vector<16xi32>, vector<16xi32> -> vector<16xi32>
        %le3A = arith.cmpf ole, %while3A_200, %rev3A_217 : vector<16xf32>
        %select_n3A = arith.select %le3A, %while3A_200, %rev3A_217 : vector<16xi1>, vector<16xf32>
        %select_n3A_223 = arith.select %le3A, %while3A_202, %rev3A_222 : vector<16xi1>, vector<16xi32>
        %le3A_224 = arith.cmpf ole, %while3A_199, %select_n3A : vector<16xf32>
        %select_n3A_225 = arith.select %le3A_224, %while3A_199, %select_n3A : vector<16xi1>, vector<16xf32>
        %select_n3A_226 = arith.select %le3A_224, %while3A_201, %select_n3A_223 : vector<16xi1>, vector<16xi32>
        %select_n3A_227 = arith.select %le3A_224, %select_n3A, %while3A_199 : vector<16xi1>, vector<16xf32>
        %select_n3A_228 = arith.select %le3A_224, %select_n3A_223, %while3A_201 : vector<16xi1>, vector<16xi32>
        %masked_sort3A_229 = arith.constant dense<true> : vector<16xi1>
        %masked_sort3A_230, %masked_sort3A_231, %masked_sort3A_232 = tpu.sort %select_n3A_225, %select_n3A_226 masked %masked_sort3A_229 : (vector<16xf32>, vector<16xi32>, vector<16xi1>) -> (vector<16xi1>, vector<16xf32>, vector<16xi32>)
        %masked_sort3A_233 = arith.constant dense<true> : vector<16xi1>
        %masked_sort3A_234, %masked_sort3A_235, %masked_sort3A_236 = tpu.sort %select_n3A_227, %select_n3A_228 masked %masked_sort3A_233 : (vector<16xf32>, vector<16xi32>, vector<16xi1>) -> (vector<16xi1>, vector<16xf32>, vector<16xi32>)
        scf.yield %masked_sort3A_231, %masked_sort3A_235, %masked_sort3A_232, %masked_sort3A_236 : vector<16xf32>, vector<16xf32>, vector<16xi32>, vector<16xi32>
      }
      %while3A_54 = arith.constant 1 : i32
      %while3A_55:4 = scf.for %while3A_198 = %while3A_51 to %while3A_47 step %while3A_54 iter_args(%while3A_199 = %while3A_53#0, %while3A_200 = %while3A_53#1, %while3A_201 = %while3A_53#2, %while3A_202 = %while3A_53#3) -> (vector<16xf32>, vector<16xf32>, vector<16xi32>, vector<16xi32>)  : i32 {
        %mul3A_203 = arith.constant 16 : i32
        %mul3A_204 = arith.muli %while3A_198, %mul3A_203 : i32
        %get3A_205 = arith.index_cast %mul3A_204 : i32 to index
        %get3A_206 = tpu.vector_load %arg8[%get3A_205] {strides = array<i32>} : memref<8208xf32, #tpu.memory_space<vmem>>, vector<16xf32>,
        %mul3A_207 = arith.constant 16 : i32
        %mul3A_208 = arith.muli %while3A_198, %mul3A_207 : i32
        %get3A_209 = arith.index_cast %mul3A_208 : i32 to index
        %get3A_210 = tpu.vector_load %arg9[%get3A_209] {strides = array<i32>} : memref<8208xi32, #tpu.memory_space<vmem>>, vector<16xi32>,
        %masked_sort3A = arith.constant dense<true> : vector<16xi1>
        %masked_sort3A_211, %masked_sort3A_212, %masked_sort3A_213 = tpu.sort %get3A_206, %get3A_210 masked %masked_sort3A : (vector<16xf32>, vector<16xi32>, vector<16xi1>) -> (vector<16xi1>, vector<16xf32>, vector<16xi32>)
        %rev3A = arith.constant 15 : i32
        %rev3A_214 = vector.broadcast %rev3A : i32 to vector<16xi32>
        %rev3A_215 = tpu.iota {dimensions = array<i32: 0>} : vector<16xi32>
        %rev3A_216 = arith.subi %rev3A_214, %rev3A_215 : vector<16xi32>
        %rev3A_217 = tpu.dynamic_gather %masked_sort3A_212[%rev3A_216] in [0] : vector<16xf32>, vector<16xi32> -> vector<16xf32>
        %rev3A_218 = arith.constant 15 : i32
        %rev3A_219 = vector.broadcast %rev3A_218 : i32 to vector<16xi32>
        %rev3A_220 = tpu.iota {dimensions = array<i32: 0>} : vector<16xi32>
        %rev3A_221 = arith.subi %rev3A_219, %rev3A_220 : vector<16xi32>
        %rev3A_222 = tpu.dynamic_gather %masked_sort3A_213[%rev3A_221] in [0] : vector<16xi32>, vector<16xi32> -> vector<16xi32>
        %le3A = arith.cmpf ole, %while3A_200, %rev3A_217 : vector<16xf32>
        %select_n3A = arith.select %le3A, %while3A_200, %rev3A_217 : vector<16xi1>, vector<16xf32>
        %select_n3A_223 = arith.select %le3A, %while3A_202, %rev3A_222 : vector<16xi1>, vector<16xi32>
        %le3A_224 = arith.cmpf ole, %while3A_199, %select_n3A : vector<16xf32>
        %select_n3A_225 = arith.select %le3A_224, %while3A_199, %select_n3A : vector<16xi1>, vector<16xf32>
        %select_n3A_226 = arith.select %le3A_224, %while3A_201, %select_n3A_223 : vector<16xi1>, vector<16xi32>
        %select_n3A_227 = arith.select %le3A_224, %select_n3A, %while3A_199 : vector<16xi1>, vector<16xf32>
        %select_n3A_228 = arith.select %le3A_224, %select_n3A_223, %while3A_201 : vector<16xi1>, vector<16xi32>
        %masked_sort3A_229 = arith.constant dense<true> : vector<16xi1>
        %masked_sort3A_230, %masked_sort3A_231, %masked_sort3A_232 = tpu.sort %select_n3A_225, %select_n3A_226 masked %masked_sort3A_229 : (vector<16xf32>, vector<16xi32>, vector<16xi1>) -> (vector<16xi1>, vector<16xf32>, vector<16xi32>)
        %masked_sort3A_233 = arith.constant dense<true> : vector<16xi1>
        %masked_sort3A_234, %masked_sort3A_235, %masked_sort3A_236 = tpu.sort %select_n3A_227, %select_n3A_228 masked %masked_sort3A_233 : (vector<16xf32>, vector<16xi32>, vector<16xi1>) -> (vector<16xi1>, vector<16xf32>, vector<16xi32>)
        scf.yield %masked_sort3A_231, %masked_sort3A_235, %masked_sort3A_232, %masked_sort3A_236 : vector<16xf32>, vector<16xf32>, vector<16xi32>, vector<16xi32>
      }
      %swap3A_56 = arith.index_cast %add3A_24 : i32 to index
      %swap3A_57 = arith.constant 0 : index
      %swap3A_58 = tpu.vector_load %arg11[%swap3A_56, %swap3A_57] {strides = array<i32>} : memref<256x32xi32, #tpu.memory_space<vmem>>, vector<16xi32>,
      tpu.vector_store %arg11[%swap3A_56, %swap3A_57], %while3A_55#2 {strides = array<i32>} : memref<256x32xi32, #tpu.memory_space<vmem>>, vector<16xi32>,
      %swap3A_59 = arith.index_cast %add3A_24 : i32 to index
      %swap3A_60 = arith.constant 16 : index
      %swap3A_61 = tpu.vector_load %arg11[%swap3A_59, %swap3A_60] {strides = array<i32>} : memref<256x32xi32, #tpu.memory_space<vmem>>, vector<16xi32>,
      tpu.vector_store %arg11[%swap3A_59, %swap3A_60], %while3A_55#3 {strides = array<i32>} : memref<256x32xi32, #tpu.memory_space<vmem>>, vector<16xi32>,
      %mul3A_62 = arith.constant 4 : i32
      %mul3A_63 = arith.muli %scan3A_10, %mul3A_62 : i32
      %add3A_64 = arith.constant 1 : i32
      %add3A_65 = arith.addi %mul3A_63, %add3A_64 : i32
      %get3A_66 = arith.index_cast %add3A_65 : i32 to index
      %get3A_67 = arith.constant 0 : index
      %get3A_68 = tpu.vector_load %arg10[%get3A_66, %get3A_67] {strides = array<i32>} : memref<256x16xf32, #tpu.memory_space<vmem>>, vector<16xf32>,
      %scan3A_69 = arith.constant 1 : i32
      %scan3A_70 = arith.constant 0 : i32
      %scan3A_71 = arith.constant 0 : i32
      %scan3A_72 = arith.constant 64 : i32
      %scan3A_73 = arith.addi %scan3A_71, %scan3A_72 : i32
      %scan3A_74 = arith.constant 1 : i32
      %scan3A_75 = scf.for %scan3A_198 = %scan3A_71 to %scan3A_73 step %scan3A_74 iter_args(%scan3A_199 = %scan3A_70) -> (i32)  : i32 {
        %mul3A_200 = arith.constant 128 : i32
        %mul3A_201 = arith.muli %scan3A_198, %mul3A_200 : i32
        %add3A_202 = arith.constant 0 : i32
        %add3A_203 = arith.addi %mul3A_201, %add3A_202 : i32
        %get3A_204 = arith.constant 0 : i32
        %get3A_205 = tpu.memref_slice %arg6[%scan3A_69, %get3A_204] : memref<4x8192xf32, #tpu.memory_space<vmem>> -> memref<1x8192xf32, #tpu.memory_space<vmem>>
        %get3A_206 = tpu.memref_squeeze %get3A_205 : memref<1x8192xf32, #tpu.memory_space<vmem>> -> memref<8192xf32, #tpu.memory_space<vmem>>
        %get3A_207 = arith.index_cast %add3A_203 : i32 to index
        %get3A_208 = tpu.vector_load %get3A_206[%get3A_207] {strides = array<i32>} : memref<8192xf32, #tpu.memory_space<vmem>>, vector<16xf32>,
        %le3A = arith.cmpf ole, %get3A_208, %get3A_68 : vector<16xf32>
        %all_reduce_population_count3A = tpu.all_reduce %le3A {dim = 0 : i64, kind = #tpu.reduction_kind<sum>} : vector<16xi1> -> vector<16xi32>
        %broadcast_in_dim3A_209 = vector.broadcast %squeeze3A : f32 to vector<16xf32>
        %select_n3A = arith.select %le3A, %get3A_208, %broadcast_in_dim3A_209 : vector<16xi1>, vector<16xf32>
        %add3A_210 = vector.broadcast %add3A_203 : i32 to vector<16xi32>
        %add3A_211 = arith.addi %add3A_210, %iota3A : vector<16xi32>
        %masked_sort3A = arith.constant dense<true> : vector<16xi1>
        %masked_sort3A_212, %masked_sort3A_213, %masked_sort3A_214 = tpu.sort %select_n3A, %add3A_211 masked %masked_sort3A : (vector<16xf32>, vector<16xi32>, vector<16xi1>) -> (vector<16xi1>, vector<16xf32>, vector<16xi32>)
        %slice3A_215 = vector.extract_strided_slice %all_reduce_population_count3A {offsets = [0], sizes = [1], strides = [1]} : vector<16xi32> to vector<1xi32>
        %squeeze3A_216 = vector.extract %slice3A_215[0] : i32 from vector<1xi32>
        %mul3A_217 = arith.constant 128 : i32
        %mul3A_218 = arith.muli %scan3A_198, %mul3A_217 : i32
        %add3A_219 = arith.constant 16 : i32
        %add3A_220 = arith.addi %mul3A_218, %add3A_219 : i32
        %get3A_221 = arith.constant 0 : i32
        %get3A_222 = tpu.memref_slice %arg6[%scan3A_69, %get3A_221] : memref<4x8192xf32, #tpu.memory_space<vmem>> -> memref<1x8192xf32, #tpu.memory_space<vmem>>
        %get3A_223 = tpu.memref_squeeze %get3A_222 : memref<1x8192xf32, #tpu.memory_space<vmem>> -> memref<8192xf32, #tpu.memory_space<vmem>>
        %get3A_224 = arith.index_cast %add3A_220 : i32 to index
        %get3A_225 = tpu.vector_load %get3A_223[%get3A_224] {strides = array<i32>} : memref<8192xf32, #tpu.memory_space<vmem>>, vector<16xf32>,
        %le3A_226 = arith.cmpf ole, %get3A_225, %get3A_68 : vector<16xf32>
        %all_reduce_population_count3A_227 = tpu.all_reduce %le3A_226 {dim = 0 : i64, kind = #tpu.reduction_kind<sum>} : vector<16xi1> -> vector<16xi32>
        %broadcast_in_dim3A_228 = vector.broadcast %squeeze3A : f32 to vector<16xf32>
        %select_n3A_229 = arith.select %le3A_226, %get3A_225, %broadcast_in_dim3A_228 : vector<16xi1>, vector<16xf32>
        %add3A_230 = vector.broadcast %add3A_220 : i32 to vector<16xi32>
        %add3A_231 = arith.addi %add3A_230, %iota3A : vector<16xi32>
        %masked_sort3A_232 = arith.constant dense<true> : vector<16xi1>
        %masked_sort3A_233, %masked_sort3A_234, %masked_sort3A_235 = tpu.sort %select_n3A_229, %add3A_231 masked %masked_sort3A_232 : (vector<16xf32>, vector<16xi32>, vector<16xi1>) -> (vector<16xi1>, vector<16xf32>, vector<16xi32>)
        %slice3A_236 = vector.extract_strided_slice %all_reduce_population_count3A_227 {offsets = [0], sizes = [1], strides = [1]} : vector<16xi32> to vector<1xi32>
        %squeeze3A_237 = vector.extract %slice3A_236[0] : i32 from vector<1xi32>
        %mul3A_238 = arith.constant 128 : i32
        %mul3A_239 = arith.muli %scan3A_198, %mul3A_238 : i32
        %add3A_240 = arith.constant 32 : i32
        %add3A_241 = arith.addi %mul3A_239, %add3A_240 : i32
        %get3A_242 = arith.constant 0 : i32
        %get3A_243 = tpu.memref_slice %arg6[%scan3A_69, %get3A_242] : memref<4x8192xf32, #tpu.memory_space<vmem>> -> memref<1x8192xf32, #tpu.memory_space<vmem>>
        %get3A_244 = tpu.memref_squeeze %get3A_243 : memref<1x8192xf32, #tpu.memory_space<vmem>> -> memref<8192xf32, #tpu.memory_space<vmem>>
        %get3A_245 = arith.index_cast %add3A_241 : i32 to index
        %get3A_246 = tpu.vector_load %get3A_244[%get3A_245] {strides = array<i32>} : memref<8192xf32, #tpu.memory_space<vmem>>, vector<16xf32>,
        %le3A_247 = arith.cmpf ole, %get3A_246, %get3A_68 : vector<16xf32>
        %all_reduce_population_count3A_248 = tpu.all_reduce %le3A_247 {dim = 0 : i64, kind = #tpu.reduction_kind<sum>} : vector<16xi1> -> vector<16xi32>
        %broadcast_in_dim3A_249 = vector.broadcast %squeeze3A : f32 to vector<16xf32>
        %select_n3A_250 = arith.select %le3A_247, %get3A_246, %broadcast_in_dim3A_249 : vector<16xi1>, vector<16xf32>
        %add3A_251 = vector.broadcast %add3A_241 : i32 to vector<16xi32>
        %add3A_252 = arith.addi %add3A_251, %iota3A : vector<16xi32>
        %masked_sort3A_253 = arith.constant dense<true> : vector<16xi1>
        %masked_sort3A_254, %masked_sort3A_255, %masked_sort3A_256 = tpu.sort %select_n3A_250, %add3A_252 masked %masked_sort3A_253 : (vector<16xf32>, vector<16xi32>, vector<16xi1>) -> (vector<16xi1>, vector<16xf32>, vector<16xi32>)
        %slice3A_257 = vector.extract_strided_slice %all_reduce_population_count3A_248 {offsets = [0], sizes = [1], strides = [1]} : vector<16xi32> to vector<1xi32>
        %squeeze3A_258 = vector.extract %slice3A_257[0] : i32 from vector<1xi32>
        %mul3A_259 = arith.constant 128 : i32
        %mul3A_260 = arith.muli %scan3A_198, %mul3A_259 : i32
        %add3A_261 = arith.constant 48 : i32
        %add3A_262 = arith.addi %mul3A_260, %add3A_261 : i32
        %get3A_263 = arith.constant 0 : i32
        %get3A_264 = tpu.memref_slice %arg6[%scan3A_69, %get3A_263] : memref<4x8192xf32, #tpu.memory_space<vmem>> -> memref<1x8192xf32, #tpu.memory_space<vmem>>
        %get3A_265 = tpu.memref_squeeze %get3A_264 : memref<1x8192xf32, #tpu.memory_space<vmem>> -> memref<8192xf32, #tpu.memory_space<vmem>>
        %get3A_266 = arith.index_cast %add3A_262 : i32 to index
        %get3A_267 = tpu.vector_load %get3A_265[%get3A_266] {strides = array<i32>} : memref<8192xf32, #tpu.memory_space<vmem>>, vector<16xf32>,
        %le3A_268 = arith.cmpf ole, %get3A_267, %get3A_68 : vector<16xf32>
        %all_reduce_population_count3A_269 = tpu.all_reduce %le3A_268 {dim = 0 : i64, kind = #tpu.reduction_kind<sum>} : vector<16xi1> -> vector<16xi32>
        %broadcast_in_dim3A_270 = vector.broadcast %squeeze3A : f32 to vector<16xf32>
        %select_n3A_271 = arith.select %le3A_268, %get3A_267, %broadcast_in_dim3A_270 : vector<16xi1>, vector<16xf32>
        %add3A_272 = vector.broadcast %add3A_262 : i32 to vector<16xi32>
        %add3A_273 = arith.addi %add3A_272, %iota3A : vector<16xi32>
        %masked_sort3A_274 = arith.constant dense<true> : vector<16xi1>
        %masked_sort3A_275, %masked_sort3A_276, %masked_sort3A_277 = tpu.sort %select_n3A_271, %add3A_273 masked %masked_sort3A_274 : (vector<16xf32>, vector<16xi32>, vector<16xi1>) -> (vector<16xi1>, vector<16xf32>, vector<16xi32>)
        %slice3A_278 = vector.extract_strided_slice %all_reduce_population_count3A_269 {offsets = [0], sizes = [1], strides = [1]} : vector<16xi32> to vector<1xi32>
        %squeeze3A_279 = vector.extract %slice3A_278[0] : i32 from vector<1xi32>
        %mul3A_280 = arith.constant 128 : i32
        %mul3A_281 = arith.muli %scan3A_198, %mul3A_280 : i32
        %add3A_282 = arith.constant 64 : i32
        %add3A_283 = arith.addi %mul3A_281, %add3A_282 : i32
        %get3A_284 = arith.constant 0 : i32
        %get3A_285 = tpu.memref_slice %arg6[%scan3A_69, %get3A_284] : memref<4x8192xf32, #tpu.memory_space<vmem>> -> memref<1x8192xf32, #tpu.memory_space<vmem>>
        %get3A_286 = tpu.memref_squeeze %get3A_285 : memref<1x8192xf32, #tpu.memory_space<vmem>> -> memref<8192xf32, #tpu.memory_space<vmem>>
        %get3A_287 = arith.index_cast %add3A_283 : i32 to index
        %get3A_288 = tpu.vector_load %get3A_286[%get3A_287] {strides = array<i32>} : memref<8192xf32, #tpu.memory_space<vmem>>, vector<16xf32>,
        %le3A_289 = arith.cmpf ole, %get3A_288, %get3A_68 : vector<16xf32>
        %all_reduce_population_count3A_290 = tpu.all_reduce %le3A_289 {dim = 0 : i64, kind = #tpu.reduction_kind<sum>} : vector<16xi1> -> vector<16xi32>
        %broadcast_in_dim3A_291 = vector.broadcast %squeeze3A : f32 to vector<16xf32>
        %select_n3A_292 = arith.select %le3A_289, %get3A_288, %broadcast_in_dim3A_291 : vector<16xi1>, vector<16xf32>
        %add3A_293 = vector.broadcast %add3A_283 : i32 to vector<16xi32>
        %add3A_294 = arith.addi %add3A_293, %iota3A : vector<16xi32>
        %masked_sort3A_295 = arith.constant dense<true> : vector<16xi1>
        %masked_sort3A_296, %masked_sort3A_297, %masked_sort3A_298 = tpu.sort %select_n3A_292, %add3A_294 masked %masked_sort3A_295 : (vector<16xf32>, vector<16xi32>, vector<16xi1>) -> (vector<16xi1>, vector<16xf32>, vector<16xi32>)
        %slice3A_299 = vector.extract_strided_slice %all_reduce_population_count3A_290 {offsets = [0], sizes = [1], strides = [1]} : vector<16xi32> to vector<1xi32>
        %squeeze3A_300 = vector.extract %slice3A_299[0] : i32 from vector<1xi32>
        %mul3A_301 = arith.constant 128 : i32
        %mul3A_302 = arith.muli %scan3A_198, %mul3A_301 : i32
        %add3A_303 = arith.constant 80 : i32
        %add3A_304 = arith.addi %mul3A_302, %add3A_303 : i32
        %get3A_305 = arith.constant 0 : i32
        %get3A_306 = tpu.memref_slice %arg6[%scan3A_69, %get3A_305] : memref<4x8192xf32, #tpu.memory_space<vmem>> -> memref<1x8192xf32, #tpu.memory_space<vmem>>
        %get3A_307 = tpu.memref_squeeze %get3A_306 : memref<1x8192xf32, #tpu.memory_space<vmem>> -> memref<8192xf32, #tpu.memory_space<vmem>>
        %get3A_308 = arith.index_cast %add3A_304 : i32 to index
        %get3A_309 = tpu.vector_load %get3A_307[%get3A_308] {strides = array<i32>} : memref<8192xf32, #tpu.memory_space<vmem>>, vector<16xf32>,
        %le3A_310 = arith.cmpf ole, %get3A_309, %get3A_68 : vector<16xf32>
        %all_reduce_population_count3A_311 = tpu.all_reduce %le3A_310 {dim = 0 : i64, kind = #tpu.reduction_kind<sum>} : vector<16xi1> -> vector<16xi32>
        %broadcast_in_dim3A_312 = vector.broadcast %squeeze3A : f32 to vector<16xf32>
        %select_n3A_313 = arith.select %le3A_310, %get3A_309, %broadcast_in_dim3A_312 : vector<16xi1>, vector<16xf32>
        %add3A_314 = vector.broadcast %add3A_304 : i32 to vector<16xi32>
        %add3A_315 = arith.addi %add3A_314, %iota3A : vector<16xi32>
        %masked_sort3A_316 = arith.constant dense<true> : vector<16xi1>
        %masked_sort3A_317, %masked_sort3A_318, %masked_sort3A_319 = tpu.sort %select_n3A_313, %add3A_315 masked %masked_sort3A_316 : (vector<16xf32>, vector<16xi32>, vector<16xi1>) -> (vector<16xi1>, vector<16xf32>, vector<16xi32>)
        %slice3A_320 = vector.extract_strided_slice %all_reduce_population_count3A_311 {offsets = [0], sizes = [1], strides = [1]} : vector<16xi32> to vector<1xi32>
        %squeeze3A_321 = vector.extract %slice3A_320[0] : i32 from vector<1xi32>
        %mul3A_322 = arith.constant 128 : i32
        %mul3A_323 = arith.muli %scan3A_198, %mul3A_322 : i32
        %add3A_324 = arith.constant 96 : i32
        %add3A_325 = arith.addi %mul3A_323, %add3A_324 : i32
        %get3A_326 = arith.constant 0 : i32
        %get3A_327 = tpu.memref_slice %arg6[%scan3A_69, %get3A_326] : memref<4x8192xf32, #tpu.memory_space<vmem>> -> memref<1x8192xf32, #tpu.memory_space<vmem>>
        %get3A_328 = tpu.memref_squeeze %get3A_327 : memref<1x8192xf32, #tpu.memory_space<vmem>> -> memref<8192xf32, #tpu.memory_space<vmem>>
        %get3A_329 = arith.index_cast %add3A_325 : i32 to index
        %get3A_330 = tpu.vector_load %get3A_328[%get3A_329] {strides = array<i32>} : memref<8192xf32, #tpu.memory_space<vmem>>, vector<16xf32>,
        %le3A_331 = arith.cmpf ole, %get3A_330, %get3A_68 : vector<16xf32>
        %all_reduce_population_count3A_332 = tpu.all_reduce %le3A_331 {dim = 0 : i64, kind = #tpu.reduction_kind<sum>} : vector<16xi1> -> vector<16xi32>
        %broadcast_in_dim3A_333 = vector.broadcast %squeeze3A : f32 to vector<16xf32>
        %select_n3A_334 = arith.select %le3A_331, %get3A_330, %broadcast_in_dim3A_333 : vector<16xi1>, vector<16xf32>
        %add3A_335 = vector.broadcast %add3A_325 : i32 to vector<16xi32>
        %add3A_336 = arith.addi %add3A_335, %iota3A : vector<16xi32>
        %masked_sort3A_337 = arith.constant dense<true> : vector<16xi1>
        %masked_sort3A_338, %masked_sort3A_339, %masked_sort3A_340 = tpu.sort %select_n3A_334, %add3A_336 masked %masked_sort3A_337 : (vector<16xf32>, vector<16xi32>, vector<16xi1>) -> (vector<16xi1>, vector<16xf32>, vector<16xi32>)
        %slice3A_341 = vector.extract_strided_slice %all_reduce_population_count3A_332 {offsets = [0], sizes = [1], strides = [1]} : vector<16xi32> to vector<1xi32>
        %squeeze3A_342 = vector.extract %slice3A_341[0] : i32 from vector<1xi32>
        %mul3A_343 = arith.constant 128 : i32
        %mul3A_344 = arith.muli %scan3A_198, %mul3A_343 : i32
        %add3A_345 = arith.constant 112 : i32
        %add3A_346 = arith.addi %mul3A_344, %add3A_345 : i32
        %get3A_347 = arith.constant 0 : i32
        %get3A_348 = tpu.memref_slice %arg6[%scan3A_69, %get3A_347] : memref<4x8192xf32, #tpu.memory_space<vmem>> -> memref<1x8192xf32, #tpu.memory_space<vmem>>
        %get3A_349 = tpu.memref_squeeze %get3A_348 : memref<1x8192xf32, #tpu.memory_space<vmem>> -> memref<8192xf32, #tpu.memory_space<vmem>>
        %get3A_350 = arith.index_cast %add3A_346 : i32 to index
        %get3A_351 = tpu.vector_load %get3A_349[%get3A_350] {strides = array<i32>} : memref<8192xf32, #tpu.memory_space<vmem>>, vector<16xf32>,
        %le3A_352 = arith.cmpf ole, %get3A_351, %get3A_68 : vector<16xf32>
        %all_reduce_population_count3A_353 = tpu.all_reduce %le3A_352 {dim = 0 : i64, kind = #tpu.reduction_kind<sum>} : vector<16xi1> -> vector<16xi32>
        %broadcast_in_dim3A_354 = vector.broadcast %squeeze3A : f32 to vector<16xf32>
        %select_n3A_355 = arith.select %le3A_352, %get3A_351, %broadcast_in_dim3A_354 : vector<16xi1>, vector<16xf32>
        %add3A_356 = vector.broadcast %add3A_346 : i32 to vector<16xi32>
        %add3A_357 = arith.addi %add3A_356, %iota3A : vector<16xi32>
        %masked_sort3A_358 = arith.constant dense<true> : vector<16xi1>
        %masked_sort3A_359, %masked_sort3A_360, %masked_sort3A_361 = tpu.sort %select_n3A_355, %add3A_357 masked %masked_sort3A_358 : (vector<16xf32>, vector<16xi32>, vector<16xi1>) -> (vector<16xi1>, vector<16xf32>, vector<16xi32>)
        %slice3A_362 = vector.extract_strided_slice %all_reduce_population_count3A_353 {offsets = [0], sizes = [1], strides = [1]} : vector<16xi32> to vector<1xi32>
        %squeeze3A_363 = vector.extract %slice3A_362[0] : i32 from vector<1xi32>
        %swap3A_364 = arith.index_cast %scan3A_199 : i32 to index
        %swap3A_365 = tpu.vector_load %arg8[%swap3A_364] {strides = array<i32>} : memref<8208xf32, #tpu.memory_space<vmem>>, vector<16xf32>,
        tpu.vector_store %arg8[%swap3A_364], %masked_sort3A_213 {strides = array<i32>} : memref<8208xf32, #tpu.memory_space<vmem>>, vector<16xf32>,
        %swap3A_366 = arith.index_cast %scan3A_199 : i32 to index
        %swap3A_367 = tpu.vector_load %arg9[%swap3A_366] {strides = array<i32>} : memref<8208xi32, #tpu.memory_space<vmem>>, vector<16xi32>,
        tpu.vector_store %arg9[%swap3A_366], %masked_sort3A_214 {strides = array<i32>} : memref<8208xi32, #tpu.memory_space<vmem>>, vector<16xi32>,
        %add3A_368 = arith.addi %scan3A_199, %squeeze3A_216 : i32
        %swap3A_369 = arith.index_cast %add3A_368 : i32 to index
        %swap3A_370 = tpu.vector_load %arg8[%swap3A_369] {strides = array<i32>} : memref<8208xf32, #tpu.memory_space<vmem>>, vector<16xf32>,
        tpu.vector_store %arg8[%swap3A_369], %masked_sort3A_234 {strides = array<i32>} : memref<8208xf32, #tpu.memory_space<vmem>>, vector<16xf32>,
        %swap3A_371 = arith.index_cast %add3A_368 : i32 to index
        %swap3A_372 = tpu.vector_load %arg9[%swap3A_371] {strides = array<i32>} : memref<8208xi32, #tpu.memory_space<vmem>>, vector<16xi32>,
        tpu.vector_store %arg9[%swap3A_371], %masked_sort3A_235 {strides = array<i32>} : memref<8208xi32, #tpu.memory_space<vmem>>, vector<16xi32>,
        %add3A_373 = arith.addi %add3A_368, %squeeze3A_237 : i32
        %swap3A_374 = arith.index_cast %add3A_373 : i32 to index
        %swap3A_375 = tpu.vector_load %arg8[%swap3A_374] {strides = array<i32>} : memref<8208xf32, #tpu.memory_space<vmem>>, vector<16xf32>,
        tpu.vector_store %arg8[%swap3A_374], %masked_sort3A_255 {strides = array<i32>} : memref<8208xf32, #tpu.memory_space<vmem>>, vector<16xf32>,
        %swap3A_376 = arith.index_cast %add3A_373 : i32 to index
        %swap3A_377 = tpu.vector_load %arg9[%swap3A_376] {strides = array<i32>} : memref<8208xi32, #tpu.memory_space<vmem>>, vector<16xi32>,
        tpu.vector_store %arg9[%swap3A_376], %masked_sort3A_256 {strides = array<i32>} : memref<8208xi32, #tpu.memory_space<vmem>>, vector<16xi32>,
        %add3A_378 = arith.addi %add3A_373, %squeeze3A_258 : i32
        %swap3A_379 = arith.index_cast %add3A_378 : i32 to index
        %swap3A_380 = tpu.vector_load %arg8[%swap3A_379] {strides = array<i32>} : memref<8208xf32, #tpu.memory_space<vmem>>, vector<16xf32>,
        tpu.vector_store %arg8[%swap3A_379], %masked_sort3A_276 {strides = array<i32>} : memref<8208xf32, #tpu.memory_space<vmem>>, vector<16xf32>,
        %swap3A_381 = arith.index_cast %add3A_378 : i32 to index
        %swap3A_382 = tpu.vector_load %arg9[%swap3A_381] {strides = array<i32>} : memref<8208xi32, #tpu.memory_space<vmem>>, vector<16xi32>,
        tpu.vector_store %arg9[%swap3A_381], %masked_sort3A_277 {strides = array<i32>} : memref<8208xi32, #tpu.memory_space<vmem>>, vector<16xi32>,
        %add3A_383 = arith.addi %add3A_378, %squeeze3A_279 : i32
        %swap3A_384 = arith.index_cast %add3A_383 : i32 to index
        %swap3A_385 = tpu.vector_load %arg8[%swap3A_384] {strides = array<i32>} : memref<8208xf32, #tpu.memory_space<vmem>>, vector<16xf32>,
        tpu.vector_store %arg8[%swap3A_384], %masked_sort3A_297 {strides = array<i32>} : memref<8208xf32, #tpu.memory_space<vmem>>, vector<16xf32>,
        %swap3A_386 = arith.index_cast %add3A_383 : i32 to index
        %swap3A_387 = tpu.vector_load %arg9[%swap3A_386] {strides = array<i32>} : memref<8208xi32, #tpu.memory_space<vmem>>, vector<16xi32>,
        tpu.vector_store %arg9[%swap3A_386], %masked_sort3A_298 {strides = array<i32>} : memref<8208xi32, #tpu.memory_space<vmem>>, vector<16xi32>,
        %add3A_388 = arith.addi %add3A_383, %squeeze3A_300 : i32
        %swap3A_389 = arith.index_cast %add3A_388 : i32 to index
        %swap3A_390 = tpu.vector_load %arg8[%swap3A_389] {strides = array<i32>} : memref<8208xf32, #tpu.memory_space<vmem>>, vector<16xf32>,
        tpu.vector_store %arg8[%swap3A_389], %masked_sort3A_318 {strides = array<i32>} : memref<8208xf32, #tpu.memory_space<vmem>>, vector<16xf32>,
        %swap3A_391 = arith.index_cast %add3A_388 : i32 to index
        %swap3A_392 = tpu.vector_load %arg9[%swap3A_391] {strides = array<i32>} : memref<8208xi32, #tpu.memory_space<vmem>>, vector<16xi32>,
        tpu.vector_store %arg9[%swap3A_391], %masked_sort3A_319 {strides = array<i32>} : memref<8208xi32, #tpu.memory_space<vmem>>, vector<16xi32>,
        %add3A_393 = arith.addi %add3A_388, %squeeze3A_321 : i32
        %swap3A_394 = arith.index_cast %add3A_393 : i32 to index
        %swap3A_395 = tpu.vector_load %arg8[%swap3A_394] {strides = array<i32>} : memref<8208xf32, #tpu.memory_space<vmem>>, vector<16xf32>,
        tpu.vector_store %arg8[%swap3A_394], %masked_sort3A_339 {strides = array<i32>} : memref<8208xf32, #tpu.memory_space<vmem>>, vector<16xf32>,
        %swap3A_396 = arith.index_cast %add3A_393 : i32 to index
        %swap3A_397 = tpu.vector_load %arg9[%swap3A_396] {strides = array<i32>} : memref<8208xi32, #tpu.memory_space<vmem>>, vector<16xi32>,
        tpu.vector_store %arg9[%swap3A_396], %masked_sort3A_340 {strides = array<i32>} : memref<8208xi32, #tpu.memory_space<vmem>>, vector<16xi32>,
        %add3A_398 = arith.addi %add3A_393, %squeeze3A_342 : i32
        %swap3A_399 = arith.index_cast %add3A_398 : i32 to index
        %swap3A_400 = tpu.vector_load %arg8[%swap3A_399] {strides = array<i32>} : memref<8208xf32, #tpu.memory_space<vmem>>, vector<16xf32>,
        tpu.vector_store %arg8[%swap3A_399], %masked_sort3A_360 {strides = array<i32>} : memref<8208xf32, #tpu.memory_space<vmem>>, vector<16xf32>,
        %swap3A_401 = arith.index_cast %add3A_398 : i32 to index
        %swap3A_402 = tpu.vector_load %arg9[%swap3A_401] {strides = array<i32>} : memref<8208xi32, #tpu.memory_space<vmem>>, vector<16xi32>,
        tpu.vector_store %arg9[%swap3A_401], %masked_sort3A_361 {strides = array<i32>} : memref<8208xi32, #tpu.memory_space<vmem>>, vector<16xi32>,
        %add3A_403 = arith.addi %add3A_398, %squeeze3A_363 : i32
        scf.yield %add3A_403 : i32
      }
      %scan3A_76 = arith.constant 64 : i32
      %broadcast_in_dim3A_77 = vector.broadcast %squeeze3A : f32 to vector<16xf32>
      %swap3A_78 = arith.index_cast %scan3A_75 : i32 to index
      %swap3A_79 = tpu.vector_load %arg8[%swap3A_78] {strides = array<i32>} : memref<8208xf32, #tpu.memory_space<vmem>>, vector<16xf32>,
      tpu.vector_store %arg8[%swap3A_78], %broadcast_in_dim3A_77 {strides = array<i32>} : memref<8208xf32, #tpu.memory_space<vmem>>, vector<16xf32>,
      %broadcast_in_dim3A_80 = vector.broadcast %squeeze3A : f32 to vector<16xf32>
      %broadcast_in_dim3A_81 = vector.broadcast %squeeze3A : f32 to vector<16xf32>
      %broadcast_in_dim3A_82 = arith.constant 0 : i32
      %broadcast_in_dim3A_83 = vector.broadcast %broadcast_in_dim3A_82 : i32 to vector<16xi32>
      %broadcast_in_dim3A_84 = arith.constant 0 : i32
      %broadcast_in_dim3A_85 = vector.broadcast %broadcast_in_dim3A_84 : i32 to vector<16xi32>
      %add3A_86 = arith.constant 15 : i32
      %add3A_87 = arith.addi %scan3A_75, %add3A_86 : i32
      %shift_right_logical3A_88 = arith.constant 4 : i32
      %shift_right_logical3A_89 = arith.shrui %add3A_87, %shift_right_logical3A_88 : i32
      %while3A_90 = arith.constant 0 : i32
      %while3A_91 = arith.subi %shift_right_logical3A_89, %while3A_90 : i32
      %while3A_92 = arith.addi %while3A_90, %while3A_91 : i32
      %while3A_93 = arith.constant 1 : i32
      %while3A_94 = arith.divsi %while3A_91, %while3A_93 : i32
      %while3A_95 = arith.muli %while3A_94, %while3A_93 : i32
      %while3A_96 = arith.addi %while3A_90, %while3A_95 : i32
      %while3A_97 = arith.constant 1 : i32
      %while3A_98:4 = scf.for %while3A_198 = %while3A_90 to %while3A_96 step %while3A_97 iter_args(%while3A_199 = %broadcast_in_dim3A_80, %while3A_200 = %broadcast_in_dim3A_81, %while3A_201 = %broadcast_in_dim3A_83, %while3A_202 = %broadcast_in_dim3A_85) -> (vector<16xf32>, vector<16xf32>, vector<16xi32>, vector<16xi32>)  : i32 {
        %mul3A_203 = arith.constant 16 : i32
        %mul3A_204 = arith.muli %while3A_198, %mul3A_203 : i32
        %get3A_205 = arith.index_cast %mul3A_204 : i32 to index
        %get3A_206 = tpu.vector_load %arg8[%get3A_205] {strides = array<i32>} : memref<8208xf32, #tpu.memory_space<vmem>>, vector<16xf32>,
        %mul3A_207 = arith.constant 16 : i32
        %mul3A_208 = arith.muli %while3A_198, %mul3A_207 : i32
        %get3A_209 = arith.index_cast %mul3A_208 : i32 to index
        %get3A_210 = tpu.vector_load %arg9[%get3A_209] {strides = array<i32>} : memref<8208xi32, #tpu.memory_space<vmem>>, vector<16xi32>,
        %masked_sort3A = arith.constant dense<true> : vector<16xi1>
        %masked_sort3A_211, %masked_sort3A_212, %masked_sort3A_213 = tpu.sort %get3A_206, %get3A_210 masked %masked_sort3A : (vector<16xf32>, vector<16xi32>, vector<16xi1>) -> (vector<16xi1>, vector<16xf32>, vector<16xi32>)
        %rev3A = arith.constant 15 : i32
        %rev3A_214 = vector.broadcast %rev3A : i32 to vector<16xi32>
        %rev3A_215 = tpu.iota {dimensions = array<i32: 0>} : vector<16xi32>
        %rev3A_216 = arith.subi %rev3A_214, %rev3A_215 : vector<16xi32>
        %rev3A_217 = tpu.dynamic_gather %masked_sort3A_212[%rev3A_216] in [0] : vector<16xf32>, vector<16xi32> -> vector<16xf32>
        %rev3A_218 = arith.constant 15 : i32
        %rev3A_219 = vector.broadcast %rev3A_218 : i32 to vector<16xi32>
        %rev3A_220 = tpu.iota {dimensions = array<i32: 0>} : vector<16xi32>
        %rev3A_221 = arith.subi %rev3A_219, %rev3A_220 : vector<16xi32>
        %rev3A_222 = tpu.dynamic_gather %masked_sort3A_213[%rev3A_221] in [0] : vector<16xi32>, vector<16xi32> -> vector<16xi32>
        %le3A = arith.cmpf ole, %while3A_200, %rev3A_217 : vector<16xf32>
        %select_n3A = arith.select %le3A, %while3A_200, %rev3A_217 : vector<16xi1>, vector<16xf32>
        %select_n3A_223 = arith.select %le3A, %while3A_202, %rev3A_222 : vector<16xi1>, vector<16xi32>
        %le3A_224 = arith.cmpf ole, %while3A_199, %select_n3A : vector<16xf32>
        %select_n3A_225 = arith.select %le3A_224, %while3A_199, %select_n3A : vector<16xi1>, vector<16xf32>
        %select_n3A_226 = arith.select %le3A_224, %while3A_201, %select_n3A_223 : vector<16xi1>, vector<16xi32>
        %select_n3A_227 = arith.select %le3A_224, %select_n3A, %while3A_199 : vector<16xi1>, vector<16xf32>
        %select_n3A_228 = arith.select %le3A_224, %select_n3A_223, %while3A_201 : vector<16xi1>, vector<16xi32>
        %masked_sort3A_229 = arith.constant dense<true> : vector<16xi1>
        %masked_sort3A_230, %masked_sort3A_231, %masked_sort3A_232 = tpu.sort %select_n3A_225, %select_n3A_226 masked %masked_sort3A_229 : (vector<16xf32>, vector<16xi32>, vector<16xi1>) -> (vector<16xi1>, vector<16xf32>, vector<16xi32>)
        %masked_sort3A_233 = arith.constant dense<true> : vector<16xi1>
        %masked_sort3A_234, %masked_sort3A_235, %masked_sort3A_236 = tpu.sort %select_n3A_227, %select_n3A_228 masked %masked_sort3A_233 : (vector<16xf32>, vector<16xi32>, vector<16xi1>) -> (vector<16xi1>, vector<16xf32>, vector<16xi32>)
        scf.yield %masked_sort3A_231, %masked_sort3A_235, %masked_sort3A_232, %masked_sort3A_236 : vector<16xf32>, vector<16xf32>, vector<16xi32>, vector<16xi32>
      }
      %while3A_99 = arith.constant 1 : i32
      %while3A_100:4 = scf.for %while3A_198 = %while3A_96 to %while3A_92 step %while3A_99 iter_args(%while3A_199 = %while3A_98#0, %while3A_200 = %while3A_98#1, %while3A_201 = %while3A_98#2, %while3A_202 = %while3A_98#3) -> (vector<16xf32>, vector<16xf32>, vector<16xi32>, vector<16xi32>)  : i32 {
        %mul3A_203 = arith.constant 16 : i32
        %mul3A_204 = arith.muli %while3A_198, %mul3A_203 : i32
        %get3A_205 = arith.index_cast %mul3A_204 : i32 to index
        %get3A_206 = tpu.vector_load %arg8[%get3A_205] {strides = array<i32>} : memref<8208xf32, #tpu.memory_space<vmem>>, vector<16xf32>,
        %mul3A_207 = arith.constant 16 : i32
        %mul3A_208 = arith.muli %while3A_198, %mul3A_207 : i32
        %get3A_209 = arith.index_cast %mul3A_208 : i32 to index
        %get3A_210 = tpu.vector_load %arg9[%get3A_209] {strides = array<i32>} : memref<8208xi32, #tpu.memory_space<vmem>>, vector<16xi32>,
        %masked_sort3A = arith.constant dense<true> : vector<16xi1>
        %masked_sort3A_211, %masked_sort3A_212, %masked_sort3A_213 = tpu.sort %get3A_206, %get3A_210 masked %masked_sort3A : (vector<16xf32>, vector<16xi32>, vector<16xi1>) -> (vector<16xi1>, vector<16xf32>, vector<16xi32>)
        %rev3A = arith.constant 15 : i32
        %rev3A_214 = vector.broadcast %rev3A : i32 to vector<16xi32>
        %rev3A_215 = tpu.iota {dimensions = array<i32: 0>} : vector<16xi32>
        %rev3A_216 = arith.subi %rev3A_214, %rev3A_215 : vector<16xi32>
        %rev3A_217 = tpu.dynamic_gather %masked_sort3A_212[%rev3A_216] in [0] : vector<16xf32>, vector<16xi32> -> vector<16xf32>
        %rev3A_218 = arith.constant 15 : i32
        %rev3A_219 = vector.broadcast %rev3A_218 : i32 to vector<16xi32>
        %rev3A_220 = tpu.iota {dimensions = array<i32: 0>} : vector<16xi32>
        %rev3A_221 = arith.subi %rev3A_219, %rev3A_220 : vector<16xi32>
        %rev3A_222 = tpu.dynamic_gather %masked_sort3A_213[%rev3A_221] in [0] : vector<16xi32>, vector<16xi32> -> vector<16xi32>
        %le3A = arith.cmpf ole, %while3A_200, %rev3A_217 : vector<16xf32>
        %select_n3A = arith.select %le3A, %while3A_200, %rev3A_217 : vector<16xi1>, vector<16xf32>
        %select_n3A_223 = arith.select %le3A, %while3A_202, %rev3A_222 : vector<16xi1>, vector<16xi32>
        %le3A_224 = arith.cmpf ole, %while3A_199, %select_n3A : vector<16xf32>
        %select_n3A_225 = arith.select %le3A_224, %while3A_199, %select_n3A : vector<16xi1>, vector<16xf32>
        %select_n3A_226 = arith.select %le3A_224, %while3A_201, %select_n3A_223 : vector<16xi1>, vector<16xi32>
        %select_n3A_227 = arith.select %le3A_224, %select_n3A, %while3A_199 : vector<16xi1>, vector<16xf32>
        %select_n3A_228 = arith.select %le3A_224, %select_n3A_223, %while3A_201 : vector<16xi1>, vector<16xi32>
        %masked_sort3A_229 = arith.constant dense<true> : vector<16xi1>
        %masked_sort3A_230, %masked_sort3A_231, %masked_sort3A_232 = tpu.sort %select_n3A_225, %select_n3A_226 masked %masked_sort3A_229 : (vector<16xf32>, vector<16xi32>, vector<16xi1>) -> (vector<16xi1>, vector<16xf32>, vector<16xi32>)
        %masked_sort3A_233 = arith.constant dense<true> : vector<16xi1>
        %masked_sort3A_234, %masked_sort3A_235, %masked_sort3A_236 = tpu.sort %select_n3A_227, %select_n3A_228 masked %masked_sort3A_233 : (vector<16xf32>, vector<16xi32>, vector<16xi1>) -> (vector<16xi1>, vector<16xf32>, vector<16xi32>)
        scf.yield %masked_sort3A_231, %masked_sort3A_235, %masked_sort3A_232, %masked_sort3A_236 : vector<16xf32>, vector<16xf32>, vector<16xi32>, vector<16xi32>
      }
      %swap3A_101 = arith.index_cast %add3A_65 : i32 to index
      %swap3A_102 = arith.constant 0 : index
      %swap3A_103 = tpu.vector_load %arg11[%swap3A_101, %swap3A_102] {strides = array<i32>} : memref<256x32xi32, #tpu.memory_space<vmem>>, vector<16xi32>,
      tpu.vector_store %arg11[%swap3A_101, %swap3A_102], %while3A_100#2 {strides = array<i32>} : memref<256x32xi32, #tpu.memory_space<vmem>>, vector<16xi32>,
      %swap3A_104 = arith.index_cast %add3A_65 : i32 to index
      %swap3A_105 = arith.constant 16 : index
      %swap3A_106 = tpu.vector_load %arg11[%swap3A_104, %swap3A_105] {strides = array<i32>} : memref<256x32xi32, #tpu.memory_space<vmem>>, vector<16xi32>,
      tpu.vector_store %arg11[%swap3A_104, %swap3A_105], %while3A_100#3 {strides = array<i32>} : memref<256x32xi32, #tpu.memory_space<vmem>>, vector<16xi32>,
      %mul3A_107 = arith.constant 4 : i32
      %mul3A_108 = arith.muli %scan3A_10, %mul3A_107 : i32
      %add3A_109 = arith.constant 2 : i32
      %add3A_110 = arith.addi %mul3A_108, %add3A_109 : i32
      %get3A_111 = arith.index_cast %add3A_110 : i32 to index
      %get3A_112 = arith.constant 0 : index
      %get3A_113 = tpu.vector_load %arg10[%get3A_111, %get3A_112] {strides = array<i32>} : memref<256x16xf32, #tpu.memory_space<vmem>>, vector<16xf32>,
      %scan3A_114 = arith.constant 2 : i32
      %scan3A_115 = arith.constant 0 : i32
      %scan3A_116 = arith.constant 0 : i32
      %scan3A_117 = arith.constant 64 : i32
      %scan3A_118 = arith.addi %scan3A_116, %scan3A_117 : i32
      %scan3A_119 = arith.constant 1 : i32
      %scan3A_120 = scf.for %scan3A_198 = %scan3A_116 to %scan3A_118 step %scan3A_119 iter_args(%scan3A_199 = %scan3A_115) -> (i32)  : i32 {
        %mul3A_200 = arith.constant 128 : i32
        %mul3A_201 = arith.muli %scan3A_198, %mul3A_200 : i32
        %add3A_202 = arith.constant 0 : i32
        %add3A_203 = arith.addi %mul3A_201, %add3A_202 : i32
        %get3A_204 = arith.constant 0 : i32
        %get3A_205 = tpu.memref_slice %arg6[%scan3A_114, %get3A_204] : memref<4x8192xf32, #tpu.memory_space<vmem>> -> memref<1x8192xf32, #tpu.memory_space<vmem>>
        %get3A_206 = tpu.memref_squeeze %get3A_205 : memref<1x8192xf32, #tpu.memory_space<vmem>> -> memref<8192xf32, #tpu.memory_space<vmem>>
        %get3A_207 = arith.index_cast %add3A_203 : i32 to index
        %get3A_208 = tpu.vector_load %get3A_206[%get3A_207] {strides = array<i32>} : memref<8192xf32, #tpu.memory_space<vmem>>, vector<16xf32>,
        %le3A = arith.cmpf ole, %get3A_208, %get3A_113 : vector<16xf32>
        %all_reduce_population_count3A = tpu.all_reduce %le3A {dim = 0 : i64, kind = #tpu.reduction_kind<sum>} : vector<16xi1> -> vector<16xi32>
        %broadcast_in_dim3A_209 = vector.broadcast %squeeze3A : f32 to vector<16xf32>
        %select_n3A = arith.select %le3A, %get3A_208, %broadcast_in_dim3A_209 : vector<16xi1>, vector<16xf32>
        %add3A_210 = vector.broadcast %add3A_203 : i32 to vector<16xi32>
        %add3A_211 = arith.addi %add3A_210, %iota3A : vector<16xi32>
        %masked_sort3A = arith.constant dense<true> : vector<16xi1>
        %masked_sort3A_212, %masked_sort3A_213, %masked_sort3A_214 = tpu.sort %select_n3A, %add3A_211 masked %masked_sort3A : (vector<16xf32>, vector<16xi32>, vector<16xi1>) -> (vector<16xi1>, vector<16xf32>, vector<16xi32>)
        %slice3A_215 = vector.extract_strided_slice %all_reduce_population_count3A {offsets = [0], sizes = [1], strides = [1]} : vector<16xi32> to vector<1xi32>
        %squeeze3A_216 = vector.extract %slice3A_215[0] : i32 from vector<1xi32>
        %mul3A_217 = arith.constant 128 : i32
        %mul3A_218 = arith.muli %scan3A_198, %mul3A_217 : i32
        %add3A_219 = arith.constant 16 : i32
        %add3A_220 = arith.addi %mul3A_218, %add3A_219 : i32
        %get3A_221 = arith.constant 0 : i32
        %get3A_222 = tpu.memref_slice %arg6[%scan3A_114, %get3A_221] : memref<4x8192xf32, #tpu.memory_space<vmem>> -> memref<1x8192xf32, #tpu.memory_space<vmem>>
        %get3A_223 = tpu.memref_squeeze %get3A_222 : memref<1x8192xf32, #tpu.memory_space<vmem>> -> memref<8192xf32, #tpu.memory_space<vmem>>
        %get3A_224 = arith.index_cast %add3A_220 : i32 to index
        %get3A_225 = tpu.vector_load %get3A_223[%get3A_224] {strides = array<i32>} : memref<8192xf32, #tpu.memory_space<vmem>>, vector<16xf32>,
        %le3A_226 = arith.cmpf ole, %get3A_225, %get3A_113 : vector<16xf32>
        %all_reduce_population_count3A_227 = tpu.all_reduce %le3A_226 {dim = 0 : i64, kind = #tpu.reduction_kind<sum>} : vector<16xi1> -> vector<16xi32>
        %broadcast_in_dim3A_228 = vector.broadcast %squeeze3A : f32 to vector<16xf32>
        %select_n3A_229 = arith.select %le3A_226, %get3A_225, %broadcast_in_dim3A_228 : vector<16xi1>, vector<16xf32>
        %add3A_230 = vector.broadcast %add3A_220 : i32 to vector<16xi32>
        %add3A_231 = arith.addi %add3A_230, %iota3A : vector<16xi32>
        %masked_sort3A_232 = arith.constant dense<true> : vector<16xi1>
        %masked_sort3A_233, %masked_sort3A_234, %masked_sort3A_235 = tpu.sort %select_n3A_229, %add3A_231 masked %masked_sort3A_232 : (vector<16xf32>, vector<16xi32>, vector<16xi1>) -> (vector<16xi1>, vector<16xf32>, vector<16xi32>)
        %slice3A_236 = vector.extract_strided_slice %all_reduce_population_count3A_227 {offsets = [0], sizes = [1], strides = [1]} : vector<16xi32> to vector<1xi32>
        %squeeze3A_237 = vector.extract %slice3A_236[0] : i32 from vector<1xi32>
        %mul3A_238 = arith.constant 128 : i32
        %mul3A_239 = arith.muli %scan3A_198, %mul3A_238 : i32
        %add3A_240 = arith.constant 32 : i32
        %add3A_241 = arith.addi %mul3A_239, %add3A_240 : i32
        %get3A_242 = arith.constant 0 : i32
        %get3A_243 = tpu.memref_slice %arg6[%scan3A_114, %get3A_242] : memref<4x8192xf32, #tpu.memory_space<vmem>> -> memref<1x8192xf32, #tpu.memory_space<vmem>>
        %get3A_244 = tpu.memref_squeeze %get3A_243 : memref<1x8192xf32, #tpu.memory_space<vmem>> -> memref<8192xf32, #tpu.memory_space<vmem>>
        %get3A_245 = arith.index_cast %add3A_241 : i32 to index
        %get3A_246 = tpu.vector_load %get3A_244[%get3A_245] {strides = array<i32>} : memref<8192xf32, #tpu.memory_space<vmem>>, vector<16xf32>,
        %le3A_247 = arith.cmpf ole, %get3A_246, %get3A_113 : vector<16xf32>
        %all_reduce_population_count3A_248 = tpu.all_reduce %le3A_247 {dim = 0 : i64, kind = #tpu.reduction_kind<sum>} : vector<16xi1> -> vector<16xi32>
        %broadcast_in_dim3A_249 = vector.broadcast %squeeze3A : f32 to vector<16xf32>
        %select_n3A_250 = arith.select %le3A_247, %get3A_246, %broadcast_in_dim3A_249 : vector<16xi1>, vector<16xf32>
        %add3A_251 = vector.broadcast %add3A_241 : i32 to vector<16xi32>
        %add3A_252 = arith.addi %add3A_251, %iota3A : vector<16xi32>
        %masked_sort3A_253 = arith.constant dense<true> : vector<16xi1>
        %masked_sort3A_254, %masked_sort3A_255, %masked_sort3A_256 = tpu.sort %select_n3A_250, %add3A_252 masked %masked_sort3A_253 : (vector<16xf32>, vector<16xi32>, vector<16xi1>) -> (vector<16xi1>, vector<16xf32>, vector<16xi32>)
        %slice3A_257 = vector.extract_strided_slice %all_reduce_population_count3A_248 {offsets = [0], sizes = [1], strides = [1]} : vector<16xi32> to vector<1xi32>
        %squeeze3A_258 = vector.extract %slice3A_257[0] : i32 from vector<1xi32>
        %mul3A_259 = arith.constant 128 : i32
        %mul3A_260 = arith.muli %scan3A_198, %mul3A_259 : i32
        %add3A_261 = arith.constant 48 : i32
        %add3A_262 = arith.addi %mul3A_260, %add3A_261 : i32
        %get3A_263 = arith.constant 0 : i32
        %get3A_264 = tpu.memref_slice %arg6[%scan3A_114, %get3A_263] : memref<4x8192xf32, #tpu.memory_space<vmem>> -> memref<1x8192xf32, #tpu.memory_space<vmem>>
        %get3A_265 = tpu.memref_squeeze %get3A_264 : memref<1x8192xf32, #tpu.memory_space<vmem>> -> memref<8192xf32, #tpu.memory_space<vmem>>
        %get3A_266 = arith.index_cast %add3A_262 : i32 to index
        %get3A_267 = tpu.vector_load %get3A_265[%get3A_266] {strides = array<i32>} : memref<8192xf32, #tpu.memory_space<vmem>>, vector<16xf32>,
        %le3A_268 = arith.cmpf ole, %get3A_267, %get3A_113 : vector<16xf32>
        %all_reduce_population_count3A_269 = tpu.all_reduce %le3A_268 {dim = 0 : i64, kind = #tpu.reduction_kind<sum>} : vector<16xi1> -> vector<16xi32>
        %broadcast_in_dim3A_270 = vector.broadcast %squeeze3A : f32 to vector<16xf32>
        %select_n3A_271 = arith.select %le3A_268, %get3A_267, %broadcast_in_dim3A_270 : vector<16xi1>, vector<16xf32>
        %add3A_272 = vector.broadcast %add3A_262 : i32 to vector<16xi32>
        %add3A_273 = arith.addi %add3A_272, %iota3A : vector<16xi32>
        %masked_sort3A_274 = arith.constant dense<true> : vector<16xi1>
        %masked_sort3A_275, %masked_sort3A_276, %masked_sort3A_277 = tpu.sort %select_n3A_271, %add3A_273 masked %masked_sort3A_274 : (vector<16xf32>, vector<16xi32>, vector<16xi1>) -> (vector<16xi1>, vector<16xf32>, vector<16xi32>)
        %slice3A_278 = vector.extract_strided_slice %all_reduce_population_count3A_269 {offsets = [0], sizes = [1], strides = [1]} : vector<16xi32> to vector<1xi32>
        %squeeze3A_279 = vector.extract %slice3A_278[0] : i32 from vector<1xi32>
        %mul3A_280 = arith.constant 128 : i32
        %mul3A_281 = arith.muli %scan3A_198, %mul3A_280 : i32
        %add3A_282 = arith.constant 64 : i32
        %add3A_283 = arith.addi %mul3A_281, %add3A_282 : i32
        %get3A_284 = arith.constant 0 : i32
        %get3A_285 = tpu.memref_slice %arg6[%scan3A_114, %get3A_284] : memref<4x8192xf32, #tpu.memory_space<vmem>> -> memref<1x8192xf32, #tpu.memory_space<vmem>>
        %get3A_286 = tpu.memref_squeeze %get3A_285 : memref<1x8192xf32, #tpu.memory_space<vmem>> -> memref<8192xf32, #tpu.memory_space<vmem>>
        %get3A_287 = arith.index_cast %add3A_283 : i32 to index
        %get3A_288 = tpu.vector_load %get3A_286[%get3A_287] {strides = array<i32>} : memref<8192xf32, #tpu.memory_space<vmem>>, vector<16xf32>,
        %le3A_289 = arith.cmpf ole, %get3A_288, %get3A_113 : vector<16xf32>
        %all_reduce_population_count3A_290 = tpu.all_reduce %le3A_289 {dim = 0 : i64, kind = #tpu.reduction_kind<sum>} : vector<16xi1> -> vector<16xi32>
        %broadcast_in_dim3A_291 = vector.broadcast %squeeze3A : f32 to vector<16xf32>
        %select_n3A_292 = arith.select %le3A_289, %get3A_288, %broadcast_in_dim3A_291 : vector<16xi1>, vector<16xf32>
        %add3A_293 = vector.broadcast %add3A_283 : i32 to vector<16xi32>
        %add3A_294 = arith.addi %add3A_293, %iota3A : vector<16xi32>
        %masked_sort3A_295 = arith.constant dense<true> : vector<16xi1>
        %masked_sort3A_296, %masked_sort3A_297, %masked_sort3A_298 = tpu.sort %select_n3A_292, %add3A_294 masked %masked_sort3A_295 : (vector<16xf32>, vector<16xi32>, vector<16xi1>) -> (vector<16xi1>, vector<16xf32>, vector<16xi32>)
        %slice3A_299 = vector.extract_strided_slice %all_reduce_population_count3A_290 {offsets = [0], sizes = [1], strides = [1]} : vector<16xi32> to vector<1xi32>
        %squeeze3A_300 = vector.extract %slice3A_299[0] : i32 from vector<1xi32>
        %mul3A_301 = arith.constant 128 : i32
        %mul3A_302 = arith.muli %scan3A_198, %mul3A_301 : i32
        %add3A_303 = arith.constant 80 : i32
        %add3A_304 = arith.addi %mul3A_302, %add3A_303 : i32
        %get3A_305 = arith.constant 0 : i32
        %get3A_306 = tpu.memref_slice %arg6[%scan3A_114, %get3A_305] : memref<4x8192xf32, #tpu.memory_space<vmem>> -> memref<1x8192xf32, #tpu.memory_space<vmem>>
        %get3A_307 = tpu.memref_squeeze %get3A_306 : memref<1x8192xf32, #tpu.memory_space<vmem>> -> memref<8192xf32, #tpu.memory_space<vmem>>
        %get3A_308 = arith.index_cast %add3A_304 : i32 to index
        %get3A_309 = tpu.vector_load %get3A_307[%get3A_308] {strides = array<i32>} : memref<8192xf32, #tpu.memory_space<vmem>>, vector<16xf32>,
        %le3A_310 = arith.cmpf ole, %get3A_309, %get3A_113 : vector<16xf32>
        %all_reduce_population_count3A_311 = tpu.all_reduce %le3A_310 {dim = 0 : i64, kind = #tpu.reduction_kind<sum>} : vector<16xi1> -> vector<16xi32>
        %broadcast_in_dim3A_312 = vector.broadcast %squeeze3A : f32 to vector<16xf32>
        %select_n3A_313 = arith.select %le3A_310, %get3A_309, %broadcast_in_dim3A_312 : vector<16xi1>, vector<16xf32>
        %add3A_314 = vector.broadcast %add3A_304 : i32 to vector<16xi32>
        %add3A_315 = arith.addi %add3A_314, %iota3A : vector<16xi32>
        %masked_sort3A_316 = arith.constant dense<true> : vector<16xi1>
        %masked_sort3A_317, %masked_sort3A_318, %masked_sort3A_319 = tpu.sort %select_n3A_313, %add3A_315 masked %masked_sort3A_316 : (vector<16xf32>, vector<16xi32>, vector<16xi1>) -> (vector<16xi1>, vector<16xf32>, vector<16xi32>)
        %slice3A_320 = vector.extract_strided_slice %all_reduce_population_count3A_311 {offsets = [0], sizes = [1], strides = [1]} : vector<16xi32> to vector<1xi32>
        %squeeze3A_321 = vector.extract %slice3A_320[0] : i32 from vector<1xi32>
        %mul3A_322 = arith.constant 128 : i32
        %mul3A_323 = arith.muli %scan3A_198, %mul3A_322 : i32
        %add3A_324 = arith.constant 96 : i32
        %add3A_325 = arith.addi %mul3A_323, %add3A_324 : i32
        %get3A_326 = arith.constant 0 : i32
        %get3A_327 = tpu.memref_slice %arg6[%scan3A_114, %get3A_326] : memref<4x8192xf32, #tpu.memory_space<vmem>> -> memref<1x8192xf32, #tpu.memory_space<vmem>>
        %get3A_328 = tpu.memref_squeeze %get3A_327 : memref<1x8192xf32, #tpu.memory_space<vmem>> -> memref<8192xf32, #tpu.memory_space<vmem>>
        %get3A_329 = arith.index_cast %add3A_325 : i32 to index
        %get3A_330 = tpu.vector_load %get3A_328[%get3A_329] {strides = array<i32>} : memref<8192xf32, #tpu.memory_space<vmem>>, vector<16xf32>,
        %le3A_331 = arith.cmpf ole, %get3A_330, %get3A_113 : vector<16xf32>
        %all_reduce_population_count3A_332 = tpu.all_reduce %le3A_331 {dim = 0 : i64, kind = #tpu.reduction_kind<sum>} : vector<16xi1> -> vector<16xi32>
        %broadcast_in_dim3A_333 = vector.broadcast %squeeze3A : f32 to vector<16xf32>
        %select_n3A_334 = arith.select %le3A_331, %get3A_330, %broadcast_in_dim3A_333 : vector<16xi1>, vector<16xf32>
        %add3A_335 = vector.broadcast %add3A_325 : i32 to vector<16xi32>
        %add3A_336 = arith.addi %add3A_335, %iota3A : vector<16xi32>
        %masked_sort3A_337 = arith.constant dense<true> : vector<16xi1>
        %masked_sort3A_338, %masked_sort3A_339, %masked_sort3A_340 = tpu.sort %select_n3A_334, %add3A_336 masked %masked_sort3A_337 : (vector<16xf32>, vector<16xi32>, vector<16xi1>) -> (vector<16xi1>, vector<16xf32>, vector<16xi32>)
        %slice3A_341 = vector.extract_strided_slice %all_reduce_population_count3A_332 {offsets = [0], sizes = [1], strides = [1]} : vector<16xi32> to vector<1xi32>
        %squeeze3A_342 = vector.extract %slice3A_341[0] : i32 from vector<1xi32>
        %mul3A_343 = arith.constant 128 : i32
        %mul3A_344 = arith.muli %scan3A_198, %mul3A_343 : i32
        %add3A_345 = arith.constant 112 : i32
        %add3A_346 = arith.addi %mul3A_344, %add3A_345 : i32
        %get3A_347 = arith.constant 0 : i32
        %get3A_348 = tpu.memref_slice %arg6[%scan3A_114, %get3A_347] : memref<4x8192xf32, #tpu.memory_space<vmem>> -> memref<1x8192xf32, #tpu.memory_space<vmem>>
        %get3A_349 = tpu.memref_squeeze %get3A_348 : memref<1x8192xf32, #tpu.memory_space<vmem>> -> memref<8192xf32, #tpu.memory_space<vmem>>
        %get3A_350 = arith.index_cast %add3A_346 : i32 to index
        %get3A_351 = tpu.vector_load %get3A_349[%get3A_350] {strides = array<i32>} : memref<8192xf32, #tpu.memory_space<vmem>>, vector<16xf32>,
        %le3A_352 = arith.cmpf ole, %get3A_351, %get3A_113 : vector<16xf32>
        %all_reduce_population_count3A_353 = tpu.all_reduce %le3A_352 {dim = 0 : i64, kind = #tpu.reduction_kind<sum>} : vector<16xi1> -> vector<16xi32>
        %broadcast_in_dim3A_354 = vector.broadcast %squeeze3A : f32 to vector<16xf32>
        %select_n3A_355 = arith.select %le3A_352, %get3A_351, %broadcast_in_dim3A_354 : vector<16xi1>, vector<16xf32>
        %add3A_356 = vector.broadcast %add3A_346 : i32 to vector<16xi32>
        %add3A_357 = arith.addi %add3A_356, %iota3A : vector<16xi32>
        %masked_sort3A_358 = arith.constant dense<true> : vector<16xi1>
        %masked_sort3A_359, %masked_sort3A_360, %masked_sort3A_361 = tpu.sort %select_n3A_355, %add3A_357 masked %masked_sort3A_358 : (vector<16xf32>, vector<16xi32>, vector<16xi1>) -> (vector<16xi1>, vector<16xf32>, vector<16xi32>)
        %slice3A_362 = vector.extract_strided_slice %all_reduce_population_count3A_353 {offsets = [0], sizes = [1], strides = [1]} : vector<16xi32> to vector<1xi32>
        %squeeze3A_363 = vector.extract %slice3A_362[0] : i32 from vector<1xi32>
        %swap3A_364 = arith.index_cast %scan3A_199 : i32 to index
        %swap3A_365 = tpu.vector_load %arg8[%swap3A_364] {strides = array<i32>} : memref<8208xf32, #tpu.memory_space<vmem>>, vector<16xf32>,
        tpu.vector_store %arg8[%swap3A_364], %masked_sort3A_213 {strides = array<i32>} : memref<8208xf32, #tpu.memory_space<vmem>>, vector<16xf32>,
        %swap3A_366 = arith.index_cast %scan3A_199 : i32 to index
        %swap3A_367 = tpu.vector_load %arg9[%swap3A_366] {strides = array<i32>} : memref<8208xi32, #tpu.memory_space<vmem>>, vector<16xi32>,
        tpu.vector_store %arg9[%swap3A_366], %masked_sort3A_214 {strides = array<i32>} : memref<8208xi32, #tpu.memory_space<vmem>>, vector<16xi32>,
        %add3A_368 = arith.addi %scan3A_199, %squeeze3A_216 : i32
        %swap3A_369 = arith.index_cast %add3A_368 : i32 to index
        %swap3A_370 = tpu.vector_load %arg8[%swap3A_369] {strides = array<i32>} : memref<8208xf32, #tpu.memory_space<vmem>>, vector<16xf32>,
        tpu.vector_store %arg8[%swap3A_369], %masked_sort3A_234 {strides = array<i32>} : memref<8208xf32, #tpu.memory_space<vmem>>, vector<16xf32>,
        %swap3A_371 = arith.index_cast %add3A_368 : i32 to index
        %swap3A_372 = tpu.vector_load %arg9[%swap3A_371] {strides = array<i32>} : memref<8208xi32, #tpu.memory_space<vmem>>, vector<16xi32>,
        tpu.vector_store %arg9[%swap3A_371], %masked_sort3A_235 {strides = array<i32>} : memref<8208xi32, #tpu.memory_space<vmem>>, vector<16xi32>,
        %add3A_373 = arith.addi %add3A_368, %squeeze3A_237 : i32
        %swap3A_374 = arith.index_cast %add3A_373 : i32 to index
        %swap3A_375 = tpu.vector_load %arg8[%swap3A_374] {strides = array<i32>} : memref<8208xf32, #tpu.memory_space<vmem>>, vector<16xf32>,
        tpu.vector_store %arg8[%swap3A_374], %masked_sort3A_255 {strides = array<i32>} : memref<8208xf32, #tpu.memory_space<vmem>>, vector<16xf32>,
        %swap3A_376 = arith.index_cast %add3A_373 : i32 to index
        %swap3A_377 = tpu.vector_load %arg9[%swap3A_376] {strides = array<i32>} : memref<8208xi32, #tpu.memory_space<vmem>>, vector<16xi32>,
        tpu.vector_store %arg9[%swap3A_376], %masked_sort3A_256 {strides = array<i32>} : memref<8208xi32, #tpu.memory_space<vmem>>, vector<16xi32>,
        %add3A_378 = arith.addi %add3A_373, %squeeze3A_258 : i32
        %swap3A_379 = arith.index_cast %add3A_378 : i32 to index
        %swap3A_380 = tpu.vector_load %arg8[%swap3A_379] {strides = array<i32>} : memref<8208xf32, #tpu.memory_space<vmem>>, vector<16xf32>,
        tpu.vector_store %arg8[%swap3A_379], %masked_sort3A_276 {strides = array<i32>} : memref<8208xf32, #tpu.memory_space<vmem>>, vector<16xf32>,
        %swap3A_381 = arith.index_cast %add3A_378 : i32 to index
        %swap3A_382 = tpu.vector_load %arg9[%swap3A_381] {strides = array<i32>} : memref<8208xi32, #tpu.memory_space<vmem>>, vector<16xi32>,
        tpu.vector_store %arg9[%swap3A_381], %masked_sort3A_277 {strides = array<i32>} : memref<8208xi32, #tpu.memory_space<vmem>>, vector<16xi32>,
        %add3A_383 = arith.addi %add3A_378, %squeeze3A_279 : i32
        %swap3A_384 = arith.index_cast %add3A_383 : i32 to index
        %swap3A_385 = tpu.vector_load %arg8[%swap3A_384] {strides = array<i32>} : memref<8208xf32, #tpu.memory_space<vmem>>, vector<16xf32>,
        tpu.vector_store %arg8[%swap3A_384], %masked_sort3A_297 {strides = array<i32>} : memref<8208xf32, #tpu.memory_space<vmem>>, vector<16xf32>,
        %swap3A_386 = arith.index_cast %add3A_383 : i32 to index
        %swap3A_387 = tpu.vector_load %arg9[%swap3A_386] {strides = array<i32>} : memref<8208xi32, #tpu.memory_space<vmem>>, vector<16xi32>,
        tpu.vector_store %arg9[%swap3A_386], %masked_sort3A_298 {strides = array<i32>} : memref<8208xi32, #tpu.memory_space<vmem>>, vector<16xi32>,
        %add3A_388 = arith.addi %add3A_383, %squeeze3A_300 : i32
        %swap3A_389 = arith.index_cast %add3A_388 : i32 to index
        %swap3A_390 = tpu.vector_load %arg8[%swap3A_389] {strides = array<i32>} : memref<8208xf32, #tpu.memory_space<vmem>>, vector<16xf32>,
        tpu.vector_store %arg8[%swap3A_389], %masked_sort3A_318 {strides = array<i32>} : memref<8208xf32, #tpu.memory_space<vmem>>, vector<16xf32>,
        %swap3A_391 = arith.index_cast %add3A_388 : i32 to index
        %swap3A_392 = tpu.vector_load %arg9[%swap3A_391] {strides = array<i32>} : memref<8208xi32, #tpu.memory_space<vmem>>, vector<16xi32>,
        tpu.vector_store %arg9[%swap3A_391], %masked_sort3A_319 {strides = array<i32>} : memref<8208xi32, #tpu.memory_space<vmem>>, vector<16xi32>,
        %add3A_393 = arith.addi %add3A_388, %squeeze3A_321 : i32
        %swap3A_394 = arith.index_cast %add3A_393 : i32 to index
        %swap3A_395 = tpu.vector_load %arg8[%swap3A_394] {strides = array<i32>} : memref<8208xf32, #tpu.memory_space<vmem>>, vector<16xf32>,
        tpu.vector_store %arg8[%swap3A_394], %masked_sort3A_339 {strides = array<i32>} : memref<8208xf32, #tpu.memory_space<vmem>>, vector<16xf32>,
        %swap3A_396 = arith.index_cast %add3A_393 : i32 to index
        %swap3A_397 = tpu.vector_load %arg9[%swap3A_396] {strides = array<i32>} : memref<8208xi32, #tpu.memory_space<vmem>>, vector<16xi32>,
        tpu.vector_store %arg9[%swap3A_396], %masked_sort3A_340 {strides = array<i32>} : memref<8208xi32, #tpu.memory_space<vmem>>, vector<16xi32>,
        %add3A_398 = arith.addi %add3A_393, %squeeze3A_342 : i32
        %swap3A_399 = arith.index_cast %add3A_398 : i32 to index
        %swap3A_400 = tpu.vector_load %arg8[%swap3A_399] {strides = array<i32>} : memref<8208xf32, #tpu.memory_space<vmem>>, vector<16xf32>,
        tpu.vector_store %arg8[%swap3A_399], %masked_sort3A_360 {strides = array<i32>} : memref<8208xf32, #tpu.memory_space<vmem>>, vector<16xf32>,
        %swap3A_401 = arith.index_cast %add3A_398 : i32 to index
        %swap3A_402 = tpu.vector_load %arg9[%swap3A_401] {strides = array<i32>} : memref<8208xi32, #tpu.memory_space<vmem>>, vector<16xi32>,
        tpu.vector_store %arg9[%swap3A_401], %masked_sort3A_361 {strides = array<i32>} : memref<8208xi32, #tpu.memory_space<vmem>>, vector<16xi32>,
        %add3A_403 = arith.addi %add3A_398, %squeeze3A_363 : i32
        scf.yield %add3A_403 : i32
      }
      %scan3A_121 = arith.constant 64 : i32
      %broadcast_in_dim3A_122 = vector.broadcast %squeeze3A : f32 to vector<16xf32>
      %swap3A_123 = arith.index_cast %scan3A_120 : i32 to index
      %swap3A_124 = tpu.vector_load %arg8[%swap3A_123] {strides = array<i32>} : memref<8208xf32, #tpu.memory_space<vmem>>, vector<16xf32>,
      tpu.vector_store %arg8[%swap3A_123], %broadcast_in_dim3A_122 {strides = array<i32>} : memref<8208xf32, #tpu.memory_space<vmem>>, vector<16xf32>,
      %broadcast_in_dim3A_125 = vector.broadcast %squeeze3A : f32 to vector<16xf32>
      %broadcast_in_dim3A_126 = vector.broadcast %squeeze3A : f32 to vector<16xf32>
      %broadcast_in_dim3A_127 = arith.constant 0 : i32
      %broadcast_in_dim3A_128 = vector.broadcast %broadcast_in_dim3A_127 : i32 to vector<16xi32>
      %broadcast_in_dim3A_129 = arith.constant 0 : i32
      %broadcast_in_dim3A_130 = vector.broadcast %broadcast_in_dim3A_129 : i32 to vector<16xi32>
      %add3A_131 = arith.constant 15 : i32
      %add3A_132 = arith.addi %scan3A_120, %add3A_131 : i32
      %shift_right_logical3A_133 = arith.constant 4 : i32
      %shift_right_logical3A_134 = arith.shrui %add3A_132, %shift_right_logical3A_133 : i32
      %while3A_135 = arith.constant 0 : i32
      %while3A_136 = arith.subi %shift_right_logical3A_134, %while3A_135 : i32
      %while3A_137 = arith.addi %while3A_135, %while3A_136 : i32
      %while3A_138 = arith.constant 1 : i32
      %while3A_139 = arith.divsi %while3A_136, %while3A_138 : i32
      %while3A_140 = arith.muli %while3A_139, %while3A_138 : i32
      %while3A_141 = arith.addi %while3A_135, %while3A_140 : i32
      %while3A_142 = arith.constant 1 : i32
      %while3A_143:4 = scf.for %while3A_198 = %while3A_135 to %while3A_141 step %while3A_142 iter_args(%while3A_199 = %broadcast_in_dim3A_125, %while3A_200 = %broadcast_in_dim3A_126, %while3A_201 = %broadcast_in_dim3A_128, %while3A_202 = %broadcast_in_dim3A_130) -> (vector<16xf32>, vector<16xf32>, vector<16xi32>, vector<16xi32>)  : i32 {
        %mul3A_203 = arith.constant 16 : i32
        %mul3A_204 = arith.muli %while3A_198, %mul3A_203 : i32
        %get3A_205 = arith.index_cast %mul3A_204 : i32 to index
        %get3A_206 = tpu.vector_load %arg8[%get3A_205] {strides = array<i32>} : memref<8208xf32, #tpu.memory_space<vmem>>, vector<16xf32>,
        %mul3A_207 = arith.constant 16 : i32
        %mul3A_208 = arith.muli %while3A_198, %mul3A_207 : i32
        %get3A_209 = arith.index_cast %mul3A_208 : i32 to index
        %get3A_210 = tpu.vector_load %arg9[%get3A_209] {strides = array<i32>} : memref<8208xi32, #tpu.memory_space<vmem>>, vector<16xi32>,
        %masked_sort3A = arith.constant dense<true> : vector<16xi1>
        %masked_sort3A_211, %masked_sort3A_212, %masked_sort3A_213 = tpu.sort %get3A_206, %get3A_210 masked %masked_sort3A : (vector<16xf32>, vector<16xi32>, vector<16xi1>) -> (vector<16xi1>, vector<16xf32>, vector<16xi32>)
        %rev3A = arith.constant 15 : i32
        %rev3A_214 = vector.broadcast %rev3A : i32 to vector<16xi32>
        %rev3A_215 = tpu.iota {dimensions = array<i32: 0>} : vector<16xi32>
        %rev3A_216 = arith.subi %rev3A_214, %rev3A_215 : vector<16xi32>
        %rev3A_217 = tpu.dynamic_gather %masked_sort3A_212[%rev3A_216] in [0] : vector<16xf32>, vector<16xi32> -> vector<16xf32>
        %rev3A_218 = arith.constant 15 : i32
        %rev3A_219 = vector.broadcast %rev3A_218 : i32 to vector<16xi32>
        %rev3A_220 = tpu.iota {dimensions = array<i32: 0>} : vector<16xi32>
        %rev3A_221 = arith.subi %rev3A_219, %rev3A_220 : vector<16xi32>
        %rev3A_222 = tpu.dynamic_gather %masked_sort3A_213[%rev3A_221] in [0] : vector<16xi32>, vector<16xi32> -> vector<16xi32>
        %le3A = arith.cmpf ole, %while3A_200, %rev3A_217 : vector<16xf32>
        %select_n3A = arith.select %le3A, %while3A_200, %rev3A_217 : vector<16xi1>, vector<16xf32>
        %select_n3A_223 = arith.select %le3A, %while3A_202, %rev3A_222 : vector<16xi1>, vector<16xi32>
        %le3A_224 = arith.cmpf ole, %while3A_199, %select_n3A : vector<16xf32>
        %select_n3A_225 = arith.select %le3A_224, %while3A_199, %select_n3A : vector<16xi1>, vector<16xf32>
        %select_n3A_226 = arith.select %le3A_224, %while3A_201, %select_n3A_223 : vector<16xi1>, vector<16xi32>
        %select_n3A_227 = arith.select %le3A_224, %select_n3A, %while3A_199 : vector<16xi1>, vector<16xf32>
        %select_n3A_228 = arith.select %le3A_224, %select_n3A_223, %while3A_201 : vector<16xi1>, vector<16xi32>
        %masked_sort3A_229 = arith.constant dense<true> : vector<16xi1>
        %masked_sort3A_230, %masked_sort3A_231, %masked_sort3A_232 = tpu.sort %select_n3A_225, %select_n3A_226 masked %masked_sort3A_229 : (vector<16xf32>, vector<16xi32>, vector<16xi1>) -> (vector<16xi1>, vector<16xf32>, vector<16xi32>)
        %masked_sort3A_233 = arith.constant dense<true> : vector<16xi1>
        %masked_sort3A_234, %masked_sort3A_235, %masked_sort3A_236 = tpu.sort %select_n3A_227, %select_n3A_228 masked %masked_sort3A_233 : (vector<16xf32>, vector<16xi32>, vector<16xi1>) -> (vector<16xi1>, vector<16xf32>, vector<16xi32>)
        scf.yield %masked_sort3A_231, %masked_sort3A_235, %masked_sort3A_232, %masked_sort3A_236 : vector<16xf32>, vector<16xf32>, vector<16xi32>, vector<16xi32>
      }
      %while3A_144 = arith.constant 1 : i32
      %while3A_145:4 = scf.for %while3A_198 = %while3A_141 to %while3A_137 step %while3A_144 iter_args(%while3A_199 = %while3A_143#0, %while3A_200 = %while3A_143#1, %while3A_201 = %while3A_143#2, %while3A_202 = %while3A_143#3) -> (vector<16xf32>, vector<16xf32>, vector<16xi32>, vector<16xi32>)  : i32 {
        %mul3A_203 = arith.constant 16 : i32
        %mul3A_204 = arith.muli %while3A_198, %mul3A_203 : i32
        %get3A_205 = arith.index_cast %mul3A_204 : i32 to index
        %get3A_206 = tpu.vector_load %arg8[%get3A_205] {strides = array<i32>} : memref<8208xf32, #tpu.memory_space<vmem>>, vector<16xf32>,
        %mul3A_207 = arith.constant 16 : i32
        %mul3A_208 = arith.muli %while3A_198, %mul3A_207 : i32
        %get3A_209 = arith.index_cast %mul3A_208 : i32 to index
        %get3A_210 = tpu.vector_load %arg9[%get3A_209] {strides = array<i32>} : memref<8208xi32, #tpu.memory_space<vmem>>, vector<16xi32>,
        %masked_sort3A = arith.constant dense<true> : vector<16xi1>
        %masked_sort3A_211, %masked_sort3A_212, %masked_sort3A_213 = tpu.sort %get3A_206, %get3A_210 masked %masked_sort3A : (vector<16xf32>, vector<16xi32>, vector<16xi1>) -> (vector<16xi1>, vector<16xf32>, vector<16xi32>)
        %rev3A = arith.constant 15 : i32
        %rev3A_214 = vector.broadcast %rev3A : i32 to vector<16xi32>
        %rev3A_215 = tpu.iota {dimensions = array<i32: 0>} : vector<16xi32>
        %rev3A_216 = arith.subi %rev3A_214, %rev3A_215 : vector<16xi32>
        %rev3A_217 = tpu.dynamic_gather %masked_sort3A_212[%rev3A_216] in [0] : vector<16xf32>, vector<16xi32> -> vector<16xf32>
        %rev3A_218 = arith.constant 15 : i32
        %rev3A_219 = vector.broadcast %rev3A_218 : i32 to vector<16xi32>
        %rev3A_220 = tpu.iota {dimensions = array<i32: 0>} : vector<16xi32>
        %rev3A_221 = arith.subi %rev3A_219, %rev3A_220 : vector<16xi32>
        %rev3A_222 = tpu.dynamic_gather %masked_sort3A_213[%rev3A_221] in [0] : vector<16xi32>, vector<16xi32> -> vector<16xi32>
        %le3A = arith.cmpf ole, %while3A_200, %rev3A_217 : vector<16xf32>
        %select_n3A = arith.select %le3A, %while3A_200, %rev3A_217 : vector<16xi1>, vector<16xf32>
        %select_n3A_223 = arith.select %le3A, %while3A_202, %rev3A_222 : vector<16xi1>, vector<16xi32>
        %le3A_224 = arith.cmpf ole, %while3A_199, %select_n3A : vector<16xf32>
        %select_n3A_225 = arith.select %le3A_224, %while3A_199, %select_n3A : vector<16xi1>, vector<16xf32>
        %select_n3A_226 = arith.select %le3A_224, %while3A_201, %select_n3A_223 : vector<16xi1>, vector<16xi32>
        %select_n3A_227 = arith.select %le3A_224, %select_n3A, %while3A_199 : vector<16xi1>, vector<16xf32>
        %select_n3A_228 = arith.select %le3A_224, %select_n3A_223, %while3A_201 : vector<16xi1>, vector<16xi32>
        %masked_sort3A_229 = arith.constant dense<true> : vector<16xi1>
        %masked_sort3A_230, %masked_sort3A_231, %masked_sort3A_232 = tpu.sort %select_n3A_225, %select_n3A_226 masked %masked_sort3A_229 : (vector<16xf32>, vector<16xi32>, vector<16xi1>) -> (vector<16xi1>, vector<16xf32>, vector<16xi32>)
        %masked_sort3A_233 = arith.constant dense<true> : vector<16xi1>
        %masked_sort3A_234, %masked_sort3A_235, %masked_sort3A_236 = tpu.sort %select_n3A_227, %select_n3A_228 masked %masked_sort3A_233 : (vector<16xf32>, vector<16xi32>, vector<16xi1>) -> (vector<16xi1>, vector<16xf32>, vector<16xi32>)
        scf.yield %masked_sort3A_231, %masked_sort3A_235, %masked_sort3A_232, %masked_sort3A_236 : vector<16xf32>, vector<16xf32>, vector<16xi32>, vector<16xi32>
      }
      %swap3A_146 = arith.index_cast %add3A_110 : i32 to index
      %swap3A_147 = arith.constant 0 : index
      %swap3A_148 = tpu.vector_load %arg11[%swap3A_146, %swap3A_147] {strides = array<i32>} : memref<256x32xi32, #tpu.memory_space<vmem>>, vector<16xi32>,
      tpu.vector_store %arg11[%swap3A_146, %swap3A_147], %while3A_145#2 {strides = array<i32>} : memref<256x32xi32, #tpu.memory_space<vmem>>, vector<16xi32>,
      %swap3A_149 = arith.index_cast %add3A_110 : i32 to index
      %swap3A_150 = arith.constant 16 : index
      %swap3A_151 = tpu.vector_load %arg11[%swap3A_149, %swap3A_150] {strides = array<i32>} : memref<256x32xi32, #tpu.memory_space<vmem>>, vector<16xi32>,
      tpu.vector_store %arg11[%swap3A_149, %swap3A_150], %while3A_145#3 {strides = array<i32>} : memref<256x32xi32, #tpu.memory_space<vmem>>, vector<16xi32>,
      %mul3A_152 = arith.constant 4 : i32
      %mul3A_153 = arith.muli %scan3A_10, %mul3A_152 : i32
      %add3A_154 = arith.constant 3 : i32
      %add3A_155 = arith.addi %mul3A_153, %add3A_154 : i32
      %get3A_156 = arith.index_cast %add3A_155 : i32 to index
      %get3A_157 = arith.constant 0 : index
      %get3A_158 = tpu.vector_load %arg10[%get3A_156, %get3A_157] {strides = array<i32>} : memref<256x16xf32, #tpu.memory_space<vmem>>, vector<16xf32>,
      %scan3A_159 = arith.constant 3 : i32
      %scan3A_160 = arith.constant 0 : i32
      %scan3A_161 = arith.constant 0 : i32
      %scan3A_162 = arith.constant 64 : i32
      %scan3A_163 = arith.addi %scan3A_161, %scan3A_162 : i32
      %scan3A_164 = arith.constant 1 : i32
      %scan3A_165 = scf.for %scan3A_198 = %scan3A_161 to %scan3A_163 step %scan3A_164 iter_args(%scan3A_199 = %scan3A_160) -> (i32)  : i32 {
        %mul3A_200 = arith.constant 128 : i32
        %mul3A_201 = arith.muli %scan3A_198, %mul3A_200 : i32
        %add3A_202 = arith.constant 0 : i32
        %add3A_203 = arith.addi %mul3A_201, %add3A_202 : i32
        %get3A_204 = arith.constant 0 : i32
        %get3A_205 = tpu.memref_slice %arg6[%scan3A_159, %get3A_204] : memref<4x8192xf32, #tpu.memory_space<vmem>> -> memref<1x8192xf32, #tpu.memory_space<vmem>>
        %get3A_206 = tpu.memref_squeeze %get3A_205 : memref<1x8192xf32, #tpu.memory_space<vmem>> -> memref<8192xf32, #tpu.memory_space<vmem>>
        %get3A_207 = arith.index_cast %add3A_203 : i32 to index
        %get3A_208 = tpu.vector_load %get3A_206[%get3A_207] {strides = array<i32>} : memref<8192xf32, #tpu.memory_space<vmem>>, vector<16xf32>,
        %le3A = arith.cmpf ole, %get3A_208, %get3A_158 : vector<16xf32>
        %all_reduce_population_count3A = tpu.all_reduce %le3A {dim = 0 : i64, kind = #tpu.reduction_kind<sum>} : vector<16xi1> -> vector<16xi32>
        %broadcast_in_dim3A_209 = vector.broadcast %squeeze3A : f32 to vector<16xf32>
        %select_n3A = arith.select %le3A, %get3A_208, %broadcast_in_dim3A_209 : vector<16xi1>, vector<16xf32>
        %add3A_210 = vector.broadcast %add3A_203 : i32 to vector<16xi32>
        %add3A_211 = arith.addi %add3A_210, %iota3A : vector<16xi32>
        %masked_sort3A = arith.constant dense<true> : vector<16xi1>
        %masked_sort3A_212, %masked_sort3A_213, %masked_sort3A_214 = tpu.sort %select_n3A, %add3A_211 masked %masked_sort3A : (vector<16xf32>, vector<16xi32>, vector<16xi1>) -> (vector<16xi1>, vector<16xf32>, vector<16xi32>)
        %slice3A_215 = vector.extract_strided_slice %all_reduce_population_count3A {offsets = [0], sizes = [1], strides = [1]} : vector<16xi32> to vector<1xi32>
        %squeeze3A_216 = vector.extract %slice3A_215[0] : i32 from vector<1xi32>
        %mul3A_217 = arith.constant 128 : i32
        %mul3A_218 = arith.muli %scan3A_198, %mul3A_217 : i32
        %add3A_219 = arith.constant 16 : i32
        %add3A_220 = arith.addi %mul3A_218, %add3A_219 : i32
        %get3A_221 = arith.constant 0 : i32
        %get3A_222 = tpu.memref_slice %arg6[%scan3A_159, %get3A_221] : memref<4x8192xf32, #tpu.memory_space<vmem>> -> memref<1x8192xf32, #tpu.memory_space<vmem>>
        %get3A_223 = tpu.memref_squeeze %get3A_222 : memref<1x8192xf32, #tpu.memory_space<vmem>> -> memref<8192xf32, #tpu.memory_space<vmem>>
        %get3A_224 = arith.index_cast %add3A_220 : i32 to index
        %get3A_225 = tpu.vector_load %get3A_223[%get3A_224] {strides = array<i32>} : memref<8192xf32, #tpu.memory_space<vmem>>, vector<16xf32>,
        %le3A_226 = arith.cmpf ole, %get3A_225, %get3A_158 : vector<16xf32>
        %all_reduce_population_count3A_227 = tpu.all_reduce %le3A_226 {dim = 0 : i64, kind = #tpu.reduction_kind<sum>} : vector<16xi1> -> vector<16xi32>
        %broadcast_in_dim3A_228 = vector.broadcast %squeeze3A : f32 to vector<16xf32>
        %select_n3A_229 = arith.select %le3A_226, %get3A_225, %broadcast_in_dim3A_228 : vector<16xi1>, vector<16xf32>
        %add3A_230 = vector.broadcast %add3A_220 : i32 to vector<16xi32>
        %add3A_231 = arith.addi %add3A_230, %iota3A : vector<16xi32>
        %masked_sort3A_232 = arith.constant dense<true> : vector<16xi1>
        %masked_sort3A_233, %masked_sort3A_234, %masked_sort3A_235 = tpu.sort %select_n3A_229, %add3A_231 masked %masked_sort3A_232 : (vector<16xf32>, vector<16xi32>, vector<16xi1>) -> (vector<16xi1>, vector<16xf32>, vector<16xi32>)
        %slice3A_236 = vector.extract_strided_slice %all_reduce_population_count3A_227 {offsets = [0], sizes = [1], strides = [1]} : vector<16xi32> to vector<1xi32>
        %squeeze3A_237 = vector.extract %slice3A_236[0] : i32 from vector<1xi32>
        %mul3A_238 = arith.constant 128 : i32
        %mul3A_239 = arith.muli %scan3A_198, %mul3A_238 : i32
        %add3A_240 = arith.constant 32 : i32
        %add3A_241 = arith.addi %mul3A_239, %add3A_240 : i32
        %get3A_242 = arith.constant 0 : i32
        %get3A_243 = tpu.memref_slice %arg6[%scan3A_159, %get3A_242] : memref<4x8192xf32, #tpu.memory_space<vmem>> -> memref<1x8192xf32, #tpu.memory_space<vmem>>
        %get3A_244 = tpu.memref_squeeze %get3A_243 : memref<1x8192xf32, #tpu.memory_space<vmem>> -> memref<8192xf32, #tpu.memory_space<vmem>>
        %get3A_245 = arith.index_cast %add3A_241 : i32 to index
        %get3A_246 = tpu.vector_load %get3A_244[%get3A_245] {strides = array<i32>} : memref<8192xf32, #tpu.memory_space<vmem>>, vector<16xf32>,
        %le3A_247 = arith.cmpf ole, %get3A_246, %get3A_158 : vector<16xf32>
        %all_reduce_population_count3A_248 = tpu.all_reduce %le3A_247 {dim = 0 : i64, kind = #tpu.reduction_kind<sum>} : vector<16xi1> -> vector<16xi32>
        %broadcast_in_dim3A_249 = vector.broadcast %squeeze3A : f32 to vector<16xf32>
        %select_n3A_250 = arith.select %le3A_247, %get3A_246, %broadcast_in_dim3A_249 : vector<16xi1>, vector<16xf32>
        %add3A_251 = vector.broadcast %add3A_241 : i32 to vector<16xi32>
        %add3A_252 = arith.addi %add3A_251, %iota3A : vector<16xi32>
        %masked_sort3A_253 = arith.constant dense<true> : vector<16xi1>
        %masked_sort3A_254, %masked_sort3A_255, %masked_sort3A_256 = tpu.sort %select_n3A_250, %add3A_252 masked %masked_sort3A_253 : (vector<16xf32>, vector<16xi32>, vector<16xi1>) -> (vector<16xi1>, vector<16xf32>, vector<16xi32>)
        %slice3A_257 = vector.extract_strided_slice %all_reduce_population_count3A_248 {offsets = [0], sizes = [1], strides = [1]} : vector<16xi32> to vector<1xi32>
        %squeeze3A_258 = vector.extract %slice3A_257[0] : i32 from vector<1xi32>
        %mul3A_259 = arith.constant 128 : i32
        %mul3A_260 = arith.muli %scan3A_198, %mul3A_259 : i32
        %add3A_261 = arith.constant 48 : i32
        %add3A_262 = arith.addi %mul3A_260, %add3A_261 : i32
        %get3A_263 = arith.constant 0 : i32
        %get3A_264 = tpu.memref_slice %arg6[%scan3A_159, %get3A_263] : memref<4x8192xf32, #tpu.memory_space<vmem>> -> memref<1x8192xf32, #tpu.memory_space<vmem>>
        %get3A_265 = tpu.memref_squeeze %get3A_264 : memref<1x8192xf32, #tpu.memory_space<vmem>> -> memref<8192xf32, #tpu.memory_space<vmem>>
        %get3A_266 = arith.index_cast %add3A_262 : i32 to index
        %get3A_267 = tpu.vector_load %get3A_265[%get3A_266] {strides = array<i32>} : memref<8192xf32, #tpu.memory_space<vmem>>, vector<16xf32>,
        %le3A_268 = arith.cmpf ole, %get3A_267, %get3A_158 : vector<16xf32>
        %all_reduce_population_count3A_269 = tpu.all_reduce %le3A_268 {dim = 0 : i64, kind = #tpu.reduction_kind<sum>} : vector<16xi1> -> vector<16xi32>
        %broadcast_in_dim3A_270 = vector.broadcast %squeeze3A : f32 to vector<16xf32>
        %select_n3A_271 = arith.select %le3A_268, %get3A_267, %broadcast_in_dim3A_270 : vector<16xi1>, vector<16xf32>
        %add3A_272 = vector.broadcast %add3A_262 : i32 to vector<16xi32>
        %add3A_273 = arith.addi %add3A_272, %iota3A : vector<16xi32>
        %masked_sort3A_274 = arith.constant dense<true> : vector<16xi1>
        %masked_sort3A_275, %masked_sort3A_276, %masked_sort3A_277 = tpu.sort %select_n3A_271, %add3A_273 masked %masked_sort3A_274 : (vector<16xf32>, vector<16xi32>, vector<16xi1>) -> (vector<16xi1>, vector<16xf32>, vector<16xi32>)
        %slice3A_278 = vector.extract_strided_slice %all_reduce_population_count3A_269 {offsets = [0], sizes = [1], strides = [1]} : vector<16xi32> to vector<1xi32>
        %squeeze3A_279 = vector.extract %slice3A_278[0] : i32 from vector<1xi32>
        %mul3A_280 = arith.constant 128 : i32
        %mul3A_281 = arith.muli %scan3A_198, %mul3A_280 : i32
        %add3A_282 = arith.constant 64 : i32
        %add3A_283 = arith.addi %mul3A_281, %add3A_282 : i32
        %get3A_284 = arith.constant 0 : i32
        %get3A_285 = tpu.memref_slice %arg6[%scan3A_159, %get3A_284] : memref<4x8192xf32, #tpu.memory_space<vmem>> -> memref<1x8192xf32, #tpu.memory_space<vmem>>
        %get3A_286 = tpu.memref_squeeze %get3A_285 : memref<1x8192xf32, #tpu.memory_space<vmem>> -> memref<8192xf32, #tpu.memory_space<vmem>>
        %get3A_287 = arith.index_cast %add3A_283 : i32 to index
        %get3A_288 = tpu.vector_load %get3A_286[%get3A_287] {strides = array<i32>} : memref<8192xf32, #tpu.memory_space<vmem>>, vector<16xf32>,
        %le3A_289 = arith.cmpf ole, %get3A_288, %get3A_158 : vector<16xf32>
        %all_reduce_population_count3A_290 = tpu.all_reduce %le3A_289 {dim = 0 : i64, kind = #tpu.reduction_kind<sum>} : vector<16xi1> -> vector<16xi32>
        %broadcast_in_dim3A_291 = vector.broadcast %squeeze3A : f32 to vector<16xf32>
        %select_n3A_292 = arith.select %le3A_289, %get3A_288, %broadcast_in_dim3A_291 : vector<16xi1>, vector<16xf32>
        %add3A_293 = vector.broadcast %add3A_283 : i32 to vector<16xi32>
        %add3A_294 = arith.addi %add3A_293, %iota3A : vector<16xi32>
        %masked_sort3A_295 = arith.constant dense<true> : vector<16xi1>
        %masked_sort3A_296, %masked_sort3A_297, %masked_sort3A_298 = tpu.sort %select_n3A_292, %add3A_294 masked %masked_sort3A_295 : (vector<16xf32>, vector<16xi32>, vector<16xi1>) -> (vector<16xi1>, vector<16xf32>, vector<16xi32>)
        %slice3A_299 = vector.extract_strided_slice %all_reduce_population_count3A_290 {offsets = [0], sizes = [1], strides = [1]} : vector<16xi32> to vector<1xi32>
        %squeeze3A_300 = vector.extract %slice3A_299[0] : i32 from vector<1xi32>
        %mul3A_301 = arith.constant 128 : i32
        %mul3A_302 = arith.muli %scan3A_198, %mul3A_301 : i32
        %add3A_303 = arith.constant 80 : i32
        %add3A_304 = arith.addi %mul3A_302, %add3A_303 : i32
        %get3A_305 = arith.constant 0 : i32
        %get3A_306 = tpu.memref_slice %arg6[%scan3A_159, %get3A_305] : memref<4x8192xf32, #tpu.memory_space<vmem>> -> memref<1x8192xf32, #tpu.memory_space<vmem>>
        %get3A_307 = tpu.memref_squeeze %get3A_306 : memref<1x8192xf32, #tpu.memory_space<vmem>> -> memref<8192xf32, #tpu.memory_space<vmem>>
        %get3A_308 = arith.index_cast %add3A_304 : i32 to index
        %get3A_309 = tpu.vector_load %get3A_307[%get3A_308] {strides = array<i32>} : memref<8192xf32, #tpu.memory_space<vmem>>, vector<16xf32>,
        %le3A_310 = arith.cmpf ole, %get3A_309, %get3A_158 : vector<16xf32>
        %all_reduce_population_count3A_311 = tpu.all_reduce %le3A_310 {dim = 0 : i64, kind = #tpu.reduction_kind<sum>} : vector<16xi1> -> vector<16xi32>
        %broadcast_in_dim3A_312 = vector.broadcast %squeeze3A : f32 to vector<16xf32>
        %select_n3A_313 = arith.select %le3A_310, %get3A_309, %broadcast_in_dim3A_312 : vector<16xi1>, vector<16xf32>
        %add3A_314 = vector.broadcast %add3A_304 : i32 to vector<16xi32>
        %add3A_315 = arith.addi %add3A_314, %iota3A : vector<16xi32>
        %masked_sort3A_316 = arith.constant dense<true> : vector<16xi1>
        %masked_sort3A_317, %masked_sort3A_318, %masked_sort3A_319 = tpu.sort %select_n3A_313, %add3A_315 masked %masked_sort3A_316 : (vector<16xf32>, vector<16xi32>, vector<16xi1>) -> (vector<16xi1>, vector<16xf32>, vector<16xi32>)
        %slice3A_320 = vector.extract_strided_slice %all_reduce_population_count3A_311 {offsets = [0], sizes = [1], strides = [1]} : vector<16xi32> to vector<1xi32>
        %squeeze3A_321 = vector.extract %slice3A_320[0] : i32 from vector<1xi32>
        %mul3A_322 = arith.constant 128 : i32
        %mul3A_323 = arith.muli %scan3A_198, %mul3A_322 : i32
        %add3A_324 = arith.constant 96 : i32
        %add3A_325 = arith.addi %mul3A_323, %add3A_324 : i32
        %get3A_326 = arith.constant 0 : i32
        %get3A_327 = tpu.memref_slice %arg6[%scan3A_159, %get3A_326] : memref<4x8192xf32, #tpu.memory_space<vmem>> -> memref<1x8192xf32, #tpu.memory_space<vmem>>
        %get3A_328 = tpu.memref_squeeze %get3A_327 : memref<1x8192xf32, #tpu.memory_space<vmem>> -> memref<8192xf32, #tpu.memory_space<vmem>>
        %get3A_329 = arith.index_cast %add3A_325 : i32 to index
        %get3A_330 = tpu.vector_load %get3A_328[%get3A_329] {strides = array<i32>} : memref<8192xf32, #tpu.memory_space<vmem>>, vector<16xf32>,
        %le3A_331 = arith.cmpf ole, %get3A_330, %get3A_158 : vector<16xf32>
        %all_reduce_population_count3A_332 = tpu.all_reduce %le3A_331 {dim = 0 : i64, kind = #tpu.reduction_kind<sum>} : vector<16xi1> -> vector<16xi32>
        %broadcast_in_dim3A_333 = vector.broadcast %squeeze3A : f32 to vector<16xf32>
        %select_n3A_334 = arith.select %le3A_331, %get3A_330, %broadcast_in_dim3A_333 : vector<16xi1>, vector<16xf32>
        %add3A_335 = vector.broadcast %add3A_325 : i32 to vector<16xi32>
        %add3A_336 = arith.addi %add3A_335, %iota3A : vector<16xi32>
        %masked_sort3A_337 = arith.constant dense<true> : vector<16xi1>
        %masked_sort3A_338, %masked_sort3A_339, %masked_sort3A_340 = tpu.sort %select_n3A_334, %add3A_336 masked %masked_sort3A_337 : (vector<16xf32>, vector<16xi32>, vector<16xi1>) -> (vector<16xi1>, vector<16xf32>, vector<16xi32>)
        %slice3A_341 = vector.extract_strided_slice %all_reduce_population_count3A_332 {offsets = [0], sizes = [1], strides = [1]} : vector<16xi32> to vector<1xi32>
        %squeeze3A_342 = vector.extract %slice3A_341[0] : i32 from vector<1xi32>
        %mul3A_343 = arith.constant 128 : i32
        %mul3A_344 = arith.muli %scan3A_198, %mul3A_343 : i32
        %add3A_345 = arith.constant 112 : i32
        %add3A_346 = arith.addi %mul3A_344, %add3A_345 : i32
        %get3A_347 = arith.constant 0 : i32
        %get3A_348 = tpu.memref_slice %arg6[%scan3A_159, %get3A_347] : memref<4x8192xf32, #tpu.memory_space<vmem>> -> memref<1x8192xf32, #tpu.memory_space<vmem>>
        %get3A_349 = tpu.memref_squeeze %get3A_348 : memref<1x8192xf32, #tpu.memory_space<vmem>> -> memref<8192xf32, #tpu.memory_space<vmem>>
        %get3A_350 = arith.index_cast %add3A_346 : i32 to index
        %get3A_351 = tpu.vector_load %get3A_349[%get3A_350] {strides = array<i32>} : memref<8192xf32, #tpu.memory_space<vmem>>, vector<16xf32>,
        %le3A_352 = arith.cmpf ole, %get3A_351, %get3A_158 : vector<16xf32>
        %all_reduce_population_count3A_353 = tpu.all_reduce %le3A_352 {dim = 0 : i64, kind = #tpu.reduction_kind<sum>} : vector<16xi1> -> vector<16xi32>
        %broadcast_in_dim3A_354 = vector.broadcast %squeeze3A : f32 to vector<16xf32>
        %select_n3A_355 = arith.select %le3A_352, %get3A_351, %broadcast_in_dim3A_354 : vector<16xi1>, vector<16xf32>
        %add3A_356 = vector.broadcast %add3A_346 : i32 to vector<16xi32>
        %add3A_357 = arith.addi %add3A_356, %iota3A : vector<16xi32>
        %masked_sort3A_358 = arith.constant dense<true> : vector<16xi1>
        %masked_sort3A_359, %masked_sort3A_360, %masked_sort3A_361 = tpu.sort %select_n3A_355, %add3A_357 masked %masked_sort3A_358 : (vector<16xf32>, vector<16xi32>, vector<16xi1>) -> (vector<16xi1>, vector<16xf32>, vector<16xi32>)
        %slice3A_362 = vector.extract_strided_slice %all_reduce_population_count3A_353 {offsets = [0], sizes = [1], strides = [1]} : vector<16xi32> to vector<1xi32>
        %squeeze3A_363 = vector.extract %slice3A_362[0] : i32 from vector<1xi32>
        %swap3A_364 = arith.index_cast %scan3A_199 : i32 to index
        %swap3A_365 = tpu.vector_load %arg8[%swap3A_364] {strides = array<i32>} : memref<8208xf32, #tpu.memory_space<vmem>>, vector<16xf32>,
        tpu.vector_store %arg8[%swap3A_364], %masked_sort3A_213 {strides = array<i32>} : memref<8208xf32, #tpu.memory_space<vmem>>, vector<16xf32>,
        %swap3A_366 = arith.index_cast %scan3A_199 : i32 to index
        %swap3A_367 = tpu.vector_load %arg9[%swap3A_366] {strides = array<i32>} : memref<8208xi32, #tpu.memory_space<vmem>>, vector<16xi32>,
        tpu.vector_store %arg9[%swap3A_366], %masked_sort3A_214 {strides = array<i32>} : memref<8208xi32, #tpu.memory_space<vmem>>, vector<16xi32>,
        %add3A_368 = arith.addi %scan3A_199, %squeeze3A_216 : i32
        %swap3A_369 = arith.index_cast %add3A_368 : i32 to index
        %swap3A_370 = tpu.vector_load %arg8[%swap3A_369] {strides = array<i32>} : memref<8208xf32, #tpu.memory_space<vmem>>, vector<16xf32>,
        tpu.vector_store %arg8[%swap3A_369], %masked_sort3A_234 {strides = array<i32>} : memref<8208xf32, #tpu.memory_space<vmem>>, vector<16xf32>,
        %swap3A_371 = arith.index_cast %add3A_368 : i32 to index
        %swap3A_372 = tpu.vector_load %arg9[%swap3A_371] {strides = array<i32>} : memref<8208xi32, #tpu.memory_space<vmem>>, vector<16xi32>,
        tpu.vector_store %arg9[%swap3A_371], %masked_sort3A_235 {strides = array<i32>} : memref<8208xi32, #tpu.memory_space<vmem>>, vector<16xi32>,
        %add3A_373 = arith.addi %add3A_368, %squeeze3A_237 : i32
        %swap3A_374 = arith.index_cast %add3A_373 : i32 to index
        %swap3A_375 = tpu.vector_load %arg8[%swap3A_374] {strides = array<i32>} : memref<8208xf32, #tpu.memory_space<vmem>>, vector<16xf32>,
        tpu.vector_store %arg8[%swap3A_374], %masked_sort3A_255 {strides = array<i32>} : memref<8208xf32, #tpu.memory_space<vmem>>, vector<16xf32>,
        %swap3A_376 = arith.index_cast %add3A_373 : i32 to index
        %swap3A_377 = tpu.vector_load %arg9[%swap3A_376] {strides = array<i32>} : memref<8208xi32, #tpu.memory_space<vmem>>, vector<16xi32>,
        tpu.vector_store %arg9[%swap3A_376], %masked_sort3A_256 {strides = array<i32>} : memref<8208xi32, #tpu.memory_space<vmem>>, vector<16xi32>,
        %add3A_378 = arith.addi %add3A_373, %squeeze3A_258 : i32
        %swap3A_379 = arith.index_cast %add3A_378 : i32 to index
        %swap3A_380 = tpu.vector_load %arg8[%swap3A_379] {strides = array<i32>} : memref<8208xf32, #tpu.memory_space<vmem>>, vector<16xf32>,
        tpu.vector_store %arg8[%swap3A_379], %masked_sort3A_276 {strides = array<i32>} : memref<8208xf32, #tpu.memory_space<vmem>>, vector<16xf32>,
        %swap3A_381 = arith.index_cast %add3A_378 : i32 to index
        %swap3A_382 = tpu.vector_load %arg9[%swap3A_381] {strides = array<i32>} : memref<8208xi32, #tpu.memory_space<vmem>>, vector<16xi32>,
        tpu.vector_store %arg9[%swap3A_381], %masked_sort3A_277 {strides = array<i32>} : memref<8208xi32, #tpu.memory_space<vmem>>, vector<16xi32>,
        %add3A_383 = arith.addi %add3A_378, %squeeze3A_279 : i32
        %swap3A_384 = arith.index_cast %add3A_383 : i32 to index
        %swap3A_385 = tpu.vector_load %arg8[%swap3A_384] {strides = array<i32>} : memref<8208xf32, #tpu.memory_space<vmem>>, vector<16xf32>,
        tpu.vector_store %arg8[%swap3A_384], %masked_sort3A_297 {strides = array<i32>} : memref<8208xf32, #tpu.memory_space<vmem>>, vector<16xf32>,
        %swap3A_386 = arith.index_cast %add3A_383 : i32 to index
        %swap3A_387 = tpu.vector_load %arg9[%swap3A_386] {strides = array<i32>} : memref<8208xi32, #tpu.memory_space<vmem>>, vector<16xi32>,
        tpu.vector_store %arg9[%swap3A_386], %masked_sort3A_298 {strides = array<i32>} : memref<8208xi32, #tpu.memory_space<vmem>>, vector<16xi32>,
        %add3A_388 = arith.addi %add3A_383, %squeeze3A_300 : i32
        %swap3A_389 = arith.index_cast %add3A_388 : i32 to index
        %swap3A_390 = tpu.vector_load %arg8[%swap3A_389] {strides = array<i32>} : memref<8208xf32, #tpu.memory_space<vmem>>, vector<16xf32>,
        tpu.vector_store %arg8[%swap3A_389], %masked_sort3A_318 {strides = array<i32>} : memref<8208xf32, #tpu.memory_space<vmem>>, vector<16xf32>,
        %swap3A_391 = arith.index_cast %add3A_388 : i32 to index
        %swap3A_392 = tpu.vector_load %arg9[%swap3A_391] {strides = array<i32>} : memref<8208xi32, #tpu.memory_space<vmem>>, vector<16xi32>,
        tpu.vector_store %arg9[%swap3A_391], %masked_sort3A_319 {strides = array<i32>} : memref<8208xi32, #tpu.memory_space<vmem>>, vector<16xi32>,
        %add3A_393 = arith.addi %add3A_388, %squeeze3A_321 : i32
        %swap3A_394 = arith.index_cast %add3A_393 : i32 to index
        %swap3A_395 = tpu.vector_load %arg8[%swap3A_394] {strides = array<i32>} : memref<8208xf32, #tpu.memory_space<vmem>>, vector<16xf32>,
        tpu.vector_store %arg8[%swap3A_394], %masked_sort3A_339 {strides = array<i32>} : memref<8208xf32, #tpu.memory_space<vmem>>, vector<16xf32>,
        %swap3A_396 = arith.index_cast %add3A_393 : i32 to index
        %swap3A_397 = tpu.vector_load %arg9[%swap3A_396] {strides = array<i32>} : memref<8208xi32, #tpu.memory_space<vmem>>, vector<16xi32>,
        tpu.vector_store %arg9[%swap3A_396], %masked_sort3A_340 {strides = array<i32>} : memref<8208xi32, #tpu.memory_space<vmem>>, vector<16xi32>,
        %add3A_398 = arith.addi %add3A_393, %squeeze3A_342 : i32
        %swap3A_399 = arith.index_cast %add3A_398 : i32 to index
        %swap3A_400 = tpu.vector_load %arg8[%swap3A_399] {strides = array<i32>} : memref<8208xf32, #tpu.memory_space<vmem>>, vector<16xf32>,
        tpu.vector_store %arg8[%swap3A_399], %masked_sort3A_360 {strides = array<i32>} : memref<8208xf32, #tpu.memory_space<vmem>>, vector<16xf32>,
        %swap3A_401 = arith.index_cast %add3A_398 : i32 to index
        %swap3A_402 = tpu.vector_load %arg9[%swap3A_401] {strides = array<i32>} : memref<8208xi32, #tpu.memory_space<vmem>>, vector<16xi32>,
        tpu.vector_store %arg9[%swap3A_401], %masked_sort3A_361 {strides = array<i32>} : memref<8208xi32, #tpu.memory_space<vmem>>, vector<16xi32>,
        %add3A_403 = arith.addi %add3A_398, %squeeze3A_363 : i32
        scf.yield %add3A_403 : i32
      }
      %scan3A_166 = arith.constant 64 : i32
      %broadcast_in_dim3A_167 = vector.broadcast %squeeze3A : f32 to vector<16xf32>
      %swap3A_168 = arith.index_cast %scan3A_165 : i32 to index
      %swap3A_169 = tpu.vector_load %arg8[%swap3A_168] {strides = array<i32>} : memref<8208xf32, #tpu.memory_space<vmem>>, vector<16xf32>,
      tpu.vector_store %arg8[%swap3A_168], %broadcast_in_dim3A_167 {strides = array<i32>} : memref<8208xf32, #tpu.memory_space<vmem>>, vector<16xf32>,
      %broadcast_in_dim3A_170 = vector.broadcast %squeeze3A : f32 to vector<16xf32>
      %broadcast_in_dim3A_171 = vector.broadcast %squeeze3A : f32 to vector<16xf32>
      %broadcast_in_dim3A_172 = arith.constant 0 : i32
      %broadcast_in_dim3A_173 = vector.broadcast %broadcast_in_dim3A_172 : i32 to vector<16xi32>
      %broadcast_in_dim3A_174 = arith.constant 0 : i32
      %broadcast_in_dim3A_175 = vector.broadcast %broadcast_in_dim3A_174 : i32 to vector<16xi32>
      %add3A_176 = arith.constant 15 : i32
      %add3A_177 = arith.addi %scan3A_165, %add3A_176 : i32
      %shift_right_logical3A_178 = arith.constant 4 : i32
      %shift_right_logical3A_179 = arith.shrui %add3A_177, %shift_right_logical3A_178 : i32
      %while3A_180 = arith.constant 0 : i32
      %while3A_181 = arith.subi %shift_right_logical3A_179, %while3A_180 : i32
      %while3A_182 = arith.addi %while3A_180, %while3A_181 : i32
      %while3A_183 = arith.constant 1 : i32
      %while3A_184 = arith.divsi %while3A_181, %while3A_183 : i32
      %while3A_185 = arith.muli %while3A_184, %while3A_183 : i32
      %while3A_186 = arith.addi %while3A_180, %while3A_185 : i32
      %while3A_187 = arith.constant 1 : i32
      %while3A_188:4 = scf.for %while3A_198 = %while3A_180 to %while3A_186 step %while3A_187 iter_args(%while3A_199 = %broadcast_in_dim3A_170, %while3A_200 = %broadcast_in_dim3A_171, %while3A_201 = %broadcast_in_dim3A_173, %while3A_202 = %broadcast_in_dim3A_175) -> (vector<16xf32>, vector<16xf32>, vector<16xi32>, vector<16xi32>)  : i32 {
        %mul3A_203 = arith.constant 16 : i32
        %mul3A_204 = arith.muli %while3A_198, %mul3A_203 : i32
        %get3A_205 = arith.index_cast %mul3A_204 : i32 to index
        %get3A_206 = tpu.vector_load %arg8[%get3A_205] {strides = array<i32>} : memref<8208xf32, #tpu.memory_space<vmem>>, vector<16xf32>,
        %mul3A_207 = arith.constant 16 : i32
        %mul3A_208 = arith.muli %while3A_198, %mul3A_207 : i32
        %get3A_209 = arith.index_cast %mul3A_208 : i32 to index
        %get3A_210 = tpu.vector_load %arg9[%get3A_209] {strides = array<i32>} : memref<8208xi32, #tpu.memory_space<vmem>>, vector<16xi32>,
        %masked_sort3A = arith.constant dense<true> : vector<16xi1>
        %masked_sort3A_211, %masked_sort3A_212, %masked_sort3A_213 = tpu.sort %get3A_206, %get3A_210 masked %masked_sort3A : (vector<16xf32>, vector<16xi32>, vector<16xi1>) -> (vector<16xi1>, vector<16xf32>, vector<16xi32>)
        %rev3A = arith.constant 15 : i32
        %rev3A_214 = vector.broadcast %rev3A : i32 to vector<16xi32>
        %rev3A_215 = tpu.iota {dimensions = array<i32: 0>} : vector<16xi32>
        %rev3A_216 = arith.subi %rev3A_214, %rev3A_215 : vector<16xi32>
        %rev3A_217 = tpu.dynamic_gather %masked_sort3A_212[%rev3A_216] in [0] : vector<16xf32>, vector<16xi32> -> vector<16xf32>
        %rev3A_218 = arith.constant 15 : i32
        %rev3A_219 = vector.broadcast %rev3A_218 : i32 to vector<16xi32>
        %rev3A_220 = tpu.iota {dimensions = array<i32: 0>} : vector<16xi32>
        %rev3A_221 = arith.subi %rev3A_219, %rev3A_220 : vector<16xi32>
        %rev3A_222 = tpu.dynamic_gather %masked_sort3A_213[%rev3A_221] in [0] : vector<16xi32>, vector<16xi32> -> vector<16xi32>
        %le3A = arith.cmpf ole, %while3A_200, %rev3A_217 : vector<16xf32>
        %select_n3A = arith.select %le3A, %while3A_200, %rev3A_217 : vector<16xi1>, vector<16xf32>
        %select_n3A_223 = arith.select %le3A, %while3A_202, %rev3A_222 : vector<16xi1>, vector<16xi32>
        %le3A_224 = arith.cmpf ole, %while3A_199, %select_n3A : vector<16xf32>
        %select_n3A_225 = arith.select %le3A_224, %while3A_199, %select_n3A : vector<16xi1>, vector<16xf32>
        %select_n3A_226 = arith.select %le3A_224, %while3A_201, %select_n3A_223 : vector<16xi1>, vector<16xi32>
        %select_n3A_227 = arith.select %le3A_224, %select_n3A, %while3A_199 : vector<16xi1>, vector<16xf32>
        %select_n3A_228 = arith.select %le3A_224, %select_n3A_223, %while3A_201 : vector<16xi1>, vector<16xi32>
        %masked_sort3A_229 = arith.constant dense<true> : vector<16xi1>
        %masked_sort3A_230, %masked_sort3A_231, %masked_sort3A_232 = tpu.sort %select_n3A_225, %select_n3A_226 masked %masked_sort3A_229 : (vector<16xf32>, vector<16xi32>, vector<16xi1>) -> (vector<16xi1>, vector<16xf32>, vector<16xi32>)
        %masked_sort3A_233 = arith.constant dense<true> : vector<16xi1>
        %masked_sort3A_234, %masked_sort3A_235, %masked_sort3A_236 = tpu.sort %select_n3A_227, %select_n3A_228 masked %masked_sort3A_233 : (vector<16xf32>, vector<16xi32>, vector<16xi1>) -> (vector<16xi1>, vector<16xf32>, vector<16xi32>)
        scf.yield %masked_sort3A_231, %masked_sort3A_235, %masked_sort3A_232, %masked_sort3A_236 : vector<16xf32>, vector<16xf32>, vector<16xi32>, vector<16xi32>
      }
      %while3A_189 = arith.constant 1 : i32
      %while3A_190:4 = scf.for %while3A_198 = %while3A_186 to %while3A_182 step %while3A_189 iter_args(%while3A_199 = %while3A_188#0, %while3A_200 = %while3A_188#1, %while3A_201 = %while3A_188#2, %while3A_202 = %while3A_188#3) -> (vector<16xf32>, vector<16xf32>, vector<16xi32>, vector<16xi32>)  : i32 {
        %mul3A_203 = arith.constant 16 : i32
        %mul3A_204 = arith.muli %while3A_198, %mul3A_203 : i32
        %get3A_205 = arith.index_cast %mul3A_204 : i32 to index
        %get3A_206 = tpu.vector_load %arg8[%get3A_205] {strides = array<i32>} : memref<8208xf32, #tpu.memory_space<vmem>>, vector<16xf32>,
        %mul3A_207 = arith.constant 16 : i32
        %mul3A_208 = arith.muli %while3A_198, %mul3A_207 : i32
        %get3A_209 = arith.index_cast %mul3A_208 : i32 to index
        %get3A_210 = tpu.vector_load %arg9[%get3A_209] {strides = array<i32>} : memref<8208xi32, #tpu.memory_space<vmem>>, vector<16xi32>,
        %masked_sort3A = arith.constant dense<true> : vector<16xi1>
        %masked_sort3A_211, %masked_sort3A_212, %masked_sort3A_213 = tpu.sort %get3A_206, %get3A_210 masked %masked_sort3A : (vector<16xf32>, vector<16xi32>, vector<16xi1>) -> (vector<16xi1>, vector<16xf32>, vector<16xi32>)
        %rev3A = arith.constant 15 : i32
        %rev3A_214 = vector.broadcast %rev3A : i32 to vector<16xi32>
        %rev3A_215 = tpu.iota {dimensions = array<i32: 0>} : vector<16xi32>
        %rev3A_216 = arith.subi %rev3A_214, %rev3A_215 : vector<16xi32>
        %rev3A_217 = tpu.dynamic_gather %masked_sort3A_212[%rev3A_216] in [0] : vector<16xf32>, vector<16xi32> -> vector<16xf32>
        %rev3A_218 = arith.constant 15 : i32
        %rev3A_219 = vector.broadcast %rev3A_218 : i32 to vector<16xi32>
        %rev3A_220 = tpu.iota {dimensions = array<i32: 0>} : vector<16xi32>
        %rev3A_221 = arith.subi %rev3A_219, %rev3A_220 : vector<16xi32>
        %rev3A_222 = tpu.dynamic_gather %masked_sort3A_213[%rev3A_221] in [0] : vector<16xi32>, vector<16xi32> -> vector<16xi32>
        %le3A = arith.cmpf ole, %while3A_200, %rev3A_217 : vector<16xf32>
        %select_n3A = arith.select %le3A, %while3A_200, %rev3A_217 : vector<16xi1>, vector<16xf32>
        %select_n3A_223 = arith.select %le3A, %while3A_202, %rev3A_222 : vector<16xi1>, vector<16xi32>
        %le3A_224 = arith.cmpf ole, %while3A_199, %select_n3A : vector<16xf32>
        %select_n3A_225 = arith.select %le3A_224, %while3A_199, %select_n3A : vector<16xi1>, vector<16xf32>
        %select_n3A_226 = arith.select %le3A_224, %while3A_201, %select_n3A_223 : vector<16xi1>, vector<16xi32>
        %select_n3A_227 = arith.select %le3A_224, %select_n3A, %while3A_199 : vector<16xi1>, vector<16xf32>
        %select_n3A_228 = arith.select %le3A_224, %select_n3A_223, %while3A_201 : vector<16xi1>, vector<16xi32>
        %masked_sort3A_229 = arith.constant dense<true> : vector<16xi1>
        %masked_sort3A_230, %masked_sort3A_231, %masked_sort3A_232 = tpu.sort %select_n3A_225, %select_n3A_226 masked %masked_sort3A_229 : (vector<16xf32>, vector<16xi32>, vector<16xi1>) -> (vector<16xi1>, vector<16xf32>, vector<16xi32>)
        %masked_sort3A_233 = arith.constant dense<true> : vector<16xi1>
        %masked_sort3A_234, %masked_sort3A_235, %masked_sort3A_236 = tpu.sort %select_n3A_227, %select_n3A_228 masked %masked_sort3A_233 : (vector<16xf32>, vector<16xi32>, vector<16xi1>) -> (vector<16xi1>, vector<16xf32>, vector<16xi32>)
        scf.yield %masked_sort3A_231, %masked_sort3A_235, %masked_sort3A_232, %masked_sort3A_236 : vector<16xf32>, vector<16xf32>, vector<16xi32>, vector<16xi32>
      }
      %swap3A_191 = arith.index_cast %add3A_155 : i32 to index
      %swap3A_192 = arith.constant 0 : index
      %swap3A_193 = tpu.vector_load %arg11[%swap3A_191, %swap3A_192] {strides = array<i32>} : memref<256x32xi32, #tpu.memory_space<vmem>>, vector<16xi32>,
      tpu.vector_store %arg11[%swap3A_191, %swap3A_192], %while3A_190#2 {strides = array<i32>} : memref<256x32xi32, #tpu.memory_space<vmem>>, vector<16xi32>,
      %swap3A_194 = arith.index_cast %add3A_155 : i32 to index
      %swap3A_195 = arith.constant 16 : index
      %swap3A_196 = tpu.vector_load %arg11[%swap3A_194, %swap3A_195] {strides = array<i32>} : memref<256x32xi32, #tpu.memory_space<vmem>>, vector<16xi32>,
      tpu.vector_store %arg11[%swap3A_194, %swap3A_195], %while3A_190#3 {strides = array<i32>} : memref<256x32xi32, #tpu.memory_space<vmem>>, vector<16xi32>,
      %scan3A_197 = arith.constant 0 : i32
      scf.yield %scan3A_197 : i32
    }
    %scan3A_9 = arith.constant 64 : i32
    "tpu.region"() ({
      %run_scoped3A = tpu.sem_alloc : memref<!tpu.dma_semaphore, #tpu.memory_space<semaphore_mem>>
      %dma_start3A = arith.constant 0 : i32
      %dma_start3A_10 = tpu.memref_slice %arg5[%mul3A_3, %dma_start3A] : memref<8192x32xi32, #tpu.memory_space<hbm>> -> memref<256x32xi32, #tpu.memory_space<hbm>>
      %dma_start3A_11 = arith.constant 0 : i32
      %dma_start3A_12 = tpu.memref_slice %arg5[%mul3A_3, %dma_start3A_11] : memref<8192x32xi32, #tpu.memory_space<hbm>> -> memref<256x32xi32, #tpu.memory_space<hbm>>
      tpu.enqueue_dma source(%arg11 : memref<256x32xi32, #tpu.memory_space<vmem>>) target(%dma_start3A_12 : memref<256x32xi32, #tpu.memory_space<hbm>>) target_semaphore(%run_scoped3A : memref<!tpu.dma_semaphore, #tpu.memory_space<semaphore_mem>>)
      %dma_wait3A = arith.constant 0 : i32
      %dma_wait3A_13 = tpu.memref_slice %arg5[%mul3A_3, %dma_wait3A] : memref<8192x32xi32, #tpu.memory_space<hbm>> -> memref<256x32xi32, #tpu.memory_space<hbm>>
      %dma_wait3A_14 = arith.constant 0 : i32
      %dma_wait3A_15 = tpu.memref_slice %arg5[%mul3A_3, %dma_wait3A_14] : memref<8192x32xi32, #tpu.memory_space<hbm>> -> memref<256x32xi32, #tpu.memory_space<hbm>>
      tpu.wait_dma2 semaphore(%run_scoped3A : memref<!tpu.dma_semaphore, #tpu.memory_space<semaphore_mem>>) src(%arg11 : memref<256x32xi32, #tpu.memory_space<vmem>>) dst(%dma_wait3A_15 : memref<256x32xi32, #tpu.memory_space<hbm>>)
      tpu.yield
    }) : () -> ()
    return
  }
}

#map = affine_map<(d0, d1) -> (0, 0)>
module attributes {stable_mosaic.version = 14 : i64} {
  func.func @k(%arg0: i32, %arg1: i32, %arg2: memref<131072x4xf32, #tpu.memory_space<hbm>>, %arg3: memref<2048x128xi32, #tpu.memory_space<hbm>>, %arg4: memref<262144x4xf32, #tpu.memory_space<hbm>>, %arg5: memref<64x128xi32, #tpu.memory_space<vmem>>, %arg6: memref<8192x4xf32, #tpu.memory_space<vmem>>, %arg7: memref<!tpu.dma_semaphore, #tpu.memory_space<semaphore_mem>>) attributes {dimension_semantics = [#tpu.dimension_semantics<core_parallel>, #tpu.dimension_semantics<subcore_parallel>], iteration_bounds = array<i64: 2, 16>, scalar_prefetch = 0 : i64, scratch_operands = 3 : i64, tpu.core_type = #tpu.core_type<sc_vector_subcore>, window_params = [{transform_indices = #map}, {transform_indices = #map}, {transform_indices = #map}]} {
    %mul3A = arith.constant 2 : i32
    %mul3A_0 = arith.muli %arg1, %mul3A : i32
    %add3A = arith.addi %mul3A_0, %arg0 : i32
    %mul3A_1 = arith.constant 8192 : i32
    %mul3A_2 = arith.muli %add3A, %mul3A_1 : i32
    %mul3A_3 = arith.constant 64 : i32
    %mul3A_4 = arith.muli %add3A, %mul3A_3 : i32
    "tpu.region"() ({
      %run_scoped3A = tpu.sem_alloc : memref<!tpu.dma_semaphore, #tpu.memory_space<semaphore_mem>>
      %dma_start3A = arith.constant 0 : i32
      %dma_start3A_11 = tpu.memref_slice %arg3[%mul3A_4, %dma_start3A] : memref<2048x128xi32, #tpu.memory_space<hbm>> -> memref<64x128xi32, #tpu.memory_space<hbm>>
      %dma_start3A_12 = arith.constant 0 : i32
      %dma_start3A_13 = tpu.memref_slice %arg3[%mul3A_4, %dma_start3A_12] : memref<2048x128xi32, #tpu.memory_space<hbm>> -> memref<64x128xi32, #tpu.memory_space<hbm>>
      tpu.enqueue_dma source(%dma_start3A_13 : memref<64x128xi32, #tpu.memory_space<hbm>>) target(%arg5 : memref<64x128xi32, #tpu.memory_space<vmem>>) target_semaphore(%run_scoped3A : memref<!tpu.dma_semaphore, #tpu.memory_space<semaphore_mem>>)
      %dma_wait3A = arith.constant 0 : i32
      %dma_wait3A_14 = tpu.memref_slice %arg3[%mul3A_4, %dma_wait3A] : memref<2048x128xi32, #tpu.memory_space<hbm>> -> memref<64x128xi32, #tpu.memory_space<hbm>>
      %dma_wait3A_15 = arith.constant 0 : i32
      %dma_wait3A_16 = tpu.memref_slice %arg3[%mul3A_4, %dma_wait3A_15] : memref<2048x128xi32, #tpu.memory_space<hbm>> -> memref<64x128xi32, #tpu.memory_space<hbm>>
      tpu.wait_dma2 semaphore(%run_scoped3A : memref<!tpu.dma_semaphore, #tpu.memory_space<semaphore_mem>>) src(%dma_wait3A_16 : memref<64x128xi32, #tpu.memory_space<hbm>>) dst(%arg5 : memref<64x128xi32, #tpu.memory_space<vmem>>)
      tpu.yield
    }) : () -> ()
    %scan3A = arith.constant 0 : i32
    %scan3A_5 = arith.constant 0 : i32
    %scan3A_6 = arith.constant 64 : i32
    %scan3A_7 = arith.addi %scan3A_5, %scan3A_6 : i32
    %scan3A_8 = arith.constant 1 : i32
    %scan3A_9 = scf.for %scan3A_11 = %scan3A_5 to %scan3A_7 step %scan3A_8 iter_args(%scan3A_12 = %scan3A) -> (i32)  : i32 {
      %mul3A_13 = arith.constant 128 : i32
      %mul3A_14 = arith.muli %scan3A_11, %mul3A_13 : i32
      %dma_start3A = arith.constant 0 : i32
      %dma_start3A_15 = tpu.memref_slice %arg6[%mul3A_14, %dma_start3A] : memref<8192x4xf32, #tpu.memory_space<vmem>> -> memref<128x4xf32, #tpu.memory_space<vmem>>
      %dma_start3A_16 = arith.constant 0 : i32
      %dma_start3A_17 = tpu.memref_slice %arg5[%scan3A_11, %dma_start3A_16] : memref<64x128xi32, #tpu.memory_space<vmem>> -> memref<1x128xi32, #tpu.memory_space<vmem>>
      %dma_start3A_18 = tpu.memref_squeeze %dma_start3A_17 : memref<1x128xi32, #tpu.memory_space<vmem>> -> memref<128xi32, #tpu.memory_space<vmem>>
      %dma_start3A_19 = arith.constant 0 : i32
      %dma_start3A_20 = arith.constant 0 : i32
      %dma_start3A_21 = tpu.memref_slice %arg2[%dma_start3A_19, %dma_start3A_20] : memref<131072x4xf32, #tpu.memory_space<hbm>> -> memref<131072x4xf32, #tpu.memory_space<hbm>>
      tpu.enqueue_indirect_dma source(%dma_start3A_21 : memref<131072x4xf32, #tpu.memory_space<hbm>>) target(%dma_start3A_15 : memref<128x4xf32, #tpu.memory_space<vmem>>) offsets(%dma_start3A_18 : memref<128xi32, #tpu.memory_space<vmem>>) semaphore(%arg7 : memref<!tpu.dma_semaphore, #tpu.memory_space<semaphore_mem>>)
      %dma_wait3A = arith.constant 0 : i32
      %dma_wait3A_22 = tpu.memref_slice %arg6[%mul3A_14, %dma_wait3A] : memref<8192x4xf32, #tpu.memory_space<vmem>> -> memref<128x4xf32, #tpu.memory_space<vmem>>
      %dma_wait3A_23 = arith.constant 0 : i32
      %dma_wait3A_24 = tpu.memref_slice %arg5[%scan3A_11, %dma_wait3A_23] : memref<64x128xi32, #tpu.memory_space<vmem>> -> memref<1x128xi32, #tpu.memory_space<vmem>>
      %dma_wait3A_25 = tpu.memref_squeeze %dma_wait3A_24 : memref<1x128xi32, #tpu.memory_space<vmem>> -> memref<128xi32, #tpu.memory_space<vmem>>
      %dma_wait3A_26 = arith.constant 0 : i32
      %dma_wait3A_27 = arith.constant 0 : i32
      %dma_wait3A_28 = tpu.memref_slice %arg2[%dma_wait3A_26, %dma_wait3A_27] : memref<131072x4xf32, #tpu.memory_space<hbm>> -> memref<131072x4xf32, #tpu.memory_space<hbm>>
      tpu.wait_indirect_dma semaphore(%arg7 : memref<!tpu.dma_semaphore, #tpu.memory_space<semaphore_mem>>) src(%dma_wait3A_28 : memref<131072x4xf32, #tpu.memory_space<hbm>>) dst(%dma_wait3A_22 : memref<128x4xf32, #tpu.memory_space<vmem>>)
      %scan3A_29 = arith.constant 0 : i32
      scf.yield %scan3A_29 : i32
    }
    %scan3A_10 = arith.constant 64 : i32
    "tpu.region"() ({
      %run_scoped3A = tpu.sem_alloc : memref<!tpu.dma_semaphore, #tpu.memory_space<semaphore_mem>>
      %dma_start3A = arith.constant 0 : i32
      %dma_start3A_11 = tpu.memref_slice %arg4[%mul3A_2, %dma_start3A] : memref<262144x4xf32, #tpu.memory_space<hbm>> -> memref<8192x4xf32, #tpu.memory_space<hbm>>
      %dma_start3A_12 = arith.constant 0 : i32
      %dma_start3A_13 = tpu.memref_slice %arg4[%mul3A_2, %dma_start3A_12] : memref<262144x4xf32, #tpu.memory_space<hbm>> -> memref<8192x4xf32, #tpu.memory_space<hbm>>
      tpu.enqueue_dma source(%arg6 : memref<8192x4xf32, #tpu.memory_space<vmem>>) target(%dma_start3A_13 : memref<8192x4xf32, #tpu.memory_space<hbm>>) target_semaphore(%run_scoped3A : memref<!tpu.dma_semaphore, #tpu.memory_space<semaphore_mem>>)
      %dma_wait3A = arith.constant 0 : i32
      %dma_wait3A_14 = tpu.memref_slice %arg4[%mul3A_2, %dma_wait3A] : memref<262144x4xf32, #tpu.memory_space<hbm>> -> memref<8192x4xf32, #tpu.memory_space<hbm>>
      %dma_wait3A_15 = arith.constant 0 : i32
      %dma_wait3A_16 = tpu.memref_slice %arg4[%mul3A_2, %dma_wait3A_15] : memref<262144x4xf32, #tpu.memory_space<hbm>> -> memref<8192x4xf32, #tpu.memory_space<hbm>>
      tpu.wait_dma2 semaphore(%run_scoped3A : memref<!tpu.dma_semaphore, #tpu.memory_space<semaphore_mem>>) src(%arg6 : memref<8192x4xf32, #tpu.memory_space<vmem>>) dst(%dma_wait3A_16 : memref<8192x4xf32, #tpu.memory_space<hbm>>)
      tpu.yield
    }) : () -> ()
    return
  }
}

module attributes {stable_mosaic.version = 14 : i64} {
  func.func @_fps_body(%arg0: memref<16x8192xf32, #tpu.memory_space<vmem>>, %arg1: memref<16x8192xf32, #tpu.memory_space<vmem>>, %arg2: memref<16x8192xf32, #tpu.memory_space<vmem>>, %arg3: memref<16x512xf32, #tpu.memory_space<vmem>>, %arg4: memref<16x512xf32, #tpu.memory_space<vmem>>, %arg5: memref<16x512xf32, #tpu.memory_space<vmem>>) attributes {dimension_semantics = [], scalar_prefetch = 0 : i64, scratch_operands = 0 : i64, tpu.core_type = #tpu.core_type<tc>} {
    %get3A = arith.constant 0 : index
    %get3A_0 = arith.constant 0 : index
    %get3A_1 = vector.load %arg0[%get3A, %get3A_0] : memref<16x8192xf32, #tpu.memory_space<vmem>>, vector<16x8192xf32>
    %get3A_2 = arith.constant 0 : index
    %get3A_3 = arith.constant 0 : index
    %get3A_4 = vector.load %arg1[%get3A_2, %get3A_3] : memref<16x8192xf32, #tpu.memory_space<vmem>>, vector<16x8192xf32>
    %get3A_5 = arith.constant 0 : index
    %get3A_6 = arith.constant 0 : index
    %get3A_7 = vector.load %arg2[%get3A_5, %get3A_6] : memref<16x8192xf32, #tpu.memory_space<vmem>>, vector<16x8192xf32>
    %iota3A = tpu.iota {dimensions = array<i32: 1>} : vector<16x8192xi32>
    %iota3A_8 = tpu.iota {dimensions = array<i32: 1>} : vector<16x512xi32>
    %broadcast_in_dim3A = arith.constant 1.000000e+10 : f32
    %broadcast_in_dim3A_9 = vector.broadcast %broadcast_in_dim3A : f32 to vector<16x8192xf32>
    %broadcast_in_dim3A_10 = arith.constant 0 : i32
    %broadcast_in_dim3A_11 = vector.broadcast %broadcast_in_dim3A_10 : i32 to vector<16x1xi32>
    %broadcast_in_dim3A_12 = arith.constant 0.000000e+00 : f32
    %broadcast_in_dim3A_13 = vector.broadcast %broadcast_in_dim3A_12 : f32 to vector<16x512xf32>
    %broadcast_in_dim3A_14 = arith.constant 0.000000e+00 : f32
    %broadcast_in_dim3A_15 = vector.broadcast %broadcast_in_dim3A_14 : f32 to vector<16x512xf32>
    %broadcast_in_dim3A_16 = arith.constant 0.000000e+00 : f32
    %broadcast_in_dim3A_17 = vector.broadcast %broadcast_in_dim3A_16 : f32 to vector<16x512xf32>
    %scan3A = arith.constant 0 : i32
    %scan3A_18 = arith.constant 512 : i32
    %scan3A_19 = arith.addi %scan3A, %scan3A_18 : i32
    %scan3A_20 = arith.constant 1 : i32
    %scan3A_21:5 = scf.for %scan3A_31 = %scan3A to %scan3A_19 step %scan3A_20 iter_args(%scan3A_32 = %broadcast_in_dim3A_9, %scan3A_33 = %broadcast_in_dim3A_11, %scan3A_34 = %broadcast_in_dim3A_13, %scan3A_35 = %broadcast_in_dim3A_15, %scan3A_36 = %broadcast_in_dim3A_17) -> (vector<16x8192xf32>, vector<16x1xi32>, vector<16x512xf32>, vector<16x512xf32>, vector<16x512xf32>)  : i32 {
      %eq3A = vector.broadcast %scan3A_33 : vector<16x1xi32> to vector<16x8192xi32>
      %eq3A_37 = arith.cmpi eq, %iota3A, %eq3A : vector<16x8192xi32>
      %jit3A = arith.constant 0.000000e+00 : f32
      %broadcast_in_dim3A_38 = vector.broadcast %jit3A : f32 to vector<16x8192xf32>
      %select_n3A = arith.select %eq3A_37, %get3A_1, %broadcast_in_dim3A_38 : vector<16x8192xi1>, vector<16x8192xf32>
      %reduce_sum3A = arith.constant dense<0.000000e+00> : vector<16xf32>
      %reduce_sum3A_39 = vector.multi_reduction <add>, %select_n3A, %reduce_sum3A [1] : vector<16x8192xf32> to vector<16xf32>
      %broadcast_in_dim3A_40 = vector.shape_cast %reduce_sum3A_39 : vector<16xf32> to vector<16x1xf32>
      %jit3A_41 = arith.constant 0.000000e+00 : f32
      %broadcast_in_dim3A_42 = vector.broadcast %jit3A_41 : f32 to vector<16x8192xf32>
      %select_n3A_43 = arith.select %eq3A_37, %get3A_4, %broadcast_in_dim3A_42 : vector<16x8192xi1>, vector<16x8192xf32>
      %reduce_sum3A_44 = arith.constant dense<0.000000e+00> : vector<16xf32>
      %reduce_sum3A_45 = vector.multi_reduction <add>, %select_n3A_43, %reduce_sum3A_44 [1] : vector<16x8192xf32> to vector<16xf32>
      %broadcast_in_dim3A_46 = vector.shape_cast %reduce_sum3A_45 : vector<16xf32> to vector<16x1xf32>
      %jit3A_47 = arith.constant 0.000000e+00 : f32
      %broadcast_in_dim3A_48 = vector.broadcast %jit3A_47 : f32 to vector<16x8192xf32>
      %select_n3A_49 = arith.select %eq3A_37, %get3A_7, %broadcast_in_dim3A_48 : vector<16x8192xi1>, vector<16x8192xf32>
      %reduce_sum3A_50 = arith.constant dense<0.000000e+00> : vector<16xf32>
      %reduce_sum3A_51 = vector.multi_reduction <add>, %select_n3A_49, %reduce_sum3A_50 [1] : vector<16x8192xf32> to vector<16xf32>
      %broadcast_in_dim3A_52 = vector.shape_cast %reduce_sum3A_51 : vector<16xf32> to vector<16x1xf32>
      %eq3A_53 = vector.broadcast %scan3A_31 : i32 to vector<16x512xi32>
      %eq3A_54 = arith.cmpi eq, %iota3A_8, %eq3A_53 : vector<16x512xi32>
      %broadcast_in_dim3A_55 = vector.shape_cast %broadcast_in_dim3A_40 : vector<16x1xf32> to vector<16x1xf32>
      %broadcast_in_dim3A_56 = vector.broadcast %broadcast_in_dim3A_55 : vector<16x1xf32> to vector<16x512xf32>
      %select_n3A_57 = arith.select %eq3A_54, %broadcast_in_dim3A_56, %scan3A_34 : vector<16x512xi1>, vector<16x512xf32>
      %eq3A_58 = vector.broadcast %scan3A_31 : i32 to vector<16x512xi32>
      %eq3A_59 = arith.cmpi eq, %iota3A_8, %eq3A_58 : vector<16x512xi32>
      %broadcast_in_dim3A_60 = vector.shape_cast %broadcast_in_dim3A_46 : vector<16x1xf32> to vector<16x1xf32>
      %broadcast_in_dim3A_61 = vector.broadcast %broadcast_in_dim3A_60 : vector<16x1xf32> to vector<16x512xf32>
      %select_n3A_62 = arith.select %eq3A_59, %broadcast_in_dim3A_61, %scan3A_35 : vector<16x512xi1>, vector<16x512xf32>
      %eq3A_63 = vector.broadcast %scan3A_31 : i32 to vector<16x512xi32>
      %eq3A_64 = arith.cmpi eq, %iota3A_8, %eq3A_63 : vector<16x512xi32>
      %broadcast_in_dim3A_65 = vector.shape_cast %broadcast_in_dim3A_52 : vector<16x1xf32> to vector<16x1xf32>
      %broadcast_in_dim3A_66 = vector.broadcast %broadcast_in_dim3A_65 : vector<16x1xf32> to vector<16x512xf32>
      %select_n3A_67 = arith.select %eq3A_64, %broadcast_in_dim3A_66, %scan3A_36 : vector<16x512xi1>, vector<16x512xf32>
      %sub3A = vector.broadcast %broadcast_in_dim3A_40 : vector<16x1xf32> to vector<16x8192xf32>
      %sub3A_68 = arith.subf %get3A_1, %sub3A : vector<16x8192xf32>
      %sub3A_69 = vector.broadcast %broadcast_in_dim3A_46 : vector<16x1xf32> to vector<16x8192xf32>
      %sub3A_70 = arith.subf %get3A_4, %sub3A_69 : vector<16x8192xf32>
      %sub3A_71 = vector.broadcast %broadcast_in_dim3A_52 : vector<16x1xf32> to vector<16x8192xf32>
      %sub3A_72 = arith.subf %get3A_7, %sub3A_71 : vector<16x8192xf32>
      %mul3A = arith.mulf %sub3A_68, %sub3A_68 : vector<16x8192xf32>
      %mul3A_73 = arith.mulf %sub3A_70, %sub3A_70 : vector<16x8192xf32>
      %add3A = arith.addf %mul3A, %mul3A_73 : vector<16x8192xf32>
      %mul3A_74 = arith.mulf %sub3A_72, %sub3A_72 : vector<16x8192xf32>
      %add3A_75 = arith.addf %add3A, %mul3A_74 : vector<16x8192xf32>
      %min3A = arith.minimumf %scan3A_32, %add3A_75 : vector<16x8192xf32>
      %reduce_max3A = arith.constant dense<0xFF800000> : vector<16xf32>
      %reduce_max3A_76 = vector.multi_reduction <maximumf>, %min3A, %reduce_max3A [1] : vector<16x8192xf32> to vector<16xf32>
      %broadcast_in_dim3A_77 = vector.shape_cast %reduce_max3A_76 : vector<16xf32> to vector<16x1xf32>
      %eq3A_78 = vector.broadcast %broadcast_in_dim3A_77 : vector<16x1xf32> to vector<16x8192xf32>
      %eq3A_79 = arith.cmpf oeq, %min3A, %eq3A_78 : vector<16x8192xf32>
      %jit3A_80 = arith.constant 8192 : i32
      %broadcast_in_dim3A_81 = vector.broadcast %jit3A_80 : i32 to vector<16x8192xi32>
      %select_n3A_82 = arith.select %eq3A_79, %iota3A, %broadcast_in_dim3A_81 : vector<16x8192xi1>, vector<16x8192xi32>
      %reduce_min3A = arith.constant dense<2147483647> : vector<16xi32>
      %reduce_min3A_83 = vector.multi_reduction <minsi>, %select_n3A_82, %reduce_min3A [1] : vector<16x8192xi32> to vector<16xi32>
      %broadcast_in_dim3A_84 = vector.shape_cast %reduce_min3A_83 : vector<16xi32> to vector<16x1xi32>
      scf.yield %min3A, %broadcast_in_dim3A_84, %select_n3A_57, %select_n3A_62, %select_n3A_67 : vector<16x8192xf32>, vector<16x1xi32>, vector<16x512xf32>, vector<16x512xf32>, vector<16x512xf32>
    }
    %scan3A_22 = arith.constant 512 : i32
    %swap3A = arith.constant 0 : index
    %swap3A_23 = arith.constant 0 : index
    %swap3A_24 = vector.load %arg3[%swap3A, %swap3A_23] : memref<16x512xf32, #tpu.memory_space<vmem>>, vector<16x512xf32>
    tpu.vector_store %arg3[%swap3A, %swap3A_23], %scan3A_21#2 {strides = array<i32>} : memref<16x512xf32, #tpu.memory_space<vmem>>, vector<16x512xf32>,
    %swap3A_25 = arith.constant 0 : index
    %swap3A_26 = arith.constant 0 : index
    %swap3A_27 = vector.load %arg4[%swap3A_25, %swap3A_26] : memref<16x512xf32, #tpu.memory_space<vmem>>, vector<16x512xf32>
    tpu.vector_store %arg4[%swap3A_25, %swap3A_26], %scan3A_21#3 {strides = array<i32>} : memref<16x512xf32, #tpu.memory_space<vmem>>, vector<16x512xf32>,
    %swap3A_28 = arith.constant 0 : index
    %swap3A_29 = arith.constant 0 : index
    %swap3A_30 = vector.load %arg5[%swap3A_28, %swap3A_29] : memref<16x512xf32, #tpu.memory_space<vmem>>, vector<16x512xf32>
    tpu.vector_store %arg5[%swap3A_28, %swap3A_29], %scan3A_21#4 {strides = array<i32>} : memref<16x512xf32, #tpu.memory_space<vmem>>, vector<16x512xf32>,
    return
  }
}

module attributes {stable_mosaic.version = 14 : i64} {
  func.func @_knn_body(%arg0: i32, %arg1: i32, %arg2: memref<1x1x8192xf32, #tpu.memory_space<vmem>>, %arg3: memref<1x1x8192xf32, #tpu.memory_space<vmem>>, %arg4: memref<1x1x8192xf32, #tpu.memory_space<vmem>>, %arg5: memref<1x128x1xf32, #tpu.memory_space<vmem>>, %arg6: memref<1x128x1xf32, #tpu.memory_space<vmem>>, %arg7: memref<1x128x1xf32, #tpu.memory_space<vmem>>, %arg8: memref<1x128x8192xf32, #tpu.memory_space<vmem>>, %arg9: memref<1x128x1xf32, #tpu.memory_space<vmem>>) attributes {dimension_semantics = [#tpu.dimension_semantics<arbitrary>, #tpu.dimension_semantics<arbitrary>], iteration_bounds = array<i64: 16, 4>, scalar_prefetch = 0 : i64, scratch_operands = 0 : i64, tpu.core_type = #tpu.core_type<tc>, window_params = [{transform_indices = @transform_0, window_bounds = array<i64: 1, 1, 8192>}, {transform_indices = @transform_1, window_bounds = array<i64: 1, 1, 8192>}, {transform_indices = @transform_2, window_bounds = array<i64: 1, 1, 8192>}, {transform_indices = @transform_3, window_bounds = array<i64: 1, 128, 1>}, {transform_indices = @transform_4, window_bounds = array<i64: 1, 128, 1>}, {transform_indices = @transform_5, window_bounds = array<i64: 1, 128, 1>}, {transform_indices = @transform_6, window_bounds = array<i64: 1, 128, 8192>}, {transform_indices = @transform_7, window_bounds = array<i64: 1, 128, 1>}]} {
    %get3A = arith.constant 0 : index
    %get3A_0 = arith.constant 0 : index
    %get3A_1 = arith.constant 0 : index
    %get3A_2 = vector.load %arg2[%get3A, %get3A_0, %get3A_1] : memref<1x1x8192xf32, #tpu.memory_space<vmem>>, vector<1x1x8192xf32>
    %get3A_3 = vector.shape_cast %get3A_2 : vector<1x1x8192xf32> to vector<1x8192xf32>
    %get3A_4 = arith.constant 0 : index
    %get3A_5 = arith.constant 0 : index
    %get3A_6 = arith.constant 0 : index
    %get3A_7 = vector.load %arg3[%get3A_4, %get3A_5, %get3A_6] : memref<1x1x8192xf32, #tpu.memory_space<vmem>>, vector<1x1x8192xf32>
    %get3A_8 = vector.shape_cast %get3A_7 : vector<1x1x8192xf32> to vector<1x8192xf32>
    %get3A_9 = arith.constant 0 : index
    %get3A_10 = arith.constant 0 : index
    %get3A_11 = arith.constant 0 : index
    %get3A_12 = vector.load %arg4[%get3A_9, %get3A_10, %get3A_11] : memref<1x1x8192xf32, #tpu.memory_space<vmem>>, vector<1x1x8192xf32>
    %get3A_13 = vector.shape_cast %get3A_12 : vector<1x1x8192xf32> to vector<1x8192xf32>
    %get3A_14 = arith.constant 0 : index
    %get3A_15 = arith.constant 0 : index
    %get3A_16 = arith.constant 0 : index
    %get3A_17 = vector.load %arg5[%get3A_14, %get3A_15, %get3A_16] : memref<1x128x1xf32, #tpu.memory_space<vmem>>, vector<1x128x1xf32>
    %get3A_18 = vector.shape_cast %get3A_17 : vector<1x128x1xf32> to vector<128x1xf32>
    %get3A_19 = arith.constant 0 : index
    %get3A_20 = arith.constant 0 : index
    %get3A_21 = arith.constant 0 : index
    %get3A_22 = vector.load %arg6[%get3A_19, %get3A_20, %get3A_21] : memref<1x128x1xf32, #tpu.memory_space<vmem>>, vector<1x128x1xf32>
    %get3A_23 = vector.shape_cast %get3A_22 : vector<1x128x1xf32> to vector<128x1xf32>
    %get3A_24 = arith.constant 0 : index
    %get3A_25 = arith.constant 0 : index
    %get3A_26 = arith.constant 0 : index
    %get3A_27 = vector.load %arg7[%get3A_24, %get3A_25, %get3A_26] : memref<1x128x1xf32, #tpu.memory_space<vmem>>, vector<1x128x1xf32>
    %get3A_28 = vector.shape_cast %get3A_27 : vector<1x128x1xf32> to vector<128x1xf32>
    %mul3A = arith.mulf %get3A_3, %get3A_3 : vector<1x8192xf32>
    %mul3A_29 = arith.mulf %get3A_8, %get3A_8 : vector<1x8192xf32>
    %add3A = arith.addf %mul3A, %mul3A_29 : vector<1x8192xf32>
    %mul3A_30 = arith.mulf %get3A_13, %get3A_13 : vector<1x8192xf32>
    %add3A_31 = arith.addf %add3A, %mul3A_30 : vector<1x8192xf32>
    %mul3A_32 = arith.mulf %get3A_18, %get3A_18 : vector<128x1xf32>
    %mul3A_33 = arith.mulf %get3A_23, %get3A_23 : vector<128x1xf32>
    %add3A_34 = arith.addf %mul3A_32, %mul3A_33 : vector<128x1xf32>
    %mul3A_35 = arith.mulf %get3A_28, %get3A_28 : vector<128x1xf32>
    %add3A_36 = arith.addf %add3A_34, %mul3A_35 : vector<128x1xf32>
    %mul3A_37 = vector.broadcast %get3A_18 : vector<128x1xf32> to vector<128x8192xf32>
    %mul3A_38 = vector.broadcast %get3A_3 : vector<1x8192xf32> to vector<128x8192xf32>
    %mul3A_39 = arith.mulf %mul3A_37, %mul3A_38 : vector<128x8192xf32>
    %mul3A_40 = vector.broadcast %get3A_23 : vector<128x1xf32> to vector<128x8192xf32>
    %mul3A_41 = vector.broadcast %get3A_8 : vector<1x8192xf32> to vector<128x8192xf32>
    %mul3A_42 = arith.mulf %mul3A_40, %mul3A_41 : vector<128x8192xf32>
    %add3A_43 = arith.addf %mul3A_39, %mul3A_42 : vector<128x8192xf32>
    %mul3A_44 = vector.broadcast %get3A_28 : vector<128x1xf32> to vector<128x8192xf32>
    %mul3A_45 = vector.broadcast %get3A_13 : vector<1x8192xf32> to vector<128x8192xf32>
    %mul3A_46 = arith.mulf %mul3A_44, %mul3A_45 : vector<128x8192xf32>
    %add3A_47 = arith.addf %add3A_43, %mul3A_46 : vector<128x8192xf32>
    %add3A_48 = vector.broadcast %add3A_36 : vector<128x1xf32> to vector<128x8192xf32>
    %add3A_49 = vector.broadcast %add3A_31 : vector<1x8192xf32> to vector<128x8192xf32>
    %add3A_50 = arith.addf %add3A_48, %add3A_49 : vector<128x8192xf32>
    %mul3A_51 = arith.constant 2.000000e+00 : f32
    %mul3A_52 = vector.broadcast %mul3A_51 : f32 to vector<128x8192xf32>
    %mul3A_53 = arith.mulf %mul3A_52, %add3A_47 : vector<128x8192xf32>
    %sub3A = arith.subf %add3A_50, %mul3A_53 : vector<128x8192xf32>
    %swap3A = arith.constant 0 : index
    %swap3A_54 = arith.constant 0 : index
    %swap3A_55 = arith.constant 0 : index
    %swap3A_56 = vector.load %arg8[%swap3A, %swap3A_54, %swap3A_55] : memref<1x128x8192xf32, #tpu.memory_space<vmem>>, vector<1x128x8192xf32>
    %swap3A_57 = vector.shape_cast %swap3A_56 : vector<1x128x8192xf32> to vector<128x8192xf32>
    %swap3A_58 = vector.shape_cast %sub3A : vector<128x8192xf32> to vector<1x128x8192xf32>
    tpu.vector_store %arg8[%swap3A, %swap3A_54, %swap3A_55], %swap3A_58 {strides = array<i32>} : memref<1x128x8192xf32, #tpu.memory_space<vmem>>, vector<1x128x8192xf32>,
    %slice3A = vector.extract_strided_slice %sub3A {offsets = [0, 0], sizes = [128, 256], strides = [1, 1]} : vector<128x8192xf32> to vector<128x256xf32>
    %reduce_min3A = arith.constant dense<0x7F800000> : vector<128xf32>
    %reduce_min3A_59 = vector.multi_reduction <minimumf>, %slice3A, %reduce_min3A [1] : vector<128x256xf32> to vector<128xf32>
    %broadcast_in_dim3A = vector.shape_cast %reduce_min3A_59 : vector<128xf32> to vector<128x1xf32>
    %slice3A_60 = vector.extract_strided_slice %sub3A {offsets = [0, 256], sizes = [128, 256], strides = [1, 1]} : vector<128x8192xf32> to vector<128x256xf32>
    %reduce_min3A_61 = arith.constant dense<0x7F800000> : vector<128xf32>
    %reduce_min3A_62 = vector.multi_reduction <minimumf>, %slice3A_60, %reduce_min3A_61 [1] : vector<128x256xf32> to vector<128xf32>
    %broadcast_in_dim3A_63 = vector.shape_cast %reduce_min3A_62 : vector<128xf32> to vector<128x1xf32>
    %max3A = arith.maximumf %broadcast_in_dim3A, %broadcast_in_dim3A_63 : vector<128x1xf32>
    %slice3A_64 = vector.extract_strided_slice %sub3A {offsets = [0, 512], sizes = [128, 256], strides = [1, 1]} : vector<128x8192xf32> to vector<128x256xf32>
    %reduce_min3A_65 = arith.constant dense<0x7F800000> : vector<128xf32>
    %reduce_min3A_66 = vector.multi_reduction <minimumf>, %slice3A_64, %reduce_min3A_65 [1] : vector<128x256xf32> to vector<128xf32>
    %broadcast_in_dim3A_67 = vector.shape_cast %reduce_min3A_66 : vector<128xf32> to vector<128x1xf32>
    %max3A_68 = arith.maximumf %max3A, %broadcast_in_dim3A_67 : vector<128x1xf32>
    %slice3A_69 = vector.extract_strided_slice %sub3A {offsets = [0, 768], sizes = [128, 256], strides = [1, 1]} : vector<128x8192xf32> to vector<128x256xf32>
    %reduce_min3A_70 = arith.constant dense<0x7F800000> : vector<128xf32>
    %reduce_min3A_71 = vector.multi_reduction <minimumf>, %slice3A_69, %reduce_min3A_70 [1] : vector<128x256xf32> to vector<128xf32>
    %broadcast_in_dim3A_72 = vector.shape_cast %reduce_min3A_71 : vector<128xf32> to vector<128x1xf32>
    %max3A_73 = arith.maximumf %max3A_68, %broadcast_in_dim3A_72 : vector<128x1xf32>
    %slice3A_74 = vector.extract_strided_slice %sub3A {offsets = [0, 1024], sizes = [128, 256], strides = [1, 1]} : vector<128x8192xf32> to vector<128x256xf32>
    %reduce_min3A_75 = arith.constant dense<0x7F800000> : vector<128xf32>
    %reduce_min3A_76 = vector.multi_reduction <minimumf>, %slice3A_74, %reduce_min3A_75 [1] : vector<128x256xf32> to vector<128xf32>
    %broadcast_in_dim3A_77 = vector.shape_cast %reduce_min3A_76 : vector<128xf32> to vector<128x1xf32>
    %max3A_78 = arith.maximumf %max3A_73, %broadcast_in_dim3A_77 : vector<128x1xf32>
    %slice3A_79 = vector.extract_strided_slice %sub3A {offsets = [0, 1280], sizes = [128, 256], strides = [1, 1]} : vector<128x8192xf32> to vector<128x256xf32>
    %reduce_min3A_80 = arith.constant dense<0x7F800000> : vector<128xf32>
    %reduce_min3A_81 = vector.multi_reduction <minimumf>, %slice3A_79, %reduce_min3A_80 [1] : vector<128x256xf32> to vector<128xf32>
    %broadcast_in_dim3A_82 = vector.shape_cast %reduce_min3A_81 : vector<128xf32> to vector<128x1xf32>
    %max3A_83 = arith.maximumf %max3A_78, %broadcast_in_dim3A_82 : vector<128x1xf32>
    %slice3A_84 = vector.extract_strided_slice %sub3A {offsets = [0, 1536], sizes = [128, 256], strides = [1, 1]} : vector<128x8192xf32> to vector<128x256xf32>
    %reduce_min3A_85 = arith.constant dense<0x7F800000> : vector<128xf32>
    %reduce_min3A_86 = vector.multi_reduction <minimumf>, %slice3A_84, %reduce_min3A_85 [1] : vector<128x256xf32> to vector<128xf32>
    %broadcast_in_dim3A_87 = vector.shape_cast %reduce_min3A_86 : vector<128xf32> to vector<128x1xf32>
    %max3A_88 = arith.maximumf %max3A_83, %broadcast_in_dim3A_87 : vector<128x1xf32>
    %slice3A_89 = vector.extract_strided_slice %sub3A {offsets = [0, 1792], sizes = [128, 256], strides = [1, 1]} : vector<128x8192xf32> to vector<128x256xf32>
    %reduce_min3A_90 = arith.constant dense<0x7F800000> : vector<128xf32>
    %reduce_min3A_91 = vector.multi_reduction <minimumf>, %slice3A_89, %reduce_min3A_90 [1] : vector<128x256xf32> to vector<128xf32>
    %broadcast_in_dim3A_92 = vector.shape_cast %reduce_min3A_91 : vector<128xf32> to vector<128x1xf32>
    %max3A_93 = arith.maximumf %max3A_88, %broadcast_in_dim3A_92 : vector<128x1xf32>
    %slice3A_94 = vector.extract_strided_slice %sub3A {offsets = [0, 2048], sizes = [128, 256], strides = [1, 1]} : vector<128x8192xf32> to vector<128x256xf32>
    %reduce_min3A_95 = arith.constant dense<0x7F800000> : vector<128xf32>
    %reduce_min3A_96 = vector.multi_reduction <minimumf>, %slice3A_94, %reduce_min3A_95 [1] : vector<128x256xf32> to vector<128xf32>
    %broadcast_in_dim3A_97 = vector.shape_cast %reduce_min3A_96 : vector<128xf32> to vector<128x1xf32>
    %max3A_98 = arith.maximumf %max3A_93, %broadcast_in_dim3A_97 : vector<128x1xf32>
    %slice3A_99 = vector.extract_strided_slice %sub3A {offsets = [0, 2304], sizes = [128, 256], strides = [1, 1]} : vector<128x8192xf32> to vector<128x256xf32>
    %reduce_min3A_100 = arith.constant dense<0x7F800000> : vector<128xf32>
    %reduce_min3A_101 = vector.multi_reduction <minimumf>, %slice3A_99, %reduce_min3A_100 [1] : vector<128x256xf32> to vector<128xf32>
    %broadcast_in_dim3A_102 = vector.shape_cast %reduce_min3A_101 : vector<128xf32> to vector<128x1xf32>
    %max3A_103 = arith.maximumf %max3A_98, %broadcast_in_dim3A_102 : vector<128x1xf32>
    %slice3A_104 = vector.extract_strided_slice %sub3A {offsets = [0, 2560], sizes = [128, 256], strides = [1, 1]} : vector<128x8192xf32> to vector<128x256xf32>
    %reduce_min3A_105 = arith.constant dense<0x7F800000> : vector<128xf32>
    %reduce_min3A_106 = vector.multi_reduction <minimumf>, %slice3A_104, %reduce_min3A_105 [1] : vector<128x256xf32> to vector<128xf32>
    %broadcast_in_dim3A_107 = vector.shape_cast %reduce_min3A_106 : vector<128xf32> to vector<128x1xf32>
    %max3A_108 = arith.maximumf %max3A_103, %broadcast_in_dim3A_107 : vector<128x1xf32>
    %slice3A_109 = vector.extract_strided_slice %sub3A {offsets = [0, 2816], sizes = [128, 256], strides = [1, 1]} : vector<128x8192xf32> to vector<128x256xf32>
    %reduce_min3A_110 = arith.constant dense<0x7F800000> : vector<128xf32>
    %reduce_min3A_111 = vector.multi_reduction <minimumf>, %slice3A_109, %reduce_min3A_110 [1] : vector<128x256xf32> to vector<128xf32>
    %broadcast_in_dim3A_112 = vector.shape_cast %reduce_min3A_111 : vector<128xf32> to vector<128x1xf32>
    %max3A_113 = arith.maximumf %max3A_108, %broadcast_in_dim3A_112 : vector<128x1xf32>
    %slice3A_114 = vector.extract_strided_slice %sub3A {offsets = [0, 3072], sizes = [128, 256], strides = [1, 1]} : vector<128x8192xf32> to vector<128x256xf32>
    %reduce_min3A_115 = arith.constant dense<0x7F800000> : vector<128xf32>
    %reduce_min3A_116 = vector.multi_reduction <minimumf>, %slice3A_114, %reduce_min3A_115 [1] : vector<128x256xf32> to vector<128xf32>
    %broadcast_in_dim3A_117 = vector.shape_cast %reduce_min3A_116 : vector<128xf32> to vector<128x1xf32>
    %max3A_118 = arith.maximumf %max3A_113, %broadcast_in_dim3A_117 : vector<128x1xf32>
    %slice3A_119 = vector.extract_strided_slice %sub3A {offsets = [0, 3328], sizes = [128, 256], strides = [1, 1]} : vector<128x8192xf32> to vector<128x256xf32>
    %reduce_min3A_120 = arith.constant dense<0x7F800000> : vector<128xf32>
    %reduce_min3A_121 = vector.multi_reduction <minimumf>, %slice3A_119, %reduce_min3A_120 [1] : vector<128x256xf32> to vector<128xf32>
    %broadcast_in_dim3A_122 = vector.shape_cast %reduce_min3A_121 : vector<128xf32> to vector<128x1xf32>
    %max3A_123 = arith.maximumf %max3A_118, %broadcast_in_dim3A_122 : vector<128x1xf32>
    %slice3A_124 = vector.extract_strided_slice %sub3A {offsets = [0, 3584], sizes = [128, 256], strides = [1, 1]} : vector<128x8192xf32> to vector<128x256xf32>
    %reduce_min3A_125 = arith.constant dense<0x7F800000> : vector<128xf32>
    %reduce_min3A_126 = vector.multi_reduction <minimumf>, %slice3A_124, %reduce_min3A_125 [1] : vector<128x256xf32> to vector<128xf32>
    %broadcast_in_dim3A_127 = vector.shape_cast %reduce_min3A_126 : vector<128xf32> to vector<128x1xf32>
    %max3A_128 = arith.maximumf %max3A_123, %broadcast_in_dim3A_127 : vector<128x1xf32>
    %slice3A_129 = vector.extract_strided_slice %sub3A {offsets = [0, 3840], sizes = [128, 256], strides = [1, 1]} : vector<128x8192xf32> to vector<128x256xf32>
    %reduce_min3A_130 = arith.constant dense<0x7F800000> : vector<128xf32>
    %reduce_min3A_131 = vector.multi_reduction <minimumf>, %slice3A_129, %reduce_min3A_130 [1] : vector<128x256xf32> to vector<128xf32>
    %broadcast_in_dim3A_132 = vector.shape_cast %reduce_min3A_131 : vector<128xf32> to vector<128x1xf32>
    %max3A_133 = arith.maximumf %max3A_128, %broadcast_in_dim3A_132 : vector<128x1xf32>
    %slice3A_134 = vector.extract_strided_slice %sub3A {offsets = [0, 4096], sizes = [128, 256], strides = [1, 1]} : vector<128x8192xf32> to vector<128x256xf32>
    %reduce_min3A_135 = arith.constant dense<0x7F800000> : vector<128xf32>
    %reduce_min3A_136 = vector.multi_reduction <minimumf>, %slice3A_134, %reduce_min3A_135 [1] : vector<128x256xf32> to vector<128xf32>
    %broadcast_in_dim3A_137 = vector.shape_cast %reduce_min3A_136 : vector<128xf32> to vector<128x1xf32>
    %max3A_138 = arith.maximumf %max3A_133, %broadcast_in_dim3A_137 : vector<128x1xf32>
    %slice3A_139 = vector.extract_strided_slice %sub3A {offsets = [0, 4352], sizes = [128, 256], strides = [1, 1]} : vector<128x8192xf32> to vector<128x256xf32>
    %reduce_min3A_140 = arith.constant dense<0x7F800000> : vector<128xf32>
    %reduce_min3A_141 = vector.multi_reduction <minimumf>, %slice3A_139, %reduce_min3A_140 [1] : vector<128x256xf32> to vector<128xf32>
    %broadcast_in_dim3A_142 = vector.shape_cast %reduce_min3A_141 : vector<128xf32> to vector<128x1xf32>
    %max3A_143 = arith.maximumf %max3A_138, %broadcast_in_dim3A_142 : vector<128x1xf32>
    %slice3A_144 = vector.extract_strided_slice %sub3A {offsets = [0, 4608], sizes = [128, 256], strides = [1, 1]} : vector<128x8192xf32> to vector<128x256xf32>
    %reduce_min3A_145 = arith.constant dense<0x7F800000> : vector<128xf32>
    %reduce_min3A_146 = vector.multi_reduction <minimumf>, %slice3A_144, %reduce_min3A_145 [1] : vector<128x256xf32> to vector<128xf32>
    %broadcast_in_dim3A_147 = vector.shape_cast %reduce_min3A_146 : vector<128xf32> to vector<128x1xf32>
    %max3A_148 = arith.maximumf %max3A_143, %broadcast_in_dim3A_147 : vector<128x1xf32>
    %slice3A_149 = vector.extract_strided_slice %sub3A {offsets = [0, 4864], sizes = [128, 256], strides = [1, 1]} : vector<128x8192xf32> to vector<128x256xf32>
    %reduce_min3A_150 = arith.constant dense<0x7F800000> : vector<128xf32>
    %reduce_min3A_151 = vector.multi_reduction <minimumf>, %slice3A_149, %reduce_min3A_150 [1] : vector<128x256xf32> to vector<128xf32>
    %broadcast_in_dim3A_152 = vector.shape_cast %reduce_min3A_151 : vector<128xf32> to vector<128x1xf32>
    %max3A_153 = arith.maximumf %max3A_148, %broadcast_in_dim3A_152 : vector<128x1xf32>
    %slice3A_154 = vector.extract_strided_slice %sub3A {offsets = [0, 5120], sizes = [128, 256], strides = [1, 1]} : vector<128x8192xf32> to vector<128x256xf32>
    %reduce_min3A_155 = arith.constant dense<0x7F800000> : vector<128xf32>
    %reduce_min3A_156 = vector.multi_reduction <minimumf>, %slice3A_154, %reduce_min3A_155 [1] : vector<128x256xf32> to vector<128xf32>
    %broadcast_in_dim3A_157 = vector.shape_cast %reduce_min3A_156 : vector<128xf32> to vector<128x1xf32>
    %max3A_158 = arith.maximumf %max3A_153, %broadcast_in_dim3A_157 : vector<128x1xf32>
    %slice3A_159 = vector.extract_strided_slice %sub3A {offsets = [0, 5376], sizes = [128, 256], strides = [1, 1]} : vector<128x8192xf32> to vector<128x256xf32>
    %reduce_min3A_160 = arith.constant dense<0x7F800000> : vector<128xf32>
    %reduce_min3A_161 = vector.multi_reduction <minimumf>, %slice3A_159, %reduce_min3A_160 [1] : vector<128x256xf32> to vector<128xf32>
    %broadcast_in_dim3A_162 = vector.shape_cast %reduce_min3A_161 : vector<128xf32> to vector<128x1xf32>
    %max3A_163 = arith.maximumf %max3A_158, %broadcast_in_dim3A_162 : vector<128x1xf32>
    %slice3A_164 = vector.extract_strided_slice %sub3A {offsets = [0, 5632], sizes = [128, 256], strides = [1, 1]} : vector<128x8192xf32> to vector<128x256xf32>
    %reduce_min3A_165 = arith.constant dense<0x7F800000> : vector<128xf32>
    %reduce_min3A_166 = vector.multi_reduction <minimumf>, %slice3A_164, %reduce_min3A_165 [1] : vector<128x256xf32> to vector<128xf32>
    %broadcast_in_dim3A_167 = vector.shape_cast %reduce_min3A_166 : vector<128xf32> to vector<128x1xf32>
    %max3A_168 = arith.maximumf %max3A_163, %broadcast_in_dim3A_167 : vector<128x1xf32>
    %slice3A_169 = vector.extract_strided_slice %sub3A {offsets = [0, 5888], sizes = [128, 256], strides = [1, 1]} : vector<128x8192xf32> to vector<128x256xf32>
    %reduce_min3A_170 = arith.constant dense<0x7F800000> : vector<128xf32>
    %reduce_min3A_171 = vector.multi_reduction <minimumf>, %slice3A_169, %reduce_min3A_170 [1] : vector<128x256xf32> to vector<128xf32>
    %broadcast_in_dim3A_172 = vector.shape_cast %reduce_min3A_171 : vector<128xf32> to vector<128x1xf32>
    %max3A_173 = arith.maximumf %max3A_168, %broadcast_in_dim3A_172 : vector<128x1xf32>
    %slice3A_174 = vector.extract_strided_slice %sub3A {offsets = [0, 6144], sizes = [128, 256], strides = [1, 1]} : vector<128x8192xf32> to vector<128x256xf32>
    %reduce_min3A_175 = arith.constant dense<0x7F800000> : vector<128xf32>
    %reduce_min3A_176 = vector.multi_reduction <minimumf>, %slice3A_174, %reduce_min3A_175 [1] : vector<128x256xf32> to vector<128xf32>
    %broadcast_in_dim3A_177 = vector.shape_cast %reduce_min3A_176 : vector<128xf32> to vector<128x1xf32>
    %max3A_178 = arith.maximumf %max3A_173, %broadcast_in_dim3A_177 : vector<128x1xf32>
    %slice3A_179 = vector.extract_strided_slice %sub3A {offsets = [0, 6400], sizes = [128, 256], strides = [1, 1]} : vector<128x8192xf32> to vector<128x256xf32>
    %reduce_min3A_180 = arith.constant dense<0x7F800000> : vector<128xf32>
    %reduce_min3A_181 = vector.multi_reduction <minimumf>, %slice3A_179, %reduce_min3A_180 [1] : vector<128x256xf32> to vector<128xf32>
    %broadcast_in_dim3A_182 = vector.shape_cast %reduce_min3A_181 : vector<128xf32> to vector<128x1xf32>
    %max3A_183 = arith.maximumf %max3A_178, %broadcast_in_dim3A_182 : vector<128x1xf32>
    %slice3A_184 = vector.extract_strided_slice %sub3A {offsets = [0, 6656], sizes = [128, 256], strides = [1, 1]} : vector<128x8192xf32> to vector<128x256xf32>
    %reduce_min3A_185 = arith.constant dense<0x7F800000> : vector<128xf32>
    %reduce_min3A_186 = vector.multi_reduction <minimumf>, %slice3A_184, %reduce_min3A_185 [1] : vector<128x256xf32> to vector<128xf32>
    %broadcast_in_dim3A_187 = vector.shape_cast %reduce_min3A_186 : vector<128xf32> to vector<128x1xf32>
    %max3A_188 = arith.maximumf %max3A_183, %broadcast_in_dim3A_187 : vector<128x1xf32>
    %slice3A_189 = vector.extract_strided_slice %sub3A {offsets = [0, 6912], sizes = [128, 256], strides = [1, 1]} : vector<128x8192xf32> to vector<128x256xf32>
    %reduce_min3A_190 = arith.constant dense<0x7F800000> : vector<128xf32>
    %reduce_min3A_191 = vector.multi_reduction <minimumf>, %slice3A_189, %reduce_min3A_190 [1] : vector<128x256xf32> to vector<128xf32>
    %broadcast_in_dim3A_192 = vector.shape_cast %reduce_min3A_191 : vector<128xf32> to vector<128x1xf32>
    %max3A_193 = arith.maximumf %max3A_188, %broadcast_in_dim3A_192 : vector<128x1xf32>
    %slice3A_194 = vector.extract_strided_slice %sub3A {offsets = [0, 7168], sizes = [128, 256], strides = [1, 1]} : vector<128x8192xf32> to vector<128x256xf32>
    %reduce_min3A_195 = arith.constant dense<0x7F800000> : vector<128xf32>
    %reduce_min3A_196 = vector.multi_reduction <minimumf>, %slice3A_194, %reduce_min3A_195 [1] : vector<128x256xf32> to vector<128xf32>
    %broadcast_in_dim3A_197 = vector.shape_cast %reduce_min3A_196 : vector<128xf32> to vector<128x1xf32>
    %max3A_198 = arith.maximumf %max3A_193, %broadcast_in_dim3A_197 : vector<128x1xf32>
    %slice3A_199 = vector.extract_strided_slice %sub3A {offsets = [0, 7424], sizes = [128, 256], strides = [1, 1]} : vector<128x8192xf32> to vector<128x256xf32>
    %reduce_min3A_200 = arith.constant dense<0x7F800000> : vector<128xf32>
    %reduce_min3A_201 = vector.multi_reduction <minimumf>, %slice3A_199, %reduce_min3A_200 [1] : vector<128x256xf32> to vector<128xf32>
    %broadcast_in_dim3A_202 = vector.shape_cast %reduce_min3A_201 : vector<128xf32> to vector<128x1xf32>
    %max3A_203 = arith.maximumf %max3A_198, %broadcast_in_dim3A_202 : vector<128x1xf32>
    %slice3A_204 = vector.extract_strided_slice %sub3A {offsets = [0, 7680], sizes = [128, 256], strides = [1, 1]} : vector<128x8192xf32> to vector<128x256xf32>
    %reduce_min3A_205 = arith.constant dense<0x7F800000> : vector<128xf32>
    %reduce_min3A_206 = vector.multi_reduction <minimumf>, %slice3A_204, %reduce_min3A_205 [1] : vector<128x256xf32> to vector<128xf32>
    %broadcast_in_dim3A_207 = vector.shape_cast %reduce_min3A_206 : vector<128xf32> to vector<128x1xf32>
    %max3A_208 = arith.maximumf %max3A_203, %broadcast_in_dim3A_207 : vector<128x1xf32>
    %slice3A_209 = vector.extract_strided_slice %sub3A {offsets = [0, 7936], sizes = [128, 256], strides = [1, 1]} : vector<128x8192xf32> to vector<128x256xf32>
    %reduce_min3A_210 = arith.constant dense<0x7F800000> : vector<128xf32>
    %reduce_min3A_211 = vector.multi_reduction <minimumf>, %slice3A_209, %reduce_min3A_210 [1] : vector<128x256xf32> to vector<128xf32>
    %broadcast_in_dim3A_212 = vector.shape_cast %reduce_min3A_211 : vector<128xf32> to vector<128x1xf32>
    %max3A_213 = arith.maximumf %max3A_208, %broadcast_in_dim3A_212 : vector<128x1xf32>
    %swap3A_214 = arith.constant 0 : index
    %swap3A_215 = arith.constant 0 : index
    %swap3A_216 = arith.constant 0 : index
    %swap3A_217 = vector.load %arg9[%swap3A_214, %swap3A_215, %swap3A_216] : memref<1x128x1xf32, #tpu.memory_space<vmem>>, vector<1x128x1xf32>
    %swap3A_218 = vector.shape_cast %swap3A_217 : vector<1x128x1xf32> to vector<128x1xf32>
    %swap3A_219 = vector.shape_cast %max3A_213 : vector<128x1xf32> to vector<1x128x1xf32>
    tpu.vector_store %arg9[%swap3A_214, %swap3A_215, %swap3A_216], %swap3A_219 {strides = array<i32>} : memref<1x128x1xf32, #tpu.memory_space<vmem>>, vector<1x128x1xf32>,
    return
  }
  func.func @transform_0(%arg0: i32, %arg1: i32) -> (i32, i32, i32) {
    %c0_i32 = arith.constant 0 : i32
    %c0_i32_0 = arith.constant 0 : i32
    %c0_i32_1 = arith.constant 0 : i32
    return %arg0, %c0_i32, %c0_i32_0 : i32, i32, i32
  }
  func.func @transform_1(%arg0: i32, %arg1: i32) -> (i32, i32, i32) {
    %c0_i32 = arith.constant 0 : i32
    %c0_i32_0 = arith.constant 0 : i32
    %c0_i32_1 = arith.constant 0 : i32
    return %arg0, %c0_i32, %c0_i32_0 : i32, i32, i32
  }
  func.func @transform_2(%arg0: i32, %arg1: i32) -> (i32, i32, i32) {
    %c0_i32 = arith.constant 0 : i32
    %c0_i32_0 = arith.constant 0 : i32
    %c0_i32_1 = arith.constant 0 : i32
    return %arg0, %c0_i32, %c0_i32_0 : i32, i32, i32
  }
  func.func @transform_3(%arg0: i32, %arg1: i32) -> (i32, i32, i32) {
    %c0_i32 = arith.constant 0 : i32
    %c0_i32_0 = arith.constant 0 : i32
    return %arg0, %arg1, %c0_i32 : i32, i32, i32
  }
  func.func @transform_4(%arg0: i32, %arg1: i32) -> (i32, i32, i32) {
    %c0_i32 = arith.constant 0 : i32
    %c0_i32_0 = arith.constant 0 : i32
    return %arg0, %arg1, %c0_i32 : i32, i32, i32
  }
  func.func @transform_5(%arg0: i32, %arg1: i32) -> (i32, i32, i32) {
    %c0_i32 = arith.constant 0 : i32
    %c0_i32_0 = arith.constant 0 : i32
    return %arg0, %arg1, %c0_i32 : i32, i32, i32
  }
  func.func @transform_6(%arg0: i32, %arg1: i32) -> (i32, i32, i32) {
    %c0_i32 = arith.constant 0 : i32
    %c0_i32_0 = arith.constant 0 : i32
    return %arg0, %arg1, %c0_i32 : i32, i32, i32
  }
  func.func @transform_7(%arg0: i32, %arg1: i32) -> (i32, i32, i32) {
    %c0_i32 = arith.constant 0 : i32
    %c0_i32_0 = arith.constant 0 : i32
    return %arg0, %arg1, %c0_i32 : i32, i32, i32
  }
}

module attributes {stable_mosaic.version = 14 : i64} {
  func.func @_sub_body(%arg0: i32, %arg1: memref<1024x128xf32, #tpu.memory_space<vmem>>, %arg2: memref<1024x128xf32, #tpu.memory_space<vmem>>, %arg3: memref<1024x128xf32, #tpu.memory_space<vmem>>) attributes {dimension_semantics = [#tpu.dimension_semantics<arbitrary>], iteration_bounds = array<i64: 8>, scalar_prefetch = 0 : i64, scratch_operands = 0 : i64, tpu.core_type = #tpu.core_type<tc>, window_params = [{transform_indices = @transform_0, window_bounds = array<i64: 1024, 128>}, {transform_indices = @transform_1, window_bounds = array<i64: 1024, 128>}, {transform_indices = @transform_2, window_bounds = array<i64: 1024, 128>}]} {
    %get3A = arith.constant 0 : index
    %get3A_0 = arith.constant 0 : index
    %get3A_1 = vector.load %arg1[%get3A, %get3A_0] : memref<1024x128xf32, #tpu.memory_space<vmem>>, vector<1024x128xf32>
    %get3A_2 = arith.constant 0 : index
    %get3A_3 = arith.constant 0 : index
    %get3A_4 = vector.load %arg2[%get3A_2, %get3A_3] : memref<1024x128xf32, #tpu.memory_space<vmem>>, vector<1024x128xf32>
    %sub3A = arith.subf %get3A_1, %get3A_4 : vector<1024x128xf32>
    %swap3A = arith.constant 0 : index
    %swap3A_5 = arith.constant 0 : index
    %swap3A_6 = vector.load %arg3[%swap3A, %swap3A_5] : memref<1024x128xf32, #tpu.memory_space<vmem>>, vector<1024x128xf32>
    tpu.vector_store %arg3[%swap3A, %swap3A_5], %sub3A {strides = array<i32>} : memref<1024x128xf32, #tpu.memory_space<vmem>>, vector<1024x128xf32>,
    return
  }
  func.func @transform_0(%arg0: i32) -> (i32, i32) {
    %c0_i32 = arith.constant 0 : i32
    %c0_i32_0 = arith.constant 0 : i32
    return %arg0, %c0_i32 : i32, i32
  }
  func.func @transform_1(%arg0: i32) -> (i32, i32) {
    %c0_i32 = arith.constant 0 : i32
    %c0_i32_0 = arith.constant 0 : i32
    return %arg0, %c0_i32 : i32, i32
  }
  func.func @transform_2(%arg0: i32) -> (i32, i32) {
    %c0_i32 = arith.constant 0 : i32
    %c0_i32_0 = arith.constant 0 : i32
    return %arg0, %c0_i32 : i32, i32
  }
}

</mosaic_0001>

<sc_bundles>
// kernel: kernel.10.cloned.1.call-start
scs
__scs_entry_jumppad:
0x0: {  	(pc) =	sbr.rel $0x88, $3  }
0x1: {  	(tag) =	ssettag $0x0;
	lr =	simm.s32 $0x1  }
0x2: {  	[smem:$0x3FA0] =	sst lr;
	_ =	strace $0xD0000000  }
0x3: {  	_ = 	snop  }
0x4: {  	_ = 	snop  }
0x5: {  	_ = 	snop  }
0x6: {  	_ = 	snop  }
0x7: {  	_ = 	snop  }
__scs_overlays_trampoline_lowered:
0x8: {  	[smem:$0x3FAF] =	sst s0  }
0x9: {  	[smem:$0x3FB0] =	sst s1  }
0xa: {  	[smem:$0x3FB1] =	sst s2  }
0xb: {  	[smem:$0x3FB2] =	sst s3  }
0xc: {  	[smem:$0x3FB3] =	sst s4  }
0xd: {  	[smem:$0x3FB4] =	sst s5  }
0xe: {  	[smem:$0x3FB5] =	sst s6  }
0xf: {  	[smem:$0x3FB6] =	sst s7  }
0x10: {  	[smem:$0x3FB7] =	sst s8  }
0x11: {  	[smem:$0x3FB8] =	sst s9;
	s0 =	simm.s32 @!p0 $0x0  }
0x12: {  	s1 =	sld [smem:$0x3F9E];
	s0 =	simm.s32 @p0 $0x1  }
0x13: {  	[smem:$0x3FB9] =	sst s0;
	s0 =	simm.s32 @!p1 $0x0  }
0x14: {  	s2 =	sld [smem:$0x3F9D];
	s0 =	simm.s32 @p1 $0x1  }
0x15: {  	[smem:$0x3FBA] =	sst s0;
	s0 =	simm.s32 @!p2 $0x0  }
0x16: {  	s3 =	sld [smem:$0x3FDB];
	s0 =	simm.s32 @p2 $0x1  }
0x17: {  	s4 =	simm.s32 $0x1BF5;
	[smem:$0x3FBC] =	sst s0  }
0x18: {  	s0 =	sld [smem:$0x3F9F];
	_ =	swait.ge [sflag:s4], $0x0  }
0x19: {  	s7 =	sld [smem:$0x3FA0]  }
0x1a: {  	s8 =	sadd.s32 $0xFFFFE003, lr  }
0x1b: {  	s9 =	sadd.s32 $0xFFFFFEF7, lr;
	s5 =	simm.s32 $0xFFFFFFFF;
	p2 =	slt.u32 s8, $0xFFFFF086  }
0x1c: {  	p1 =	slt.u32 s9, $0xF7A;
	s5 =	simm.s32 @!p2 $0x0  }
0x1d: {  	s5 =	simm.s32 @p1 $0x1;
	p0 =	seq.s32 s7, s2  }
0x1e: {  	s7 =	smul.u32 @!p0 $0xF7A, s2;
	p2 =	seq.s32 @!p0 s5, $0x0  }
0x1f: {  	s9 =	smul.u32 $0xF7A, s1;
	s8 =	simm.s32 @!p0 $0x1BF5;
	p2 =	por !p2, p0  }
0x20: {  	[sflag:s8] =	ssyncset.s32 @!p0 $0xFFFFF086;
	s6 =	sadd.s32 @!p0 s3, s7;
	s7 =	simm.s32 @!p0 $0x108  }
0x21: {  	s3 =	sadd.s32 s3, s9;
	s6 =	sadd.s32 @!p0 $0x88, s6;
	s7 =	simm.s32 @p2 $0x1082  }
0x22: {  	[simem:s7], [sflag:s8] =	dma.local @!p0 [hbm:s6], $0xF7A  }
0x23: {  	s9 =	sor.u32 $0xD0000000, s2;
	s6 =	simm.s32 $0x108;
	_ =	swait.ge @!p0 [sflag:s8], $0x0  }
0x24: {  	s3 =	sadd.s32 $0x88, s3;
	s6 =	simm.s32 @!p1 $0x1082;
	[sflag:s4] =	ssyncset.s32 $0xFFFFF086  }
0x25: {  	[simem:s6], [sflag:s4] =	dma.local [hbm:s3], $0xF7A  }
0x26: {  	[smem:$0x3FA0] =	sst s1;
	(tag) =	ssettag s2;
	_ =	strace s9  }
0x27: {  	s1 =	sld [smem:$0x3FB0]  }
0x28: {  	s2 =	sld [smem:$0x3FB1]  }
0x29: {  	s4 =	sld [smem:$0x3FB3]  }
0x2a: {  	p0 =	seq.s32 s5, $0x0;
	s5 =	sld [smem:$0x3FB4]  }
0x2b: {  	s6 =	sld [smem:$0x3FB5]  }
0x2c: {  	s7 =	sld [smem:$0x3FB6]  }
0x2d: {  	s3 =	simm.s32 $0x108;
	s8 =	sld [smem:$0x3FB7]  }
0x2e: {  	s3 =	simm.s32 @!p0 $0x1082;
	s9 =	sld [smem:$0x3FB8]  }
0x2f: {  	lr =	sadd.s32 s0, s3;
	s0 =	sld [smem:$0x3FAF]  }
0x30: {  	s3 =	sld [smem:$0x3FB2]  }
0x31: {  	[smem:$0x3FBB] =	sst s10  }
0x32: {  	s10 =	sld [smem:$0x3FB9];
	_ =	sdelay $0x3  }
0x33: {  	p0 =	seq.s32 s10, $0x1;
	s10 =	sld [smem:$0x3FBB];
	_ =	sdelay $0x3  }
0x34: {  	[smem:$0x3FBB] =	sst s10  }
0x35: {  	s10 =	sld [smem:$0x3FBA];
	_ =	sdelay $0x3  }
0x36: {  	p1 =	seq.s32 s10, $0x1;
	s10 =	sld [smem:$0x3FBB];
	_ =	sdelay $0x3  }
0x37: {  	[smem:$0x3FBB] =	sst s10  }
0x38: {  	s10 =	sld [smem:$0x3FBC]  }
0x39: {  	_ = 	snop;
	(pc) =	sbr.ind lr, $3  }
0x3a: {  	_ = 	snop  }
0x3b: {  	_ = 	snop  }
0x3c: {  	p2 =	seq.s32 s10, $0x1;
	s10 =	sld [smem:$0x3FBB]  }
0x3d: {  	_ =	shalt  }
0x3e: {  	_ =	shalt  }
0x3f: {  	_ =	shalt  }
0x40: {  	_ =	shalt  }
0x41: {  	_ =	shalt  }
0x42: {  	_ =	shalt  }
0x43: {  	_ =	shalt  }
0x44: {  	_ =	shalt  }
0x45: {  	_ =	shalt  }
0x46: {  	_ =	shalt  }
0x47: {  	_ =	shalt  }
0x48: {  	_ =	shalt  }
0x49: {  	_ =	shalt  }
0x4a: {  	_ =	shalt  }
0x4b: {  	_ =	shalt  }
0x4c: {  	_ =	shalt  }
0x4d: {  	_ =	shalt  }
0x4e: {  	_ =	shalt  }
0x4f: {  	_ =	shalt  }
0x50: {  	_ =	shalt  }
0x51: {  	_ =	shalt  }
0x52: {  	_ =	shalt  }
0x53: {  	_ =	shalt  }
0x54: {  	_ =	shalt  }
0x55: {  	_ =	shalt  }
0x56: {  	_ =	shalt  }
0x57: {  	_ =	shalt  }
0x58: {  	_ =	shalt  }
0x59: {  	_ =	shalt  }
0x5a: {  	_ =	shalt  }
0x5b: {  	_ =	shalt  }
0x5c: {  	_ =	shalt  }
0x5d: {  	_ =	shalt  }
0x5e: {  	_ =	shalt  }
0x5f: {  	_ =	shalt  }
0x60: {  	_ =	shalt  }
0x61: {  	_ =	shalt  }
0x62: {  	_ =	shalt  }
0x63: {  	_ =	shalt  }
0x64: {  	_ =	shalt  }
0x65: {  	_ =	shalt  }
0x66: {  	_ =	shalt  }
0x67: {  	_ =	shalt  }
0x68: {  	_ =	shalt  }
0x69: {  	_ =	shalt  }
0x6a: {  	_ =	shalt  }
0x6b: {  	_ =	shalt  }
0x6c: {  	_ =	shalt  }
0x6d: {  	_ =	shalt  }
0x6e: {  	_ =	shalt  }
0x6f: {  	_ =	shalt  }
0x70: {  	_ =	shalt  }
0x71: {  	_ =	shalt  }
0x72: {  	_ =	shalt  }
0x73: {  	_ =	shalt  }
0x74: {  	_ =	shalt  }
0x75: {  	_ =	shalt  }
0x76: {  	_ =	shalt  }
0x77: {  	_ =	shalt  }
0x78: {  	_ =	shalt  }
0x79: {  	_ =	shalt  }
0x7a: {  	_ =	shalt  }
0x7b: {  	_ =	shalt  }
0x7c: {  	_ =	shalt  }
0x7d: {  	_ =	shalt  }
0x7e: {  	_ =	shalt  }
0x7f: {  	_ =	shalt  }
0x80: {  	_ =	shalt  }
0x81: {  	_ =	shalt  }
0x82: {  	_ =	shalt  }
0x83: {  	_ =	shalt  }
0x84: {  	_ =	shalt  }
0x85: {  	_ =	shalt  }
0x86: {  	_ =	shalt  }
0x87: {  	_ =	shalt  }
.Lfunc_end0:
.L_simem_size_0:
called_computation.2_lowered:
.L_overlay_start_0:
0x88: {  	s2 =	sld [smem:$0x3FD9]  }
0x89: {  	s3 =	sld [smem:$0x3FFE];
	_ =	sdelay $0x1  }
0x8a: {  	s1 =	srdreg.scid  }
0x8b: {  	s0 =	sand.u32 $0x1, s1  }
0x8c: {  	s14 =	sshll.u32 s0, $0xA;
	s2 =	sadd.s32 s3, s2  }
0x8d: {  	s2 =	sadd.s32 s2, s14  }
0x8e: {  	[smem:$0x3FC7] =	sst s2  }
0x8f: {  	_ = 	snop  }
0x90: {  	s2 =	sld [smem:$0x3FD0];
	_ =	sdelay $0x2  }
0x91: {  	s15 =	simm.s32 $0xA;
	s4 =	simm.s32 $0x10  }
0x92: {  	[smem:s4], [sflag:s15] =	dma.local [hbm:s2], $0x1  }
0x93: {  	_ =	swait.eq [sflag:s15], $0x1  }
0x94: {  	[sflag:s15] =	ssyncset.done $0x0  }
0x95: {  	[sflag:s15] =	ssyncadd.s32 $0xFFFFFFFF  }
0x96: {  	s16 =	sld [smem:$0x10];
	(tm) =	ssettm $0x1  }
0x97: {  	s17 =	sld [smem:$0x3FFB];
	_ =	sdelay $0x3  }
0x98: {  	_ =	strace s17  }
0x99: {  	s3 =	sld [smem:$0x3FFC];
	_ =	sdelay $0x3  }
0x9a: {  	_ =	strace s3  }
0x9b: {  	s3 =	sld [smem:$0x3FFD];
	_ =	sdelay $0x3  }
0x9c: {  	_ =	strace s3  }
0x9d: {  	_ =	strace $0x8FFFFFFF  }
0x9e: {  	s18 =	sld [smem:$0x3FDB];
	_ =	sdelay $0x1  }
0x9f: {  	s19 =	simm.s32 $_scs_section_size  }
0xa0: {  	s5 =	simm.s32 $_size__tile_overlayer_lowered;
	s6 =	simm.s32 $_tile_overlayer_lowered  }
0xa1: {  	s22 =	simm.s32 $0x1BFF;
	s21 =	sshll.u32 s6, $0x1;
	s3 =	sadd.s32 s19, s18  }
0xa2: {  	s7 =	simm.s32 $0x0;
	s20 =	sshll.u32 s5, $0x1;
	s5 =	sadd.s32 s21, s3  }
0xa3: {  	[timem:s7], [sflag:s22] =	dma.local [hbm:s5], s20  }
0xa4: {  	_ =	swait.ge [sflag:s22], s20  }
0xa5: {  	s4 =	ssub.s32 $0x0, s20;
	[sflag:s22] =	ssyncset.done $0x0  }
0xa6: {  	[sflag:s22] =	ssyncadd.s32 s4;
	_ =	sdelay $0x1  }
0xa7: {  	s23 =	simm.s32 $0x1B8B  }
0xa8: {  	_ =	swait.ge [sflag:s23], $0x1  }
0xa9: {  	[sflag:s23] =	ssyncset.done $0x0  }
0xaa: {  	s25 =	simm.s32 $0x1B8E;
	s24 =	sld [smem:$0x3FFE];
	[sflag:s23] =	ssyncadd.s32 $0xFFFFFFFF  }
0xab: {  	s26 =	simm.s32 $execute0_lowered;
	[smem:$0x3FD2] =	sst s25  }
0xac: {  	s5 =	sshll.u32 s26, $0x1;
	_ =	strace $0x8000004C;
	[dreg:$0x1] =	wrdreg $0xFFFFFFFF  }
0xad: {  	s28 =	simm.s32 $_size_execute0_lowered;
	s3 =	sadd.s32 s3, s5;
	[dreg:$0x0] =	wrdreg $0x0  }
0xae: {  	s5 =	sshll.u32 s28, $0x1;
	[dreg:$0x2] =	wrdreg s3  }
0xaf: {  	[dreg:$0x3] =	wrdreg s5  }
0xb0: {  	[dreg:$0x4] =	wrdreg $0xC0  }
0xb1: {  	_ =	task [dreg:s7], $0x5FFFF  }
0xb2: {  	[dreg:$0x1] =	wrdreg $0xFFFFFFFF  }
0xb3: {  	[dreg:$0x0] =	wrdreg $0x60  }
0xb4: {  	[dreg:$0x2] =	wrdreg s24  }
0xb5: {  	[dreg:$0x3] =	wrdreg s16  }
0xb6: {  	[dreg:$0x4] =	wrdreg $0x9  }
0xb7: {  	_ =	task.clear_ibuf [dreg:s7], $0x5FFFF;
	_ =	strace $0x9000004C  }
0xb8: {  	s29 =	simm.s32 $0x9;
	_ =	strace $0x8000004E  }
0xb9: {  	_ =	swait.ge [sflag:s29], $0x1  }
0xba: {  	[sflag:s29] =	ssyncadd.s32 $0xFFFFFFFF  }
0xbb: {  	_ =	strace $0x9000004E  }
0xbc: {  	_ =	sfence  }
0xbd: {  	s30 =	sld [smem:$0x0];
	_ =	sdelay $0x2  }
0xbe: {  	s31 =	sshll.u32 s1, $0xD;
	s1 =	sshrl.u32 s1, $0x2  }
0xbf: {  	s3 =	sand.u32 $0x4000, s31;
	s1 =	sadd.s32 s1, s30  }
0xc0: {  	s0 =	sor.u32 s3, s0;
	s1 =	sshll.u32 s1, $0x11  }
0xc1: {  	s0 =	sor.u32 s1, s0  }
0xc2: {  	s0 =	sadd.s32 $0x8F2B, s0  }
0xc3: {  	[sflag:s0] =	ssyncadd.remote.s32 $0x1  }
0xc4: {  	_ =	sfence.sel $0xFFFF  }
0xc5: {  	[dreg:$0x0] =	wrdreg $0xFFFFFFFF;
	(pc) =	sbr.abs _section_cstart, $3  }
0xc6: {  	[dreg:$0x1] =	wrdreg $0xFFFFFFFF  }
0xc7: {  	_ =	task.clear_ibuf [dreg:s7], $0x2FFFF;
	_ =	strace $0x9FFFFFFF  }
0xc8: {  	(tm) =	ssettm $0x7FFFFFFF  }
0xc9: {  	_ =	shalt  }
tec
execute0_lowered:
.L_overlay_start_1:
0x0: {  	(tag) =	ssettag $0x1  }
0x1: {  	s4 =	rddreg [dreg:$0x0]  }
0x2: {  	s5 =	rddreg [dreg:$0x1]  }
0x3: {  	s0 =	rddreg [dreg:$0x2];
	s2 =	simm.s32 $0x0;
	s3 =	srdreg.scid  }
0x4: {  	s1 =	stileid.u32;
	s9 =	simm.s32 $0x1;
	s10 =	simm.s32 $0x2000  }
0x5: {  	s11 =	simm.s32 $0x0;
	s6 =	sand.u32 $0x1, s3;
	s30 =	sshll.u32 s1, $0x1  }
0x6: {  	[smem:$0x7FF] =	sst s2;
	s3 =	sadd.s32 $0x2800, s4;
	s7 =	sor.u32 s6, s30  }
0x7: {  	_ =	strace $0x8000004D;
	s6 =	ssub.s32 $0x2, s6;
	s8 =	sshll.u32 s7, $0xD  }
0x8: {  	s31 =	sshrl.u32 s6, $0x1;
	s7 =	sshll.u32 s7, $0xA;
	s8 =	sadd.s32 s8, s4  }
0x9: {  	s6 =	ssub.s32 s6, s31;
	s4 =	sadd.s32 s5, s7;
	s7 =	simm.s32 $0x2  }
0xa: {  	s5 =	sadd.s32 $0x22800, s8;
	s6 =	smax.u32 s6, $0x1;
	s8 =	simm.s32 $0x80  }
.LBB2_1:
0xb: {  	[tilespmem:s2], [sflag:$0x2] =	stream.linear.gather [hbm4b:s4+s2], $0x2000, $0x38;
	[tilespmem:$0x12000] =	vst v63  }
0xc: {  	_ =	swait.ge [sflag:s7], $0x2000  }
0xd: {  	[sflag:s7] =	ssyncset.done $0x0  }
0xe: {  	s12 =	simm.s32 $0x0;
	[sflag:s7] =	ssyncadd.s32 $0xFFFFE000  }
0xf: {  	[tilespmem:s10], [sflag:$0x1] =	stream.indirect.gather [hbm4b:s3+s8], $0x4, s12, s8, $0xb8;
	[tilespmem:$0x12000] =	vst v63  }
0x10: {  	_ =	swait.ge [sflag:s9], $0x200  }
0x11: {  	s13 =	simm.s32 $0x2000;
	s12 =	simm.s32 $0x200;
	[sflag:s9] =	ssyncset.done $0x0  }
.LBB2_2:
0x12: {  	s14 =	sshra.s32 s12, $0x2  }
0x13: {  	[sflag:s9] =	ssyncadd.s32 $0xFFFFFE00;
	s13 =	sadd.s32 $0x400, s13;
	p0 =	sne.s32 s12, $0x7E00  }
0x14: {  	[tilespmem:s13], [sflag:$0x1] =	stream.indirect.gather [hbm4b:s3+s8], $0x4, s14, s8, $0xb8;
	[tilespmem:$0x12000] =	vst v63  }
.Ltmp0:
0x15: {  	_ = 	snop;
	(pc) =	sbr.rel @p0 .LBB2_2-.Ltmp0, $4  }
0x16: {  	_ = 	snop  }
0x17: {  	s12 =	sadd.s32 $0x200, s12  }
0x18: {  	_ =	swait.ge [sflag:s9], $0x200  }
0x19: {  	[sflag:s9] =	ssyncset.done $0x0  }
0x1a: {  	s11 =	sadd.s32 $0x1, s11  }
0x1b: {  	p0 =	sne.s32 s11, s6  }
.Ltmp1:
0x1c: {  	[sflag:s9] =	ssyncadd.s32 $0xFFFFFE00;
	(pc) =	sbr.rel @p0 .LBB2_1-.Ltmp1, $4  }
0x1d: {  	[hbm4b:s5+s2] =	stream.linear.scatter [tilespmem:s10], [sflag:$0x2], $0x10000, $0x38;
	[tilespmem:$0x12000] =	vst v63  }
0x1e: {  	_ =	swait.ge [sflag:s7], $0x10000  }
0x1f: {  	[sflag:s7] =	ssyncset.done $0x0  }
0x20: {  	[sflag:s7] =	ssyncadd.s32 $0xFFFF0000  }
0x21: {  	_ =	sfence.sel $0x180000  }
0x22: {  	[bflag:$0x0] =	sbarrier.arrive $0xFFFF  }
0x23: {  	p0 =	sne.s32 s1, $0x0;
	_ =	strace $0x9000004D  }
0x24: {  	s0 =	sadd.s32 @!p0 $0x100000, s0;
	[bflag:$0x2] =	sbarrier.arrive $0xFFFF  }
0x25: {  	[sflag:s0] =	ssyncadd.tile.s32 @!p0 $0x1;
	_ =	shalt  }
.Lfunc_end2:
_tile_overlayer_lowered:
.L_overlay_start_2:
0x26: {  	(tag) =	ssettag $0x2  }
0x27: {  	s0 =	rddreg [dreg:$0x0];
	s2 =	stileid.u32  }
0x28: {  	s1 =	rddreg [dreg:$0x1];
	p0 =	sne.s32 s2, $0x0  }
0x29: {  	s3 =	rddreg [dreg:$0x2];
	[bflag:$0x3] =	sbarrier.arrive $0xFFFF;
	s2 =	simm.s32 @!p0 $0x1C02  }
0x2a: {  	[timem:s3], [sflag:s2] =	dma.local @!p0 [hbm:s0], s1  }
0x2b: {  	s0 =	simm.s32 @!p0 $0x2  }
0x2c: {  	_ =	swait.ge @!p0 [sflag:s0], s1  }
0x2d: {  	s1 =	ssub.s32 @!p0 $0x0, s1;
	[sflag:s0] =	ssyncset.done @!p0 $0x0  }
0x2e: {  	[sflag:s0] =	ssyncadd.s32 @!p0 s1  }
0x2f: {  	[bflag:$0x3] =	sbarrier.arrive $0xFFFF  }
0x30: {  	_ =	shalt  }

// kernel: kernel.7.cloned.1.call-start
scs
__scs_entry_jumppad:
0x0: {  	(pc) =	sbr.rel $0x88, $3  }
0x1: {  	(tag) =	ssettag $0x0;
	lr =	simm.s32 $0x1  }
0x2: {  	[smem:$0x3FA0] =	sst lr;
	_ =	strace $0xD0000000  }
0x3: {  	_ = 	snop  }
0x4: {  	_ = 	snop  }
0x5: {  	_ = 	snop  }
0x6: {  	_ = 	snop  }
0x7: {  	_ = 	snop  }
__scs_overlays_trampoline_lowered:
0x8: {  	[smem:$0x3FAF] =	sst s0  }
0x9: {  	[smem:$0x3FB0] =	sst s1  }
0xa: {  	[smem:$0x3FB1] =	sst s2  }
0xb: {  	[smem:$0x3FB2] =	sst s3  }
0xc: {  	[smem:$0x3FB3] =	sst s4  }
0xd: {  	[smem:$0x3FB4] =	sst s5  }
0xe: {  	[smem:$0x3FB5] =	sst s6  }
0xf: {  	[smem:$0x3FB6] =	sst s7  }
0x10: {  	[smem:$0x3FB7] =	sst s8  }
0x11: {  	[smem:$0x3FB8] =	sst s9;
	s0 =	simm.s32 @!p0 $0x0  }
0x12: {  	s1 =	sld [smem:$0x3F9E];
	s0 =	simm.s32 @p0 $0x1  }
0x13: {  	[smem:$0x3FB9] =	sst s0;
	s0 =	simm.s32 @!p1 $0x0  }
0x14: {  	s2 =	sld [smem:$0x3F9D];
	s0 =	simm.s32 @p1 $0x1  }
0x15: {  	[smem:$0x3FBA] =	sst s0;
	s0 =	simm.s32 @!p2 $0x0  }
0x16: {  	s3 =	sld [smem:$0x3FDB];
	s0 =	simm.s32 @p2 $0x1  }
0x17: {  	s4 =	simm.s32 $0x1BF5;
	[smem:$0x3FBC] =	sst s0  }
0x18: {  	s0 =	sld [smem:$0x3F9F];
	_ =	swait.ge [sflag:s4], $0x0  }
0x19: {  	s7 =	sld [smem:$0x3FA0]  }
0x1a: {  	s8 =	sadd.s32 $0xFFFFE003, lr  }
0x1b: {  	s9 =	sadd.s32 $0xFFFFFEF7, lr;
	s5 =	simm.s32 $0xFFFFFFFF;
	p2 =	slt.u32 s8, $0xFFFFF086  }
0x1c: {  	p1 =	slt.u32 s9, $0xF7A;
	s5 =	simm.s32 @!p2 $0x0  }
0x1d: {  	s5 =	simm.s32 @p1 $0x1;
	p0 =	seq.s32 s7, s2  }
0x1e: {  	s7 =	smul.u32 @!p0 $0xF7A, s2;
	p2 =	seq.s32 @!p0 s5, $0x0  }
0x1f: {  	s9 =	smul.u32 $0xF7A, s1;
	s8 =	simm.s32 @!p0 $0x1BF5;
	p2 =	por !p2, p0  }
0x20: {  	[sflag:s8] =	ssyncset.s32 @!p0 $0xFFFFF086;
	s6 =	sadd.s32 @!p0 s3, s7;
	s7 =	simm.s32 @!p0 $0x108  }
0x21: {  	s3 =	sadd.s32 s3, s9;
	s6 =	sadd.s32 @!p0 $0x88, s6;
	s7 =	simm.s32 @p2 $0x1082  }
0x22: {  	[simem:s7], [sflag:s8] =	dma.local @!p0 [hbm:s6], $0xF7A  }
0x23: {  	s9 =	sor.u32 $0xD0000000, s2;
	s6 =	simm.s32 $0x108;
	_ =	swait.ge @!p0 [sflag:s8], $0x0  }
0x24: {  	s3 =	sadd.s32 $0x88, s3;
	s6 =	simm.s32 @!p1 $0x1082;
	[sflag:s4] =	ssyncset.s32 $0xFFFFF086  }
0x25: {  	[simem:s6], [sflag:s4] =	dma.local [hbm:s3], $0xF7A  }
0x26: {  	[smem:$0x3FA0] =	sst s1;
	(tag) =	ssettag s2;
	_ =	strace s9  }
0x27: {  	s1 =	sld [smem:$0x3FB0]  }
0x28: {  	s2 =	sld [smem:$0x3FB1]  }
0x29: {  	s4 =	sld [smem:$0x3FB3]  }
0x2a: {  	p0 =	seq.s32 s5, $0x0;
	s5 =	sld [smem:$0x3FB4]  }
0x2b: {  	s6 =	sld [smem:$0x3FB5]  }
0x2c: {  	s7 =	sld [smem:$0x3FB6]  }
0x2d: {  	s3 =	simm.s32 $0x108;
	s8 =	sld [smem:$0x3FB7]  }
0x2e: {  	s3 =	simm.s32 @!p0 $0x1082;
	s9 =	sld [smem:$0x3FB8]  }
0x2f: {  	lr =	sadd.s32 s0, s3;
	s0 =	sld [smem:$0x3FAF]  }
0x30: {  	s3 =	sld [smem:$0x3FB2]  }
0x31: {  	[smem:$0x3FBB] =	sst s10  }
0x32: {  	s10 =	sld [smem:$0x3FB9];
	_ =	sdelay $0x3  }
0x33: {  	p0 =	seq.s32 s10, $0x1;
	s10 =	sld [smem:$0x3FBB];
	_ =	sdelay $0x3  }
0x34: {  	[smem:$0x3FBB] =	sst s10  }
0x35: {  	s10 =	sld [smem:$0x3FBA];
	_ =	sdelay $0x3  }
0x36: {  	p1 =	seq.s32 s10, $0x1;
	s10 =	sld [smem:$0x3FBB];
	_ =	sdelay $0x3  }
0x37: {  	[smem:$0x3FBB] =	sst s10  }
0x38: {  	s10 =	sld [smem:$0x3FBC]  }
0x39: {  	_ = 	snop;
	(pc) =	sbr.ind lr, $3  }
0x3a: {  	_ = 	snop  }
0x3b: {  	_ = 	snop  }
0x3c: {  	p2 =	seq.s32 s10, $0x1;
	s10 =	sld [smem:$0x3FBB]  }
0x3d: {  	_ =	shalt  }
0x3e: {  	_ =	shalt  }
0x3f: {  	_ =	shalt  }
0x40: {  	_ =	shalt  }
0x41: {  	_ =	shalt  }
0x42: {  	_ =	shalt  }
0x43: {  	_ =	shalt  }
0x44: {  	_ =	shalt  }
0x45: {  	_ =	shalt  }
0x46: {  	_ =	shalt  }
0x47: {  	_ =	shalt  }
0x48: {  	_ =	shalt  }
0x49: {  	_ =	shalt  }
0x4a: {  	_ =	shalt  }
0x4b: {  	_ =	shalt  }
0x4c: {  	_ =	shalt  }
0x4d: {  	_ =	shalt  }
0x4e: {  	_ =	shalt  }
0x4f: {  	_ =	shalt  }
0x50: {  	_ =	shalt  }
0x51: {  	_ =	shalt  }
0x52: {  	_ =	shalt  }
0x53: {  	_ =	shalt  }
0x54: {  	_ =	shalt  }
0x55: {  	_ =	shalt  }
0x56: {  	_ =	shalt  }
0x57: {  	_ =	shalt  }
0x58: {  	_ =	shalt  }
0x59: {  	_ =	shalt  }
0x5a: {  	_ =	shalt  }
0x5b: {  	_ =	shalt  }
0x5c: {  	_ =	shalt  }
0x5d: {  	_ =	shalt  }
0x5e: {  	_ =	shalt  }
0x5f: {  	_ =	shalt  }
0x60: {  	_ =	shalt  }
0x61: {  	_ =	shalt  }
0x62: {  	_ =	shalt  }
0x63: {  	_ =	shalt  }
0x64: {  	_ =	shalt  }
0x65: {  	_ =	shalt  }
0x66: {  	_ =	shalt  }
0x67: {  	_ =	shalt  }
0x68: {  	_ =	shalt  }
0x69: {  	_ =	shalt  }
0x6a: {  	_ =	shalt  }
0x6b: {  	_ =	shalt  }
0x6c: {  	_ =	shalt  }
0x6d: {  	_ =	shalt  }
0x6e: {  	_ =	shalt  }
0x6f: {  	_ =	shalt  }
0x70: {  	_ =	shalt  }
0x71: {  	_ =	shalt  }
0x72: {  	_ =	shalt  }
0x73: {  	_ =	shalt  }
0x74: {  	_ =	shalt  }
0x75: {  	_ =	shalt  }
0x76: {  	_ =	shalt  }
0x77: {  	_ =	shalt  }
0x78: {  	_ =	shalt  }
0x79: {  	_ =	shalt  }
0x7a: {  	_ =	shalt  }
0x7b: {  	_ =	shalt  }
0x7c: {  	_ =	shalt  }
0x7d: {  	_ =	shalt  }
0x7e: {  	_ =	shalt  }
0x7f: {  	_ =	shalt  }
0x80: {  	_ =	shalt  }
0x81: {  	_ =	shalt  }
0x82: {  	_ =	shalt  }
0x83: {  	_ =	shalt  }
0x84: {  	_ =	shalt  }
0x85: {  	_ =	shalt  }
0x86: {  	_ =	shalt  }
0x87: {  	_ =	shalt  }
.Lfunc_end0:
.L_simem_size_0:
called_computation.1_lowered:
.L_overlay_start_0:
0x88: {  	s2 =	sld [smem:$0x3FD9]  }
0x89: {  	s3 =	sld [smem:$0x3FFE];
	_ =	sdelay $0x1  }
0x8a: {  	s1 =	srdreg.scid  }
0x8b: {  	s0 =	sand.u32 $0x1, s1  }
0x8c: {  	s14 =	sshll.u32 s0, $0xA;
	s2 =	sadd.s32 s3, s2  }
0x8d: {  	s2 =	sadd.s32 s2, s14  }
0x8e: {  	[smem:$0x3FC7] =	sst s2  }
0x8f: {  	_ = 	snop  }
0x90: {  	s2 =	sld [smem:$0x3FD0];
	_ =	sdelay $0x2  }
0x91: {  	s15 =	simm.s32 $0xA;
	s4 =	simm.s32 $0x10  }
0x92: {  	[smem:s4], [sflag:s15] =	dma.local [hbm:s2], $0x1  }
0x93: {  	_ =	swait.eq [sflag:s15], $0x1  }
0x94: {  	[sflag:s15] =	ssyncset.done $0x0  }
0x95: {  	[sflag:s15] =	ssyncadd.s32 $0xFFFFFFFF  }
0x96: {  	s16 =	sld [smem:$0x10];
	(tm) =	ssettm $0x1  }
0x97: {  	s17 =	sld [smem:$0x3FFB];
	_ =	sdelay $0x3  }
0x98: {  	_ =	strace s17  }
0x99: {  	s3 =	sld [smem:$0x3FFC];
	_ =	sdelay $0x3  }
0x9a: {  	_ =	strace s3  }
0x9b: {  	s3 =	sld [smem:$0x3FFD];
	_ =	sdelay $0x3  }
0x9c: {  	_ =	strace s3  }
0x9d: {  	_ =	strace $0x8FFFFFFF  }
0x9e: {  	s18 =	sld [smem:$0x3FDB];
	_ =	sdelay $0x1  }
0x9f: {  	s19 =	simm.s32 $_scs_section_size  }
0xa0: {  	s5 =	simm.s32 $_size__tile_overlayer_lowered;
	s6 =	simm.s32 $_tile_overlayer_lowered  }
0xa1: {  	s22 =	simm.s32 $0x1BFF;
	s21 =	sshll.u32 s6, $0x1;
	s3 =	sadd.s32 s19, s18  }
0xa2: {  	s7 =	simm.s32 $0x0;
	s20 =	sshll.u32 s5, $0x1;
	s5 =	sadd.s32 s21, s3  }
0xa3: {  	[timem:s7], [sflag:s22] =	dma.local [hbm:s5], s20  }
0xa4: {  	_ =	swait.ge [sflag:s22], s20  }
0xa5: {  	s4 =	ssub.s32 $0x0, s20;
	[sflag:s22] =	ssyncset.done $0x0  }
0xa6: {  	[sflag:s22] =	ssyncadd.s32 s4;
	_ =	sdelay $0x1  }
0xa7: {  	s23 =	simm.s32 $0x1B8B  }
0xa8: {  	_ =	swait.ge [sflag:s23], $0x1  }
0xa9: {  	[sflag:s23] =	ssyncset.done $0x0  }
0xaa: {  	s25 =	simm.s32 $0x1B8E;
	s24 =	sld [smem:$0x3FFE];
	[sflag:s23] =	ssyncadd.s32 $0xFFFFFFFF  }
0xab: {  	s26 =	simm.s32 $execute0_lowered;
	[smem:$0x3FD2] =	sst s25  }
0xac: {  	s5 =	sshll.u32 s26, $0x1;
	_ =	strace $0x80000049;
	[dreg:$0x1] =	wrdreg $0xFFFFFFFF  }
0xad: {  	s28 =	simm.s32 $_size_execute0_lowered;
	s3 =	sadd.s32 s3, s5;
	[dreg:$0x0] =	wrdreg $0x0  }
0xae: {  	s5 =	sshll.u32 s28, $0x1;
	[dreg:$0x2] =	wrdreg s3  }
0xaf: {  	[dreg:$0x3] =	wrdreg s5  }
0xb0: {  	[dreg:$0x4] =	wrdreg $0xC0  }
0xb1: {  	_ =	task [dreg:s7], $0x5FFFF  }
0xb2: {  	[dreg:$0x1] =	wrdreg $0xFFFFFFFF  }
0xb3: {  	[dreg:$0x0] =	wrdreg $0x60  }
0xb4: {  	[dreg:$0x2] =	wrdreg s24  }
0xb5: {  	[dreg:$0x3] =	wrdreg s16  }
0xb6: {  	[dreg:$0x4] =	wrdreg $0x9  }
0xb7: {  	_ =	task.clear_ibuf [dreg:s7], $0x5FFFF;
	_ =	strace $0x90000049  }
0xb8: {  	s29 =	simm.s32 $0x9;
	_ =	strace $0x8000004B  }
0xb9: {  	_ =	swait.ge [sflag:s29], $0x1  }
0xba: {  	[sflag:s29] =	ssyncadd.s32 $0xFFFFFFFF  }
0xbb: {  	_ =	strace $0x9000004B  }
0xbc: {  	_ =	sfence  }
0xbd: {  	s30 =	sld [smem:$0x0];
	_ =	sdelay $0x2  }
0xbe: {  	s31 =	sshll.u32 s1, $0xD;
	s1 =	sshrl.u32 s1, $0x2  }
0xbf: {  	s3 =	sand.u32 $0x4000, s31;
	s1 =	sadd.s32 s1, s30  }
0xc0: {  	s0 =	sor.u32 s3, s0;
	s1 =	sshll.u32 s1, $0x11  }
0xc1: {  	s0 =	sor.u32 s1, s0  }
0xc2: {  	s0 =	sadd.s32 $0x8F2B, s0  }
0xc3: {  	[sflag:s0] =	ssyncadd.remote.s32 $0x1  }
0xc4: {  	_ =	sfence.sel $0xFFFF  }
0xc5: {  	[dreg:$0x0] =	wrdreg $0xFFFFFFFF;
	(pc) =	sbr.abs _section_cstart, $3  }
0xc6: {  	[dreg:$0x1] =	wrdreg $0xFFFFFFFF  }
0xc7: {  	_ =	task.clear_ibuf [dreg:s7], $0x2FFFF;
	_ =	strace $0x9FFFFFFF  }
0xc8: {  	(tm) =	ssettm $0x7FFFFFFF  }
0xc9: {  	_ =	shalt  }
tec
execute0_lowered:
.L_overlay_start_1:
0x0: {  	(tag) =	ssettag $0x1  }
0x1: {  	s5 =	rddreg [dreg:$0x0]  }
0x2: {  	s7 =	rddreg [dreg:$0x1];
	s2 =	srdreg.scid  }
0x3: {  	s0 =	rddreg [dreg:$0x2];
	s1 =	stileid.u32;
	s10 =	simm.s32 $0x2  }
0x4: {  	s11 =	simm.s32 $0xC020;
	s12 =	simm.s32 $0x1;
	s13 =	simm.s32 $0xD020  }
0x5: {  	s14 =	simm.s32 $0x0;
	s4 =	sand.u32 $0x1, s2;
	s2 =	simm.s32 $0x0  }
0x6: {  	s3 =	sshll.u32 s1, $0x9;
	s6 =	sshll.u32 s4, $0x8;
	[smem:$0x7FF] =	sst s2  }
.Ltmp0:
0x7: {  	s8 =	ssub.s32 $0x2, s4;
	s4 =	sadd.s32 $0x822800, s5;
	(pc) =	sbr.rel .LBB2_1-.Ltmp0, $4  }
0x8: {  	s3 =	sor.u32 s6, s3;
	_ =	strace $0x8000004A;
	s9 =	sshrl.u32 s8, $0x1  }
0x9: {  	s6 =	sshll.u32 s3, $0x1;
	s8 =	ssub.s32 s8, s9;
	s31 =	sshll.u32 s3, $0x2  }
0xa: {  	s9 =	simm.s32 $0xF020;
	s6 =	sadd.s32 s6, s5;
	s5 =	sadd.s32 $0x806800, s5  }
0xb: {  	v0 =	vlaneseq.u32;
	s7 =	sadd.s32 s7, s31;
	s8 =	smax.u32 s8, $0x1;
	s6 =	sadd.s32 $0x802800, s6  }
.LBB2_47:
0xc: {  	s14 =	sadd.s32 $0x1, s14  }
0xd: {  	p0 =	sne.s32 s14, s8  }
.Ltmp1:
0xe: {  	_ = 	snop;
	(pc) =	sbr.rel @!p0 .LBB2_48-.Ltmp1, $4  }
0xf: {  	[hbm4b:s7+s2] =	stream.linear.scatter [tilespmem:s13], [sflag:$0x2], $0x2000, $0x38;
	[tilespmem:$0xF030] =	vst v63  }
0x10: {  	_ =	swait.ge [sflag:s10], $0x2000  }
0x11: {  	[sflag:s10] =	ssyncset.done $0x0  }
0x12: {  	[sflag:s10] =	ssyncadd.s32 $0xFFFFE000  }
.LBB2_1:
0x13: {  	[tilespmem:s9], [sflag:$0x2] =	stream.linear.gather [hbm4b:s5+s2], $0x1, $0x38;
	[tilespmem:$0xF030] =	vst v63  }
0x14: {  	_ =	swait.ge [sflag:s10], $0x1  }
0x15: {  	[sflag:s10] =	ssyncset.done $0x0  }
.Ltmp2:
0x16: {  	[sflag:s10] =	ssyncadd.s32 $0xFFFFFFFF;
	(pc) =	sbr.rel .LBB2_2-.Ltmp2, $4  }
0x17: {  	v1 =	vld.msk [tilespmem:$0xF020 ss:$0x0], $0xffff;
	[tilespmem:s11], [sflag:$0x2] =	stream.linear.gather [hbm4b:s6+s2], $0x1000, $0x38  }
0x18: {  	_ =	swait.ge [sflag:s10], $0x1000  }
0x19: {  	[sflag:s10] =	ssyncset.done $0x0  }
0x1a: {  	s15 =	simm.s32 $0x0;
	[sflag:s10] =	ssyncadd.s32 $0xFFFFF000  }
.LBB2_38:
0x1b: {  	v3 =	vimm.s32 $0x0  }
.LBB2_46:
0x1c: {  	s15 =	sadd.s32 $0x1, s15  }
0x1d: {  	p0 =	sne.s32 s15, $0x40  }
.Ltmp3:
0x1e: {  	_ = 	snop;
	(pc) =	sbr.rel @!p0 .LBB2_47-.Ltmp3, $4  }
0x1f: {  	s16 =	sshll.u32 s16, $0x5  }
0x20: {  	s16 =	sand.u32 $0x3FFFFFE0, s16  }
0x21: {  	[tilespmem:s16+$0xD020] =	vst v2  }
0x22: {  	[tilespmem:s16+$0xD030] =	vst v3  }
.LBB2_2:
0x23: {  	s16 =	sshll.u32 s15, $0x2  }
0x24: {  	s17 =	sadd.s32 s3, s16  }
0x25: {  	s17 =	sshll.u32 s17, $0xA  }
0x26: {  	s25 =	simm.s32 $0x0;
	s18 =	sadd.s32 s4, s17  }
0x27: {  	[tilespmem:s25], [sflag:$0x1] =	stream.linear.gather [hbm4b:s18+s25], $0x8000, $0x38;
	[tilespmem:$0xF030] =	vst v63  }
0x28: {  	_ =	swait.ge [sflag:s12], $0x8000  }
0x29: {  	s26 =	sshll.u32 s15, $0x6;
	[sflag:s12] =	ssyncset.done $0x0  }
0x2a: {  	s18 =	sand.u32 $0x3FFFFFC0, s26;
	[sflag:s12] =	ssyncadd.s32 $0xFFFF8000  }
0x2b: {  	s28 =	simm.s32 $0x40;
	v2 =	vld [tilespmem:s18+$0xC020]  }
0x2c: {  	v3 =	vld [tilespmem:s28+$0xFFFFFFC0]  }
0x2d: {  	v4 =	vld [tilespmem:s28+$0x0]  }
0x2e: {  	v5 =	vld [tilespmem:s28+$0xFFFFFFD0]  }
0x2f: {  	v6 =	vld [tilespmem:s28+$0xFFFFFFF0]  }
0x30: {  	v7 =	vld [tilespmem:s28+$0xFFFFFFE0]  }
0x31: {  	s19 =	simm.s32 $0x0;
	s29 =	simm.s32 $0x10  }
0x32: {  	v8 =	vor.u32 s19, v0;
	v60 =	vor.u32 s29, v0;
	vm1 =	vle.f32 v3, v2  }
0x33: {  	vm0 =	vle.f32 v4, v2;
	vm2 =	vle.f32 v5, v2;
	v10 =	vmpcnt.ones.xlane vm1  }
0x34: {  	vm12 =	vle.f32 v6, v2;
	v3 =	vsel vm1, v3, v1;
	v11 =	vmpcnt.ones.xlane vm2  }
0x35: {  	vm3 =	vle.f32 v7, v2;
	(xrf1) =	vsort.ascd.msk.f32 $0xffff, v3, v8;
	v3 =	vmpcnt.ones.xlane vm12;
	(v2sf) =	vpush v10, $0x0  }
0x36: {  	v9 =	vmpcnt.ones.xlane vm0;
	v5 =	vsel vm2, v5, v1;
	(v2sf) =	vpush v11, $0x0  }
0x37: {  	s30 =	simm.s32 $0x20;
	v62 =	vld [tilespmem:s28+$0x10];
	v61 =	vmpcnt.ones.xlane vm3;
	(xrf1) =	vsort.ascd.msk.f32 $0xffff, v5, v60;
	(v2sf) =	vpush v3, $0x0  }
0x38: {  	v5 =	vor.u32 s30, v0;
	v3 =	vsel vm3, v7, v1;
	v7 =	vld [tilespmem:s28+$0x20];
	(v2sf) =	vpush v9, $0x0  }
0x39: {  	s31 =	simm.s32 $0x30;
	(xrf1) =	vsort.ascd.msk.f32 $0xffff, v3, v5;
	v3 =	vsel vm12, v6, v1;
	v6 =	vld [tilespmem:s28+$0x30];
	(v2sf) =	vpush v61, $0x0  }
0x3a: {  	v5 =	vor.u32 s31, v0  }
0x3b: {  	s20 =	simm.s32 $0x40;
	(xrf1) =	vsort.ascd.msk.f32 $0xffff, v3, v5  }
0x3c: {  	vm13 =	vle.f32 v62, v2;
	v3 =	vsel vm0, v4, v1;
	v4 =	vor.u32 s20, v0  }
0x3d: {  	s21 =	simm.s32 $0x50;
	v5 =	vmpcnt.ones.xlane vm13;
	(xrf1) =	vsort.ascd.msk.f32 $0xffff, v3, v4;
	v3 =	vsel vm13, v62, v1  }
0x3e: {  	v4 =	vor.u32 s21, v0;
	vm14 =	vle.f32 v7, v2;
	vm15 =	vle.f32 v6, v2  }
0x3f: {  	s22 =	simm.s32 $0x60;
	(xrf1) =	vsort.ascd.msk.f32 $0xffff, v3, v4;
	(v2sf) =	vpush v5, $0x0;
	v63 =	vmpcnt.ones.xlane vm14;
	v5 =	vmpcnt.ones.xlane vm15  }
0x40: {  	s23 =	simm.s32 $0x70;
	v4 =	vor.u32 s22, v0;
	v3 =	vsel vm14, v7, v1  }
0x41: {  	(xrf1) =	vsort.ascd.msk.f32 $0xffff, v3, v4;
	v4 =	vor.u32 s23, v0;
	(v2sf) =	vpush v63, $0x0  }
0x42: {  	v3 =	vsel vm15, v6, v1;
	(v2sf) =	vpush v5, $0x0  }
0x43: {  	v5, v6, _ =	vpop (xrf1);
	(xrf1) =	vsort.ascd.msk.f32 $0xffff, v3, v4  }
0x44: {  	[tilespmem:s25+$0x8000] =	vst v5;
	s24 =	spop (v2sf)  }
0x45: {  	[tilespmem:s25+$0xA010] =	vst v6;
	v3, v4, _ =	vpop (xrf1);
	s25 =	sadd.s32 $0x0, s24;
	s26 =	spop (v2sf)  }
0x46: {  	[tilespmem:s25+$0x8000] =	vst v3;
	s28 =	spop (v2sf)  }
0x47: {  	[tilespmem:s25+$0xA010] =	vst v4;
	s17 =	sadd.s32 s25, s26;
	v3, v4, _ =	vpop (xrf1);
	s29 =	spop (v2sf)  }
0x48: {  	[tilespmem:s17+$0x8000] =	vst v3;
	s20 =	spop (v2sf)  }
0x49: {  	[tilespmem:s17+$0xA010] =	vst v4;
	v3, v4, _ =	vpop (xrf1);
	s17 =	sadd.s32 s17, s20  }
0x4a: {  	[tilespmem:s17+$0x8000] =	vst v3  }
0x4b: {  	[tilespmem:s17+$0xA010] =	vst v4;
	s17 =	sadd.s32 s17, s28;
	v3, v4, _ =	vpop (xrf1)  }
0x4c: {  	[tilespmem:s17+$0x8000] =	vst v3  }
0x4d: {  	[tilespmem:s17+$0xA010] =	vst v4;
	s18 =	sadd.s32 s17, s29;
	v3, v4, _ =	vpop (xrf1)  }
0x4e: {  	s30 =	spop (v2sf);
	[tilespmem:s18+$0x8000] =	vst v3  }
0x4f: {  	s19 =	simm.s32 $0xF0;
	s22 =	simm.s32 $0x1F0;
	[tilespmem:s18+$0xA010] =	vst v4;
	s18 =	sadd.s32 s18, s30;
	v3, v4, _ =	vpop (xrf1)  }
0x50: {  	s23 =	simm.s32 $0x140;
	s25 =	simm.s32 $0x80;
	[tilespmem:s18+$0x8000] =	vst v3;
	s21 =	spop (v2sf)  }
0x51: {  	s20 =	simm.s32 $0xC0;
	[tilespmem:s18+$0xA010] =	vst v4;
	s24 =	sadd.s32 s18, s21;
	s31 =	spop (v2sf);
	v5, v4, _ =	vpop (xrf1)  }
0x52: {  	s17 =	simm.s32 $0x170;
	v3 =	vor.u32 s25, v0;
	s18 =	simm.s32 $0x140;
	s21 =	sadd.s32 s24, s31;
	[tilespmem:s24+$0x8000] =	vst v5  }
.LBB2_3:
0x53: {  	p0 =	sne.s32 s22, $0x1FF0  }
0x54: {  	s23 =	sadd.s32 $0x80, s23;
	[tilespmem:s24+$0xA010] =	vst v4;
	s24 =	smov.u32 s22;
	s22 =	sadd.s32 $0x80, s22  }
0x55: {  	v4 =	vld [tilespmem:s20+$0xFFFFFFC0]  }
0x56: {  	v5 =	vld [tilespmem:s20+$0x0]  }
0x57: {  	v6 =	vld [tilespmem:s20+$0xFFFFFFD0]  }
0x58: {  	v7 =	vld [tilespmem:s20+$0xFFFFFFE0]  }
0x59: {  	v8 =	vld [tilespmem:s20+$0xFFFFFFF0];
	_ =	sdelay $0x1  }
0x5a: {  	vm0 =	vle.f32 v5, v2  }
0x5b: {  	vm1 =	vle.f32 v4, v2;
	vm2 =	vle.f32 v6, v2;
	v9 =	vmpcnt.ones.xlane vm0  }
0x5c: {  	v10 =	vmpcnt.ones.xlane vm1;
	v4 =	vsel vm1, v4, v1;
	vm1 =	vle.f32 v7, v2  }
0x5d: {  	v11 =	vmpcnt.ones.xlane vm2;
	v12 =	vmpcnt.ones.xlane vm1;
	vm3 =	vle.f32 v8, v2;
	(xrf1) =	vsort.ascd.msk.f32 $0xffff, v4, v3  }
0x5e: {  	s25 =	sadd.s32 $0xFFFFFFA0, s19;
	v3 =	vsel vm1, v7, v1;
	v4 =	vmpcnt.ones.xlane vm3;
	(v2sf) =	vpush v10, $0x0  }
0x5f: {  	v6 =	vsel vm2, v6, v1;
	v7 =	vor.u32 s25, v0;
	(v2sf) =	vpush v11, $0x0  }
0x60: {  	v5 =	vsel vm0, v5, v1;
	s25 =	sadd.s32 $0xFFFFFFB0, s19;
	v8 =	vsel vm3, v8, v1;
	v10 =	vld [tilespmem:s20+$0x10];
	(xrf1) =	vsort.ascd.msk.f32 $0xffff, v6, v7;
	(v2sf) =	vpush v4, $0x0  }
0x61: {  	v4 =	vor.u32 s25, v0;
	(v2sf) =	vpush v9, $0x0  }
0x62: {  	s25 =	sadd.s32 $0xFFFFFFC0, s19;
	v6 =	vld [tilespmem:s20+$0x20];
	(xrf1) =	vsort.ascd.msk.f32 $0xffff, v3, v4;
	(v2sf) =	vpush v12, $0x0  }
0x63: {  	v3 =	vor.u32 s25, v0;
	v4 =	vld [tilespmem:s20+$0x30];
	s20 =	smov.u32 s18;
	s18 =	smov.u32 s23  }
0x64: {  	s25 =	sadd.s32 $0xFFFFFFD0, s19;
	(xrf1) =	vsort.ascd.msk.f32 $0xffff, v8, v3  }
0x65: {  	v3 =	vor.u32 s25, v0;
	vm0 =	vle.f32 v10, v2  }
0x66: {  	s25 =	sadd.s32 $0xFFFFFFE0, s19;
	v7 =	vmpcnt.ones.xlane vm0;
	v8 =	vsel vm0, v10, v1;
	(xrf1) =	vsort.ascd.msk.f32 $0xffff, v5, v3  }
0x67: {  	v3 =	vor.u32 s25, v0;
	s25 =	sadd.s32 $0xFFFFFFF0, s19;
	vm0 =	vle.f32 v6, v2  }
0x68: {  	v5 =	vmpcnt.ones.xlane vm0;
	(xrf1) =	vsort.ascd.msk.f32 $0xffff, v8, v3;
	v3 =	vsel vm0, v6, v1;
	v6 =	vor.u32 s25, v0  }
0x69: {  	vm1 =	vle.f32 v4, v2;
	(v2sf) =	vpush v7, $0x0  }
0x6a: {  	v7 =	vmpcnt.ones.xlane vm1  }
0x6b: {  	v4 =	vsel vm1, v4, v1;
	(xrf1) =	vsort.ascd.msk.f32 $0xffff, v3, v6;
	(v2sf) =	vpush v5, $0x0  }
0x6c: {  	v3 =	vor.u32 s19, v0;
	s19 =	smov.u32 s17;
	s17 =	smov.u32 s24;
	(v2sf) =	vpush v7, $0x0;
	v5, v6, _ =	vpop (xrf1)  }
0x6d: {  	[tilespmem:s21+$0x8000] =	vst v5;
	(xrf1) =	vsort.ascd.msk.f32 $0xffff, v4, v3  }
0x6e: {  	[tilespmem:s21+$0xA010] =	vst v6;
	s24 =	spop (v2sf)  }
0x6f: {  	s21 =	sadd.s32 s21, s24;
	v3, v4, _ =	vpop (xrf1);
	s24 =	spop (v2sf)  }
0x70: {  	[tilespmem:s21+$0x8000] =	vst v3;
	s25 =	spop (v2sf)  }
0x71: {  	[tilespmem:s21+$0xA010] =	vst v4;
	s21 =	sadd.s32 s21, s24;
	v3, v4, _ =	vpop (xrf1);
	s24 =	spop (v2sf)  }
0x72: {  	[tilespmem:s21+$0x8000] =	vst v3;
	s26 =	spop (v2sf)  }
0x73: {  	[tilespmem:s21+$0xA010] =	vst v4;
	s21 =	sadd.s32 s21, s26;
	v3, v4, _ =	vpop (xrf1)  }
0x74: {  	s26 =	sadd.s32 $0xFFFFFF90, s19;
	[tilespmem:s21+$0x8000] =	vst v3  }
0x75: {  	v3 =	vor.u32 s26, v0;
	[tilespmem:s21+$0xA010] =	vst v4;
	s21 =	sadd.s32 s21, s25;
	v4, v5, _ =	vpop (xrf1)  }
0x76: {  	[tilespmem:s21+$0x8000] =	vst v4  }
0x77: {  	[tilespmem:s21+$0xA010] =	vst v5;
	s21 =	sadd.s32 s21, s24;
	v4, v5, _ =	vpop (xrf1)  }
.Ltmp4:
0x78: {  	[tilespmem:s21+$0x8000] =	vst v4;
	s24 =	spop (v2sf);
	(pc) =	sbr.rel @p0 .LBB2_3-.Ltmp4, $4  }
0x79: {  	[tilespmem:s21+$0xA010] =	vst v5;
	s21 =	sadd.s32 s21, s24;
	v4, v5, _ =	vpop (xrf1)  }
0x7a: {  	[tilespmem:s21+$0x8000] =	vst v4;
	s24 =	spop (v2sf)  }
0x7b: {  	[tilespmem:s21+$0xA010] =	vst v5;
	s24 =	sadd.s32 s21, s24;
	v5, v4, _ =	vpop (xrf1);
	s21 =	spop (v2sf)  }
0x7c: {  	[tilespmem:s24+$0x8000] =	vst v5;
	s21 =	sadd.s32 s24, s21  }
0x7d: {  	[tilespmem:s24+$0xA010] =	vst v4  }
0x7e: {  	v4 =	vld [tilespmem:s20+$0xFFFFFFC0]  }
0x7f: {  	v5 =	vld [tilespmem:s20+$0x0]  }
0x80: {  	v6 =	vld [tilespmem:s20+$0xFFFFFFD0]  }
0x81: {  	v7 =	vld [tilespmem:s20+$0xFFFFFFF0]  }
0x82: {  	v8 =	vld [tilespmem:s20+$0xFFFFFFE0]  }
0x83: {  	s22 =	sadd.s32 $0xFFFFFFA0, s19  }
0x84: {  	v21 =	vor.u32 s22, v0;
	vm1 =	vle.f32 v4, v2  }
0x85: {  	vm0 =	vle.f32 v5, v2;
	vm2 =	vle.f32 v6, v2;
	v10 =	vmpcnt.ones.xlane vm1  }
0x86: {  	vm15 =	vle.f32 v7, v2;
	v4 =	vsel vm1, v4, v1;
	v11 =	vmpcnt.ones.xlane vm2  }
0x87: {  	vm3 =	vle.f32 v8, v2;
	(xrf1) =	vsort.ascd.msk.f32 $0xffff, v4, v3;
	v3 =	vmpcnt.ones.xlane vm15;
	(v2sf) =	vpush v10, $0x0  }
0x88: {  	v9 =	vmpcnt.ones.xlane vm0;
	v20 =	vsel vm2, v6, v1;
	(v2sf) =	vpush v11, $0x0  }
0x89: {  	s30 =	sadd.s32 $0xFFFFFFB0, s19;
	v23 =	vld [tilespmem:s20+$0x10];
	v22 =	vmpcnt.ones.xlane vm3;
	(xrf1) =	vsort.ascd.msk.f32 $0xffff, v20, v21;
	(v2sf) =	vpush v3, $0x0  }
0x8a: {  	v24 =	vor.u32 s30, v0;
	v3 =	vsel vm3, v8, v1;
	(v2sf) =	vpush v9, $0x0  }
0x8b: {  	s31 =	sadd.s32 $0xFFFFFFC0, s19;
	v25 =	vld [tilespmem:s20+$0x20];
	(xrf1) =	vsort.ascd.msk.f32 $0xffff, v3, v24;
	(v2sf) =	vpush v22, $0x0  }
0x8c: {  	v26 =	vor.u32 s31, v0;
	v3 =	vsel vm15, v7, v1  }
0x8d: {  	s23 =	sadd.s32 $0xFFFFFFD0, s19;
	(xrf1) =	vsort.ascd.msk.f32 $0xffff, v3, v26  }
0x8e: {  	v27 =	vld [tilespmem:s20+$0x30];
	v28 =	vor.u32 s23, v0;
	vm5 =	vle.f32 v23, v2;
	v3 =	vsel vm0, v5, v1  }
0x8f: {  	s24 =	sadd.s32 $0xFFFFFFE0, s19;
	v29 =	vmpcnt.ones.xlane vm5;
	(xrf1) =	vsort.ascd.msk.f32 $0xffff, v3, v28  }
0x90: {  	v30 =	vor.u32 s24, v0;
	vm6 =	vle.f32 v25, v2;
	v3 =	vsel vm5, v23, v1  }
0x91: {  	s25 =	sadd.s32 $0xFFFFFFF0, s19;
	v31 =	vmpcnt.ones.xlane vm6;
	(v2sf) =	vpush v29, $0x0;
	(xrf1) =	vsort.ascd.msk.f32 $0xffff, v3, v30  }
0x92: {  	v32 =	vor.u32 s25, v0;
	v3 =	vsel vm6, v25, v1  }
0x93: {  	vm7 =	vle.f32 v27, v2;
	(v2sf) =	vpush v31, $0x0;
	(xrf1) =	vsort.ascd.msk.f32 $0xffff, v3, v32  }
0x94: {  	v33 =	vor.u32 s19, v0;
	v3 =	vsel vm7, v27, v1  }
0x95: {  	v35, v34, _ =	vpop (xrf1);
	(xrf1) =	vsort.ascd.msk.f32 $0xffff, v3, v33  }
0x96: {  	[tilespmem:s21+$0x8000] =	vst v35;
	s26 =	spop (v2sf)  }
0x97: {  	[tilespmem:s21+$0xA010] =	vst v34;
	v3, v4, _ =	vpop (xrf1);
	s19 =	sadd.s32 s21, s26;
	s28 =	spop (v2sf)  }
0x98: {  	[tilespmem:s19+$0x8000] =	vst v3;
	s29 =	spop (v2sf)  }
0x99: {  	[tilespmem:s19+$0xA010] =	vst v4;
	s19 =	sadd.s32 s19, s28;
	v3, v36, _ =	vpop (xrf1);
	s30 =	spop (v2sf)  }
0x9a: {  	[tilespmem:s19+$0x8000] =	vst v3;
	s31 =	spop (v2sf)  }
0x9b: {  	[tilespmem:s19+$0xA010] =	vst v36;
	v3, v37, _ =	vpop (xrf1);
	s19 =	sadd.s32 s19, s31  }
0x9c: {  	[tilespmem:s19+$0x8000] =	vst v3  }
0x9d: {  	[tilespmem:s19+$0xA010] =	vst v37;
	s19 =	sadd.s32 s19, s29;
	v3, v38, _ =	vpop (xrf1)  }
0x9e: {  	[tilespmem:s19+$0x8000] =	vst v3  }
0x9f: {  	[tilespmem:s19+$0xA010] =	vst v38;
	s19 =	sadd.s32 s19, s30;
	v3, v39, _ =	vpop (xrf1)  }
0xa0: {  	s22 =	spop (v2sf);
	[tilespmem:s19+$0x8000] =	vst v3  }
0xa1: {  	[tilespmem:s19+$0xA010] =	vst v39;
	s19 =	sadd.s32 s19, s22;
	v3, v40, _ =	vpop (xrf1)  }
0xa2: {  	s23 =	spop (v2sf);
	[tilespmem:s19+$0x8000] =	vst v3  }
0xa3: {  	[tilespmem:s19+$0xA010] =	vst v40;
	s19 =	sadd.s32 s19, s23;
	v3, v41, _ =	vpop (xrf1)  }
0xa4: {  	[tilespmem:s19+$0x8000] =	vst v3  }
0xa5: {  	[tilespmem:s19+$0xA010] =	vst v41  }
0xa6: {  	v3 =	vld [tilespmem:s18+$0xFFFFFFC0]  }
0xa7: {  	v4 =	vld [tilespmem:s18+$0x0]  }
0xa8: {  	v5 =	vld [tilespmem:s18+$0xFFFFFFD0]  }
0xa9: {  	v43 =	vld [tilespmem:s18+$0xFFFFFFF0]  }
0xaa: {  	s24 =	sadd.s32 $0xFFFFFF90, s17;
	v42 =	vmpcnt.ones.xlane vm7;
	v44 =	vld [tilespmem:s18+$0xFFFFFFE0]  }
0xab: {  	s25 =	sadd.s32 $0xFFFFFFA0, s17;
	v45 =	vor.u32 s24, v0  }
0xac: {  	v49 =	vor.u32 s25, v0;
	(v2sf) =	vpush v42, $0x0;
	vm9 =	vle.f32 v3, v2  }
0xad: {  	vm8 =	vle.f32 v4, v2;
	vm10 =	vle.f32 v5, v2;
	v47 =	vmpcnt.ones.xlane vm9  }
0xae: {  	vm11 =	vle.f32 v43, v2;
	v3 =	vsel vm9, v3, v1;
	v48 =	vmpcnt.ones.xlane vm10  }
0xaf: {  	vm12 =	vle.f32 v44, v2;
	(xrf1) =	vsort.ascd.msk.f32 $0xffff, v3, v45;
	v3 =	vmpcnt.ones.xlane vm11;
	(v2sf) =	vpush v47, $0x0  }
0xb0: {  	v50 =	vld [tilespmem:s18+$0x10];
	v46 =	vmpcnt.ones.xlane vm8;
	v5 =	vsel vm10, v5, v1;
	(v2sf) =	vpush v48, $0x0  }
0xb1: {  	s26 =	sadd.s32 $0xFFFFFFB0, s17;
	v51 =	vmpcnt.ones.xlane vm12;
	(xrf1) =	vsort.ascd.msk.f32 $0xffff, v5, v49;
	(v2sf) =	vpush v3, $0x0;
	v3 =	vld [tilespmem:s18+$0x20]  }
0xb2: {  	v53 =	vor.u32 s26, v0;
	v54 =	vld [tilespmem:s18+$0x30];
	v52 =	vsel vm12, v44, v1;
	(v2sf) =	vpush v46, $0x0  }
0xb3: {  	s28 =	sadd.s32 $0xFFFFFFC0, s17;
	(xrf1) =	vsort.ascd.msk.f32 $0xffff, v52, v53;
	(v2sf) =	vpush v51, $0x0  }
0xb4: {  	v56 =	vor.u32 s28, v0;
	s29 =	sadd.s32 $0xFFFFFFD0, s17;
	v55 =	vsel vm11, v43, v1  }
0xb5: {  	v57 =	vor.u32 s29, v0;
	vm13 =	vle.f32 v50, v2;
	(xrf1) =	vsort.ascd.msk.f32 $0xffff, v55, v56  }
0xb6: {  	v4 =	vsel vm8, v4, v1;
	v58 =	vmpcnt.ones.xlane vm13;
	vm14 =	vle.f32 v3, v2  }
0xb7: {  	vm15 =	vle.f32 v54, v2;
	(xrf1) =	vsort.ascd.msk.f32 $0xffff, v4, v57;
	v60 =	vmpcnt.ones.xlane vm14  }
0xb8: {  	s30 =	sadd.s32 $0xFFFFFFE0, s17;
	v61 =	vmpcnt.ones.xlane vm15;
	(v2sf) =	vpush v58, $0x0  }
0xb9: {  	s31 =	sadd.s32 $0xFFFFFFF0, s17;
	v59 =	vsel vm13, v50, v1;
	v2 =	vor.u32 s30, v0;
	(v2sf) =	vpush v60, $0x0  }
0xba: {  	(xrf1) =	vsort.ascd.msk.f32 $0xffff, v59, v2;
	v2 =	vsel vm14, v3, v1;
	v3 =	vor.u32 s31, v0;
	(v2sf) =	vpush v61, $0x0  }
0xbb: {  	(xrf1) =	vsort.ascd.msk.f32 $0xffff, v2, v3;
	v3 =	vor.u32 s17, v0  }
0xbc: {  	s20 =	spop (v2sf);
	v2 =	vsel vm15, v54, v1  }
0xbd: {  	s21 =	sadd.s32 s19, s20;
	v62, v63, _ =	vpop (xrf1)  }
0xbe: {  	[tilespmem:s21+$0x8000] =	vst v62;
	s22 =	spop (v2sf)  }
0xbf: {  	(xrf1) =	vsort.ascd.msk.f32 $0xffff, v2, v3;
	[tilespmem:s21+$0xA010] =	vst v63;
	v2, v3, _ =	vpop (xrf1);
	s17 =	sadd.s32 s21, s22;
	s23 =	spop (v2sf)  }
0xc0: {  	[tilespmem:s17+$0x8000] =	vst v2;
	s24 =	spop (v2sf)  }
0xc1: {  	[tilespmem:s17+$0xA010] =	vst v3;
	s17 =	sadd.s32 s17, s23;
	v2, v3, _ =	vpop (xrf1);
	s25 =	spop (v2sf)  }
0xc2: {  	[tilespmem:s17+$0x8000] =	vst v2;
	s26 =	spop (v2sf)  }
0xc3: {  	[tilespmem:s17+$0xA010] =	vst v3;
	v2, v3, _ =	vpop (xrf1);
	s17 =	sadd.s32 s17, s26  }
0xc4: {  	[tilespmem:s17+$0x8000] =	vst v2  }
0xc5: {  	[tilespmem:s17+$0xA010] =	vst v3;
	s17 =	sadd.s32 s17, s24;
	v2, v3, _ =	vpop (xrf1)  }
0xc6: {  	[tilespmem:s17+$0x8000] =	vst v2  }
0xc7: {  	s28 =	spop (v2sf);
	[tilespmem:s17+$0xA010] =	vst v3;
	s17 =	sadd.s32 s17, s25  }
0xc8: {  	s18 =	sadd.s32 s17, s28;
	s29 =	spop (v2sf)  }
0xc9: {  	v2, v3, _ =	vpop (xrf1);
	s19 =	sadd.s32 s18, s29;
	s30 =	spop (v2sf)  }
0xca: {  	[tilespmem:s17+$0x8000] =	vst v2;
	s31 =	sadd.s32 s19, s30  }
0xcb: {  	[tilespmem:s17+$0xA010] =	vst v3;
	s17 =	sadd.s32 $0xF, s31  }
0xcc: {  	s17 =	sshrl.u32 s17, $0x4  }
0xcd: {  	v2, v3, _ =	vpop (xrf1);
	p0 =	seq.s32 s17, $0x0  }
.Ltmp5:
0xce: {  	[tilespmem:s18+$0x8000] =	vst v2;
	(pc) =	sbr.rel @p0 .LBB2_5-.Ltmp5, $4  }
0xcf: {  	[tilespmem:s18+$0xA010] =	vst v3;
	v2, v3, _ =	vpop (xrf1)  }
0xd0: {  	[tilespmem:s19+$0x8000] =	vst v2  }
0xd1: {  	[tilespmem:s19+$0xA010] =	vst v3  }
0xd2: {  	v2 =	vimm.s32 $0x0;
	[tilespmem:s31+$0x8000] =	vst v1  }
0xd3: {  	s18 =	simm.s32 $0x8000  }
0xd4: {  	s19 =	simm.s32 $0xA010;
	v3 =	vld [tilespmem:s18+$0x0]  }
0xd5: {  	p2 =	sne.s32 s17, $0x1;
	v4 =	vld [tilespmem:s19+$0x0]  }
.Ltmp6:
0xd6: {  	_ = 	snop;
	(pc) =	sbr.rel @!p2 .LBB2_7-.Ltmp6, $2  }
0xd7: {  	_ =	sdelay $0x2  }
0xd8: {  	s17 =	sadd.s32 $0xFFFFFFFF, s17;
	p0 =	por $0x0, $0x0;
	p1 =	por $0x0, $0x0;
	(xrf1) =	vsort.ascd.msk.f32 $0xffff, v3, v4;
	v3 =	vmul.u32 $0xFFFFFFFF, v0  }
0xd9: {  	_ =	sdelay $0x6  }
0xda: {  	s18 =	simm.s32 $0x8010  }
0xdb: {  	s31 =	simm.s32 $0xA020;
	v7 =	vld [tilespmem:s18+$0x0]  }
0xdc: {  	p2 =	sne.s32 s17, $0x1;
	v8 =	vld [tilespmem:s31+$0x0]  }
.Ltmp7:
0xdd: {  	_ = 	snop;
	(pc) =	sbr.rel @!p2 .LBB2_9-.Ltmp7, $3  }
0xde: {  	_ =	sdelay $0x1  }
0xdf: {  	v4 =	vadd.s32 $0xF, v3;
	v5, v6, _ =	vpop (xrf1)  }
0xe0: {  	s19 =	sadd.s32 $0xFFFFFFFF, s17;
	p0 =	por $0x1, $0x1;
	(xrf1) =	vsort.ascd.msk.f32 $0xffff, v7, v8;
	v5 =	vperm.xlane v5, v4  }
0xe1: {  	_ =	sdelay $0x6  }
0xe2: {  	s17 =	simm.s32 $0x8020;
	v6 =	vperm.xlane v6, v4;
	vm0 =	vle.f32 v1, v5  }
0xe3: {  	s18 =	simm.s32 $0xA030;
	v7 =	vld [tilespmem:s17+$0x0];
	v5 =	vsel vm0, v1, v5  }
0xe4: {  	p2 =	sne.s32 s19, $0x1;
	v8 =	vld [tilespmem:s18+$0x0];
	v6 =	vsel vm0, v2, v6;
	vm15 =	vle.f32 v1, v5  }
.Ltmp8:
0xe5: {  	v9 =	vsel vm15, v5, v1;
	v10 =	vsel vm15, v6, v2;
	(pc) =	sbr.rel @!p2 .LBB2_12-.Ltmp8, $4  }
0xe6: {  	v5 =	vsel vm15, v1, v5;
	v11 =	vsel vm15, v2, v6;
	(xrf1) =	vsort.ascd.msk.f32 $0xffff, v9, v10  }
0xe7: {  	(xrf1) =	vsort.ascd.msk.f32 $0xffff, v5, v11  }
0xe8: {  	v63, v6, _ =	vpop (xrf1)  }
0xe9: {  	s19 =	sadd.s32 $0xFFFFFFFF, s19;
	p1 =	por $0x1, $0x1;
	(xrf1) =	vsort.ascd.msk.f32 $0xffff, v7, v8;
	v5 =	vperm.xlane v63, v4  }
.LBB2_11:
0xea: {  	_ = 	snop  }
0xeb: {  	p2 =	sne.s32 s19, $0x1;
	s19 =	sadd.s32 $0xFFFFFFFF, s19;
	_ =	sdelay $0x8  }
0xec: {  	v7, v8, _ =	vpop (xrf1)  }
0xed: {  	s17 =	sadd.s32 $0x10, s17;
	v9 =	vperm.xlane v6, v4;
	vm0 =	vle.f32 v7, v5;
	v10, v11, _ =	vpop (xrf1)  }
0xee: {  	s18 =	sadd.s32 $0x10, s18;
	v12 =	vld [tilespmem:s17+$0x0];
	v7 =	vsel vm0, v7, v5  }
0xef: {  	v8 =	vsel vm0, v8, v9;
	v13 =	vld [tilespmem:s18+$0x0];
	v5, v6, _ =	vpop (xrf1);
	vm0 =	vle.f32 v10, v7  }
.Ltmp9:
0xf0: {  	v5 =	vperm.xlane v5, v4;
	v9 =	vsel vm0, v7, v10;
	v14 =	vsel vm0, v8, v11;
	(pc) =	sbr.rel @p2 .LBB2_11-.Ltmp9, $3  }
0xf1: {  	v7 =	vsel vm0, v10, v7;
	v8 =	vsel vm0, v11, v8;
	(xrf1) =	vsort.ascd.msk.f32 $0xffff, v9, v14  }
0xf2: {  	(xrf1) =	vsort.ascd.msk.f32 $0xffff, v7, v8;
	_ =	sdelay $0x1  }
0xf3: {  	(xrf1) =	vsort.ascd.msk.f32 $0xffff, v12, v13  }
.LBB2_12:
0xf4: {  	_ =	sdelay $0x9  }
0xf5: {  	v7, v8, _ =	vpop @p1 (xrf1)  }
0xf6: {  	v7 =	vpsel p1, v7, v1  }
0xf7: {  	v4 =	vperm.xlane @p0 v6, v4;
	v6, v9, _ =	vpop @p1 (xrf1);
	vm0 =	vle.f32 @p0 v7, v5  }
0xf8: {  	v6 =	vpsel p1, v6, v1;
	v5 =	vsel @p0 vm0, v7, v5;
	v7 =	vpsel p1, v8, v2  }
0xf9: {  	v4 =	vsel @p0 vm0, v7, v4;
	vm0 =	vle.f32 @p0 v6, v5;
	v7 =	vpsel p1, v9, v2  }
0xfa: {  	v8 =	vsel @p0 vm0, v5, v6;
	v9 =	vsel @p0 vm0, v4, v7  }
0xfb: {  	(xrf1) =	vsort.ascd.msk.f32 @p0 $0xffff, v8, v9  }
0xfc: {  	v5 =	vsel @p0 vm0, v6, v5;
	v4 =	vsel @p0 vm0, v7, v4  }
0xfd: {  	(xrf1) =	vsort.ascd.msk.f32 @p0 $0xffff, v5, v4;
	_ =	sdelay $0xa  }
0xfe: {  	v3 =	vadd.s32 $0xF, v3;
	v4, v5, _ =	vpop (xrf1)  }
0xff: {  	v4 =	vperm.xlane v4, v3;
	v6, v7, _ =	vpop @p0 (xrf1)  }
0x100: {  	v6 =	vpsel p0, v6, v1  }
0x101: {  	v3 =	vperm.xlane v5, v3;
	v5, v8, _ =	vpop @p0 (xrf1);
	vm14 =	vle.f32 v6, v4  }
0x102: {  	v61 =	vpsel p0, v7, v2;
	v5 =	vpsel p0, v5, v1;
	v4 =	vsel vm14, v6, v4  }
0x103: {  	v2 =	vpsel p0, v8, v2;
	v3 =	vsel vm14, v61, v3;
	vm15 =	vle.f32 v5, v4  }
0x104: {  	v62 =	vsel vm15, v4, v5;
	v63 =	vsel vm15, v3, v2  }
0x105: {  	(xrf1) =	vsort.ascd.msk.f32 $0xffff, v62, v63  }
0x106: {  	v4 =	vsel vm15, v5, v4;
	v2 =	vsel vm15, v2, v3  }
0x107: {  	(xrf1) =	vsort.ascd.msk.f32 $0xffff, v4, v2;
	_ =	sdelay $0x9  }
.Ltmp10:
0x108: {  	_ = 	snop;
	(pc) =	sbr.rel .LBB2_13-.Ltmp10, $3  }
0x109: {  	_ = 	snop  }
0x10a: {  	v2, v3, _ =	vpop (xrf1);
	_ =	sdelay $0x1  }
0x10b: {  	v4, v2, _ =	vpop (xrf1)  }
.LBB2_5:
0x10c: {  	v3 =	vimm.s32 $0x0  }
.LBB2_13:
0x10d: {  	s17 =	sshll.u32 s15, $0x7  }
0x10e: {  	s18 =	sand.u32 $0x3FFFFF80, s17  }
0x10f: {  	[tilespmem:s18+$0xD020] =	vst v2  }
0x110: {  	s26 =	simm.s32 $0x2070;
	s17 =	sor.u32 $0x1, s16;
	[tilespmem:s18+$0xD030] =	vst v3  }
0x111: {  	s19 =	sshll.u32 s17, $0x4;
	v3 =	vld [tilespmem:s26+$0xFFFFFF90]  }
0x112: {  	s25 =	sand.u32 $0x3FFFFFF0, s19;
	v4 =	vld [tilespmem:s26+$0xFFFFFFD0]  }
0x113: {  	v2 =	vld [tilespmem:s25+$0xC020]  }
0x114: {  	v5 =	vld [tilespmem:s26+$0xFFFFFFA0]  }
0x115: {  	v6 =	vld [tilespmem:s26+$0xFFFFFFC0]  }
0x116: {  	v7 =	vld [tilespmem:s26+$0xFFFFFFB0]  }
0x117: {  	s28 =	simm.s32 $0x0;
	s29 =	simm.s32 $0x10  }
0x118: {  	v8 =	vor.u32 s28, v0;
	v60 =	vor.u32 s29, v0;
	vm1 =	vle.f32 v3, v2  }
0x119: {  	vm0 =	vle.f32 v4, v2;
	vm2 =	vle.f32 v5, v2;
	v10 =	vmpcnt.ones.xlane vm1  }
0x11a: {  	vm12 =	vle.f32 v6, v2;
	v3 =	vsel vm1, v3, v1;
	v11 =	vmpcnt.ones.xlane vm2  }
0x11b: {  	vm3 =	vle.f32 v7, v2;
	(xrf1) =	vsort.ascd.msk.f32 $0xffff, v3, v8;
	v3 =	vmpcnt.ones.xlane vm12;
	(v2sf) =	vpush v10, $0x0  }
0x11c: {  	v9 =	vmpcnt.ones.xlane vm0;
	v5 =	vsel vm2, v5, v1;
	(v2sf) =	vpush v11, $0x0  }
0x11d: {  	s30 =	simm.s32 $0x20;
	v62 =	vld [tilespmem:s26+$0xFFFFFFE0];
	v61 =	vmpcnt.ones.xlane vm3;
	(xrf1) =	vsort.ascd.msk.f32 $0xffff, v5, v60;
	(v2sf) =	vpush v3, $0x0  }
0x11e: {  	v5 =	vor.u32 s30, v0;
	v3 =	vsel vm3, v7, v1;
	v7 =	vld [tilespmem:s26+$0xFFFFFFF0];
	(v2sf) =	vpush v9, $0x0  }
0x11f: {  	s31 =	simm.s32 $0x30;
	(xrf1) =	vsort.ascd.msk.f32 $0xffff, v3, v5;
	v3 =	vsel vm12, v6, v1;
	v6 =	vld [tilespmem:s26+$0x0];
	(v2sf) =	vpush v61, $0x0  }
0x120: {  	v5 =	vor.u32 s31, v0  }
0x121: {  	s20 =	simm.s32 $0x40;
	(xrf1) =	vsort.ascd.msk.f32 $0xffff, v3, v5  }
0x122: {  	vm13 =	vle.f32 v62, v2;
	v3 =	vsel vm0, v4, v1;
	v4 =	vor.u32 s20, v0  }
0x123: {  	s21 =	simm.s32 $0x50;
	v5 =	vmpcnt.ones.xlane vm13;
	(xrf1) =	vsort.ascd.msk.f32 $0xffff, v3, v4;
	v3 =	vsel vm13, v62, v1  }
0x124: {  	v4 =	vor.u32 s21, v0;
	vm14 =	vle.f32 v7, v2;
	vm15 =	vle.f32 v6, v2  }
0x125: {  	s22 =	simm.s32 $0x60;
	(xrf1) =	vsort.ascd.msk.f32 $0xffff, v3, v4;
	(v2sf) =	vpush v5, $0x0;
	v63 =	vmpcnt.ones.xlane vm14;
	v5 =	vmpcnt.ones.xlane vm15  }
0x126: {  	s23 =	simm.s32 $0x70;
	v4 =	vor.u32 s22, v0;
	v3 =	vsel vm14, v7, v1  }
0x127: {  	(xrf1) =	vsort.ascd.msk.f32 $0xffff, v3, v4;
	v4 =	vor.u32 s23, v0;
	(v2sf) =	vpush v63, $0x0  }
0x128: {  	v3 =	vsel vm15, v6, v1;
	(v2sf) =	vpush v5, $0x0  }
0x129: {  	s24 =	simm.s32 $0x0;
	v5, v6, _ =	vpop (xrf1);
	(xrf1) =	vsort.ascd.msk.f32 $0xffff, v3, v4  }
0x12a: {  	[tilespmem:s24+$0x8000] =	vst v5;
	s25 =	spop (v2sf)  }
0x12b: {  	[tilespmem:s24+$0xA010] =	vst v6;
	v3, v4, _ =	vpop (xrf1);
	s26 =	sadd.s32 $0x0, s25;
	s28 =	spop (v2sf)  }
0x12c: {  	[tilespmem:s26+$0x8000] =	vst v3;
	s20 =	spop (v2sf)  }
0x12d: {  	[tilespmem:s26+$0xA010] =	vst v4;
	s18 =	sadd.s32 s26, s28;
	v3, v4, _ =	vpop (xrf1);
	s29 =	spop (v2sf)  }
0x12e: {  	[tilespmem:s18+$0x8000] =	vst v3;
	s21 =	spop (v2sf)  }
0x12f: {  	[tilespmem:s18+$0xA010] =	vst v4;
	v3, v4, _ =	vpop (xrf1);
	s18 =	sadd.s32 s18, s21  }
0x130: {  	[tilespmem:s18+$0x8000] =	vst v3  }
0x131: {  	[tilespmem:s18+$0xA010] =	vst v4;
	s18 =	sadd.s32 s18, s20;
	v3, v4, _ =	vpop (xrf1)  }
0x132: {  	[tilespmem:s18+$0x8000] =	vst v3  }
0x133: {  	[tilespmem:s18+$0xA010] =	vst v4;
	s19 =	sadd.s32 s18, s29;
	v3, v4, _ =	vpop (xrf1)  }
0x134: {  	s30 =	spop (v2sf);
	[tilespmem:s19+$0x8000] =	vst v3  }
0x135: {  	s23 =	simm.s32 $0x1F0;
	s24 =	simm.s32 $0x2170;
	[tilespmem:s19+$0xA010] =	vst v4;
	s19 =	sadd.s32 s19, s30;
	v3, v4, _ =	vpop (xrf1)  }
0x136: {  	s26 =	simm.s32 $0x80;
	s21 =	simm.s32 $0x20F0;
	[tilespmem:s19+$0x8000] =	vst v3;
	s22 =	spop (v2sf)  }
0x137: {  	s20 =	simm.s32 $0xF0;
	[tilespmem:s19+$0xA010] =	vst v4;
	s25 =	sadd.s32 s19, s22;
	s31 =	spop (v2sf);
	v5, v4, _ =	vpop (xrf1)  }
0x138: {  	s18 =	simm.s32 $0x170;
	v3 =	vor.u32 s26, v0;
	s19 =	simm.s32 $0x2170;
	s22 =	sadd.s32 s25, s31;
	[tilespmem:s25+$0x8000] =	vst v5  }
.LBB2_14:
0x139: {  	p0 =	sne.s32 s23, $0x1FF0  }
0x13a: {  	s24 =	sadd.s32 $0x80, s24;
	[tilespmem:s25+$0xA010] =	vst v4;
	s25 =	smov.u32 s23;
	s23 =	sadd.s32 $0x80, s23  }
0x13b: {  	v4 =	vld [tilespmem:s21+$0xFFFFFF90]  }
0x13c: {  	v5 =	vld [tilespmem:s21+$0xFFFFFFD0]  }
0x13d: {  	v6 =	vld [tilespmem:s21+$0xFFFFFFA0]  }
0x13e: {  	v7 =	vld [tilespmem:s21+$0xFFFFFFB0]  }
0x13f: {  	v8 =	vld [tilespmem:s21+$0xFFFFFFC0];
	_ =	sdelay $0x1  }
0x140: {  	vm0 =	vle.f32 v5, v2  }
0x141: {  	vm1 =	vle.f32 v4, v2;
	vm2 =	vle.f32 v6, v2;
	v9 =	vmpcnt.ones.xlane vm0  }
0x142: {  	v10 =	vmpcnt.ones.xlane vm1;
	v4 =	vsel vm1, v4, v1;
	vm1 =	vle.f32 v7, v2  }
0x143: {  	v11 =	vmpcnt.ones.xlane vm2;
	v12 =	vmpcnt.ones.xlane vm1;
	vm3 =	vle.f32 v8, v2;
	(xrf1) =	vsort.ascd.msk.f32 $0xffff, v4, v3  }
0x144: {  	s26 =	sadd.s32 $0xFFFFFFA0, s20;
	v3 =	vsel vm1, v7, v1;
	v4 =	vmpcnt.ones.xlane vm3;
	(v2sf) =	vpush v10, $0x0  }
0x145: {  	v6 =	vsel vm2, v6, v1;
	v7 =	vor.u32 s26, v0;
	(v2sf) =	vpush v11, $0x0  }
0x146: {  	v5 =	vsel vm0, v5, v1;
	s26 =	sadd.s32 $0xFFFFFFB0, s20;
	v8 =	vsel vm3, v8, v1;
	v10 =	vld [tilespmem:s21+$0xFFFFFFE0];
	(xrf1) =	vsort.ascd.msk.f32 $0xffff, v6, v7;
	(v2sf) =	vpush v4, $0x0  }
0x147: {  	v4 =	vor.u32 s26, v0;
	(v2sf) =	vpush v9, $0x0  }
0x148: {  	s26 =	sadd.s32 $0xFFFFFFC0, s20;
	v6 =	vld [tilespmem:s21+$0xFFFFFFF0];
	(xrf1) =	vsort.ascd.msk.f32 $0xffff, v3, v4;
	(v2sf) =	vpush v12, $0x0  }
0x149: {  	v3 =	vor.u32 s26, v0;
	v4 =	vld [tilespmem:s21+$0x0];
	s21 =	smov.u32 s19;
	s19 =	smov.u32 s24  }
0x14a: {  	s26 =	sadd.s32 $0xFFFFFFD0, s20;
	(xrf1) =	vsort.ascd.msk.f32 $0xffff, v8, v3  }
0x14b: {  	v3 =	vor.u32 s26, v0;
	vm0 =	vle.f32 v10, v2  }
0x14c: {  	s26 =	sadd.s32 $0xFFFFFFE0, s20;
	v7 =	vmpcnt.ones.xlane vm0;
	v8 =	vsel vm0, v10, v1;
	(xrf1) =	vsort.ascd.msk.f32 $0xffff, v5, v3  }
0x14d: {  	v3 =	vor.u32 s26, v0;
	s26 =	sadd.s32 $0xFFFFFFF0, s20;
	vm0 =	vle.f32 v6, v2  }
0x14e: {  	v5 =	vmpcnt.ones.xlane vm0;
	(xrf1) =	vsort.ascd.msk.f32 $0xffff, v8, v3;
	v3 =	vsel vm0, v6, v1;
	v6 =	vor.u32 s26, v0  }
0x14f: {  	vm1 =	vle.f32 v4, v2;
	(v2sf) =	vpush v7, $0x0  }
0x150: {  	v7 =	vmpcnt.ones.xlane vm1  }
0x151: {  	v4 =	vsel vm1, v4, v1;
	(xrf1) =	vsort.ascd.msk.f32 $0xffff, v3, v6;
	(v2sf) =	vpush v5, $0x0  }
0x152: {  	v3 =	vor.u32 s20, v0;
	s20 =	smov.u32 s18;
	s18 =	smov.u32 s25;
	(v2sf) =	vpush v7, $0x0;
	v5, v6, _ =	vpop (xrf1)  }
0x153: {  	[tilespmem:s22+$0x8000] =	vst v5;
	(xrf1) =	vsort.ascd.msk.f32 $0xffff, v4, v3  }
0x154: {  	[tilespmem:s22+$0xA010] =	vst v6;
	s25 =	spop (v2sf)  }
0x155: {  	s22 =	sadd.s32 s22, s25;
	v3, v4, _ =	vpop (xrf1);
	s25 =	spop (v2sf)  }
0x156: {  	[tilespmem:s22+$0x8000] =	vst v3;
	s26 =	spop (v2sf)  }
0x157: {  	[tilespmem:s22+$0xA010] =	vst v4;
	s22 =	sadd.s32 s22, s25;
	v3, v4, _ =	vpop (xrf1);
	s25 =	spop (v2sf)  }
0x158: {  	[tilespmem:s22+$0x8000] =	vst v3;
	s28 =	spop (v2sf)  }
0x159: {  	[tilespmem:s22+$0xA010] =	vst v4;
	s22 =	sadd.s32 s22, s28;
	v3, v4, _ =	vpop (xrf1)  }
0x15a: {  	s28 =	sadd.s32 $0xFFFFFF90, s20;
	[tilespmem:s22+$0x8000] =	vst v3  }
0x15b: {  	v3 =	vor.u32 s28, v0;
	[tilespmem:s22+$0xA010] =	vst v4;
	s22 =	sadd.s32 s22, s26;
	v4, v5, _ =	vpop (xrf1)  }
0x15c: {  	[tilespmem:s22+$0x8000] =	vst v4  }
0x15d: {  	[tilespmem:s22+$0xA010] =	vst v5;
	s22 =	sadd.s32 s22, s25;
	v4, v5, _ =	vpop (xrf1)  }
.Ltmp11:
0x15e: {  	[tilespmem:s22+$0x8000] =	vst v4;
	s25 =	spop (v2sf);
	(pc) =	sbr.rel @p0 .LBB2_14-.Ltmp11, $4  }
0x15f: {  	[tilespmem:s22+$0xA010] =	vst v5;
	s22 =	sadd.s32 s22, s25;
	v4, v5, _ =	vpop (xrf1)  }
0x160: {  	[tilespmem:s22+$0x8000] =	vst v4;
	s25 =	spop (v2sf)  }
0x161: {  	[tilespmem:s22+$0xA010] =	vst v5;
	s25 =	sadd.s32 s22, s25;
	v5, v4, _ =	vpop (xrf1);
	s22 =	spop (v2sf)  }
0x162: {  	[tilespmem:s25+$0x8000] =	vst v5;
	s22 =	sadd.s32 s25, s22  }
0x163: {  	[tilespmem:s25+$0xA010] =	vst v4  }
0x164: {  	v4 =	vld [tilespmem:s21+$0xFFFFFF90]  }
0x165: {  	v5 =	vld [tilespmem:s21+$0xFFFFFFD0]  }
0x166: {  	v6 =	vld [tilespmem:s21+$0xFFFFFFA0]  }
0x167: {  	v7 =	vld [tilespmem:s21+$0xFFFFFFC0]  }
0x168: {  	v8 =	vld [tilespmem:s21+$0xFFFFFFB0]  }
0x169: {  	s23 =	sadd.s32 $0xFFFFFFA0, s20  }
0x16a: {  	v21 =	vor.u32 s23, v0;
	vm1 =	vle.f32 v4, v2  }
0x16b: {  	vm0 =	vle.f32 v5, v2;
	vm2 =	vle.f32 v6, v2;
	v10 =	vmpcnt.ones.xlane vm1  }
0x16c: {  	vm15 =	vle.f32 v7, v2;
	v4 =	vsel vm1, v4, v1;
	v11 =	vmpcnt.ones.xlane vm2  }
0x16d: {  	vm3 =	vle.f32 v8, v2;
	(xrf1) =	vsort.ascd.msk.f32 $0xffff, v4, v3;
	v3 =	vmpcnt.ones.xlane vm15;
	(v2sf) =	vpush v10, $0x0  }
0x16e: {  	v9 =	vmpcnt.ones.xlane vm0;
	v20 =	vsel vm2, v6, v1;
	(v2sf) =	vpush v11, $0x0  }
0x16f: {  	s29 =	sadd.s32 $0xFFFFFFB0, s20;
	v23 =	vld [tilespmem:s21+$0xFFFFFFE0];
	v22 =	vmpcnt.ones.xlane vm3;
	(xrf1) =	vsort.ascd.msk.f32 $0xffff, v20, v21;
	(v2sf) =	vpush v3, $0x0  }
0x170: {  	v24 =	vor.u32 s29, v0;
	v3 =	vsel vm3, v8, v1;
	(v2sf) =	vpush v9, $0x0  }
0x171: {  	s30 =	sadd.s32 $0xFFFFFFC0, s20;
	v25 =	vld [tilespmem:s21+$0xFFFFFFF0];
	(xrf1) =	vsort.ascd.msk.f32 $0xffff, v3, v24;
	(v2sf) =	vpush v22, $0x0  }
0x172: {  	v26 =	vor.u32 s30, v0;
	v3 =	vsel vm15, v7, v1  }
0x173: {  	s31 =	sadd.s32 $0xFFFFFFD0, s20;
	(xrf1) =	vsort.ascd.msk.f32 $0xffff, v3, v26  }
0x174: {  	v27 =	vld [tilespmem:s21+$0x0];
	v28 =	vor.u32 s31, v0;
	vm5 =	vle.f32 v23, v2;
	v3 =	vsel vm0, v5, v1  }
0x175: {  	s23 =	sadd.s32 $0xFFFFFFE0, s20;
	v29 =	vmpcnt.ones.xlane vm5;
	(xrf1) =	vsort.ascd.msk.f32 $0xffff, v3, v28  }
0x176: {  	v30 =	vor.u32 s23, v0;
	vm6 =	vle.f32 v25, v2;
	v3 =	vsel vm5, v23, v1  }
0x177: {  	s24 =	sadd.s32 $0xFFFFFFF0, s20;
	v31 =	vmpcnt.ones.xlane vm6;
	(v2sf) =	vpush v29, $0x0;
	(xrf1) =	vsort.ascd.msk.f32 $0xffff, v3, v30  }
0x178: {  	v32 =	vor.u32 s24, v0;
	v3 =	vsel vm6, v25, v1  }
0x179: {  	vm7 =	vle.f32 v27, v2;
	(v2sf) =	vpush v31, $0x0;
	(xrf1) =	vsort.ascd.msk.f32 $0xffff, v3, v32  }
0x17a: {  	v33 =	vor.u32 s20, v0;
	v3 =	vsel vm7, v27, v1  }
0x17b: {  	v35, v34, _ =	vpop (xrf1);
	(xrf1) =	vsort.ascd.msk.f32 $0xffff, v3, v33  }
0x17c: {  	[tilespmem:s22+$0x8000] =	vst v35;
	s25 =	spop (v2sf)  }
0x17d: {  	[tilespmem:s22+$0xA010] =	vst v34;
	v3, v4, _ =	vpop (xrf1);
	s20 =	sadd.s32 s22, s25;
	s26 =	spop (v2sf)  }
0x17e: {  	[tilespmem:s20+$0x8000] =	vst v3;
	s28 =	spop (v2sf)  }
0x17f: {  	[tilespmem:s20+$0xA010] =	vst v4;
	s20 =	sadd.s32 s20, s26;
	v3, v36, _ =	vpop (xrf1);
	s29 =	spop (v2sf)  }
0x180: {  	[tilespmem:s20+$0x8000] =	vst v3;
	s30 =	spop (v2sf)  }
0x181: {  	[tilespmem:s20+$0xA010] =	vst v36;
	v3, v37, _ =	vpop (xrf1);
	s20 =	sadd.s32 s20, s30  }
0x182: {  	[tilespmem:s20+$0x8000] =	vst v3  }
0x183: {  	[tilespmem:s20+$0xA010] =	vst v37;
	s20 =	sadd.s32 s20, s28;
	v3, v38, _ =	vpop (xrf1)  }
0x184: {  	[tilespmem:s20+$0x8000] =	vst v3  }
0x185: {  	[tilespmem:s20+$0xA010] =	vst v38;
	s20 =	sadd.s32 s20, s29;
	v3, v39, _ =	vpop (xrf1)  }
0x186: {  	s31 =	spop (v2sf);
	[tilespmem:s20+$0x8000] =	vst v3  }
0x187: {  	[tilespmem:s20+$0xA010] =	vst v39;
	s20 =	sadd.s32 s20, s31;
	v3, v40, _ =	vpop (xrf1)  }
0x188: {  	s22 =	spop (v2sf);
	[tilespmem:s20+$0x8000] =	vst v3  }
0x189: {  	[tilespmem:s20+$0xA010] =	vst v40;
	s20 =	sadd.s32 s20, s22;
	v3, v41, _ =	vpop (xrf1)  }
0x18a: {  	[tilespmem:s20+$0x8000] =	vst v3  }
0x18b: {  	[tilespmem:s20+$0xA010] =	vst v41  }
0x18c: {  	v3 =	vld [tilespmem:s19+$0xFFFFFF90]  }
0x18d: {  	v4 =	vld [tilespmem:s19+$0xFFFFFFD0]  }
0x18e: {  	v5 =	vld [tilespmem:s19+$0xFFFFFFA0]  }
0x18f: {  	v43 =	vld [tilespmem:s19+$0xFFFFFFC0]  }
0x190: {  	s24 =	sadd.s32 $0xFFFFFFA0, s18;
	v42 =	vmpcnt.ones.xlane vm7;
	v44 =	vld [tilespmem:s19+$0xFFFFFFB0]  }
0x191: {  	s23 =	sadd.s32 $0xFFFFFF90, s18;
	v49 =	vor.u32 s24, v0  }
0x192: {  	v45 =	vor.u32 s23, v0;
	(v2sf) =	vpush v42, $0x0;
	vm9 =	vle.f32 v3, v2  }
0x193: {  	vm8 =	vle.f32 v4, v2;
	vm10 =	vle.f32 v5, v2;
	v47 =	vmpcnt.ones.xlane vm9  }
0x194: {  	vm11 =	vle.f32 v43, v2;
	v3 =	vsel vm9, v3, v1;
	v48 =	vmpcnt.ones.xlane vm10  }
0x195: {  	vm12 =	vle.f32 v44, v2;
	(xrf1) =	vsort.ascd.msk.f32 $0xffff, v3, v45;
	v3 =	vmpcnt.ones.xlane vm11;
	(v2sf) =	vpush v47, $0x0  }
0x196: {  	v50 =	vld [tilespmem:s19+$0xFFFFFFE0];
	v46 =	vmpcnt.ones.xlane vm8;
	v5 =	vsel vm10, v5, v1;
	(v2sf) =	vpush v48, $0x0  }
0x197: {  	s25 =	sadd.s32 $0xFFFFFFB0, s18;
	v51 =	vmpcnt.ones.xlane vm12;
	(xrf1) =	vsort.ascd.msk.f32 $0xffff, v5, v49;
	(v2sf) =	vpush v3, $0x0;
	v3 =	vld [tilespmem:s19+$0xFFFFFFF0]  }
0x198: {  	v53 =	vor.u32 s25, v0;
	v54 =	vld [tilespmem:s19+$0x0];
	v52 =	vsel vm12, v44, v1;
	(v2sf) =	vpush v46, $0x0  }
0x199: {  	s26 =	sadd.s32 $0xFFFFFFC0, s18;
	(xrf1) =	vsort.ascd.msk.f32 $0xffff, v52, v53;
	(v2sf) =	vpush v51, $0x0  }
0x19a: {  	v56 =	vor.u32 s26, v0;
	s28 =	sadd.s32 $0xFFFFFFD0, s18;
	v55 =	vsel vm11, v43, v1  }
0x19b: {  	v57 =	vor.u32 s28, v0;
	vm13 =	vle.f32 v50, v2;
	(xrf1) =	vsort.ascd.msk.f32 $0xffff, v55, v56  }
0x19c: {  	v4 =	vsel vm8, v4, v1;
	v58 =	vmpcnt.ones.xlane vm13;
	vm14 =	vle.f32 v3, v2  }
0x19d: {  	vm15 =	vle.f32 v54, v2;
	(xrf1) =	vsort.ascd.msk.f32 $0xffff, v4, v57;
	v60 =	vmpcnt.ones.xlane vm14  }
0x19e: {  	s29 =	sadd.s32 $0xFFFFFFE0, s18;
	v61 =	vmpcnt.ones.xlane vm15;
	(v2sf) =	vpush v58, $0x0  }
0x19f: {  	s30 =	sadd.s32 $0xFFFFFFF0, s18;
	v59 =	vsel vm13, v50, v1;
	v2 =	vor.u32 s29, v0;
	(v2sf) =	vpush v60, $0x0  }
0x1a0: {  	(xrf1) =	vsort.ascd.msk.f32 $0xffff, v59, v2;
	v2 =	vsel vm14, v3, v1;
	v3 =	vor.u32 s30, v0;
	(v2sf) =	vpush v61, $0x0  }
0x1a1: {  	(xrf1) =	vsort.ascd.msk.f32 $0xffff, v2, v3;
	v3 =	vor.u32 s18, v0  }
0x1a2: {  	s31 =	spop (v2sf);
	v2 =	vsel vm15, v54, v1  }
0x1a3: {  	s21 =	sadd.s32 s20, s31;
	v62, v63, _ =	vpop (xrf1)  }
0x1a4: {  	[tilespmem:s21+$0x8000] =	vst v62;
	s22 =	spop (v2sf)  }
0x1a5: {  	(xrf1) =	vsort.ascd.msk.f32 $0xffff, v2, v3;
	[tilespmem:s21+$0xA010] =	vst v63;
	v2, v3, _ =	vpop (xrf1);
	s18 =	sadd.s32 s21, s22;
	s23 =	spop (v2sf)  }
0x1a6: {  	[tilespmem:s18+$0x8000] =	vst v2;
	s24 =	spop (v2sf)  }
0x1a7: {  	[tilespmem:s18+$0xA010] =	vst v3;
	s18 =	sadd.s32 s18, s23;
	v2, v3, _ =	vpop (xrf1);
	s25 =	spop (v2sf)  }
0x1a8: {  	[tilespmem:s18+$0x8000] =	vst v2;
	s26 =	spop (v2sf)  }
0x1a9: {  	[tilespmem:s18+$0xA010] =	vst v3;
	v2, v3, _ =	vpop (xrf1);
	s18 =	sadd.s32 s18, s26  }
0x1aa: {  	[tilespmem:s18+$0x8000] =	vst v2  }
0x1ab: {  	[tilespmem:s18+$0xA010] =	vst v3;
	s18 =	sadd.s32 s18, s24;
	v2, v3, _ =	vpop (xrf1)  }
0x1ac: {  	[tilespmem:s18+$0x8000] =	vst v2  }
0x1ad: {  	s28 =	spop (v2sf);
	[tilespmem:s18+$0xA010] =	vst v3;
	s18 =	sadd.s32 s18, s25  }
0x1ae: {  	s19 =	sadd.s32 s18, s28;
	s29 =	spop (v2sf)  }
0x1af: {  	v2, v3, _ =	vpop (xrf1);
	s20 =	sadd.s32 s19, s29;
	s30 =	spop (v2sf)  }
0x1b0: {  	[tilespmem:s18+$0x8000] =	vst v2;
	s31 =	sadd.s32 s20, s30  }
0x1b1: {  	[tilespmem:s18+$0xA010] =	vst v3;
	s18 =	sadd.s32 $0xF, s31  }
0x1b2: {  	s18 =	sshrl.u32 s18, $0x4  }
0x1b3: {  	v2, v3, _ =	vpop (xrf1);
	p0 =	seq.s32 s18, $0x0  }
.Ltmp12:
0x1b4: {  	[tilespmem:s19+$0x8000] =	vst v2;
	(pc) =	sbr.rel @p0 .LBB2_16-.Ltmp12, $4  }
0x1b5: {  	[tilespmem:s19+$0xA010] =	vst v3;
	v2, v3, _ =	vpop (xrf1)  }
0x1b6: {  	[tilespmem:s20+$0x8000] =	vst v2  }
0x1b7: {  	[tilespmem:s20+$0xA010] =	vst v3  }
0x1b8: {  	v2 =	vimm.s32 $0x0;
	[tilespmem:s31+$0x8000] =	vst v1  }
0x1b9: {  	s19 =	simm.s32 $0x8000  }
0x1ba: {  	s20 =	simm.s32 $0xA010;
	v3 =	vld [tilespmem:s19+$0x0]  }
0x1bb: {  	p2 =	sne.s32 s18, $0x1;
	v4 =	vld [tilespmem:s20+$0x0]  }
.Ltmp13:
0x1bc: {  	_ = 	snop;
	(pc) =	sbr.rel @!p2 .LBB2_18-.Ltmp13, $2  }
0x1bd: {  	_ =	sdelay $0x2  }
0x1be: {  	s18 =	sadd.s32 $0xFFFFFFFF, s18;
	p0 =	por $0x0, $0x0;
	p1 =	por $0x0, $0x0;
	(xrf1) =	vsort.ascd.msk.f32 $0xffff, v3, v4  }
0x1bf: {  	_ =	sdelay $0x6  }
0x1c0: {  	s19 =	simm.s32 $0x8010  }
0x1c1: {  	s31 =	simm.s32 $0xA020;
	v6 =	vld [tilespmem:s19+$0x0]  }
0x1c2: {  	p2 =	sne.s32 s18, $0x1;
	v7 =	vld [tilespmem:s31+$0x0]  }
.Ltmp14:
0x1c3: {  	_ = 	snop;
	(pc) =	sbr.rel @!p2 .LBB2_20-.Ltmp14, $3  }
0x1c4: {  	v3 =	vmul.u32 $0xFFFFFFFF, v0;
	_ =	sdelay $0x1  }
0x1c5: {  	v3 =	vadd.s32 $0xF, v3;
	v4, v5, _ =	vpop (xrf1)  }
0x1c6: {  	s20 =	sadd.s32 $0xFFFFFFFF, s18;
	p0 =	por $0x1, $0x1;
	(xrf1) =	vsort.ascd.msk.f32 $0xffff, v6, v7;
	v4 =	vperm.xlane v4, v3  }
0x1c7: {  	_ =	sdelay $0x6  }
0x1c8: {  	s18 =	simm.s32 $0x8020;
	v5 =	vperm.xlane v5, v3;
	vm0 =	vle.f32 v1, v4  }
0x1c9: {  	s19 =	simm.s32 $0xA030;
	v6 =	vld [tilespmem:s18+$0x0];
	v4 =	vsel vm0, v1, v4  }
0x1ca: {  	p2 =	sne.s32 s20, $0x1;
	v7 =	vld [tilespmem:s19+$0x0];
	v5 =	vsel vm0, v2, v5;
	vm15 =	vle.f32 v1, v4  }
.Ltmp15:
0x1cb: {  	v8 =	vsel vm15, v4, v1;
	v9 =	vsel vm15, v5, v2;
	(pc) =	sbr.rel @!p2 .LBB2_23-.Ltmp15, $4  }
0x1cc: {  	v4 =	vsel vm15, v1, v4;
	v10 =	vsel vm15, v2, v5;
	(xrf1) =	vsort.ascd.msk.f32 $0xffff, v8, v9  }
0x1cd: {  	(xrf1) =	vsort.ascd.msk.f32 $0xffff, v4, v10  }
0x1ce: {  	v63, v5, _ =	vpop (xrf1)  }
0x1cf: {  	s20 =	sadd.s32 $0xFFFFFFFF, s20;
	p1 =	por $0x1, $0x1;
	(xrf1) =	vsort.ascd.msk.f32 $0xffff, v6, v7;
	v4 =	vperm.xlane v63, v3  }
.LBB2_22:
0x1d0: {  	_ = 	snop  }
0x1d1: {  	p2 =	sne.s32 s20, $0x1;
	s20 =	sadd.s32 $0xFFFFFFFF, s20;
	_ =	sdelay $0x8  }
0x1d2: {  	v6, v7, _ =	vpop (xrf1)  }
0x1d3: {  	s18 =	sadd.s32 $0x10, s18;
	v8 =	vperm.xlane v5, v3;
	vm0 =	vle.f32 v6, v4;
	v9, v10, _ =	vpop (xrf1)  }
0x1d4: {  	s19 =	sadd.s32 $0x10, s19;
	v11 =	vld [tilespmem:s18+$0x0];
	v6 =	vsel vm0, v6, v4  }
0x1d5: {  	v7 =	vsel vm0, v7, v8;
	v12 =	vld [tilespmem:s19+$0x0];
	v4, v5, _ =	vpop (xrf1);
	vm0 =	vle.f32 v9, v6  }
.Ltmp16:
0x1d6: {  	v4 =	vperm.xlane v4, v3;
	v8 =	vsel vm0, v6, v9;
	v13 =	vsel vm0, v7, v10;
	(pc) =	sbr.rel @p2 .LBB2_22-.Ltmp16, $3  }
0x1d7: {  	v6 =	vsel vm0, v9, v6;
	v7 =	vsel vm0, v10, v7;
	(xrf1) =	vsort.ascd.msk.f32 $0xffff, v8, v13  }
0x1d8: {  	(xrf1) =	vsort.ascd.msk.f32 $0xffff, v6, v7;
	_ =	sdelay $0x1  }
0x1d9: {  	(xrf1) =	vsort.ascd.msk.f32 $0xffff, v11, v12  }
.LBB2_23:
0x1da: {  	_ =	sdelay $0x9  }
0x1db: {  	v6, v7, _ =	vpop @p1 (xrf1)  }
0x1dc: {  	v6 =	vpsel p1, v6, v1  }
0x1dd: {  	v3 =	vperm.xlane @p0 v5, v3;
	v5, v8, _ =	vpop @p1 (xrf1);
	vm0 =	vle.f32 @p0 v6, v4  }
0x1de: {  	v5 =	vpsel p1, v5, v1;
	v4 =	vsel @p0 vm0, v6, v4;
	v6 =	vpsel p1, v7, v2  }
0x1df: {  	v3 =	vsel @p0 vm0, v6, v3;
	vm0 =	vle.f32 @p0 v5, v4;
	v6 =	vpsel p1, v8, v2  }
0x1e0: {  	v7 =	vsel @p0 vm0, v4, v5;
	v8 =	vsel @p0 vm0, v3, v6  }
0x1e1: {  	(xrf1) =	vsort.ascd.msk.f32 @p0 $0xffff, v7, v8  }
0x1e2: {  	v4 =	vsel @p0 vm0, v5, v4;
	v3 =	vsel @p0 vm0, v6, v3  }
0x1e3: {  	(xrf1) =	vsort.ascd.msk.f32 @p0 $0xffff, v4, v3;
	_ =	sdelay $0x8  }
0x1e4: {  	v3 =	vmul.u32 $0xFFFFFFFF, v0;
	_ =	sdelay $0x1  }
0x1e5: {  	v4, v5, _ =	vpop (xrf1);
	v3 =	vadd.s32 $0xF, v3  }
0x1e6: {  	v4 =	vperm.xlane v4, v3;
	v6, v7, _ =	vpop @p0 (xrf1)  }
0x1e7: {  	v6 =	vpsel p0, v6, v1  }
0x1e8: {  	v3 =	vperm.xlane v5, v3;
	v5, v8, _ =	vpop @p0 (xrf1);
	vm14 =	vle.f32 v6, v4  }
0x1e9: {  	v61 =	vpsel p0, v7, v2;
	v5 =	vpsel p0, v5, v1;
	v4 =	vsel vm14, v6, v4  }
0x1ea: {  	v2 =	vpsel p0, v8, v2;
	v3 =	vsel vm14, v61, v3;
	vm15 =	vle.f32 v5, v4  }
0x1eb: {  	v62 =	vsel vm15, v4, v5;
	v63 =	vsel vm15, v3, v2  }
0x1ec: {  	(xrf1) =	vsort.ascd.msk.f32 $0xffff, v62, v63  }
0x1ed: {  	v4 =	vsel vm15, v5, v4;
	v2 =	vsel vm15, v2, v3  }
0x1ee: {  	(xrf1) =	vsort.ascd.msk.f32 $0xffff, v4, v2;
	_ =	sdelay $0x9  }
.Ltmp17:
0x1ef: {  	_ = 	snop;
	(pc) =	sbr.rel .LBB2_24-.Ltmp17, $3  }
0x1f0: {  	_ = 	snop  }
0x1f1: {  	v2, v3, _ =	vpop (xrf1);
	_ =	sdelay $0x1  }
0x1f2: {  	v4, v2, _ =	vpop (xrf1)  }
.LBB2_16:
0x1f3: {  	v3 =	vimm.s32 $0x0  }
.LBB2_24:
0x1f4: {  	s17 =	sshll.u32 s17, $0x5  }
0x1f5: {  	s18 =	sand.u32 $0x3FFFFFE0, s17  }
0x1f6: {  	[tilespmem:s18+$0xD020] =	vst v2  }
0x1f7: {  	s26 =	simm.s32 $0x4070;
	s17 =	sor.u32 $0x2, s16;
	[tilespmem:s18+$0xD030] =	vst v3  }
0x1f8: {  	s19 =	sshll.u32 s17, $0x4;
	v3 =	vld [tilespmem:s26+$0xFFFFFF90]  }
0x1f9: {  	s25 =	sand.u32 $0x3FFFFFF0, s19;
	v4 =	vld [tilespmem:s26+$0xFFFFFFD0]  }
0x1fa: {  	v2 =	vld [tilespmem:s25+$0xC020]  }
0x1fb: {  	v5 =	vld [tilespmem:s26+$0xFFFFFFA0]  }
0x1fc: {  	v6 =	vld [tilespmem:s26+$0xFFFFFFC0]  }
0x1fd: {  	v7 =	vld [tilespmem:s26+$0xFFFFFFB0]  }
0x1fe: {  	s28 =	simm.s32 $0x0;
	s29 =	simm.s32 $0x10  }
0x1ff: {  	v8 =	vor.u32 s28, v0;
	v60 =	vor.u32 s29, v0;
	vm1 =	vle.f32 v3, v2  }
0x200: {  	vm0 =	vle.f32 v4, v2;
	vm2 =	vle.f32 v5, v2;
	v10 =	vmpcnt.ones.xlane vm1  }
0x201: {  	vm12 =	vle.f32 v6, v2;
	v3 =	vsel vm1, v3, v1;
	v11 =	vmpcnt.ones.xlane vm2  }
0x202: {  	vm3 =	vle.f32 v7, v2;
	(xrf1) =	vsort.ascd.msk.f32 $0xffff, v3, v8;
	v3 =	vmpcnt.ones.xlane vm12;
	(v2sf) =	vpush v10, $0x0  }
0x203: {  	v9 =	vmpcnt.ones.xlane vm0;
	v5 =	vsel vm2, v5, v1;
	(v2sf) =	vpush v11, $0x0  }
0x204: {  	s30 =	simm.s32 $0x20;
	v62 =	vld [tilespmem:s26+$0xFFFFFFE0];
	v61 =	vmpcnt.ones.xlane vm3;
	(xrf1) =	vsort.ascd.msk.f32 $0xffff, v5, v60;
	(v2sf) =	vpush v3, $0x0  }
0x205: {  	v5 =	vor.u32 s30, v0;
	v3 =	vsel vm3, v7, v1;
	v7 =	vld [tilespmem:s26+$0xFFFFFFF0];
	(v2sf) =	vpush v9, $0x0  }
0x206: {  	s31 =	simm.s32 $0x30;
	(xrf1) =	vsort.ascd.msk.f32 $0xffff, v3, v5;
	v3 =	vsel vm12, v6, v1;
	v6 =	vld [tilespmem:s26+$0x0];
	(v2sf) =	vpush v61, $0x0  }
0x207: {  	v5 =	vor.u32 s31, v0  }
0x208: {  	s20 =	simm.s32 $0x40;
	(xrf1) =	vsort.ascd.msk.f32 $0xffff, v3, v5  }
0x209: {  	vm13 =	vle.f32 v62, v2;
	v3 =	vsel vm0, v4, v1;
	v4 =	vor.u32 s20, v0  }
0x20a: {  	s21 =	simm.s32 $0x50;
	v5 =	vmpcnt.ones.xlane vm13;
	(xrf1) =	vsort.ascd.msk.f32 $0xffff, v3, v4;
	v3 =	vsel vm13, v62, v1  }
0x20b: {  	v4 =	vor.u32 s21, v0;
	vm14 =	vle.f32 v7, v2;
	vm15 =	vle.f32 v6, v2  }
0x20c: {  	s22 =	simm.s32 $0x60;
	(xrf1) =	vsort.ascd.msk.f32 $0xffff, v3, v4;
	(v2sf) =	vpush v5, $0x0;
	v63 =	vmpcnt.ones.xlane vm14;
	v5 =	vmpcnt.ones.xlane vm15  }
0x20d: {  	s23 =	simm.s32 $0x70;
	v4 =	vor.u32 s22, v0;
	v3 =	vsel vm14, v7, v1  }
0x20e: {  	(xrf1) =	vsort.ascd.msk.f32 $0xffff, v3, v4;
	v4 =	vor.u32 s23, v0;
	(v2sf) =	vpush v63, $0x0  }
0x20f: {  	v3 =	vsel vm15, v6, v1;
	(v2sf) =	vpush v5, $0x0  }
0x210: {  	s24 =	simm.s32 $0x0;
	v5, v6, _ =	vpop (xrf1);
	(xrf1) =	vsort.ascd.msk.f32 $0xffff, v3, v4  }
0x211: {  	[tilespmem:s24+$0x8000] =	vst v5;
	s25 =	spop (v2sf)  }
0x212: {  	[tilespmem:s24+$0xA010] =	vst v6;
	v3, v4, _ =	vpop (xrf1);
	s26 =	sadd.s32 $0x0, s25;
	s28 =	spop (v2sf)  }
0x213: {  	[tilespmem:s26+$0x8000] =	vst v3;
	s20 =	spop (v2sf)  }
0x214: {  	[tilespmem:s26+$0xA010] =	vst v4;
	s18 =	sadd.s32 s26, s28;
	v3, v4, _ =	vpop (xrf1);
	s29 =	spop (v2sf)  }
0x215: {  	[tilespmem:s18+$0x8000] =	vst v3;
	s21 =	spop (v2sf)  }
0x216: {  	[tilespmem:s18+$0xA010] =	vst v4;
	v3, v4, _ =	vpop (xrf1);
	s18 =	sadd.s32 s18, s21  }
0x217: {  	[tilespmem:s18+$0x8000] =	vst v3  }
0x218: {  	[tilespmem:s18+$0xA010] =	vst v4;
	s18 =	sadd.s32 s18, s20;
	v3, v4, _ =	vpop (xrf1)  }
0x219: {  	[tilespmem:s18+$0x8000] =	vst v3  }
0x21a: {  	[tilespmem:s18+$0xA010] =	vst v4;
	s19 =	sadd.s32 s18, s29;
	v3, v4, _ =	vpop (xrf1)  }
0x21b: {  	s30 =	spop (v2sf);
	[tilespmem:s19+$0x8000] =	vst v3  }
0x21c: {  	s23 =	simm.s32 $0x1F0;
	s24 =	simm.s32 $0x4170;
	[tilespmem:s19+$0xA010] =	vst v4;
	s19 =	sadd.s32 s19, s30;
	v3, v4, _ =	vpop (xrf1)  }
0x21d: {  	s26 =	simm.s32 $0x80;
	s21 =	simm.s32 $0x40F0;
	[tilespmem:s19+$0x8000] =	vst v3;
	s22 =	spop (v2sf)  }
0x21e: {  	s20 =	simm.s32 $0xF0;
	[tilespmem:s19+$0xA010] =	vst v4;
	s25 =	sadd.s32 s19, s22;
	s31 =	spop (v2sf);
	v5, v4, _ =	vpop (xrf1)  }
0x21f: {  	s18 =	simm.s32 $0x170;
	v3 =	vor.u32 s26, v0;
	s19 =	simm.s32 $0x4170;
	s22 =	sadd.s32 s25, s31;
	[tilespmem:s25+$0x8000] =	vst v5  }
.LBB2_25:
0x220: {  	p0 =	sne.s32 s23, $0x1FF0  }
0x221: {  	s24 =	sadd.s32 $0x80, s24;
	[tilespmem:s25+$0xA010] =	vst v4;
	s25 =	smov.u32 s23;
	s23 =	sadd.s32 $0x80, s23  }
0x222: {  	v4 =	vld [tilespmem:s21+$0xFFFFFF90]  }
0x223: {  	v5 =	vld [tilespmem:s21+$0xFFFFFFD0]  }
0x224: {  	v6 =	vld [tilespmem:s21+$0xFFFFFFA0]  }
0x225: {  	v7 =	vld [tilespmem:s21+$0xFFFFFFB0]  }
0x226: {  	v8 =	vld [tilespmem:s21+$0xFFFFFFC0];
	_ =	sdelay $0x1  }
0x227: {  	vm0 =	vle.f32 v5, v2  }
0x228: {  	vm1 =	vle.f32 v4, v2;
	vm2 =	vle.f32 v6, v2;
	v9 =	vmpcnt.ones.xlane vm0  }
0x229: {  	v10 =	vmpcnt.ones.xlane vm1;
	v4 =	vsel vm1, v4, v1;
	vm1 =	vle.f32 v7, v2  }
0x22a: {  	v11 =	vmpcnt.ones.xlane vm2;
	v12 =	vmpcnt.ones.xlane vm1;
	vm3 =	vle.f32 v8, v2;
	(xrf1) =	vsort.ascd.msk.f32 $0xffff, v4, v3  }
0x22b: {  	s26 =	sadd.s32 $0xFFFFFFA0, s20;
	v3 =	vsel vm1, v7, v1;
	v4 =	vmpcnt.ones.xlane vm3;
	(v2sf) =	vpush v10, $0x0  }
0x22c: {  	v6 =	vsel vm2, v6, v1;
	v7 =	vor.u32 s26, v0;
	(v2sf) =	vpush v11, $0x0  }
0x22d: {  	v5 =	vsel vm0, v5, v1;
	s26 =	sadd.s32 $0xFFFFFFB0, s20;
	v8 =	vsel vm3, v8, v1;
	v10 =	vld [tilespmem:s21+$0xFFFFFFE0];
	(xrf1) =	vsort.ascd.msk.f32 $0xffff, v6, v7;
	(v2sf) =	vpush v4, $0x0  }
0x22e: {  	v4 =	vor.u32 s26, v0;
	(v2sf) =	vpush v9, $0x0  }
0x22f: {  	s26 =	sadd.s32 $0xFFFFFFC0, s20;
	v6 =	vld [tilespmem:s21+$0xFFFFFFF0];
	(xrf1) =	vsort.ascd.msk.f32 $0xffff, v3, v4;
	(v2sf) =	vpush v12, $0x0  }
0x230: {  	v3 =	vor.u32 s26, v0;
	v4 =	vld [tilespmem:s21+$0x0];
	s21 =	smov.u32 s19;
	s19 =	smov.u32 s24  }
0x231: {  	s26 =	sadd.s32 $0xFFFFFFD0, s20;
	(xrf1) =	vsort.ascd.msk.f32 $0xffff, v8, v3  }
0x232: {  	v3 =	vor.u32 s26, v0;
	vm0 =	vle.f32 v10, v2  }
0x233: {  	s26 =	sadd.s32 $0xFFFFFFE0, s20;
	v7 =	vmpcnt.ones.xlane vm0;
	v8 =	vsel vm0, v10, v1;
	(xrf1) =	vsort.ascd.msk.f32 $0xffff, v5, v3  }
0x234: {  	v3 =	vor.u32 s26, v0;
	s26 =	sadd.s32 $0xFFFFFFF0, s20;
	vm0 =	vle.f32 v6, v2  }
0x235: {  	v5 =	vmpcnt.ones.xlane vm0;
	(xrf1) =	vsort.ascd.msk.f32 $0xffff, v8, v3;
	v3 =	vsel vm0, v6, v1;
	v6 =	vor.u32 s26, v0  }
0x236: {  	vm1 =	vle.f32 v4, v2;
	(v2sf) =	vpush v7, $0x0  }
0x237: {  	v7 =	vmpcnt.ones.xlane vm1  }
0x238: {  	v4 =	vsel vm1, v4, v1;
	(xrf1) =	vsort.ascd.msk.f32 $0xffff, v3, v6;
	(v2sf) =	vpush v5, $0x0  }
0x239: {  	v3 =	vor.u32 s20, v0;
	s20 =	smov.u32 s18;
	s18 =	smov.u32 s25;
	(v2sf) =	vpush v7, $0x0;
	v5, v6, _ =	vpop (xrf1)  }
0x23a: {  	[tilespmem:s22+$0x8000] =	vst v5;
	(xrf1) =	vsort.ascd.msk.f32 $0xffff, v4, v3  }
0x23b: {  	[tilespmem:s22+$0xA010] =	vst v6;
	s25 =	spop (v2sf)  }
0x23c: {  	s22 =	sadd.s32 s22, s25;
	v3, v4, _ =	vpop (xrf1);
	s25 =	spop (v2sf)  }
0x23d: {  	[tilespmem:s22+$0x8000] =	vst v3;
	s26 =	spop (v2sf)  }
0x23e: {  	[tilespmem:s22+$0xA010] =	vst v4;
	s22 =	sadd.s32 s22, s25;
	v3, v4, _ =	vpop (xrf1);
	s25 =	spop (v2sf)  }
0x23f: {  	[tilespmem:s22+$0x8000] =	vst v3;
	s28 =	spop (v2sf)  }
0x240: {  	[tilespmem:s22+$0xA010] =	vst v4;
	s22 =	sadd.s32 s22, s28;
	v3, v4, _ =	vpop (xrf1)  }
0x241: {  	s28 =	sadd.s32 $0xFFFFFF90, s20;
	[tilespmem:s22+$0x8000] =	vst v3  }
0x242: {  	v3 =	vor.u32 s28, v0;
	[tilespmem:s22+$0xA010] =	vst v4;
	s22 =	sadd.s32 s22, s26;
	v4, v5, _ =	vpop (xrf1)  }
0x243: {  	[tilespmem:s22+$0x8000] =	vst v4  }
0x244: {  	[tilespmem:s22+$0xA010] =	vst v5;
	s22 =	sadd.s32 s22, s25;
	v4, v5, _ =	vpop (xrf1)  }
.Ltmp18:
0x245: {  	[tilespmem:s22+$0x8000] =	vst v4;
	s25 =	spop (v2sf);
	(pc) =	sbr.rel @p0 .LBB2_25-.Ltmp18, $4  }
0x246: {  	[tilespmem:s22+$0xA010] =	vst v5;
	s22 =	sadd.s32 s22, s25;
	v4, v5, _ =	vpop (xrf1)  }
0x247: {  	[tilespmem:s22+$0x8000] =	vst v4;
	s25 =	spop (v2sf)  }
0x248: {  	[tilespmem:s22+$0xA010] =	vst v5;
	s25 =	sadd.s32 s22, s25;
	v5, v4, _ =	vpop (xrf1);
	s22 =	spop (v2sf)  }
0x249: {  	[tilespmem:s25+$0x8000] =	vst v5;
	s22 =	sadd.s32 s25, s22  }
0x24a: {  	[tilespmem:s25+$0xA010] =	vst v4  }
0x24b: {  	v4 =	vld [tilespmem:s21+$0xFFFFFF90]  }
0x24c: {  	v5 =	vld [tilespmem:s21+$0xFFFFFFD0]  }
0x24d: {  	v6 =	vld [tilespmem:s21+$0xFFFFFFA0]  }
0x24e: {  	v7 =	vld [tilespmem:s21+$0xFFFFFFC0]  }
0x24f: {  	v8 =	vld [tilespmem:s21+$0xFFFFFFB0]  }
0x250: {  	s23 =	sadd.s32 $0xFFFFFFA0, s20  }
0x251: {  	v21 =	vor.u32 s23, v0;
	vm1 =	vle.f32 v4, v2  }
0x252: {  	vm0 =	vle.f32 v5, v2;
	vm2 =	vle.f32 v6, v2;
	v10 =	vmpcnt.ones.xlane vm1  }
0x253: {  	vm15 =	vle.f32 v7, v2;
	v4 =	vsel vm1, v4, v1;
	v11 =	vmpcnt.ones.xlane vm2  }
0x254: {  	vm3 =	vle.f32 v8, v2;
	(xrf1) =	vsort.ascd.msk.f32 $0xffff, v4, v3;
	v3 =	vmpcnt.ones.xlane vm15;
	(v2sf) =	vpush v10, $0x0  }
0x255: {  	v9 =	vmpcnt.ones.xlane vm0;
	v20 =	vsel vm2, v6, v1;
	(v2sf) =	vpush v11, $0x0  }
0x256: {  	s29 =	sadd.s32 $0xFFFFFFB0, s20;
	v23 =	vld [tilespmem:s21+$0xFFFFFFE0];
	v22 =	vmpcnt.ones.xlane vm3;
	(xrf1) =	vsort.ascd.msk.f32 $0xffff, v20, v21;
	(v2sf) =	vpush v3, $0x0  }
0x257: {  	v24 =	vor.u32 s29, v0;
	v3 =	vsel vm3, v8, v1;
	(v2sf) =	vpush v9, $0x0  }
0x258: {  	s30 =	sadd.s32 $0xFFFFFFC0, s20;
	v25 =	vld [tilespmem:s21+$0xFFFFFFF0];
	(xrf1) =	vsort.ascd.msk.f32 $0xffff, v3, v24;
	(v2sf) =	vpush v22, $0x0  }
0x259: {  	v26 =	vor.u32 s30, v0;
	v3 =	vsel vm15, v7, v1  }
0x25a: {  	s31 =	sadd.s32 $0xFFFFFFD0, s20;
	(xrf1) =	vsort.ascd.msk.f32 $0xffff, v3, v26  }
0x25b: {  	v27 =	vld [tilespmem:s21+$0x0];
	v28 =	vor.u32 s31, v0;
	vm5 =	vle.f32 v23, v2;
	v3 =	vsel vm0, v5, v1  }
0x25c: {  	s23 =	sadd.s32 $0xFFFFFFE0, s20;
	v29 =	vmpcnt.ones.xlane vm5;
	(xrf1) =	vsort.ascd.msk.f32 $0xffff, v3, v28  }
0x25d: {  	v30 =	vor.u32 s23, v0;
	vm6 =	vle.f32 v25, v2;
	v3 =	vsel vm5, v23, v1  }
0x25e: {  	s24 =	sadd.s32 $0xFFFFFFF0, s20;
	v31 =	vmpcnt.ones.xlane vm6;
	(v2sf) =	vpush v29, $0x0;
	(xrf1) =	vsort.ascd.msk.f32 $0xffff, v3, v30  }
0x25f: {  	v32 =	vor.u32 s24, v0;
	v3 =	vsel vm6, v25, v1  }
0x260: {  	vm7 =	vle.f32 v27, v2;
	(v2sf) =	vpush v31, $0x0;
	(xrf1) =	vsort.ascd.msk.f32 $0xffff, v3, v32  }
0x261: {  	v33 =	vor.u32 s20, v0;
	v3 =	vsel vm7, v27, v1  }
0x262: {  	v35, v34, _ =	vpop (xrf1);
	(xrf1) =	vsort.ascd.msk.f32 $0xffff, v3, v33  }
0x263: {  	[tilespmem:s22+$0x8000] =	vst v35;
	s25 =	spop (v2sf)  }
0x264: {  	[tilespmem:s22+$0xA010] =	vst v34;
	v3, v4, _ =	vpop (xrf1);
	s20 =	sadd.s32 s22, s25;
	s26 =	spop (v2sf)  }
0x265: {  	[tilespmem:s20+$0x8000] =	vst v3;
	s28 =	spop (v2sf)  }
0x266: {  	[tilespmem:s20+$0xA010] =	vst v4;
	s20 =	sadd.s32 s20, s26;
	v3, v36, _ =	vpop (xrf1);
	s29 =	spop (v2sf)  }
0x267: {  	[tilespmem:s20+$0x8000] =	vst v3;
	s30 =	spop (v2sf)  }
0x268: {  	[tilespmem:s20+$0xA010] =	vst v36;
	v3, v37, _ =	vpop (xrf1);
	s20 =	sadd.s32 s20, s30  }
0x269: {  	[tilespmem:s20+$0x8000] =	vst v3  }
0x26a: {  	[tilespmem:s20+$0xA010] =	vst v37;
	s20 =	sadd.s32 s20, s28;
	v3, v38, _ =	vpop (xrf1)  }
0x26b: {  	[tilespmem:s20+$0x8000] =	vst v3  }
0x26c: {  	[tilespmem:s20+$0xA010] =	vst v38;
	s20 =	sadd.s32 s20, s29;
	v3, v39, _ =	vpop (xrf1)  }
0x26d: {  	s31 =	spop (v2sf);
	[tilespmem:s20+$0x8000] =	vst v3  }
0x26e: {  	[tilespmem:s20+$0xA010] =	vst v39;
	s20 =	sadd.s32 s20, s31;
	v3, v40, _ =	vpop (xrf1)  }
0x26f: {  	s22 =	spop (v2sf);
	[tilespmem:s20+$0x8000] =	vst v3  }
0x270: {  	[tilespmem:s20+$0xA010] =	vst v40;
	s20 =	sadd.s32 s20, s22;
	v3, v41, _ =	vpop (xrf1)  }
0x271: {  	[tilespmem:s20+$0x8000] =	vst v3  }
0x272: {  	[tilespmem:s20+$0xA010] =	vst v41  }
0x273: {  	v3 =	vld [tilespmem:s19+$0xFFFFFF90]  }
0x274: {  	v4 =	vld [tilespmem:s19+$0xFFFFFFD0]  }
0x275: {  	v5 =	vld [tilespmem:s19+$0xFFFFFFA0]  }
0x276: {  	v43 =	vld [tilespmem:s19+$0xFFFFFFC0]  }
0x277: {  	s24 =	sadd.s32 $0xFFFFFFA0, s18;
	v42 =	vmpcnt.ones.xlane vm7;
	v44 =	vld [tilespmem:s19+$0xFFFFFFB0]  }
0x278: {  	s23 =	sadd.s32 $0xFFFFFF90, s18;
	v49 =	vor.u32 s24, v0  }
0x279: {  	v45 =	vor.u32 s23, v0;
	(v2sf) =	vpush v42, $0x0;
	vm9 =	vle.f32 v3, v2  }
0x27a: {  	vm8 =	vle.f32 v4, v2;
	vm10 =	vle.f32 v5, v2;
	v47 =	vmpcnt.ones.xlane vm9  }
0x27b: {  	vm11 =	vle.f32 v43, v2;
	v3 =	vsel vm9, v3, v1;
	v48 =	vmpcnt.ones.xlane vm10  }
0x27c: {  	vm12 =	vle.f32 v44, v2;
	(xrf1) =	vsort.ascd.msk.f32 $0xffff, v3, v45;
	v3 =	vmpcnt.ones.xlane vm11;
	(v2sf) =	vpush v47, $0x0  }
0x27d: {  	v50 =	vld [tilespmem:s19+$0xFFFFFFE0];
	v46 =	vmpcnt.ones.xlane vm8;
	v5 =	vsel vm10, v5, v1;
	(v2sf) =	vpush v48, $0x0  }
0x27e: {  	s25 =	sadd.s32 $0xFFFFFFB0, s18;
	v51 =	vmpcnt.ones.xlane vm12;
	(xrf1) =	vsort.ascd.msk.f32 $0xffff, v5, v49;
	(v2sf) =	vpush v3, $0x0;
	v3 =	vld [tilespmem:s19+$0xFFFFFFF0]  }
0x27f: {  	v53 =	vor.u32 s25, v0;
	v54 =	vld [tilespmem:s19+$0x0];
	v52 =	vsel vm12, v44, v1;
	(v2sf) =	vpush v46, $0x0  }
0x280: {  	s26 =	sadd.s32 $0xFFFFFFC0, s18;
	(xrf1) =	vsort.ascd.msk.f32 $0xffff, v52, v53;
	(v2sf) =	vpush v51, $0x0  }
0x281: {  	v56 =	vor.u32 s26, v0;
	s28 =	sadd.s32 $0xFFFFFFD0, s18;
	v55 =	vsel vm11, v43, v1  }
0x282: {  	v57 =	vor.u32 s28, v0;
	vm13 =	vle.f32 v50, v2;
	(xrf1) =	vsort.ascd.msk.f32 $0xffff, v55, v56  }
0x283: {  	v4 =	vsel vm8, v4, v1;
	v58 =	vmpcnt.ones.xlane vm13;
	vm14 =	vle.f32 v3, v2  }
0x284: {  	vm15 =	vle.f32 v54, v2;
	(xrf1) =	vsort.ascd.msk.f32 $0xffff, v4, v57;
	v60 =	vmpcnt.ones.xlane vm14  }
0x285: {  	s29 =	sadd.s32 $0xFFFFFFE0, s18;
	v61 =	vmpcnt.ones.xlane vm15;
	(v2sf) =	vpush v58, $0x0  }
0x286: {  	s30 =	sadd.s32 $0xFFFFFFF0, s18;
	v59 =	vsel vm13, v50, v1;
	v2 =	vor.u32 s29, v0;
	(v2sf) =	vpush v60, $0x0  }
0x287: {  	(xrf1) =	vsort.ascd.msk.f32 $0xffff, v59, v2;
	v2 =	vsel vm14, v3, v1;
	v3 =	vor.u32 s30, v0;
	(v2sf) =	vpush v61, $0x0  }
0x288: {  	(xrf1) =	vsort.ascd.msk.f32 $0xffff, v2, v3;
	v3 =	vor.u32 s18, v0  }
0x289: {  	s31 =	spop (v2sf);
	v2 =	vsel vm15, v54, v1  }
0x28a: {  	s21 =	sadd.s32 s20, s31;
	v62, v63, _ =	vpop (xrf1)  }
0x28b: {  	[tilespmem:s21+$0x8000] =	vst v62;
	s22 =	spop (v2sf)  }
0x28c: {  	(xrf1) =	vsort.ascd.msk.f32 $0xffff, v2, v3;
	[tilespmem:s21+$0xA010] =	vst v63;
	v2, v3, _ =	vpop (xrf1);
	s18 =	sadd.s32 s21, s22;
	s23 =	spop (v2sf)  }
0x28d: {  	[tilespmem:s18+$0x8000] =	vst v2;
	s24 =	spop (v2sf)  }
0x28e: {  	[tilespmem:s18+$0xA010] =	vst v3;
	s18 =	sadd.s32 s18, s23;
	v2, v3, _ =	vpop (xrf1);
	s25 =	spop (v2sf)  }
0x28f: {  	[tilespmem:s18+$0x8000] =	vst v2;
	s26 =	spop (v2sf)  }
0x290: {  	[tilespmem:s18+$0xA010] =	vst v3;
	v2, v3, _ =	vpop (xrf1);
	s18 =	sadd.s32 s18, s26  }
0x291: {  	[tilespmem:s18+$0x8000] =	vst v2  }
0x292: {  	[tilespmem:s18+$0xA010] =	vst v3;
	s18 =	sadd.s32 s18, s24;
	v2, v3, _ =	vpop (xrf1)  }
0x293: {  	[tilespmem:s18+$0x8000] =	vst v2  }
0x294: {  	s28 =	spop (v2sf);
	[tilespmem:s18+$0xA010] =	vst v3;
	s18 =	sadd.s32 s18, s25  }
0x295: {  	s19 =	sadd.s32 s18, s28;
	s29 =	spop (v2sf)  }
0x296: {  	v2, v3, _ =	vpop (xrf1);
	s20 =	sadd.s32 s19, s29;
	s30 =	spop (v2sf)  }
0x297: {  	[tilespmem:s18+$0x8000] =	vst v2;
	s31 =	sadd.s32 s20, s30  }
0x298: {  	[tilespmem:s18+$0xA010] =	vst v3;
	s18 =	sadd.s32 $0xF, s31  }
0x299: {  	s18 =	sshrl.u32 s18, $0x4  }
0x29a: {  	v2, v3, _ =	vpop (xrf1);
	p0 =	seq.s32 s18, $0x0  }
.Ltmp19:
0x29b: {  	[tilespmem:s19+$0x8000] =	vst v2;
	(pc) =	sbr.rel @p0 .LBB2_27-.Ltmp19, $4  }
0x29c: {  	[tilespmem:s19+$0xA010] =	vst v3;
	v2, v3, _ =	vpop (xrf1)  }
0x29d: {  	[tilespmem:s20+$0x8000] =	vst v2  }
0x29e: {  	[tilespmem:s20+$0xA010] =	vst v3  }
0x29f: {  	v2 =	vimm.s32 $0x0;
	[tilespmem:s31+$0x8000] =	vst v1  }
0x2a0: {  	s19 =	simm.s32 $0x8000  }
0x2a1: {  	s20 =	simm.s32 $0xA010;
	v3 =	vld [tilespmem:s19+$0x0]  }
0x2a2: {  	p2 =	sne.s32 s18, $0x1;
	v4 =	vld [tilespmem:s20+$0x0]  }
.Ltmp20:
0x2a3: {  	_ = 	snop;
	(pc) =	sbr.rel @!p2 .LBB2_29-.Ltmp20, $2  }
0x2a4: {  	_ =	sdelay $0x2  }
0x2a5: {  	s18 =	sadd.s32 $0xFFFFFFFF, s18;
	p0 =	por $0x0, $0x0;
	p1 =	por $0x0, $0x0;
	(xrf1) =	vsort.ascd.msk.f32 $0xffff, v3, v4  }
0x2a6: {  	_ =	sdelay $0x6  }
0x2a7: {  	s19 =	simm.s32 $0x8010  }
0x2a8: {  	s31 =	simm.s32 $0xA020;
	v6 =	vld [tilespmem:s19+$0x0]  }
0x2a9: {  	p2 =	sne.s32 s18, $0x1;
	v7 =	vld [tilespmem:s31+$0x0]  }
.Ltmp21:
0x2aa: {  	_ = 	snop;
	(pc) =	sbr.rel @!p2 .LBB2_31-.Ltmp21, $3  }
0x2ab: {  	v3 =	vmul.u32 $0xFFFFFFFF, v0;
	_ =	sdelay $0x1  }
0x2ac: {  	v3 =	vadd.s32 $0xF, v3;
	v4, v5, _ =	vpop (xrf1)  }
0x2ad: {  	s20 =	sadd.s32 $0xFFFFFFFF, s18;
	p0 =	por $0x1, $0x1;
	(xrf1) =	vsort.ascd.msk.f32 $0xffff, v6, v7;
	v4 =	vperm.xlane v4, v3  }
0x2ae: {  	_ =	sdelay $0x6  }
0x2af: {  	s18 =	simm.s32 $0x8020;
	v5 =	vperm.xlane v5, v3;
	vm0 =	vle.f32 v1, v4  }
0x2b0: {  	s19 =	simm.s32 $0xA030;
	v6 =	vld [tilespmem:s18+$0x0];
	v4 =	vsel vm0, v1, v4  }
0x2b1: {  	p2 =	sne.s32 s20, $0x1;
	v7 =	vld [tilespmem:s19+$0x0];
	v5 =	vsel vm0, v2, v5;
	vm15 =	vle.f32 v1, v4  }
.Ltmp22:
0x2b2: {  	v8 =	vsel vm15, v4, v1;
	v9 =	vsel vm15, v5, v2;
	(pc) =	sbr.rel @!p2 .LBB2_34-.Ltmp22, $4  }
0x2b3: {  	v4 =	vsel vm15, v1, v4;
	v10 =	vsel vm15, v2, v5;
	(xrf1) =	vsort.ascd.msk.f32 $0xffff, v8, v9  }
0x2b4: {  	(xrf1) =	vsort.ascd.msk.f32 $0xffff, v4, v10  }
0x2b5: {  	v63, v5, _ =	vpop (xrf1)  }
0x2b6: {  	s20 =	sadd.s32 $0xFFFFFFFF, s20;
	p1 =	por $0x1, $0x1;
	(xrf1) =	vsort.ascd.msk.f32 $0xffff, v6, v7;
	v4 =	vperm.xlane v63, v3  }
.LBB2_33:
0x2b7: {  	_ = 	snop  }
0x2b8: {  	p2 =	sne.s32 s20, $0x1;
	s20 =	sadd.s32 $0xFFFFFFFF, s20;
	_ =	sdelay $0x8  }
0x2b9: {  	v6, v7, _ =	vpop (xrf1)  }
0x2ba: {  	s18 =	sadd.s32 $0x10, s18;
	v8 =	vperm.xlane v5, v3;
	vm0 =	vle.f32 v6, v4;
	v9, v10, _ =	vpop (xrf1)  }
0x2bb: {  	s19 =	sadd.s32 $0x10, s19;
	v11 =	vld [tilespmem:s18+$0x0];
	v6 =	vsel vm0, v6, v4  }
0x2bc: {  	v7 =	vsel vm0, v7, v8;
	v12 =	vld [tilespmem:s19+$0x0];
	v4, v5, _ =	vpop (xrf1);
	vm0 =	vle.f32 v9, v6  }
.Ltmp23:
0x2bd: {  	v4 =	vperm.xlane v4, v3;
	v8 =	vsel vm0, v6, v9;
	v13 =	vsel vm0, v7, v10;
	(pc) =	sbr.rel @p2 .LBB2_33-.Ltmp23, $3  }
0x2be: {  	v6 =	vsel vm0, v9, v6;
	v7 =	vsel vm0, v10, v7;
	(xrf1) =	vsort.ascd.msk.f32 $0xffff, v8, v13  }
0x2bf: {  	(xrf1) =	vsort.ascd.msk.f32 $0xffff, v6, v7;
	_ =	sdelay $0x1  }
0x2c0: {  	(xrf1) =	vsort.ascd.msk.f32 $0xffff, v11, v12  }
.LBB2_34:
0x2c1: {  	_ =	sdelay $0x9  }
0x2c2: {  	v6, v7, _ =	vpop @p1 (xrf1)  }
0x2c3: {  	v6 =	vpsel p1, v6, v1  }
0x2c4: {  	v3 =	vperm.xlane @p0 v5, v3;
	v5, v8, _ =	vpop @p1 (xrf1);
	vm0 =	vle.f32 @p0 v6, v4  }
0x2c5: {  	v5 =	vpsel p1, v5, v1;
	v4 =	vsel @p0 vm0, v6, v4;
	v6 =	vpsel p1, v7, v2  }
0x2c6: {  	v3 =	vsel @p0 vm0, v6, v3;
	vm0 =	vle.f32 @p0 v5, v4;
	v6 =	vpsel p1, v8, v2  }
0x2c7: {  	v7 =	vsel @p0 vm0, v4, v5;
	v8 =	vsel @p0 vm0, v3, v6  }
0x2c8: {  	(xrf1) =	vsort.ascd.msk.f32 @p0 $0xffff, v7, v8  }
0x2c9: {  	v4 =	vsel @p0 vm0, v5, v4;
	v3 =	vsel @p0 vm0, v6, v3  }
0x2ca: {  	(xrf1) =	vsort.ascd.msk.f32 @p0 $0xffff, v4, v3;
	_ =	sdelay $0x8  }
0x2cb: {  	v3 =	vmul.u32 $0xFFFFFFFF, v0;
	_ =	sdelay $0x1  }
0x2cc: {  	v4, v5, _ =	vpop (xrf1);
	v3 =	vadd.s32 $0xF, v3  }
0x2cd: {  	v4 =	vperm.xlane v4, v3;
	v6, v7, _ =	vpop @p0 (xrf1)  }
0x2ce: {  	v6 =	vpsel p0, v6, v1  }
0x2cf: {  	v3 =	vperm.xlane v5, v3;
	v5, v8, _ =	vpop @p0 (xrf1);
	vm14 =	vle.f32 v6, v4  }
0x2d0: {  	v61 =	vpsel p0, v7, v2;
	v5 =	vpsel p0, v5, v1;
	v4 =	vsel vm14, v6, v4  }
0x2d1: {  	v2 =	vpsel p0, v8, v2;
	v3 =	vsel vm14, v61, v3;
	vm15 =	vle.f32 v5, v4  }
0x2d2: {  	v62 =	vsel vm15, v4, v5;
	v63 =	vsel vm15, v3, v2  }
0x2d3: {  	(xrf1) =	vsort.ascd.msk.f32 $0xffff, v62, v63  }
0x2d4: {  	v4 =	vsel vm15, v5, v4;
	v2 =	vsel vm15, v2, v3  }
0x2d5: {  	(xrf1) =	vsort.ascd.msk.f32 $0xffff, v4, v2;
	_ =	sdelay $0x9  }
.Ltmp24:
0x2d6: {  	_ = 	snop;
	(pc) =	sbr.rel .LBB2_35-.Ltmp24, $3  }
0x2d7: {  	_ = 	snop  }
0x2d8: {  	v2, v3, _ =	vpop (xrf1);
	_ =	sdelay $0x1  }
0x2d9: {  	v4, v2, _ =	vpop (xrf1)  }
.LBB2_27:
0x2da: {  	v3 =	vimm.s32 $0x0  }
.LBB2_35:
0x2db: {  	s17 =	sshll.u32 s17, $0x5  }
0x2dc: {  	s16 =	sor.u32 $0x3, s16;
	s17 =	sand.u32 $0x3FFFFFE0, s17  }
0x2dd: {  	s18 =	sshll.u32 s16, $0x4;
	[tilespmem:s17+$0xD020] =	vst v2  }
0x2de: {  	[tilespmem:s17+$0xD030] =	vst v3;
	s26 =	sand.u32 $0x3FFFFFF0, s18  }
0x2df: {  	s28 =	simm.s32 $0x6070;
	v2 =	vld [tilespmem:s26+$0xC020]  }
0x2e0: {  	v3 =	vld [tilespmem:s28+$0xFFFFFF90]  }
0x2e1: {  	v4 =	vld [tilespmem:s28+$0xFFFFFFD0]  }
0x2e2: {  	v5 =	vld [tilespmem:s28+$0xFFFFFFA0]  }
0x2e3: {  	v6 =	vld [tilespmem:s28+$0xFFFFFFC0]  }
0x2e4: {  	v7 =	vld [tilespmem:s28+$0xFFFFFFB0]  }
0x2e5: {  	s29 =	simm.s32 $0x0;
	s30 =	simm.s32 $0x10  }
0x2e6: {  	v8 =	vor.u32 s29, v0;
	v60 =	vor.u32 s30, v0;
	vm1 =	vle.f32 v3, v2  }
0x2e7: {  	vm0 =	vle.f32 v4, v2;
	vm2 =	vle.f32 v5, v2;
	v10 =	vmpcnt.ones.xlane vm1  }
0x2e8: {  	vm12 =	vle.f32 v6, v2;
	v3 =	vsel vm1, v3, v1;
	v11 =	vmpcnt.ones.xlane vm2  }
0x2e9: {  	vm3 =	vle.f32 v7, v2;
	(xrf1) =	vsort.ascd.msk.f32 $0xffff, v3, v8;
	v3 =	vmpcnt.ones.xlane vm12;
	(v2sf) =	vpush v10, $0x0  }
0x2ea: {  	v9 =	vmpcnt.ones.xlane vm0;
	v5 =	vsel vm2, v5, v1;
	(v2sf) =	vpush v11, $0x0  }
0x2eb: {  	s31 =	simm.s32 $0x20;
	v62 =	vld [tilespmem:s28+$0xFFFFFFE0];
	v61 =	vmpcnt.ones.xlane vm3;
	(xrf1) =	vsort.ascd.msk.f32 $0xffff, v5, v60;
	(v2sf) =	vpush v3, $0x0  }
0x2ec: {  	v5 =	vor.u32 s31, v0;
	v3 =	vsel vm3, v7, v1;
	v7 =	vld [tilespmem:s28+$0xFFFFFFF0];
	(v2sf) =	vpush v9, $0x0  }
0x2ed: {  	s19 =	simm.s32 $0x30;
	(xrf1) =	vsort.ascd.msk.f32 $0xffff, v3, v5;
	v3 =	vsel vm12, v6, v1;
	v6 =	vld [tilespmem:s28+$0x0];
	(v2sf) =	vpush v61, $0x0  }
0x2ee: {  	v5 =	vor.u32 s19, v0  }
0x2ef: {  	s20 =	simm.s32 $0x40;
	(xrf1) =	vsort.ascd.msk.f32 $0xffff, v3, v5  }
0x2f0: {  	vm13 =	vle.f32 v62, v2;
	v3 =	vsel vm0, v4, v1;
	v4 =	vor.u32 s20, v0  }
0x2f1: {  	s21 =	simm.s32 $0x50;
	v5 =	vmpcnt.ones.xlane vm13;
	(xrf1) =	vsort.ascd.msk.f32 $0xffff, v3, v4;
	v3 =	vsel vm13, v62, v1  }
0x2f2: {  	v4 =	vor.u32 s21, v0;
	vm14 =	vle.f32 v7, v2;
	vm15 =	vle.f32 v6, v2  }
0x2f3: {  	s22 =	simm.s32 $0x60;
	(xrf1) =	vsort.ascd.msk.f32 $0xffff, v3, v4;
	(v2sf) =	vpush v5, $0x0;
	v63 =	vmpcnt.ones.xlane vm14;
	v5 =	vmpcnt.ones.xlane vm15  }
0x2f4: {  	s23 =	simm.s32 $0x70;
	v4 =	vor.u32 s22, v0;
	v3 =	vsel vm14, v7, v1  }
0x2f5: {  	(xrf1) =	vsort.ascd.msk.f32 $0xffff, v3, v4;
	v4 =	vor.u32 s23, v0;
	(v2sf) =	vpush v63, $0x0  }
0x2f6: {  	v3 =	vsel vm15, v6, v1;
	(v2sf) =	vpush v5, $0x0  }
0x2f7: {  	s24 =	simm.s32 $0x0;
	v5, v6, _ =	vpop (xrf1);
	(xrf1) =	vsort.ascd.msk.f32 $0xffff, v3, v4  }
0x2f8: {  	[tilespmem:s24+$0x8000] =	vst v5;
	s25 =	spop (v2sf)  }
0x2f9: {  	[tilespmem:s24+$0xA010] =	vst v6;
	v3, v4, _ =	vpop (xrf1);
	s26 =	sadd.s32 $0x0, s25;
	s28 =	spop (v2sf)  }
0x2fa: {  	[tilespmem:s26+$0x8000] =	vst v3;
	s19 =	spop (v2sf)  }
0x2fb: {  	[tilespmem:s26+$0xA010] =	vst v4;
	s17 =	sadd.s32 s26, s28;
	v3, v4, _ =	vpop (xrf1);
	s29 =	spop (v2sf)  }
0x2fc: {  	[tilespmem:s17+$0x8000] =	vst v3;
	s20 =	spop (v2sf)  }
0x2fd: {  	[tilespmem:s17+$0xA010] =	vst v4;
	v3, v4, _ =	vpop (xrf1);
	s17 =	sadd.s32 s17, s20  }
0x2fe: {  	[tilespmem:s17+$0x8000] =	vst v3  }
0x2ff: {  	[tilespmem:s17+$0xA010] =	vst v4;
	s17 =	sadd.s32 s17, s19;
	v3, v4, _ =	vpop (xrf1)  }
0x300: {  	[tilespmem:s17+$0x8000] =	vst v3  }
0x301: {  	[tilespmem:s17+$0xA010] =	vst v4;
	s18 =	sadd.s32 s17, s29;
	v3, v4, _ =	vpop (xrf1)  }
0x302: {  	s30 =	spop (v2sf);
	[tilespmem:s18+$0x8000] =	vst v3  }
0x303: {  	s22 =	simm.s32 $0x1F0;
	s23 =	simm.s32 $0x6170;
	[tilespmem:s18+$0xA010] =	vst v4;
	s18 =	sadd.s32 s18, s30;
	v3, v4, _ =	vpop (xrf1)  }
0x304: {  	s25 =	simm.s32 $0x80;
	s20 =	simm.s32 $0x60F0;
	[tilespmem:s18+$0x8000] =	vst v3;
	s21 =	spop (v2sf)  }
0x305: {  	s19 =	simm.s32 $0xF0;
	[tilespmem:s18+$0xA010] =	vst v4;
	s24 =	sadd.s32 s18, s21;
	s31 =	spop (v2sf);
	v5, v4, _ =	vpop (xrf1)  }
0x306: {  	s17 =	simm.s32 $0x170;
	v3 =	vor.u32 s25, v0;
	s18 =	simm.s32 $0x6170;
	s21 =	sadd.s32 s24, s31;
	[tilespmem:s24+$0x8000] =	vst v5  }
.LBB2_36:
0x307: {  	p0 =	sne.s32 s22, $0x1FF0  }
0x308: {  	s23 =	sadd.s32 $0x80, s23;
	[tilespmem:s24+$0xA010] =	vst v4;
	s24 =	smov.u32 s22;
	s22 =	sadd.s32 $0x80, s22  }
0x309: {  	v4 =	vld [tilespmem:s20+$0xFFFFFF90]  }
0x30a: {  	v5 =	vld [tilespmem:s20+$0xFFFFFFD0]  }
0x30b: {  	v6 =	vld [tilespmem:s20+$0xFFFFFFA0]  }
0x30c: {  	v7 =	vld [tilespmem:s20+$0xFFFFFFB0]  }
0x30d: {  	v8 =	vld [tilespmem:s20+$0xFFFFFFC0];
	_ =	sdelay $0x1  }
0x30e: {  	vm0 =	vle.f32 v5, v2  }
0x30f: {  	vm1 =	vle.f32 v4, v2;
	vm2 =	vle.f32 v6, v2;
	v9 =	vmpcnt.ones.xlane vm0  }
0x310: {  	v10 =	vmpcnt.ones.xlane vm1;
	v4 =	vsel vm1, v4, v1;
	vm1 =	vle.f32 v7, v2  }
0x311: {  	v11 =	vmpcnt.ones.xlane vm2;
	v12 =	vmpcnt.ones.xlane vm1;
	vm3 =	vle.f32 v8, v2;
	(xrf1) =	vsort.ascd.msk.f32 $0xffff, v4, v3  }
0x312: {  	s25 =	sadd.s32 $0xFFFFFFA0, s19;
	v3 =	vsel vm1, v7, v1;
	v4 =	vmpcnt.ones.xlane vm3;
	(v2sf) =	vpush v10, $0x0  }
0x313: {  	v6 =	vsel vm2, v6, v1;
	v7 =	vor.u32 s25, v0;
	(v2sf) =	vpush v11, $0x0  }
0x314: {  	v5 =	vsel vm0, v5, v1;
	s25 =	sadd.s32 $0xFFFFFFB0, s19;
	v8 =	vsel vm3, v8, v1;
	v10 =	vld [tilespmem:s20+$0xFFFFFFE0];
	(xrf1) =	vsort.ascd.msk.f32 $0xffff, v6, v7;
	(v2sf) =	vpush v4, $0x0  }
0x315: {  	v4 =	vor.u32 s25, v0;
	(v2sf) =	vpush v9, $0x0  }
0x316: {  	s25 =	sadd.s32 $0xFFFFFFC0, s19;
	v6 =	vld [tilespmem:s20+$0xFFFFFFF0];
	(xrf1) =	vsort.ascd.msk.f32 $0xffff, v3, v4;
	(v2sf) =	vpush v12, $0x0  }
0x317: {  	v3 =	vor.u32 s25, v0;
	v4 =	vld [tilespmem:s20+$0x0];
	s20 =	smov.u32 s18;
	s18 =	smov.u32 s23  }
0x318: {  	s25 =	sadd.s32 $0xFFFFFFD0, s19;
	(xrf1) =	vsort.ascd.msk.f32 $0xffff, v8, v3  }
0x319: {  	v3 =	vor.u32 s25, v0;
	vm0 =	vle.f32 v10, v2  }
0x31a: {  	s25 =	sadd.s32 $0xFFFFFFE0, s19;
	v7 =	vmpcnt.ones.xlane vm0;
	v8 =	vsel vm0, v10, v1;
	(xrf1) =	vsort.ascd.msk.f32 $0xffff, v5, v3  }
0x31b: {  	v3 =	vor.u32 s25, v0;
	s25 =	sadd.s32 $0xFFFFFFF0, s19;
	vm0 =	vle.f32 v6, v2  }
0x31c: {  	v5 =	vmpcnt.ones.xlane vm0;
	(xrf1) =	vsort.ascd.msk.f32 $0xffff, v8, v3;
	v3 =	vsel vm0, v6, v1;
	v6 =	vor.u32 s25, v0  }
0x31d: {  	vm1 =	vle.f32 v4, v2;
	(v2sf) =	vpush v7, $0x0  }
0x31e: {  	v7 =	vmpcnt.ones.xlane vm1  }
0x31f: {  	v4 =	vsel vm1, v4, v1;
	(xrf1) =	vsort.ascd.msk.f32 $0xffff, v3, v6;
	(v2sf) =	vpush v5, $0x0  }
0x320: {  	v3 =	vor.u32 s19, v0;
	s19 =	smov.u32 s17;
	s17 =	smov.u32 s24;
	(v2sf) =	vpush v7, $0x0;
	v5, v6, _ =	vpop (xrf1)  }
0x321: {  	[tilespmem:s21+$0x8000] =	vst v5;
	(xrf1) =	vsort.ascd.msk.f32 $0xffff, v4, v3  }
0x322: {  	[tilespmem:s21+$0xA010] =	vst v6;
	s24 =	spop (v2sf)  }
0x323: {  	s21 =	sadd.s32 s21, s24;
	v3, v4, _ =	vpop (xrf1);
	s24 =	spop (v2sf)  }
0x324: {  	[tilespmem:s21+$0x8000] =	vst v3;
	s25 =	spop (v2sf)  }
0x325: {  	[tilespmem:s21+$0xA010] =	vst v4;
	s21 =	sadd.s32 s21, s24;
	v3, v4, _ =	vpop (xrf1);
	s24 =	spop (v2sf)  }
0x326: {  	[tilespmem:s21+$0x8000] =	vst v3;
	s26 =	spop (v2sf)  }
0x327: {  	[tilespmem:s21+$0xA010] =	vst v4;
	s21 =	sadd.s32 s21, s26;
	v3, v4, _ =	vpop (xrf1)  }
0x328: {  	s26 =	sadd.s32 $0xFFFFFF90, s19;
	[tilespmem:s21+$0x8000] =	vst v3  }
0x329: {  	v3 =	vor.u32 s26, v0;
	[tilespmem:s21+$0xA010] =	vst v4;
	s21 =	sadd.s32 s21, s25;
	v4, v5, _ =	vpop (xrf1)  }
0x32a: {  	[tilespmem:s21+$0x8000] =	vst v4  }
0x32b: {  	[tilespmem:s21+$0xA010] =	vst v5;
	s21 =	sadd.s32 s21, s24;
	v4, v5, _ =	vpop (xrf1)  }
.Ltmp25:
0x32c: {  	[tilespmem:s21+$0x8000] =	vst v4;
	s24 =	spop (v2sf);
	(pc) =	sbr.rel @p0 .LBB2_36-.Ltmp25, $4  }
0x32d: {  	[tilespmem:s21+$0xA010] =	vst v5;
	s21 =	sadd.s32 s21, s24;
	v4, v5, _ =	vpop (xrf1)  }
0x32e: {  	[tilespmem:s21+$0x8000] =	vst v4;
	s24 =	spop (v2sf)  }
0x32f: {  	[tilespmem:s21+$0xA010] =	vst v5;
	s24 =	sadd.s32 s21, s24;
	v5, v4, _ =	vpop (xrf1);
	s21 =	spop (v2sf)  }
0x330: {  	[tilespmem:s24+$0x8000] =	vst v5;
	s21 =	sadd.s32 s24, s21  }
0x331: {  	[tilespmem:s24+$0xA010] =	vst v4  }
0x332: {  	v4 =	vld [tilespmem:s20+$0xFFFFFF90]  }
0x333: {  	v5 =	vld [tilespmem:s20+$0xFFFFFFD0]  }
0x334: {  	v6 =	vld [tilespmem:s20+$0xFFFFFFA0]  }
0x335: {  	v7 =	vld [tilespmem:s20+$0xFFFFFFC0]  }
0x336: {  	v8 =	vld [tilespmem:s20+$0xFFFFFFB0]  }
0x337: {  	s22 =	sadd.s32 $0xFFFFFFA0, s19  }
0x338: {  	v21 =	vor.u32 s22, v0;
	vm1 =	vle.f32 v4, v2  }
0x339: {  	vm0 =	vle.f32 v5, v2;
	vm2 =	vle.f32 v6, v2;
	v10 =	vmpcnt.ones.xlane vm1  }
0x33a: {  	vm15 =	vle.f32 v7, v2;
	v4 =	vsel vm1, v4, v1;
	v11 =	vmpcnt.ones.xlane vm2  }
0x33b: {  	vm3 =	vle.f32 v8, v2;
	(xrf1) =	vsort.ascd.msk.f32 $0xffff, v4, v3;
	v3 =	vmpcnt.ones.xlane vm15;
	(v2sf) =	vpush v10, $0x0  }
0x33c: {  	v9 =	vmpcnt.ones.xlane vm0;
	v20 =	vsel vm2, v6, v1;
	(v2sf) =	vpush v11, $0x0  }
0x33d: {  	s30 =	sadd.s32 $0xFFFFFFB0, s19;
	v23 =	vld [tilespmem:s20+$0xFFFFFFE0];
	v22 =	vmpcnt.ones.xlane vm3;
	(xrf1) =	vsort.ascd.msk.f32 $0xffff, v20, v21;
	(v2sf) =	vpush v3, $0x0  }
0x33e: {  	v24 =	vor.u32 s30, v0;
	v3 =	vsel vm3, v8, v1;
	(v2sf) =	vpush v9, $0x0  }
0x33f: {  	s31 =	sadd.s32 $0xFFFFFFC0, s19;
	v25 =	vld [tilespmem:s20+$0xFFFFFFF0];
	(xrf1) =	vsort.ascd.msk.f32 $0xffff, v3, v24;
	(v2sf) =	vpush v22, $0x0  }
0x340: {  	v26 =	vor.u32 s31, v0;
	v3 =	vsel vm15, v7, v1  }
0x341: {  	s23 =	sadd.s32 $0xFFFFFFD0, s19;
	(xrf1) =	vsort.ascd.msk.f32 $0xffff, v3, v26  }
0x342: {  	v27 =	vld [tilespmem:s20+$0x0];
	v28 =	vor.u32 s23, v0;
	vm5 =	vle.f32 v23, v2;
	v3 =	vsel vm0, v5, v1  }
0x343: {  	s24 =	sadd.s32 $0xFFFFFFE0, s19;
	v29 =	vmpcnt.ones.xlane vm5;
	(xrf1) =	vsort.ascd.msk.f32 $0xffff, v3, v28  }
0x344: {  	v30 =	vor.u32 s24, v0;
	vm6 =	vle.f32 v25, v2;
	v3 =	vsel vm5, v23, v1  }
0x345: {  	s25 =	sadd.s32 $0xFFFFFFF0, s19;
	v31 =	vmpcnt.ones.xlane vm6;
	(v2sf) =	vpush v29, $0x0;
	(xrf1) =	vsort.ascd.msk.f32 $0xffff, v3, v30  }
0x346: {  	v32 =	vor.u32 s25, v0;
	v3 =	vsel vm6, v25, v1  }
0x347: {  	vm7 =	vle.f32 v27, v2;
	(v2sf) =	vpush v31, $0x0;
	(xrf1) =	vsort.ascd.msk.f32 $0xffff, v3, v32  }
0x348: {  	v33 =	vor.u32 s19, v0;
	v3 =	vsel vm7, v27, v1  }
0x349: {  	v35, v34, _ =	vpop (xrf1);
	(xrf1) =	vsort.ascd.msk.f32 $0xffff, v3, v33  }
0x34a: {  	[tilespmem:s21+$0x8000] =	vst v35;
	s26 =	spop (v2sf)  }
0x34b: {  	[tilespmem:s21+$0xA010] =	vst v34;
	v3, v4, _ =	vpop (xrf1);
	s19 =	sadd.s32 s21, s26;
	s28 =	spop (v2sf)  }
0x34c: {  	[tilespmem:s19+$0x8000] =	vst v3;
	s29 =	spop (v2sf)  }
0x34d: {  	[tilespmem:s19+$0xA010] =	vst v4;
	s19 =	sadd.s32 s19, s28;
	v3, v36, _ =	vpop (xrf1);
	s30 =	spop (v2sf)  }
0x34e: {  	[tilespmem:s19+$0x8000] =	vst v3;
	s31 =	spop (v2sf)  }
0x34f: {  	[tilespmem:s19+$0xA010] =	vst v36;
	v3, v37, _ =	vpop (xrf1);
	s19 =	sadd.s32 s19, s31  }
0x350: {  	[tilespmem:s19+$0x8000] =	vst v3  }
0x351: {  	[tilespmem:s19+$0xA010] =	vst v37;
	s19 =	sadd.s32 s19, s29;
	v3, v38, _ =	vpop (xrf1)  }
0x352: {  	[tilespmem:s19+$0x8000] =	vst v3  }
0x353: {  	[tilespmem:s19+$0xA010] =	vst v38;
	s19 =	sadd.s32 s19, s30;
	v3, v39, _ =	vpop (xrf1)  }
0x354: {  	s22 =	spop (v2sf);
	[tilespmem:s19+$0x8000] =	vst v3  }
0x355: {  	[tilespmem:s19+$0xA010] =	vst v39;
	s19 =	sadd.s32 s19, s22;
	v3, v40, _ =	vpop (xrf1)  }
0x356: {  	s23 =	spop (v2sf);
	[tilespmem:s19+$0x8000] =	vst v3  }
0x357: {  	[tilespmem:s19+$0xA010] =	vst v40;
	s19 =	sadd.s32 s19, s23;
	v3, v41, _ =	vpop (xrf1)  }
0x358: {  	[tilespmem:s19+$0x8000] =	vst v3  }
0x359: {  	[tilespmem:s19+$0xA010] =	vst v41  }
0x35a: {  	v3 =	vld [tilespmem:s18+$0xFFFFFF90]  }
0x35b: {  	v4 =	vld [tilespmem:s18+$0xFFFFFFD0]  }
0x35c: {  	v5 =	vld [tilespmem:s18+$0xFFFFFFA0]  }
0x35d: {  	v43 =	vld [tilespmem:s18+$0xFFFFFFC0]  }
0x35e: {  	s24 =	sadd.s32 $0xFFFFFF90, s17;
	v42 =	vmpcnt.ones.xlane vm7;
	v44 =	vld [tilespmem:s18+$0xFFFFFFB0]  }
0x35f: {  	s25 =	sadd.s32 $0xFFFFFFA0, s17;
	v45 =	vor.u32 s24, v0  }
0x360: {  	v49 =	vor.u32 s25, v0;
	(v2sf) =	vpush v42, $0x0;
	vm9 =	vle.f32 v3, v2  }
0x361: {  	vm8 =	vle.f32 v4, v2;
	vm10 =	vle.f32 v5, v2;
	v47 =	vmpcnt.ones.xlane vm9  }
0x362: {  	vm11 =	vle.f32 v43, v2;
	v3 =	vsel vm9, v3, v1;
	v48 =	vmpcnt.ones.xlane vm10  }
0x363: {  	vm12 =	vle.f32 v44, v2;
	(xrf1) =	vsort.ascd.msk.f32 $0xffff, v3, v45;
	v3 =	vmpcnt.ones.xlane vm11;
	(v2sf) =	vpush v47, $0x0  }
0x364: {  	v50 =	vld [tilespmem:s18+$0xFFFFFFE0];
	v46 =	vmpcnt.ones.xlane vm8;
	v5 =	vsel vm10, v5, v1;
	(v2sf) =	vpush v48, $0x0  }
0x365: {  	s26 =	sadd.s32 $0xFFFFFFB0, s17;
	v51 =	vmpcnt.ones.xlane vm12;
	(xrf1) =	vsort.ascd.msk.f32 $0xffff, v5, v49;
	(v2sf) =	vpush v3, $0x0;
	v3 =	vld [tilespmem:s18+$0xFFFFFFF0]  }
0x366: {  	v53 =	vor.u32 s26, v0;
	v54 =	vld [tilespmem:s18+$0x0];
	v52 =	vsel vm12, v44, v1;
	(v2sf) =	vpush v46, $0x0  }
0x367: {  	s28 =	sadd.s32 $0xFFFFFFC0, s17;
	(xrf1) =	vsort.ascd.msk.f32 $0xffff, v52, v53;
	(v2sf) =	vpush v51, $0x0  }
0x368: {  	v56 =	vor.u32 s28, v0;
	s29 =	sadd.s32 $0xFFFFFFD0, s17;
	v55 =	vsel vm11, v43, v1  }
0x369: {  	v57 =	vor.u32 s29, v0;
	vm13 =	vle.f32 v50, v2;
	(xrf1) =	vsort.ascd.msk.f32 $0xffff, v55, v56  }
0x36a: {  	v4 =	vsel vm8, v4, v1;
	v58 =	vmpcnt.ones.xlane vm13;
	vm14 =	vle.f32 v3, v2  }
0x36b: {  	vm15 =	vle.f32 v54, v2;
	(xrf1) =	vsort.ascd.msk.f32 $0xffff, v4, v57;
	v60 =	vmpcnt.ones.xlane vm14  }
0x36c: {  	s30 =	sadd.s32 $0xFFFFFFE0, s17;
	v61 =	vmpcnt.ones.xlane vm15;
	(v2sf) =	vpush v58, $0x0  }
0x36d: {  	s31 =	sadd.s32 $0xFFFFFFF0, s17;
	v59 =	vsel vm13, v50, v1;
	v2 =	vor.u32 s30, v0;
	(v2sf) =	vpush v60, $0x0  }
0x36e: {  	(xrf1) =	vsort.ascd.msk.f32 $0xffff, v59, v2;
	v2 =	vsel vm14, v3, v1;
	v3 =	vor.u32 s31, v0;
	(v2sf) =	vpush v61, $0x0  }
0x36f: {  	(xrf1) =	vsort.ascd.msk.f32 $0xffff, v2, v3;
	v3 =	vor.u32 s17, v0  }
0x370: {  	s20 =	spop (v2sf);
	v2 =	vsel vm15, v54, v1  }
0x371: {  	s21 =	sadd.s32 s19, s20;
	v62, v63, _ =	vpop (xrf1)  }
0x372: {  	[tilespmem:s21+$0x8000] =	vst v62;
	s22 =	spop (v2sf)  }
0x373: {  	(xrf1) =	vsort.ascd.msk.f32 $0xffff, v2, v3;
	[tilespmem:s21+$0xA010] =	vst v63;
	v2, v3, _ =	vpop (xrf1);
	s17 =	sadd.s32 s21, s22;
	s23 =	spop (v2sf)  }
0x374: {  	[tilespmem:s17+$0x8000] =	vst v2;
	s24 =	spop (v2sf)  }
0x375: {  	[tilespmem:s17+$0xA010] =	vst v3;
	s17 =	sadd.s32 s17, s23;
	v2, v3, _ =	vpop (xrf1);
	s25 =	spop (v2sf)  }
0x376: {  	[tilespmem:s17+$0x8000] =	vst v2;
	s26 =	spop (v2sf)  }
0x377: {  	[tilespmem:s17+$0xA010] =	vst v3;
	v2, v3, _ =	vpop (xrf1);
	s17 =	sadd.s32 s17, s26  }
0x378: {  	[tilespmem:s17+$0x8000] =	vst v2  }
0x379: {  	[tilespmem:s17+$0xA010] =	vst v3;
	s17 =	sadd.s32 s17, s24;
	v2, v3, _ =	vpop (xrf1)  }
0x37a: {  	[tilespmem:s17+$0x8000] =	vst v2  }
0x37b: {  	s28 =	spop (v2sf);
	[tilespmem:s17+$0xA010] =	vst v3;
	s17 =	sadd.s32 s17, s25  }
0x37c: {  	s18 =	sadd.s32 s17, s28;
	s29 =	spop (v2sf)  }
0x37d: {  	v2, v3, _ =	vpop (xrf1);
	s19 =	sadd.s32 s18, s29;
	s30 =	spop (v2sf)  }
0x37e: {  	[tilespmem:s17+$0x8000] =	vst v2;
	s31 =	sadd.s32 s19, s30  }
0x37f: {  	[tilespmem:s17+$0xA010] =	vst v3;
	s17 =	sadd.s32 $0xF, s31  }
0x380: {  	s17 =	sshrl.u32 s17, $0x4  }
0x381: {  	v2, v3, _ =	vpop (xrf1);
	p0 =	seq.s32 s17, $0x0  }
.Ltmp26:
0x382: {  	[tilespmem:s18+$0x8000] =	vst v2;
	(pc) =	sbr.rel @p0 .LBB2_38-.Ltmp26, $4  }
0x383: {  	[tilespmem:s18+$0xA010] =	vst v3;
	v2, v3, _ =	vpop (xrf1)  }
0x384: {  	[tilespmem:s19+$0x8000] =	vst v2  }
0x385: {  	[tilespmem:s19+$0xA010] =	vst v3  }
0x386: {  	v2 =	vimm.s32 $0x0;
	[tilespmem:s31+$0x8000] =	vst v1  }
0x387: {  	s18 =	simm.s32 $0x8000  }
0x388: {  	s19 =	simm.s32 $0xA010;
	v3 =	vld [tilespmem:s18+$0x0]  }
0x389: {  	p2 =	sne.s32 s17, $0x1;
	v4 =	vld [tilespmem:s19+$0x0]  }
.Ltmp27:
0x38a: {  	_ = 	snop;
	(pc) =	sbr.rel @!p2 .LBB2_40-.Ltmp27, $2  }
0x38b: {  	_ =	sdelay $0x2  }
0x38c: {  	s17 =	sadd.s32 $0xFFFFFFFF, s17;
	p0 =	por $0x0, $0x0;
	p1 =	por $0x0, $0x0;
	(xrf1) =	vsort.ascd.msk.f32 $0xffff, v3, v4  }
0x38d: {  	_ =	sdelay $0x6  }
0x38e: {  	s18 =	simm.s32 $0x8010  }
0x38f: {  	s31 =	simm.s32 $0xA020;
	v6 =	vld [tilespmem:s18+$0x0]  }
0x390: {  	p2 =	sne.s32 s17, $0x1;
	v7 =	vld [tilespmem:s31+$0x0]  }
.Ltmp28:
0x391: {  	_ = 	snop;
	(pc) =	sbr.rel @!p2 .LBB2_42-.Ltmp28, $3  }
0x392: {  	v3 =	vmul.u32 $0xFFFFFFFF, v0;
	_ =	sdelay $0x1  }
0x393: {  	v3 =	vadd.s32 $0xF, v3;
	v4, v5, _ =	vpop (xrf1)  }
0x394: {  	s19 =	sadd.s32 $0xFFFFFFFF, s17;
	p0 =	por $0x1, $0x1;
	(xrf1) =	vsort.ascd.msk.f32 $0xffff, v6, v7;
	v4 =	vperm.xlane v4, v3  }
0x395: {  	_ =	sdelay $0x6  }
0x396: {  	s17 =	simm.s32 $0x8020;
	v5 =	vperm.xlane v5, v3;
	vm0 =	vle.f32 v1, v4  }
0x397: {  	s18 =	simm.s32 $0xA030;
	v6 =	vld [tilespmem:s17+$0x0];
	v4 =	vsel vm0, v1, v4  }
0x398: {  	p2 =	sne.s32 s19, $0x1;
	v7 =	vld [tilespmem:s18+$0x0];
	v5 =	vsel vm0, v2, v5;
	vm15 =	vle.f32 v1, v4  }
.Ltmp29:
0x399: {  	v8 =	vsel vm15, v4, v1;
	v9 =	vsel vm15, v5, v2;
	(pc) =	sbr.rel @!p2 .LBB2_45-.Ltmp29, $4  }
0x39a: {  	v4 =	vsel vm15, v1, v4;
	v10 =	vsel vm15, v2, v5;
	(xrf1) =	vsort.ascd.msk.f32 $0xffff, v8, v9  }
0x39b: {  	(xrf1) =	vsort.ascd.msk.f32 $0xffff, v4, v10  }
0x39c: {  	v63, v5, _ =	vpop (xrf1)  }
0x39d: {  	s19 =	sadd.s32 $0xFFFFFFFF, s19;
	p1 =	por $0x1, $0x1;
	(xrf1) =	vsort.ascd.msk.f32 $0xffff, v6, v7;
	v4 =	vperm.xlane v63, v3  }
.LBB2_44:
0x39e: {  	_ = 	snop  }
0x39f: {  	p2 =	sne.s32 s19, $0x1;
	s19 =	sadd.s32 $0xFFFFFFFF, s19;
	_ =	sdelay $0x8  }
0x3a0: {  	v6, v7, _ =	vpop (xrf1)  }
0x3a1: {  	s17 =	sadd.s32 $0x10, s17;
	v8 =	vperm.xlane v5, v3;
	vm0 =	vle.f32 v6, v4;
	v9, v10, _ =	vpop (xrf1)  }
0x3a2: {  	s18 =	sadd.s32 $0x10, s18;
	v11 =	vld [tilespmem:s17+$0x0];
	v6 =	vsel vm0, v6, v4  }
0x3a3: {  	v7 =	vsel vm0, v7, v8;
	v12 =	vld [tilespmem:s18+$0x0];
	v4, v5, _ =	vpop (xrf1);
	vm0 =	vle.f32 v9, v6  }
.Ltmp30:
0x3a4: {  	v4 =	vperm.xlane v4, v3;
	v8 =	vsel vm0, v6, v9;
	v13 =	vsel vm0, v7, v10;
	(pc) =	sbr.rel @p2 .LBB2_44-.Ltmp30, $3  }
0x3a5: {  	v6 =	vsel vm0, v9, v6;
	v7 =	vsel vm0, v10, v7;
	(xrf1) =	vsort.ascd.msk.f32 $0xffff, v8, v13  }
0x3a6: {  	(xrf1) =	vsort.ascd.msk.f32 $0xffff, v6, v7;
	_ =	sdelay $0x1  }
0x3a7: {  	(xrf1) =	vsort.ascd.msk.f32 $0xffff, v11, v12  }
.LBB2_45:
0x3a8: {  	_ =	sdelay $0x9  }
0x3a9: {  	v6, v7, _ =	vpop @p1 (xrf1)  }
0x3aa: {  	v6 =	vpsel p1, v6, v1  }
0x3ab: {  	v3 =	vperm.xlane @p0 v5, v3;
	v5, v8, _ =	vpop @p1 (xrf1);
	vm0 =	vle.f32 @p0 v6, v4  }
0x3ac: {  	v5 =	vpsel p1, v5, v1;
	v4 =	vsel @p0 vm0, v6, v4;
	v6 =	vpsel p1, v7, v2  }
0x3ad: {  	v3 =	vsel @p0 vm0, v6, v3;
	vm0 =	vle.f32 @p0 v5, v4;
	v6 =	vpsel p1, v8, v2  }
0x3ae: {  	v7 =	vsel @p0 vm0, v4, v5;
	v8 =	vsel @p0 vm0, v3, v6  }
0x3af: {  	(xrf1) =	vsort.ascd.msk.f32 @p0 $0xffff, v7, v8  }
0x3b0: {  	v4 =	vsel @p0 vm0, v5, v4;
	v3 =	vsel @p0 vm0, v6, v3  }
0x3b1: {  	(xrf1) =	vsort.ascd.msk.f32 @p0 $0xffff, v4, v3;
	_ =	sdelay $0x8  }
0x3b2: {  	v3 =	vmul.u32 $0xFFFFFFFF, v0;
	_ =	sdelay $0x1  }
0x3b3: {  	v4, v5, _ =	vpop (xrf1);
	v3 =	vadd.s32 $0xF, v3  }
0x3b4: {  	v4 =	vperm.xlane v4, v3;
	v6, v7, _ =	vpop @p0 (xrf1)  }
0x3b5: {  	v6 =	vpsel p0, v6, v1  }
0x3b6: {  	v3 =	vperm.xlane v5, v3;
	v5, v8, _ =	vpop @p0 (xrf1);
	vm14 =	vle.f32 v6, v4  }
0x3b7: {  	v61 =	vpsel p0, v7, v2;
	v5 =	vpsel p0, v5, v1;
	v4 =	vsel vm14, v6, v4  }
0x3b8: {  	v2 =	vpsel p0, v8, v2;
	v3 =	vsel vm14, v61, v3;
	vm15 =	vle.f32 v5, v4  }
0x3b9: {  	v62 =	vsel vm15, v4, v5;
	v63 =	vsel vm15, v3, v2  }
0x3ba: {  	(xrf1) =	vsort.ascd.msk.f32 $0xffff, v62, v63  }
0x3bb: {  	v4 =	vsel vm15, v5, v4;
	v2 =	vsel vm15, v2, v3  }
0x3bc: {  	(xrf1) =	vsort.ascd.msk.f32 $0xffff, v4, v2;
	_ =	sdelay $0x9  }
.Ltmp31:
0x3bd: {  	_ = 	snop;
	(pc) =	sbr.rel .LBB2_46-.Ltmp31, $3  }
0x3be: {  	_ = 	snop  }
0x3bf: {  	v2, v3, _ =	vpop (xrf1);
	_ =	sdelay $0x1  }
0x3c0: {  	v4, v2, _ =	vpop (xrf1)  }
.LBB2_7:
.Ltmp32:
0x3c1: {  	(pc) =	sbr.rel .LBB2_12-.Ltmp32, $2  }
0x3c2: {  	_ =	sdelay $0x2  }
0x3c3: {  	_ = 	snop  }
.LBB2_18:
.Ltmp33:
0x3c4: {  	(pc) =	sbr.rel .LBB2_23-.Ltmp33, $2  }
0x3c5: {  	_ =	sdelay $0x2  }
0x3c6: {  	_ = 	snop  }
.LBB2_29:
.Ltmp34:
0x3c7: {  	(pc) =	sbr.rel .LBB2_34-.Ltmp34, $2  }
0x3c8: {  	_ =	sdelay $0x2  }
0x3c9: {  	_ = 	snop  }
.LBB2_40:
.Ltmp35:
0x3ca: {  	(pc) =	sbr.rel .LBB2_45-.Ltmp35, $2  }
0x3cb: {  	_ =	sdelay $0x2  }
0x3cc: {  	_ = 	snop  }
.LBB2_9:
.Ltmp36:
0x3cd: {  	(pc) =	sbr.rel .LBB2_12-.Ltmp36, $2  }
0x3ce: {  	_ =	sdelay $0x2  }
0x3cf: {  	_ = 	snop  }
.LBB2_20:
.Ltmp37:
0x3d0: {  	(pc) =	sbr.rel .LBB2_23-.Ltmp37, $2  }
0x3d1: {  	_ =	sdelay $0x2  }
0x3d2: {  	_ = 	snop  }
.LBB2_31:
.Ltmp38:
0x3d3: {  	(pc) =	sbr.rel .LBB2_34-.Ltmp38, $2  }
0x3d4: {  	_ =	sdelay $0x2  }
0x3d5: {  	_ = 	snop  }
.LBB2_42:
.Ltmp39:
0x3d6: {  	(pc) =	sbr.rel .LBB2_45-.Ltmp39, $2  }
0x3d7: {  	_ =	sdelay $0x2  }
0x3d8: {  	_ = 	snop  }
.LBB2_48:
0x3d9: {  	_ =	sfence.sel $0x180000  }
0x3da: {  	[bflag:$0x0] =	sbarrier.arrive $0xFFFF  }
0x3db: {  	p0 =	sne.s32 s1, $0x0;
	_ =	strace $0x9000004A  }
0x3dc: {  	s0 =	sadd.s32 @!p0 $0x100000, s0;
	[bflag:$0x2] =	sbarrier.arrive $0xFFFF  }
0x3dd: {  	[sflag:s0] =	ssyncadd.tile.s32 @!p0 $0x1;
	_ =	shalt  }
.Lfunc_end2:
_tile_overlayer_lowered:
.L_overlay_start_2:
0x3de: {  	(tag) =	ssettag $0x2  }
0x3df: {  	s0 =	rddreg [dreg:$0x0];
	s2 =	stileid.u32  }
0x3e0: {  	s1 =	rddreg [dreg:$0x1];
	p0 =	sne.s32 s2, $0x0  }
0x3e1: {  	s3 =	rddreg [dreg:$0x2];
	[bflag:$0x3] =	sbarrier.arrive $0xFFFF;
	s2 =	simm.s32 @!p0 $0x1C02  }
0x3e2: {  	[timem:s3], [sflag:s2] =	dma.local @!p0 [hbm:s0], s1  }
0x3e3: {  	s0 =	simm.s32 @!p0 $0x2  }
0x3e4: {  	_ =	swait.ge @!p0 [sflag:s0], s1  }
0x3e5: {  	s1 =	ssub.s32 @!p0 $0x0, s1;
	[sflag:s0] =	ssyncset.done @!p0 $0x0  }
0x3e6: {  	[sflag:s0] =	ssyncadd.s32 @!p0 s1  }
0x3e7: {  	[bflag:$0x3] =	sbarrier.arrive $0xFFFF  }
0x3e8: {  	_ =	shalt  }

// kernel: sparse-core-data-format-call.cloned.1.call-start
scs
called_computation_lowered:
.L_overlay_start_0:
0x0: {  	s1 =	sld [smem:$0x3FD9]  }
0x1: {  	s2 =	sld [smem:$0x3FFE];
	_ =	sdelay $0x1  }
0x2: {  	s3 =	srdreg.scid  }
0x3: {  	s0 =	sand.u32 $0x1, s3  }
0x4: {  	s17 =	sshll.u32 s0, $0xA;
	s1 =	sadd.s32 s2, s1  }
0x5: {  	s1 =	sadd.s32 s1, s17  }
0x6: {  	[smem:$0x3FC7] =	sst s1  }
0x7: {  	_ = 	snop  }
0x8: {  	(tm) =	ssettm $0x1  }
0x9: {  	s18 =	sld [smem:$0x3FFB];
	_ =	sdelay $0x3  }
0xa: {  	_ =	strace s18  }
0xb: {  	s1 =	sld [smem:$0x3FFC];
	_ =	sdelay $0x3  }
0xc: {  	_ =	strace s1  }
0xd: {  	s1 =	sld [smem:$0x3FFD];
	_ =	sdelay $0x3  }
0xe: {  	_ =	strace s1  }
0xf: {  	_ =	strace $0x8FFFFFFF  }
0x10: {  	s19 =	sld [smem:$0x3FDB];
	_ =	sdelay $0x1  }
0x11: {  	s20 =	simm.s32 $_scs_section_size  }
0x12: {  	s4 =	simm.s32 $_size__tile_overlayer_lowered;
	s5 =	simm.s32 $_tile_overlayer_lowered  }
0x13: {  	s23 =	simm.s32 $0x1BFF;
	s22 =	sshll.u32 s5, $0x1;
	s1 =	sadd.s32 s20, s19  }
0x14: {  	s6 =	simm.s32 $0x0;
	s21 =	sshll.u32 s4, $0x1;
	s4 =	sadd.s32 s22, s1  }
0x15: {  	[timem:s6], [sflag:s23] =	dma.local [hbm:s4], s21  }
0x16: {  	_ =	swait.ge [sflag:s23], s21  }
0x17: {  	s2 =	ssub.s32 $0x0, s21;
	[sflag:s23] =	ssyncset.done $0x0  }
0x18: {  	[sflag:s23] =	ssyncadd.s32 s2;
	_ =	sdelay $0x1  }
0x19: {  	s24 =	simm.s32 $0x1B8B  }
0x1a: {  	_ =	swait.ge [sflag:s24], $0x1  }
0x1b: {  	[sflag:s24] =	ssyncset.done $0x0  }
0x1c: {  	s26 =	simm.s32 $0x1B8E;
	s25 =	sld [smem:$0x3FFE];
	[sflag:s24] =	ssyncadd.s32 $0xFFFFFFFF  }
0x1d: {  	s27 =	simm.s32 $execute0_lowered;
	[smem:$0x3FD2] =	sst s26  }
0x1e: {  	s4 =	sshll.u32 s27, $0x1;
	_ =	strace $0x80000046;
	[dreg:$0x1] =	wrdreg $0xFFFFFFFF  }
0x1f: {  	s28 =	simm.s32 $_size_execute0_lowered;
	s1 =	sadd.s32 s1, s4;
	[dreg:$0x0] =	wrdreg $0x0  }
0x20: {  	s4 =	sshll.u32 s28, $0x1;
	[dreg:$0x2] =	wrdreg s1  }
0x21: {  	[dreg:$0x3] =	wrdreg s4  }
0x22: {  	[dreg:$0x4] =	wrdreg $0xC0  }
0x23: {  	_ =	task [dreg:s6], $0x5FFFF  }
0x24: {  	[dreg:$0x1] =	wrdreg $0xFFFFFFFF  }
0x25: {  	[dreg:$0x0] =	wrdreg $0x60  }
0x26: {  	[dreg:$0x2] =	wrdreg s25  }
0x27: {  	[dreg:$0x3] =	wrdreg $0x9  }
0x28: {  	_ =	task.clear_ibuf [dreg:s6], $0x4FFFF;
	_ =	strace $0x90000046  }
0x29: {  	s29 =	simm.s32 $0x9;
	_ =	strace $0x80000048  }
0x2a: {  	_ =	swait.ge [sflag:s29], $0x1  }
0x2b: {  	[sflag:s29] =	ssyncadd.s32 $0xFFFFFFFF  }
0x2c: {  	_ =	strace $0x90000048  }
0x2d: {  	_ =	sfence  }
0x2e: {  	s30 =	sld [smem:$0x0];
	_ =	sdelay $0x2  }
0x2f: {  	s31 =	sshll.u32 s3, $0xD;
	s3 =	sshrl.u32 s3, $0x2  }
0x30: {  	s2 =	sand.u32 $0x4000, s31;
	s1 =	sadd.s32 s3, s30  }
0x31: {  	s0 =	sor.u32 s2, s0;
	s1 =	sshll.u32 s1, $0x11  }
0x32: {  	s0 =	sor.u32 s1, s0  }
0x33: {  	s0 =	sadd.s32 $0x8F2B, s0  }
0x34: {  	[sflag:s0] =	ssyncadd.remote.s32 $0x1  }
0x35: {  	_ =	sfence.sel $0xFFFF  }
0x36: {  	[dreg:$0x0] =	wrdreg $0xFFFFFFFF;
	(pc) =	sbr.abs _section_cstart, $3  }
0x37: {  	[dreg:$0x1] =	wrdreg $0xFFFFFFFF  }
0x38: {  	_ =	task.clear_ibuf [dreg:s6], $0x2FFFF;
	_ =	strace $0x9FFFFFFF  }
0x39: {  	(tm) =	ssettm $0x7FFFFFFF  }
tec
execute0_lowered:
.L_overlay_start_1:
0x0: {  	(tag) =	ssettag $0x1  }
0x1: {  	s1 =	rddreg [dreg:$0x0]  }
0x2: {  	s0 =	rddreg [dreg:$0x1]  }
0x3: {  	_ =	strace $0x80000047;
	s4 =	srdreg.scid;
	s6 =	simm.s32 $0x2  }
0x4: {  	s11 =	simm.s32 $0x0;
	p0 =	por $0x0, $0x0;
	s7 =	simm.s32 $0x2000  }
.Ltmp0:
0x5: {  	s12 =	simm.s32 $0x0;
	s9 =	simm.s32 $0x0;
	(pc) =	sbr.rel .LBB1_1-.Ltmp0, $4  }
0x6: {  	s2 =	sadd.s32 $0x2800, s1;
	s3 =	sadd.s32 $0x822800, s1;
	s5 =	sshll.u32 s4, $0x4  }
0x7: {  	s1 =	stileid.u32;
	s4 =	simm.s32 $0x1;
	s5 =	sand.u32 $0x10, s5  }
0x8: {  	s8 =	simm.s32 $0x0;
	[sflag:s4] =	ssyncpa.u1 $0x0;
	s5 =	sor.u32 s1, s5  }
0x9: {  	[sflag:s6] =	ssyncpa.u1 $0x0;
	s6 =	simm.s32 $0x800;
	s10 =	smov.u32 s5  }
.LBB1_7:
0xa: {  	s13 =	sadd.s32 $0x10, s9  }
0xb: {  	s11 =	sadd.s32 $0x20, s10;
	s15 =	smov.u32 s10;
	p2 =	sgt.s32 s13, $0x3F  }
0xc: {  	p1 =	slt.u32 s8, $0x2;
	s15 =	smov.u32 @p2 s11  }
0xd: {  	s8 =	sadd.s32 $0x1, s8;
	s13 =	simm.s32 @p2 $0x0;
	p2 =	sgt.s32 s15, $0x3FF  }
0xe: {  	s15 =	smov.u32 @p2 s5;
	p2 =	sne.s32 s8, $0x82  }
.Ltmp1:
0xf: {  	_ = 	snop;
	(pc) =	sbr.rel @!p2 .LBB1_8-.Ltmp1, $4  }
0x10: {  	s14 =	simm.s32 @!p1 $0x2  }
0x11: {  	s12 =	smov.u32 s10;
	_ =	swait.ge @!p1 [sflag:s14], $0x4000  }
0x12: {  	p0 =	por !p0, !p0;
	s11 =	smov.u32 s9;
	[sflag:s14] =	ssyncset.done @!p1 $0x0  }
0x13: {  	s9 =	smov.u32 s13;
	[sflag:s14] =	ssyncadd.s32 @!p1 $0xFFFFC000;
	s10 =	smov.u32 s15  }
.LBB1_1:
0x14: {  	p1 =	sgt.u32 s8, $0x7F  }
0x15: {  	s13 =	sxor.u32 @!p1 $0xFFFFFFFF, s8;
	s14 =	sshll.u32 @!p1 s10, $0xD  }
0x16: {  	s15 =	sshll.u32 @!p1 s9, $0x7;
	s13 =	sshll.u32 @!p1 s13, $0xE;
	s14 =	sadd.s32 @!p1 s2, s14  }
0x17: {  	s13 =	sand.u32 @!p1 $0x4000, s13;
	s14 =	sadd.s32 @!p1 s15, s14;
	s15 =	simm.s32 @!p1 $0x0  }
0x18: {  	[tilespmem:s13], [sflag:$0x1] =	stream.linear.gather @!p1 [hbm4b:s14+s15], $0x4000, $0x38;
	[tilespmem:$0x10000] =	vst v63  }
0x19: {  	p1 =	seq.s32 s8, $0x0  }
0x1a: {  	p2 =	seq.s32 @!p1 s8, $0x81  }
0x1b: {  	p1 =	por p1, p2  }
.Ltmp2:
0x1c: {  	_ = 	snop;
	(pc) =	sbr.rel @p1 .LBB1_7-.Ltmp2, $1  }
0x1d: {  	_ =	sdelay $0x3  }
0x1e: {  	s13 =	simm.s32 $0x1;
	_ =	swait.ge [sflag:s4], $0x4000;
	s16 =	sshll.u32 s8, $0xE  }
0x1f: {  	s13 =	simm.s32 @!p0 $0x0;
	[sflag:s4] =	ssyncset.done $0x0;
	s31 =	sand.u32 $0x4000, s16  }
0x20: {  	s16 =	simm.s32 $0x0;
	s14 =	sshll.u32 s13, $0xE;
	[sflag:s4] =	ssyncadd.s32 $0xFFFFC000  }
0x21: {  	s13 =	sor.u32 $0x8040, s14;
	s15 =	sor.u32 $0x40, s14;
	s14 =	sor.u32 $0x8000, s31  }
.LBB1_3:
0x22: {  	v0 =	vmov s15;
	_ =	sdelay $0x3  }
0x23: {  	s18 =	simm.s32 $0x0  }
0x24: {  	v6 =	vld.idx.msk [tilespmem:v0+s18+$0x30 ss:$0x1], $0xffff  }
0x25: {  	v7 =	vld.idx.msk [tilespmem:v0+s18+$0xFFFFFFC0 ss:$0x1], $0xffff  }
0x26: {  	v5 =	vld.idx.msk [tilespmem:v0+s18+$0xFFFFFFD0 ss:$0x1], $0xffff  }
0x27: {  	v4 =	vld.idx.msk [tilespmem:v0+s18+$0xFFFFFFE0 ss:$0x1], $0xffff  }
0x28: {  	v3 =	vld.idx.msk [tilespmem:v0+s18+$0xFFFFFFF0 ss:$0x1], $0xffff  }
0x29: {  	v1 =	vld.idx.msk [tilespmem:v0+s18+$0x0 ss:$0x1], $0xffff  }
0x2a: {  	v2 =	vld.idx.msk [tilespmem:v0+s18+$0x10 ss:$0x1], $0xffff;
	[tilespmem:s13+$0x30] =	vst v6  }
0x2b: {  	s17 =	simm.s32 $0x80;
	s19 =	simm.s32 $0x400;
	[tilespmem:s13+$0xFFFFFFC0] =	vst v7;
	v6 =	vld.idx.msk [tilespmem:v0+s18+$0x20 ss:$0x1], $0xffff;
	s18 =	smov.u32 s13  }
.LBB1_4:
0x2c: {  	p1 =	sne.s32 s19, $0xE00;
	v7 =	vld.idx.msk [tilespmem:v0+s17+$0x30 ss:$0x1], $0xffff;
	[tilespmem:s18+$0xFFFFFFD0] =	vst v5  }
0x2d: {  	v8 =	vld.idx.msk [tilespmem:v0+s17+$0xFFFFFFC0 ss:$0x1], $0xffff;
	[tilespmem:s18+$0xFFFFFFE0] =	vst v4  }
0x2e: {  	v5 =	vld.idx.msk [tilespmem:v0+s17+$0xFFFFFFD0 ss:$0x1], $0xffff;
	[tilespmem:s18+$0xFFFFFFF0] =	vst v3  }
.Ltmp3:
0x2f: {  	v4 =	vld.idx.msk [tilespmem:v0+s17+$0xFFFFFFE0 ss:$0x1], $0xffff;
	[tilespmem:s18+$0x0] =	vst v1;
	(pc) =	sbr.rel @p1 .LBB1_4-.Ltmp3, $4  }
0x30: {  	v3 =	vld.idx.msk [tilespmem:v0+s17+$0xFFFFFFF0 ss:$0x1], $0xffff;
	[tilespmem:s18+$0x10] =	vst v2  }
0x31: {  	v1 =	vld.idx.msk [tilespmem:v0+s17+$0x0 ss:$0x1], $0xffff;
	[tilespmem:s18+$0x20] =	vst v6;
	s18 =	sadd.s32 $0x800, s18  }
0x32: {  	v2 =	vld.idx.msk [tilespmem:v0+s17+$0x10 ss:$0x1], $0xffff;
	[tilespmem:s18+$0x30] =	vst v7  }
0x33: {  	[tilespmem:s18+$0xFFFFFFC0] =	vst v8;
	v6 =	vld.idx.msk [tilespmem:v0+s17+$0x20 ss:$0x1], $0xffff;
	s17 =	sshra.s32 s19, $0x2;
	s19 =	sadd.s32 $0x200, s19  }
0x34: {  	_ =	sdelay $0x2  }
0x35: {  	[tilespmem:s18+$0xFFFFFFD0] =	vst v5  }
0x36: {  	v56 =	vld.idx.msk [tilespmem:v0+s17+$0x30 ss:$0x1], $0xffff;
	[tilespmem:s18+$0xFFFFFFE0] =	vst v4  }
0x37: {  	v57 =	vld.idx.msk [tilespmem:v0+s17+$0xFFFFFFC0 ss:$0x1], $0xffff;
	[tilespmem:s18+$0xFFFFFFF0] =	vst v3  }
0x38: {  	v58 =	vld.idx.msk [tilespmem:v0+s17+$0xFFFFFFD0 ss:$0x1], $0xffff;
	[tilespmem:s18+$0x0] =	vst v1  }
0x39: {  	v59 =	vld.idx.msk [tilespmem:v0+s17+$0xFFFFFFE0 ss:$0x1], $0xffff;
	[tilespmem:s18+$0x10] =	vst v2  }
0x3a: {  	v60 =	vld.idx.msk [tilespmem:v0+s17+$0xFFFFFFF0 ss:$0x1], $0xffff;
	s31 =	sadd.s32 $0x800, s18;
	[tilespmem:s18+$0x20] =	vst v6  }
0x3b: {  	v61 =	vld.idx.msk [tilespmem:v0+s17+$0x0 ss:$0x1], $0xffff;
	[tilespmem:s31+$0x30] =	vst v56  }
0x3c: {  	v62 =	vld.idx.msk [tilespmem:v0+s17+$0x10 ss:$0x1], $0xffff;
	s16 =	sadd.s32 $0x1, s16;
	[tilespmem:s31+$0xFFFFFFC0] =	vst v57  }
0x3d: {  	v63 =	vld.idx.msk [tilespmem:v0+s17+$0x20 ss:$0x1], $0xffff;
	p1 =	sne.s32 s16, $0x10;
	[tilespmem:s31+$0xFFFFFFD0] =	vst v58  }
.Ltmp4:
0x3e: {  	[tilespmem:s31+$0xFFFFFFE0] =	vst v59;
	(pc) =	sbr.rel @p1 .LBB1_3-.Ltmp4, $4  }
0x3f: {  	[tilespmem:s31+$0xFFFFFFF0] =	vst v60  }
0x40: {  	[tilespmem:s31+$0x0] =	vst v61  }
0x41: {  	[tilespmem:s31+$0x10] =	vst v62  }
0x42: {  	s13 =	sadd.s32 $0x80, s13;
	s15 =	sadd.s32 $0x400, s15;
	[tilespmem:s31+$0x20] =	vst v63  }
.Ltmp5:
0x43: {  	(pc) =	sbr.rel .LBB1_7-.Ltmp5, $4  }
0x44: {  	s12 =	sshll.u32 s12, $0xD;
	s11 =	sshll.u32 s11, $0x4  }
0x45: {  	s11 =	sand.u32 $0x3F0, s11;
	s12 =	sadd.s32 s3, s12  }
0x46: {  	s11 =	sadd.s32 s11, s12  }
0x47: {  	[hbm4b:s11+s6] =	stream.strided.scatter [tilespmem:s14], [sflag:$0x2], $0x4000, s7, s6, $0x38;
	[tilespmem:$0x10000] =	vst v63  }
.LBB1_8:
0x48: {  	_ =	sfence.sel $0x180000  }
0x49: {  	s2 =	simm.s32 $0x1;
	[bflag:$0x0] =	sbarrier.arrive $0xFFFF  }
0x4a: {  	s31 =	simm.s32 $0x2;
	[sflag:s2] =	ssyncpa.u1 $0x1  }
0x4b: {  	[sflag:s31] =	ssyncpa.u1 $0x1  }
0x4c: {  	p0 =	sne.s32 s1, $0x0;
	_ =	strace $0x90000047  }
0x4d: {  	s0 =	sadd.s32 @!p0 $0x100000, s0;
	[bflag:$0x2] =	sbarrier.arrive $0xFFFF  }
0x4e: {  	[sflag:s0] =	ssyncadd.tile.s32 @!p0 $0x1;
	_ =	shalt  }
.Lfunc_end1:
_tile_overlayer_lowered:
.L_overlay_start_2:
0x4f: {  	(tag) =	ssettag $0x2  }
0x50: {  	s0 =	rddreg [dreg:$0x0];
	s2 =	stileid.u32  }
0x51: {  	s1 =	rddreg [dreg:$0x1];
	p0 =	sne.s32 s2, $0x0  }
0x52: {  	s3 =	rddreg [dreg:$0x2];
	[bflag:$0x3] =	sbarrier.arrive $0xFFFF;
	s2 =	simm.s32 @!p0 $0x1C01  }
0x53: {  	[timem:s3], [sflag:s2] =	dma.local @!p0 [hbm:s0], s1  }
0x54: {  	s0 =	simm.s32 @!p0 $0x1  }
0x55: {  	_ =	swait.ge @!p0 [sflag:s0], s1  }
0x56: {  	s1 =	ssub.s32 @!p0 $0x0, s1;
	[sflag:s0] =	ssyncset.done @!p0 $0x0  }
0x57: {  	[sflag:s0] =	ssyncadd.s32 @!p0 s1  }
0x58: {  	[bflag:$0x3] =	sbarrier.arrive $0xFFFF  }
0x59: {  	_ =	shalt  }

</sc_bundles>
